<compile_context>
chip_gen: v7x
topology: tpu7x:2x2x1
jax: 0.10.2.dev20260603
libtpu: 0.0.44.dev20260713+nightly
codegen_flags: <defaults>
</compile_context>

<pallas_src>
import functools

import jax
import jax.numpy as jnp
from jax import lax
from jax.experimental import pallas as pl
from jax.experimental.pallas import tpu as pltpu
from jax.experimental.pallas import tpu_sc as plsc

HALF = 128
NC = 2
NS = 16
EB = 128
GRP = 8
ZB = 80
NB = 1000
G = 64


def _sc_agg(h2, src, dst):
    n = h2.shape[1]
    e = src.shape[1]
    epad = -(-e // (2 * EB * NS)) * (2 * EB * NS)
    if epad != e:
        fill = jnp.arange(epad - e, dtype=jnp.int32)
        src = jnp.concatenate([src, ((fill * 16) % n).reshape(1, -1)], axis=1)
        dst = jnp.concatenate([dst, (n + (fill % 8)).reshape(1, -1)], axis=1)
    bpt = epad // (EB * NS)
    nchunks = n // ZB
    chunk_iters = -(-nchunks // NS)
    mesh = plsc.VectorSubcoreMesh(
        core_axis_name="c", subcore_axis_name="s", num_cores=NC,
        num_subcores=NS)
    zeros = jnp.zeros((ZB, HALF), jnp.float32)

    @functools.partial(
        pl.kernel,
        out_type=jax.ShapeDtypeStruct((NC, n, HALF), jnp.float32),
        mesh=mesh,
        scratch_types=[
            pltpu.VMEM((bpt, EB), jnp.int32),
            pltpu.VMEM((2, EB), jnp.int32),
            pltpu.VMEM((EB, HALF), jnp.float32),
            pltpu.VMEM((EB, HALF), jnp.float32),
            pltpu.VMEM_SHARED((n + 8, HALF), jnp.float32),
            pltpu.SemaphoreType.DMA,
            pltpu.SemaphoreType.DMA,
        ],
    )
    def k(h2_hbm, src_hbm, dst_hbm, z_hbm, out_hbm, sidx, didx, rows0, rows1,
          acc, gsem0, gsem1):
        c = lax.axis_index("c")
        s = lax.axis_index("s")
        h2c = h2_hbm.at[c]
        ebase = s * bpt * EB
        pltpu.sync_copy(z_hbm, rows0.at[pl.ds(0, ZB)])

        @pl.loop(0, chunk_iters)
        def _(i):
            chunk = i * NS + s

            @pl.when(chunk < nchunks)
            def _():
                pltpu.sync_copy(rows0.at[pl.ds(0, ZB)],
                                acc.at[pl.ds(chunk * ZB, ZB)])

        pltpu.sync_copy(src_hbm.at[pl.ds(s * bpt, bpt)], sidx)
        plsc.subcore_barrier()

        rbufs = (rows0, rows1)
        gsems = (gsem0, gsem1)

        def gstart(b, u):
            pltpu.async_copy(h2c.at[sidx.at[b]], rbufs[u], gsems[u])

        def gwait(b, u):
            pltpu.make_async_copy(h2c.at[sidx.at[b]], rbufs[u],
                                  gsems[u]).wait()

        gstart(0, 0)
        gstart(1, 1)

        @pl.loop(0, bpt // 2)
        def _(j):
            b = 2 * j
            for u in (0, 1):
                pltpu.sync_copy(dst_hbm.at[0, pl.ds(ebase + (b + u) * EB, EB)],
                                didx.at[u])
                gwait(b + u, u)
                pltpu.sync_copy(rbufs[u], acc.at[didx.at[u]], add=True)

                @pl.when(b + u + 2 < bpt)
                def _():
                    gstart(b + u + 2, u)

        plsc.subcore_barrier()

        @pl.loop(0, chunk_iters)
        def _(i):
            chunk = i * NS + s

            @pl.when(chunk < nchunks)
            def _():
                pltpu.sync_copy(acc.at[pl.ds(chunk * ZB, ZB)],
                                out_hbm.at[c].at[pl.ds(chunk * ZB, ZB)])

    return k(h2, src.reshape(epad // EB, EB), dst, zeros)


def _elu(x):
    return jnp.where(x > 0, x, jnp.exp(x) - 1.0)


def _mlp_body(eps_ref, h_ref, a_ref, w1_ref, b1_ref, w2_ref, b2_ref,
              z_ref, stat_ref):
    ep = 1.0 + eps_ref[0, 0]
    z0 = jnp.concatenate([ep * h_ref[0] + a_ref[0],
                          ep * h_ref[1] + a_ref[1]], axis=1)
    z1 = (jnp.dot(z0, w1_ref[...], preferred_element_type=jnp.float32)
          + b1_ref[0])
    z1 = _elu(z1)
    z2 = jnp.dot(z1, w2_ref[...], preferred_element_type=jnp.float32) + b2_ref[0]
    z2 = _elu(z2)
    z_ref[...] = z2

    @pl.when(pl.program_id(0) == 0)
    def _():
        stat_ref[...] = jnp.zeros_like(stat_ref)

    stat_ref[0:1, :] += jnp.sum(z2, axis=0, keepdims=True)
    stat_ref[1:2, :] += jnp.sum(z2 * z2, axis=0, keepdims=True)


def _tc_mlp(h2, agg2, p):
    n, d = h2.shape[1], 2 * HALF
    eps2 = (1.0 * p['eps']).reshape(1, 1)
    return pl.pallas_call(
        _mlp_body,
        grid=(n // NB,),
        in_specs=[
            pl.BlockSpec((1, 1), lambda i: (0, 0)),
            pl.BlockSpec((2, NB, HALF), lambda i: (0, i, 0)),
            pl.BlockSpec((2, NB, HALF), lambda i: (0, i, 0)),
            pl.BlockSpec((d, d), lambda i: (0, 0)),
            pl.BlockSpec((1, d), lambda i: (0, 0)),
            pl.BlockSpec((d, d), lambda i: (0, 0)),
            pl.BlockSpec((1, d), lambda i: (0, 0)),
        ],
        out_specs=[
            pl.BlockSpec((NB, d), lambda i: (i, 0)),
            pl.BlockSpec((2, d), lambda i: (0, 0)),
        ],
        out_shape=[
            jax.ShapeDtypeStruct((n, d), jnp.float32),
            jax.ShapeDtypeStruct((2, d), jnp.float32),
        ],
    )(eps2, h2, agg2, p['W1'], p['b1'].reshape(1, d), p['W2'],
      p['b2'].reshape(1, d))


def _bn_body(stat_ref, g_ref, bt_ref, z_ref, out_ref, *, n):
    mean = stat_ref[0] * (1.0 / n)
    var = stat_ref[1] * (1.0 / n) - mean * mean
    scale = lax.rsqrt(var + 1e-5) * g_ref[0]
    y = (z_ref[...] - mean) * scale + bt_ref[0]
    out_ref[0] = y[:, :HALF]
    out_ref[1] = y[:, HALF:]


def _tc_bn(z2, stats, p):
    n, d = z2.shape[0], z2.shape[1]
    return pl.pallas_call(
        functools.partial(_bn_body, n=n),
        grid=(n // NB,),
        in_specs=[
            pl.BlockSpec((2, d), lambda i: (0, 0)),
            pl.BlockSpec((1, d), lambda i: (0, 0)),
            pl.BlockSpec((1, d), lambda i: (0, 0)),
            pl.BlockSpec((NB, d), lambda i: (i, 0)),
        ],
        out_specs=pl.BlockSpec((2, NB, HALF), lambda i: (0, i, 0)),
        out_shape=jax.ShapeDtypeStruct((2, n, HALF), jnp.float32),
    )(stats, p['gamma'].reshape(1, d), p['beta'].reshape(1, d), z2)


def _pool_body(b_ref, h_ref, out_ref, acc_ref, cnt_ref, *, nsteps):
    i = pl.program_id(0)

    @pl.when(i == 0)
    def _():
        acc_ref[...] = jnp.zeros_like(acc_ref)
        cnt_ref[...] = jnp.zeros_like(cnt_ref)

    ids = b_ref[0, 0]
    oh = (ids[:, None]
          == lax.broadcasted_iota(jnp.int32, (NB, G), 1)).astype(jnp.float32)
    z = jnp.concatenate([h_ref[0], h_ref[1]], axis=1)
    acc_ref[...] += lax.dot_general(oh, z, (((0,), (0,)), ((), ())),
                                    preferred_element_type=jnp.float32,
                                    precision=jax.lax.Precision.HIGHEST)
    cnt_ref[...] += jnp.sum(oh, axis=0, keepdims=True)

    @pl.when(i == nsteps - 1)
    def _():
        out_ref[...] = acc_ref[...] / jnp.clip(cnt_ref[0], 1.0)[:, None]


def _tc_pool(h2, batch):
    n, d = h2.shape[1], 2 * HALF
    nsteps = n // NB
    batch3 = batch.reshape(nsteps, 1, NB)
    return pl.pallas_call(
        functools.partial(_pool_body, nsteps=nsteps),
        grid=(nsteps,),
        in_specs=[
            pl.BlockSpec((1, 1, NB), lambda i: (i, 0, 0)),
            pl.BlockSpec((2, NB, HALF), lambda i: (0, i, 0)),
        ],
        out_specs=pl.BlockSpec((G, d), lambda i: (0, 0)),
        out_shape=jax.ShapeDtypeStruct((G, d), jnp.float32),
        scratch_shapes=[
            pltpu.VMEM((G, d), jnp.float32),
            pltpu.VMEM((1, G), jnp.float32),
        ],
    )(batch3, h2)


def kernel(x, edge_index, batch, params):
    n = x.shape[0]
    e = edge_index.shape[1]
    src = edge_index[0].reshape(1, e)
    dst = edge_index[1].reshape(1, e)
    h2 = x.reshape(n, NC, HALF).transpose(1, 0, 2)
    for p in params:
        agg2 = _sc_agg(h2, src, dst)
        z2, stats = _tc_mlp(h2, agg2, p)
        h2 = _tc_bn(z2, stats, p)
    return _tc_pool(h2, batch)

# --- scband reference (transcript-rebuilt; emitter-appended) ---
"""Pipeline reference for scband-ginencoder-27479200759813 (READ-ONLY COPY).

The authoritative reference and input builder live on the scoring server;
editing this copy changes nothing except your own understanding.
"""

import jax, jax.numpy as jnp
import numpy as np

N = 10000
E = 160000
D = 256
H = 256
G = 64
L = 5


def _mk_params(key):
    params = []
    dims = [(D, H)] + [(H, H)] * (L - 1)
    for i, (di, do) in enumerate(dims):
        k = jax.random.fold_in(key, i)
        k1, k2 = jax.random.split(k, 2)
        params.append({
            'W1': jax.random.normal(k1, (di, do), jnp.float32) / np.sqrt(di),
            'b1': jnp.zeros((do,), jnp.float32),
            'W2': jax.random.normal(k2, (do, do), jnp.float32) / np.sqrt(do),
            'b2': jnp.zeros((do,), jnp.float32),
            'gamma': jnp.ones((do,), jnp.float32),
            'beta': jnp.zeros((do,), jnp.float32),
            'eps': jnp.zeros((), jnp.float32),
        })
    return params


def setup_inputs(seed: int = 0):
    key = jax.random.key(seed)
    kx, ke, kb, kp = jax.random.split(key, 4)
    x = jax.random.normal(kx, (N, D), jnp.float32)
    edge_index = jax.random.randint(ke, (2, E), 0, N, jnp.int32)
    batch = jnp.sort(jax.random.randint(kb, (N,), 0, G, jnp.int32))
    params = _mk_params(kp)
    return {'x': x, 'edge_index': edge_index, 'batch': batch, 'params': params}


def _gin_layer(h, edge_index, p):
    # GINConv with train_eps: mlp((1+eps)*x + sum_{j in N(i)} x_j)
    src = edge_index[0]
    dst = edge_index[1]
    agg = jnp.zeros_like(h).at[dst].add(h[src])
    z = (1.0 + p['eps']) * h + agg
    z = jax.nn.elu(z @ p['W1'] + p['b1'])
    z = jax.nn.elu(z @ p['W2'] + p['b2'])
    # BatchNorm1d (training mode: batch statistics, biased variance)
    mean = jnp.mean(z, axis=0)
    var = jnp.var(z, axis=0)
    z = (z - mean) / jnp.sqrt(var + 1e-5)
    return z * p['gamma'] + p['beta']


def _forward(x, params, edge_index, batch):
    h = x
    for p in params:
        h = _gin_layer(h, edge_index, p)
    sums = jax.ops.segment_sum(h, batch, num_segments=G)
    cnt = jax.ops.segment_sum(jnp.ones((h.shape[0],), h.dtype), batch, num_segments=G)
    return sums / jnp.clip(cnt, 1.0)[:, None]


def reference(x, edge_index, batch, params):
    return _forward(x, params, edge_index, batch)

if __name__ == "__main__":
    import jax
    _d = setup_inputs()
    print(jax.jit(kernel)(*tuple(_d.values())))

</pallas_src>

<mosaic_0001>
#map = affine_map<(d0, d1) -> (0, 0, 0)>
#map1 = affine_map<(d0, d1) -> (0, 0)>
module attributes {stable_mosaic.version = 14 : i64} {
  func.func @k(%arg0: i32, %arg1: i32, %arg2: memref<2x10000x128xf32, #tpu.memory_space<hbm>>, %arg3: memref<1280x128xi32, #tpu.memory_space<hbm>>, %arg4: memref<1x163840xi32, #tpu.memory_space<hbm>>, %arg5: memref<80x128xf32, #tpu.memory_space<hbm>>, %arg6: memref<2x10000x128xf32, #tpu.memory_space<hbm>>, %arg7: memref<80x128xi32, #tpu.memory_space<vmem>>, %arg8: memref<2x128xi32, #tpu.memory_space<vmem>>, %arg9: memref<128x128xf32, #tpu.memory_space<vmem>>, %arg10: memref<128x128xf32, #tpu.memory_space<vmem>>, %arg11: memref<10008x128xf32, #tpu.memory_space<vmem_shared>>, %arg12: memref<!tpu.dma_semaphore, #tpu.memory_space<semaphore_mem>>, %arg13: memref<!tpu.dma_semaphore, #tpu.memory_space<semaphore_mem>>) attributes {dimension_semantics = [#tpu.dimension_semantics<core_parallel>, #tpu.dimension_semantics<subcore_parallel>], iteration_bounds = array<i64: 2, 16>, scalar_prefetch = 0 : i64, scratch_operands = 7 : i64, tpu.core_type = #tpu.core_type<sc_vector_subcore>, window_params = [{transform_indices = #map}, {transform_indices = #map1}, {transform_indices = #map1}, {transform_indices = #map1}, {transform_indices = #map}]} {
    %mul3A = arith.constant 80 : i32
    %mul3A_0 = arith.muli %arg1, %mul3A : i32
    %mul3A_1 = arith.constant 128 : i32
    %mul3A_2 = arith.muli %mul3A_0, %mul3A_1 : i32
    "tpu.region"() ({
      %run_scoped3A = tpu.sem_alloc : memref<!tpu.dma_semaphore, #tpu.memory_space<semaphore_mem>>
      %dma_start3A_41 = arith.constant 0 : i32
      %dma_start3A_42 = arith.constant 0 : i32
      %dma_start3A_43 = tpu.memref_slice %arg9[%dma_start3A_41, %dma_start3A_42] : memref<128x128xf32, #tpu.memory_space<vmem>> -> memref<80x128xf32, #tpu.memory_space<vmem>>
      %dma_start3A_44 = arith.constant 0 : i32
      %dma_start3A_45 = arith.constant 0 : i32
      %dma_start3A_46 = tpu.memref_slice %arg9[%dma_start3A_44, %dma_start3A_45] : memref<128x128xf32, #tpu.memory_space<vmem>> -> memref<80x128xf32, #tpu.memory_space<vmem>>
      tpu.enqueue_dma source(%arg5 : memref<80x128xf32, #tpu.memory_space<hbm>>) target(%dma_start3A_46 : memref<80x128xf32, #tpu.memory_space<vmem>>) target_semaphore(%run_scoped3A : memref<!tpu.dma_semaphore, #tpu.memory_space<semaphore_mem>>)
      %dma_wait3A = arith.constant 0 : i32
      %dma_wait3A_47 = arith.constant 0 : i32
      %dma_wait3A_48 = tpu.memref_slice %arg9[%dma_wait3A, %dma_wait3A_47] : memref<128x128xf32, #tpu.memory_space<vmem>> -> memref<80x128xf32, #tpu.memory_space<vmem>>
      %dma_wait3A_49 = arith.constant 0 : i32
      %dma_wait3A_50 = arith.constant 0 : i32
      %dma_wait3A_51 = tpu.memref_slice %arg9[%dma_wait3A_49, %dma_wait3A_50] : memref<128x128xf32, #tpu.memory_space<vmem>> -> memref<80x128xf32, #tpu.memory_space<vmem>>
      tpu.wait_dma2 semaphore(%run_scoped3A : memref<!tpu.dma_semaphore, #tpu.memory_space<semaphore_mem>>) src(%arg5 : memref<80x128xf32, #tpu.memory_space<hbm>>) dst(%dma_wait3A_51 : memref<80x128xf32, #tpu.memory_space<vmem>>)
      tpu.yield
    }) : () -> ()
    %scan3A = arith.constant 0 : i32
    %scan3A_3 = arith.constant 8 : i32
    %scan3A_4 = arith.addi %scan3A, %scan3A_3 : i32
    %scan3A_5 = arith.constant 1 : i32
    scf.for %scan3A_41 = %scan3A to %scan3A_4 step %scan3A_5  : i32 {
      %mul3A_42 = arith.constant 1 : i32
      %mul3A_43 = arith.muli %scan3A_41, %mul3A_42 : i32
      %add3A = arith.constant 0 : i32
      %add3A_44 = arith.addi %add3A, %mul3A_43 : i32
      %mul3A_45 = arith.constant 16 : i32
      %mul3A_46 = arith.muli %add3A_44, %mul3A_45 : i32
      %add3A_47 = arith.addi %mul3A_46, %arg1 : i32
      %lt3A = arith.constant 125 : i32
      %lt3A_48 = arith.cmpi slt, %add3A_47, %lt3A : i32
      %convert_element_type3A = arith.extui %lt3A_48 : i1 to i32
      %cond3A = arith.constant 0 : i32
      %cond3A_49 = arith.cmpi ne, %convert_element_type3A, %cond3A : i32
      scf.if %cond3A_49 {
        %mul3A_50 = arith.constant 80 : i32
        %mul3A_51 = arith.muli %add3A_47, %mul3A_50 : i32
        "tpu.region"() ({
          %run_scoped3A = tpu.sem_alloc : memref<!tpu.dma_semaphore, #tpu.memory_space<semaphore_mem>>
          %dma_start3A_52 = arith.constant 0 : i32
          %dma_start3A_53 = arith.constant 0 : i32
          %dma_start3A_54 = tpu.memref_slice %arg9[%dma_start3A_52, %dma_start3A_53] : memref<128x128xf32, #tpu.memory_space<vmem>> -> memref<80x128xf32, #tpu.memory_space<vmem>>
          %dma_start3A_55 = arith.constant 0 : i32
          %dma_start3A_56 = tpu.memref_slice %arg11[%mul3A_51, %dma_start3A_55] : memref<10008x128xf32, #tpu.memory_space<vmem_shared>> -> memref<80x128xf32, #tpu.memory_space<vmem_shared>>
          %dma_start3A_57 = arith.constant 0 : i32
          %dma_start3A_58 = tpu.memref_slice %arg11[%mul3A_51, %dma_start3A_57] : memref<10008x128xf32, #tpu.memory_space<vmem_shared>> -> memref<80x128xf32, #tpu.memory_space<vmem_shared>>
          %dma_start3A_59 = arith.constant 0 : i32
          %dma_start3A_60 = arith.constant 0 : i32
          %dma_start3A_61 = tpu.memref_slice %arg9[%dma_start3A_59, %dma_start3A_60] : memref<128x128xf32, #tpu.memory_space<vmem>> -> memref<80x128xf32, #tpu.memory_space<vmem>>
          tpu.enqueue_dma source(%dma_start3A_61 : memref<80x128xf32, #tpu.memory_space<vmem>>) target(%dma_start3A_58 : memref<80x128xf32, #tpu.memory_space<vmem_shared>>) target_semaphore(%run_scoped3A : memref<!tpu.dma_semaphore, #tpu.memory_space<semaphore_mem>>)
          %dma_wait3A = arith.constant 0 : i32
          %dma_wait3A_62 = arith.constant 0 : i32
          %dma_wait3A_63 = tpu.memref_slice %arg9[%dma_wait3A, %dma_wait3A_62] : memref<128x128xf32, #tpu.memory_space<vmem>> -> memref<80x128xf32, #tpu.memory_space<vmem>>
          %dma_wait3A_64 = arith.constant 0 : i32
          %dma_wait3A_65 = tpu.memref_slice %arg11[%mul3A_51, %dma_wait3A_64] : memref<10008x128xf32, #tpu.memory_space<vmem_shared>> -> memref<80x128xf32, #tpu.memory_space<vmem_shared>>
          %dma_wait3A_66 = arith.constant 0 : i32
          %dma_wait3A_67 = tpu.memref_slice %arg11[%mul3A_51, %dma_wait3A_66] : memref<10008x128xf32, #tpu.memory_space<vmem_shared>> -> memref<80x128xf32, #tpu.memory_space<vmem_shared>>
          %dma_wait3A_68 = arith.constant 0 : i32
          %dma_wait3A_69 = arith.constant 0 : i32
          %dma_wait3A_70 = tpu.memref_slice %arg9[%dma_wait3A_68, %dma_wait3A_69] : memref<128x128xf32, #tpu.memory_space<vmem>> -> memref<80x128xf32, #tpu.memory_space<vmem>>
          tpu.wait_dma2 semaphore(%run_scoped3A : memref<!tpu.dma_semaphore, #tpu.memory_space<semaphore_mem>>) src(%dma_wait3A_70 : memref<80x128xf32, #tpu.memory_space<vmem>>) dst(%dma_wait3A_67 : memref<80x128xf32, #tpu.memory_space<vmem_shared>>)
          tpu.yield
        }) : () -> ()
      } else {
      }
    }
    %scan3A_6 = arith.constant 8 : i32
    %mul3A_7 = arith.constant 80 : i32
    %mul3A_8 = arith.muli %arg1, %mul3A_7 : i32
    "tpu.region"() ({
      %run_scoped3A = tpu.sem_alloc : memref<!tpu.dma_semaphore, #tpu.memory_space<semaphore_mem>>
      %dma_start3A_41 = arith.constant 0 : i32
      %dma_start3A_42 = tpu.memref_slice %arg3[%mul3A_8, %dma_start3A_41] : memref<1280x128xi32, #tpu.memory_space<hbm>> -> memref<80x128xi32, #tpu.memory_space<hbm>>
      %dma_start3A_43 = arith.constant 0 : i32
      %dma_start3A_44 = tpu.memref_slice %arg3[%mul3A_8, %dma_start3A_43] : memref<1280x128xi32, #tpu.memory_space<hbm>> -> memref<80x128xi32, #tpu.memory_space<hbm>>
      tpu.enqueue_dma source(%dma_start3A_44 : memref<80x128xi32, #tpu.memory_space<hbm>>) target(%arg7 : memref<80x128xi32, #tpu.memory_space<vmem>>) target_semaphore(%run_scoped3A : memref<!tpu.dma_semaphore, #tpu.memory_space<semaphore_mem>>)
      %dma_wait3A = arith.constant 0 : i32
      %dma_wait3A_45 = tpu.memref_slice %arg3[%mul3A_8, %dma_wait3A] : memref<1280x128xi32, #tpu.memory_space<hbm>> -> memref<80x128xi32, #tpu.memory_space<hbm>>
      %dma_wait3A_46 = arith.constant 0 : i32
      %dma_wait3A_47 = tpu.memref_slice %arg3[%mul3A_8, %dma_wait3A_46] : memref<1280x128xi32, #tpu.memory_space<hbm>> -> memref<80x128xi32, #tpu.memory_space<hbm>>
      tpu.wait_dma2 semaphore(%run_scoped3A : memref<!tpu.dma_semaphore, #tpu.memory_space<semaphore_mem>>) src(%dma_wait3A_47 : memref<80x128xi32, #tpu.memory_space<hbm>>) dst(%arg7 : memref<80x128xi32, #tpu.memory_space<vmem>>)
      tpu.yield
    }) : () -> ()
    %barrier3A = arith.constant 0 : index
    tpu.barrier barrier_id(%barrier3A)
    %dma_start3A = arith.constant 0 : i32
    %dma_start3A_9 = arith.constant 0 : i32
    %dma_start3A_10 = tpu.memref_slice %arg7[%dma_start3A, %dma_start3A_9] : memref<80x128xi32, #tpu.memory_space<vmem>> -> memref<1x128xi32, #tpu.memory_space<vmem>>
    %dma_start3A_11 = tpu.memref_squeeze %dma_start3A_10 : memref<1x128xi32, #tpu.memory_space<vmem>> -> memref<128xi32, #tpu.memory_space<vmem>>
    %dma_start3A_12 = arith.constant 0 : i32
    %dma_start3A_13 = arith.constant 0 : i32
    %dma_start3A_14 = tpu.memref_slice %arg2[%arg0, %dma_start3A_12, %dma_start3A_13] : memref<2x10000x128xf32, #tpu.memory_space<hbm>> -> memref<1x10000x128xf32, #tpu.memory_space<hbm>>
    %dma_start3A_15 = tpu.memref_squeeze %dma_start3A_14 : memref<1x10000x128xf32, #tpu.memory_space<hbm>> -> memref<10000x128xf32, #tpu.memory_space<hbm>>
    %dma_start3A_16 = arith.constant 0 : i32
    %dma_start3A_17 = arith.constant 0 : i32
    %dma_start3A_18 = tpu.memref_slice %dma_start3A_15[%dma_start3A_16, %dma_start3A_17] : memref<10000x128xf32, #tpu.memory_space<hbm>> -> memref<10000x128xf32, #tpu.memory_space<hbm>>
    tpu.enqueue_indirect_dma source(%dma_start3A_18 : memref<10000x128xf32, #tpu.memory_space<hbm>>) target(%arg9 : memref<128x128xf32, #tpu.memory_space<vmem>>) offsets(%dma_start3A_11 : memref<128xi32, #tpu.memory_space<vmem>>) semaphore(%arg12 : memref<!tpu.dma_semaphore, #tpu.memory_space<semaphore_mem>>)
    %dma_start3A_19 = arith.constant 1 : i32
    %dma_start3A_20 = arith.constant 0 : i32
    %dma_start3A_21 = tpu.memref_slice %arg7[%dma_start3A_19, %dma_start3A_20] : memref<80x128xi32, #tpu.memory_space<vmem>> -> memref<1x128xi32, #tpu.memory_space<vmem>>
    %dma_start3A_22 = tpu.memref_squeeze %dma_start3A_21 : memref<1x128xi32, #tpu.memory_space<vmem>> -> memref<128xi32, #tpu.memory_space<vmem>>
    %dma_start3A_23 = arith.constant 0 : i32
    %dma_start3A_24 = arith.constant 0 : i32
    %dma_start3A_25 = tpu.memref_slice %arg2[%arg0, %dma_start3A_23, %dma_start3A_24] : memref<2x10000x128xf32, #tpu.memory_space<hbm>> -> memref<1x10000x128xf32, #tpu.memory_space<hbm>>
    %dma_start3A_26 = tpu.memref_squeeze %dma_start3A_25 : memref<1x10000x128xf32, #tpu.memory_space<hbm>> -> memref<10000x128xf32, #tpu.memory_space<hbm>>
    %dma_start3A_27 = arith.constant 0 : i32
    %dma_start3A_28 = arith.constant 0 : i32
    %dma_start3A_29 = tpu.memref_slice %dma_start3A_26[%dma_start3A_27, %dma_start3A_28] : memref<10000x128xf32, #tpu.memory_space<hbm>> -> memref<10000x128xf32, #tpu.memory_space<hbm>>
    tpu.enqueue_indirect_dma source(%dma_start3A_29 : memref<10000x128xf32, #tpu.memory_space<hbm>>) target(%arg10 : memref<128x128xf32, #tpu.memory_space<vmem>>) offsets(%dma_start3A_22 : memref<128xi32, #tpu.memory_space<vmem>>) semaphore(%arg13 : memref<!tpu.dma_semaphore, #tpu.memory_space<semaphore_mem>>)
    %scan3A_30 = arith.constant 0 : i32
    %scan3A_31 = arith.constant 40 : i32
    %scan3A_32 = arith.addi %scan3A_30, %scan3A_31 : i32
    %scan3A_33 = arith.constant 1 : i32
    scf.for %scan3A_41 = %scan3A_30 to %scan3A_32 step %scan3A_33  : i32 {
      %mul3A_42 = arith.constant 1 : i32
      %mul3A_43 = arith.muli %scan3A_41, %mul3A_42 : i32
      %add3A = arith.constant 0 : i32
      %add3A_44 = arith.addi %add3A, %mul3A_43 : i32
      %mul3A_45 = arith.constant 2 : i32
      %mul3A_46 = arith.muli %mul3A_45, %add3A_44 : i32
      %add3A_47 = arith.constant 0 : i32
      %add3A_48 = arith.addi %mul3A_46, %add3A_47 : i32
      %mul3A_49 = arith.constant 128 : i32
      %mul3A_50 = arith.muli %add3A_48, %mul3A_49 : i32
      %add3A_51 = arith.addi %mul3A_2, %mul3A_50 : i32
      %run_scoped3A = arith.constant 0 : i32
      %run_scoped3A_52 = arith.constant 0 : i32
      "tpu.region"() ({
        %run_scoped3A_100 = tpu.sem_alloc : memref<!tpu.dma_semaphore, #tpu.memory_space<semaphore_mem>>
        %dma_start3A_101 = arith.constant 0 : i32
        %dma_start3A_102 = tpu.memref_slice %arg8[%run_scoped3A_52, %dma_start3A_101] : memref<2x128xi32, #tpu.memory_space<vmem>> -> memref<1x128xi32, #tpu.memory_space<vmem>>
        %dma_start3A_103 = tpu.memref_squeeze %dma_start3A_102 : memref<1x128xi32, #tpu.memory_space<vmem>> -> memref<128xi32, #tpu.memory_space<vmem>>
        %dma_start3A_104 = tpu.memref_slice %arg4[%run_scoped3A, %add3A_51] : memref<1x163840xi32, #tpu.memory_space<hbm>> -> memref<1x128xi32, #tpu.memory_space<hbm>>
        %dma_start3A_105 = tpu.memref_squeeze %dma_start3A_104 : memref<1x128xi32, #tpu.memory_space<hbm>> -> memref<128xi32, #tpu.memory_space<hbm>>
        %dma_start3A_106 = arith.constant 0 : i32
        %dma_start3A_107 = tpu.memref_slice %arg8[%run_scoped3A_52, %dma_start3A_106] : memref<2x128xi32, #tpu.memory_space<vmem>> -> memref<1x128xi32, #tpu.memory_space<vmem>>
        %dma_start3A_108 = tpu.memref_squeeze %dma_start3A_107 : memref<1x128xi32, #tpu.memory_space<vmem>> -> memref<128xi32, #tpu.memory_space<vmem>>
        %dma_start3A_109 = tpu.memref_slice %arg4[%run_scoped3A, %add3A_51] : memref<1x163840xi32, #tpu.memory_space<hbm>> -> memref<1x128xi32, #tpu.memory_space<hbm>>
        %dma_start3A_110 = tpu.memref_squeeze %dma_start3A_109 : memref<1x128xi32, #tpu.memory_space<hbm>> -> memref<128xi32, #tpu.memory_space<hbm>>
        tpu.enqueue_dma source(%dma_start3A_110 : memref<128xi32, #tpu.memory_space<hbm>>) target(%dma_start3A_108 : memref<128xi32, #tpu.memory_space<vmem>>) target_semaphore(%run_scoped3A_100 : memref<!tpu.dma_semaphore, #tpu.memory_space<semaphore_mem>>)
        %dma_wait3A_111 = arith.constant 0 : i32
        %dma_wait3A_112 = tpu.memref_slice %arg8[%run_scoped3A_52, %dma_wait3A_111] : memref<2x128xi32, #tpu.memory_space<vmem>> -> memref<1x128xi32, #tpu.memory_space<vmem>>
        %dma_wait3A_113 = tpu.memref_squeeze %dma_wait3A_112 : memref<1x128xi32, #tpu.memory_space<vmem>> -> memref<128xi32, #tpu.memory_space<vmem>>
        %dma_wait3A_114 = tpu.memref_slice %arg4[%run_scoped3A, %add3A_51] : memref<1x163840xi32, #tpu.memory_space<hbm>> -> memref<1x128xi32, #tpu.memory_space<hbm>>
        %dma_wait3A_115 = tpu.memref_squeeze %dma_wait3A_114 : memref<1x128xi32, #tpu.memory_space<hbm>> -> memref<128xi32, #tpu.memory_space<hbm>>
        %dma_wait3A_116 = arith.constant 0 : i32
        %dma_wait3A_117 = tpu.memref_slice %arg8[%run_scoped3A_52, %dma_wait3A_116] : memref<2x128xi32, #tpu.memory_space<vmem>> -> memref<1x128xi32, #tpu.memory_space<vmem>>
        %dma_wait3A_118 = tpu.memref_squeeze %dma_wait3A_117 : memref<1x128xi32, #tpu.memory_space<vmem>> -> memref<128xi32, #tpu.memory_space<vmem>>
        %dma_wait3A_119 = tpu.memref_slice %arg4[%run_scoped3A, %add3A_51] : memref<1x163840xi32, #tpu.memory_space<hbm>> -> memref<1x128xi32, #tpu.memory_space<hbm>>
        %dma_wait3A_120 = tpu.memref_squeeze %dma_wait3A_119 : memref<1x128xi32, #tpu.memory_space<hbm>> -> memref<128xi32, #tpu.memory_space<hbm>>
        tpu.wait_dma2 semaphore(%run_scoped3A_100 : memref<!tpu.dma_semaphore, #tpu.memory_space<semaphore_mem>>) src(%dma_wait3A_120 : memref<128xi32, #tpu.memory_space<hbm>>) dst(%dma_wait3A_118 : memref<128xi32, #tpu.memory_space<vmem>>)
        tpu.yield
      }) : () -> ()
      %add3A_53 = arith.constant 0 : i32
      %add3A_54 = arith.addi %mul3A_46, %add3A_53 : i32
      %dma_wait3A = arith.constant 0 : i32
      %dma_wait3A_55 = tpu.memref_slice %arg7[%add3A_54, %dma_wait3A] : memref<80x128xi32, #tpu.memory_space<vmem>> -> memref<1x128xi32, #tpu.memory_space<vmem>>
      %dma_wait3A_56 = tpu.memref_squeeze %dma_wait3A_55 : memref<1x128xi32, #tpu.memory_space<vmem>> -> memref<128xi32, #tpu.memory_space<vmem>>
      %dma_wait3A_57 = arith.constant 0 : i32
      %dma_wait3A_58 = arith.constant 0 : i32
      %dma_wait3A_59 = tpu.memref_slice %arg2[%arg0, %dma_wait3A_57, %dma_wait3A_58] : memref<2x10000x128xf32, #tpu.memory_space<hbm>> -> memref<1x10000x128xf32, #tpu.memory_space<hbm>>
      %dma_wait3A_60 = tpu.memref_squeeze %dma_wait3A_59 : memref<1x10000x128xf32, #tpu.memory_space<hbm>> -> memref<10000x128xf32, #tpu.memory_space<hbm>>
      %dma_wait3A_61 = arith.constant 0 : i32
      %dma_wait3A_62 = arith.constant 0 : i32
      %dma_wait3A_63 = tpu.memref_slice %dma_wait3A_60[%dma_wait3A_61, %dma_wait3A_62] : memref<10000x128xf32, #tpu.memory_space<hbm>> -> memref<10000x128xf32, #tpu.memory_space<hbm>>
      tpu.wait_indirect_dma semaphore(%arg12 : memref<!tpu.dma_semaphore, #tpu.memory_space<semaphore_mem>>) src(%dma_wait3A_63 : memref<10000x128xf32, #tpu.memory_space<hbm>>) dst(%arg9 : memref<128x128xf32, #tpu.memory_space<vmem>>)
      %run_scoped3A_64 = arith.constant 0 : i32
      "tpu.region"() ({
        %run_scoped3A_100 = tpu.sem_alloc : memref<!tpu.dma_semaphore, #tpu.memory_space<semaphore_mem>>
        %dma_start3A_101 = arith.constant 0 : i32
        %dma_start3A_102 = tpu.memref_slice %arg8[%run_scoped3A_64, %dma_start3A_101] : memref<2x128xi32, #tpu.memory_space<vmem>> -> memref<1x128xi32, #tpu.memory_space<vmem>>
        %dma_start3A_103 = tpu.memref_squeeze %dma_start3A_102 : memref<1x128xi32, #tpu.memory_space<vmem>> -> memref<128xi32, #tpu.memory_space<vmem>>
        %dma_start3A_104 = arith.constant 0 : i32
        %dma_start3A_105 = arith.constant 0 : i32
        %dma_start3A_106 = tpu.memref_slice %arg11[%dma_start3A_104, %dma_start3A_105] : memref<10008x128xf32, #tpu.memory_space<vmem_shared>> -> memref<10008x128xf32, #tpu.memory_space<vmem_shared>>
        tpu.enqueue_indirect_dma source(%arg9 : memref<128x128xf32, #tpu.memory_space<vmem>>) target(%dma_start3A_106 : memref<10008x128xf32, #tpu.memory_space<vmem_shared>>) offsets(%dma_start3A_103 : memref<128xi32, #tpu.memory_space<vmem>>) semaphore(%run_scoped3A_100 : memref<!tpu.dma_semaphore, #tpu.memory_space<semaphore_mem>>) {add = true}
        %dma_wait3A_107 = arith.constant 0 : i32
        %dma_wait3A_108 = tpu.memref_slice %arg8[%run_scoped3A_64, %dma_wait3A_107] : memref<2x128xi32, #tpu.memory_space<vmem>> -> memref<1x128xi32, #tpu.memory_space<vmem>>
        %dma_wait3A_109 = tpu.memref_squeeze %dma_wait3A_108 : memref<1x128xi32, #tpu.memory_space<vmem>> -> memref<128xi32, #tpu.memory_space<vmem>>
        %dma_wait3A_110 = arith.constant 0 : i32
        %dma_wait3A_111 = arith.constant 0 : i32
        %dma_wait3A_112 = tpu.memref_slice %arg11[%dma_wait3A_110, %dma_wait3A_111] : memref<10008x128xf32, #tpu.memory_space<vmem_shared>> -> memref<10008x128xf32, #tpu.memory_space<vmem_shared>>
        tpu.wait_indirect_dma semaphore(%run_scoped3A_100 : memref<!tpu.dma_semaphore, #tpu.memory_space<semaphore_mem>>) src(%arg9 : memref<128x128xf32, #tpu.memory_space<vmem>>) dst(%dma_wait3A_112 : memref<10008x128xf32, #tpu.memory_space<vmem_shared>>)
        tpu.yield
      }) : () -> ()
      %add3A_65 = arith.constant 0 : i32
      %add3A_66 = arith.addi %mul3A_46, %add3A_65 : i32
      %add3A_67 = arith.constant 2 : i32
      %add3A_68 = arith.addi %add3A_66, %add3A_67 : i32
      %lt3A = arith.constant 80 : i32
      %lt3A_69 = arith.cmpi slt, %add3A_68, %lt3A : i32
      %convert_element_type3A = arith.extui %lt3A_69 : i1 to i32
      %cond3A = arith.constant 0 : i32
      %cond3A_70 = arith.cmpi ne, %convert_element_type3A, %cond3A : i32
      scf.if %cond3A_70 {
        %add3A_100 = arith.constant 0 : i32
        %add3A_101 = arith.addi %mul3A_46, %add3A_100 : i32
        %add3A_102 = arith.constant 2 : i32
        %add3A_103 = arith.addi %add3A_101, %add3A_102 : i32
        %dma_start3A_104 = arith.constant 0 : i32
        %dma_start3A_105 = tpu.memref_slice %arg7[%add3A_103, %dma_start3A_104] : memref<80x128xi32, #tpu.memory_space<vmem>> -> memref<1x128xi32, #tpu.memory_space<vmem>>
        %dma_start3A_106 = tpu.memref_squeeze %dma_start3A_105 : memref<1x128xi32, #tpu.memory_space<vmem>> -> memref<128xi32, #tpu.memory_space<vmem>>
        %dma_start3A_107 = arith.constant 0 : i32
        %dma_start3A_108 = arith.constant 0 : i32
        %dma_start3A_109 = tpu.memref_slice %arg2[%arg0, %dma_start3A_107, %dma_start3A_108] : memref<2x10000x128xf32, #tpu.memory_space<hbm>> -> memref<1x10000x128xf32, #tpu.memory_space<hbm>>
        %dma_start3A_110 = tpu.memref_squeeze %dma_start3A_109 : memref<1x10000x128xf32, #tpu.memory_space<hbm>> -> memref<10000x128xf32, #tpu.memory_space<hbm>>
        %dma_start3A_111 = arith.constant 0 : i32
        %dma_start3A_112 = arith.constant 0 : i32
        %dma_start3A_113 = tpu.memref_slice %dma_start3A_110[%dma_start3A_111, %dma_start3A_112] : memref<10000x128xf32, #tpu.memory_space<hbm>> -> memref<10000x128xf32, #tpu.memory_space<hbm>>
        tpu.enqueue_indirect_dma source(%dma_start3A_113 : memref<10000x128xf32, #tpu.memory_space<hbm>>) target(%arg9 : memref<128x128xf32, #tpu.memory_space<vmem>>) offsets(%dma_start3A_106 : memref<128xi32, #tpu.memory_space<vmem>>) semaphore(%arg12 : memref<!tpu.dma_semaphore, #tpu.memory_space<semaphore_mem>>)
      } else {
      }
      %add3A_71 = arith.constant 1 : i32
      %add3A_72 = arith.addi %mul3A_46, %add3A_71 : i32
      %mul3A_73 = arith.constant 128 : i32
      %mul3A_74 = arith.muli %add3A_72, %mul3A_73 : i32
      %add3A_75 = arith.addi %mul3A_2, %mul3A_74 : i32
      %run_scoped3A_76 = arith.constant 0 : i32
      %run_scoped3A_77 = arith.constant 1 : i32
      "tpu.region"() ({
        %run_scoped3A_100 = tpu.sem_alloc : memref<!tpu.dma_semaphore, #tpu.memory_space<semaphore_mem>>
        %dma_start3A_101 = arith.constant 0 : i32
        %dma_start3A_102 = tpu.memref_slice %arg8[%run_scoped3A_77, %dma_start3A_101] : memref<2x128xi32, #tpu.memory_space<vmem>> -> memref<1x128xi32, #tpu.memory_space<vmem>>
        %dma_start3A_103 = tpu.memref_squeeze %dma_start3A_102 : memref<1x128xi32, #tpu.memory_space<vmem>> -> memref<128xi32, #tpu.memory_space<vmem>>
        %dma_start3A_104 = tpu.memref_slice %arg4[%run_scoped3A_76, %add3A_75] : memref<1x163840xi32, #tpu.memory_space<hbm>> -> memref<1x128xi32, #tpu.memory_space<hbm>>
        %dma_start3A_105 = tpu.memref_squeeze %dma_start3A_104 : memref<1x128xi32, #tpu.memory_space<hbm>> -> memref<128xi32, #tpu.memory_space<hbm>>
        %dma_start3A_106 = arith.constant 0 : i32
        %dma_start3A_107 = tpu.memref_slice %arg8[%run_scoped3A_77, %dma_start3A_106] : memref<2x128xi32, #tpu.memory_space<vmem>> -> memref<1x128xi32, #tpu.memory_space<vmem>>
        %dma_start3A_108 = tpu.memref_squeeze %dma_start3A_107 : memref<1x128xi32, #tpu.memory_space<vmem>> -> memref<128xi32, #tpu.memory_space<vmem>>
        %dma_start3A_109 = tpu.memref_slice %arg4[%run_scoped3A_76, %add3A_75] : memref<1x163840xi32, #tpu.memory_space<hbm>> -> memref<1x128xi32, #tpu.memory_space<hbm>>
        %dma_start3A_110 = tpu.memref_squeeze %dma_start3A_109 : memref<1x128xi32, #tpu.memory_space<hbm>> -> memref<128xi32, #tpu.memory_space<hbm>>
        tpu.enqueue_dma source(%dma_start3A_110 : memref<128xi32, #tpu.memory_space<hbm>>) target(%dma_start3A_108 : memref<128xi32, #tpu.memory_space<vmem>>) target_semaphore(%run_scoped3A_100 : memref<!tpu.dma_semaphore, #tpu.memory_space<semaphore_mem>>)
        %dma_wait3A_111 = arith.constant 0 : i32
        %dma_wait3A_112 = tpu.memref_slice %arg8[%run_scoped3A_77, %dma_wait3A_111] : memref<2x128xi32, #tpu.memory_space<vmem>> -> memref<1x128xi32, #tpu.memory_space<vmem>>
        %dma_wait3A_113 = tpu.memref_squeeze %dma_wait3A_112 : memref<1x128xi32, #tpu.memory_space<vmem>> -> memref<128xi32, #tpu.memory_space<vmem>>
        %dma_wait3A_114 = tpu.memref_slice %arg4[%run_scoped3A_76, %add3A_75] : memref<1x163840xi32, #tpu.memory_space<hbm>> -> memref<1x128xi32, #tpu.memory_space<hbm>>
        %dma_wait3A_115 = tpu.memref_squeeze %dma_wait3A_114 : memref<1x128xi32, #tpu.memory_space<hbm>> -> memref<128xi32, #tpu.memory_space<hbm>>
        %dma_wait3A_116 = arith.constant 0 : i32
        %dma_wait3A_117 = tpu.memref_slice %arg8[%run_scoped3A_77, %dma_wait3A_116] : memref<2x128xi32, #tpu.memory_space<vmem>> -> memref<1x128xi32, #tpu.memory_space<vmem>>
        %dma_wait3A_118 = tpu.memref_squeeze %dma_wait3A_117 : memref<1x128xi32, #tpu.memory_space<vmem>> -> memref<128xi32, #tpu.memory_space<vmem>>
        %dma_wait3A_119 = tpu.memref_slice %arg4[%run_scoped3A_76, %add3A_75] : memref<1x163840xi32, #tpu.memory_space<hbm>> -> memref<1x128xi32, #tpu.memory_space<hbm>>
        %dma_wait3A_120 = tpu.memref_squeeze %dma_wait3A_119 : memref<1x128xi32, #tpu.memory_space<hbm>> -> memref<128xi32, #tpu.memory_space<hbm>>
        tpu.wait_dma2 semaphore(%run_scoped3A_100 : memref<!tpu.dma_semaphore, #tpu.memory_space<semaphore_mem>>) src(%dma_wait3A_120 : memref<128xi32, #tpu.memory_space<hbm>>) dst(%dma_wait3A_118 : memref<128xi32, #tpu.memory_space<vmem>>)
        tpu.yield
      }) : () -> ()
      %add3A_78 = arith.constant 1 : i32
      %add3A_79 = arith.addi %mul3A_46, %add3A_78 : i32
      %dma_wait3A_80 = arith.constant 0 : i32
      %dma_wait3A_81 = tpu.memref_slice %arg7[%add3A_79, %dma_wait3A_80] : memref<80x128xi32, #tpu.memory_space<vmem>> -> memref<1x128xi32, #tpu.memory_space<vmem>>
      %dma_wait3A_82 = tpu.memref_squeeze %dma_wait3A_81 : memref<1x128xi32, #tpu.memory_space<vmem>> -> memref<128xi32, #tpu.memory_space<vmem>>
      %dma_wait3A_83 = arith.constant 0 : i32
      %dma_wait3A_84 = arith.constant 0 : i32
      %dma_wait3A_85 = tpu.memref_slice %arg2[%arg0, %dma_wait3A_83, %dma_wait3A_84] : memref<2x10000x128xf32, #tpu.memory_space<hbm>> -> memref<1x10000x128xf32, #tpu.memory_space<hbm>>
      %dma_wait3A_86 = tpu.memref_squeeze %dma_wait3A_85 : memref<1x10000x128xf32, #tpu.memory_space<hbm>> -> memref<10000x128xf32, #tpu.memory_space<hbm>>
      %dma_wait3A_87 = arith.constant 0 : i32
      %dma_wait3A_88 = arith.constant 0 : i32
      %dma_wait3A_89 = tpu.memref_slice %dma_wait3A_86[%dma_wait3A_87, %dma_wait3A_88] : memref<10000x128xf32, #tpu.memory_space<hbm>> -> memref<10000x128xf32, #tpu.memory_space<hbm>>
      tpu.wait_indirect_dma semaphore(%arg13 : memref<!tpu.dma_semaphore, #tpu.memory_space<semaphore_mem>>) src(%dma_wait3A_89 : memref<10000x128xf32, #tpu.memory_space<hbm>>) dst(%arg10 : memref<128x128xf32, #tpu.memory_space<vmem>>)
      %run_scoped3A_90 = arith.constant 1 : i32
      "tpu.region"() ({
        %run_scoped3A_100 = tpu.sem_alloc : memref<!tpu.dma_semaphore, #tpu.memory_space<semaphore_mem>>
        %dma_start3A_101 = arith.constant 0 : i32
        %dma_start3A_102 = tpu.memref_slice %arg8[%run_scoped3A_90, %dma_start3A_101] : memref<2x128xi32, #tpu.memory_space<vmem>> -> memref<1x128xi32, #tpu.memory_space<vmem>>
        %dma_start3A_103 = tpu.memref_squeeze %dma_start3A_102 : memref<1x128xi32, #tpu.memory_space<vmem>> -> memref<128xi32, #tpu.memory_space<vmem>>
        %dma_start3A_104 = arith.constant 0 : i32
        %dma_start3A_105 = arith.constant 0 : i32
        %dma_start3A_106 = tpu.memref_slice %arg11[%dma_start3A_104, %dma_start3A_105] : memref<10008x128xf32, #tpu.memory_space<vmem_shared>> -> memref<10008x128xf32, #tpu.memory_space<vmem_shared>>
        tpu.enqueue_indirect_dma source(%arg10 : memref<128x128xf32, #tpu.memory_space<vmem>>) target(%dma_start3A_106 : memref<10008x128xf32, #tpu.memory_space<vmem_shared>>) offsets(%dma_start3A_103 : memref<128xi32, #tpu.memory_space<vmem>>) semaphore(%run_scoped3A_100 : memref<!tpu.dma_semaphore, #tpu.memory_space<semaphore_mem>>) {add = true}
        %dma_wait3A_107 = arith.constant 0 : i32
        %dma_wait3A_108 = tpu.memref_slice %arg8[%run_scoped3A_90, %dma_wait3A_107] : memref<2x128xi32, #tpu.memory_space<vmem>> -> memref<1x128xi32, #tpu.memory_space<vmem>>
        %dma_wait3A_109 = tpu.memref_squeeze %dma_wait3A_108 : memref<1x128xi32, #tpu.memory_space<vmem>> -> memref<128xi32, #tpu.memory_space<vmem>>
        %dma_wait3A_110 = arith.constant 0 : i32
        %dma_wait3A_111 = arith.constant 0 : i32
        %dma_wait3A_112 = tpu.memref_slice %arg11[%dma_wait3A_110, %dma_wait3A_111] : memref<10008x128xf32, #tpu.memory_space<vmem_shared>> -> memref<10008x128xf32, #tpu.memory_space<vmem_shared>>
        tpu.wait_indirect_dma semaphore(%run_scoped3A_100 : memref<!tpu.dma_semaphore, #tpu.memory_space<semaphore_mem>>) src(%arg10 : memref<128x128xf32, #tpu.memory_space<vmem>>) dst(%dma_wait3A_112 : memref<10008x128xf32, #tpu.memory_space<vmem_shared>>)
        tpu.yield
      }) : () -> ()
      %add3A_91 = arith.constant 1 : i32
      %add3A_92 = arith.addi %mul3A_46, %add3A_91 : i32
      %add3A_93 = arith.constant 2 : i32
      %add3A_94 = arith.addi %add3A_92, %add3A_93 : i32
      %lt3A_95 = arith.constant 80 : i32
      %lt3A_96 = arith.cmpi slt, %add3A_94, %lt3A_95 : i32
      %convert_element_type3A_97 = arith.extui %lt3A_96 : i1 to i32
      %cond3A_98 = arith.constant 0 : i32
      %cond3A_99 = arith.cmpi ne, %convert_element_type3A_97, %cond3A_98 : i32
      scf.if %cond3A_99 {
        %add3A_100 = arith.constant 1 : i32
        %add3A_101 = arith.addi %mul3A_46, %add3A_100 : i32
        %add3A_102 = arith.constant 2 : i32
        %add3A_103 = arith.addi %add3A_101, %add3A_102 : i32
        %dma_start3A_104 = arith.constant 0 : i32
        %dma_start3A_105 = tpu.memref_slice %arg7[%add3A_103, %dma_start3A_104] : memref<80x128xi32, #tpu.memory_space<vmem>> -> memref<1x128xi32, #tpu.memory_space<vmem>>
        %dma_start3A_106 = tpu.memref_squeeze %dma_start3A_105 : memref<1x128xi32, #tpu.memory_space<vmem>> -> memref<128xi32, #tpu.memory_space<vmem>>
        %dma_start3A_107 = arith.constant 0 : i32
        %dma_start3A_108 = arith.constant 0 : i32
        %dma_start3A_109 = tpu.memref_slice %arg2[%arg0, %dma_start3A_107, %dma_start3A_108] : memref<2x10000x128xf32, #tpu.memory_space<hbm>> -> memref<1x10000x128xf32, #tpu.memory_space<hbm>>
        %dma_start3A_110 = tpu.memref_squeeze %dma_start3A_109 : memref<1x10000x128xf32, #tpu.memory_space<hbm>> -> memref<10000x128xf32, #tpu.memory_space<hbm>>
        %dma_start3A_111 = arith.constant 0 : i32
        %dma_start3A_112 = arith.constant 0 : i32
        %dma_start3A_113 = tpu.memref_slice %dma_start3A_110[%dma_start3A_111, %dma_start3A_112] : memref<10000x128xf32, #tpu.memory_space<hbm>> -> memref<10000x128xf32, #tpu.memory_space<hbm>>
        tpu.enqueue_indirect_dma source(%dma_start3A_113 : memref<10000x128xf32, #tpu.memory_space<hbm>>) target(%arg10 : memref<128x128xf32, #tpu.memory_space<vmem>>) offsets(%dma_start3A_106 : memref<128xi32, #tpu.memory_space<vmem>>) semaphore(%arg13 : memref<!tpu.dma_semaphore, #tpu.memory_space<semaphore_mem>>)
      } else {
      }
    }
    %scan3A_34 = arith.constant 40 : i32
    %barrier3A_35 = arith.constant 0 : index
    tpu.barrier barrier_id(%barrier3A_35)
    %scan3A_36 = arith.constant 0 : i32
    %scan3A_37 = arith.constant 8 : i32
    %scan3A_38 = arith.addi %scan3A_36, %scan3A_37 : i32
    %scan3A_39 = arith.constant 1 : i32
    scf.for %scan3A_41 = %scan3A_36 to %scan3A_38 step %scan3A_39  : i32 {
      %mul3A_42 = arith.constant 1 : i32
      %mul3A_43 = arith.muli %scan3A_41, %mul3A_42 : i32
      %add3A = arith.constant 0 : i32
      %add3A_44 = arith.addi %add3A, %mul3A_43 : i32
      %mul3A_45 = arith.constant 16 : i32
      %mul3A_46 = arith.muli %add3A_44, %mul3A_45 : i32
      %add3A_47 = arith.addi %mul3A_46, %arg1 : i32
      %lt3A = arith.constant 125 : i32
      %lt3A_48 = arith.cmpi slt, %add3A_47, %lt3A : i32
      %convert_element_type3A = arith.extui %lt3A_48 : i1 to i32
      %cond3A = arith.constant 0 : i32
      %cond3A_49 = arith.cmpi ne, %convert_element_type3A, %cond3A : i32
      scf.if %cond3A_49 {
        %mul3A_50 = arith.constant 80 : i32
        %mul3A_51 = arith.muli %add3A_47, %mul3A_50 : i32
        %mul3A_52 = arith.constant 80 : i32
        %mul3A_53 = arith.muli %add3A_47, %mul3A_52 : i32
        "tpu.region"() ({
          %run_scoped3A = tpu.sem_alloc : memref<!tpu.dma_semaphore, #tpu.memory_space<semaphore_mem>>
          %dma_start3A_54 = arith.constant 0 : i32
          %dma_start3A_55 = arith.constant 0 : i32
          %dma_start3A_56 = tpu.memref_slice %arg6[%arg0, %dma_start3A_54, %dma_start3A_55] : memref<2x10000x128xf32, #tpu.memory_space<hbm>> -> memref<1x10000x128xf32, #tpu.memory_space<hbm>>
          %dma_start3A_57 = tpu.memref_squeeze %dma_start3A_56 : memref<1x10000x128xf32, #tpu.memory_space<hbm>> -> memref<10000x128xf32, #tpu.memory_space<hbm>>
          %dma_start3A_58 = arith.constant 0 : i32
          %dma_start3A_59 = tpu.memref_slice %dma_start3A_57[%mul3A_53, %dma_start3A_58] : memref<10000x128xf32, #tpu.memory_space<hbm>> -> memref<80x128xf32, #tpu.memory_space<hbm>>
          %dma_start3A_60 = arith.constant 0 : i32
          %dma_start3A_61 = tpu.memref_slice %arg11[%mul3A_51, %dma_start3A_60] : memref<10008x128xf32, #tpu.memory_space<vmem_shared>> -> memref<80x128xf32, #tpu.memory_space<vmem_shared>>
          tpu.enqueue_dma source(%dma_start3A_61 : memref<80x128xf32, #tpu.memory_space<vmem_shared>>) target(%dma_start3A_59 : memref<80x128xf32, #tpu.memory_space<hbm>>) target_semaphore(%run_scoped3A : memref<!tpu.dma_semaphore, #tpu.memory_space<semaphore_mem>>)
          %dma_wait3A = arith.constant 0 : i32
          %dma_wait3A_62 = arith.constant 0 : i32
          %dma_wait3A_63 = tpu.memref_slice %arg6[%arg0, %dma_wait3A, %dma_wait3A_62] : memref<2x10000x128xf32, #tpu.memory_space<hbm>> -> memref<1x10000x128xf32, #tpu.memory_space<hbm>>
          %dma_wait3A_64 = tpu.memref_squeeze %dma_wait3A_63 : memref<1x10000x128xf32, #tpu.memory_space<hbm>> -> memref<10000x128xf32, #tpu.memory_space<hbm>>
          %dma_wait3A_65 = arith.constant 0 : i32
          %dma_wait3A_66 = tpu.memref_slice %dma_wait3A_64[%mul3A_53, %dma_wait3A_65] : memref<10000x128xf32, #tpu.memory_space<hbm>> -> memref<80x128xf32, #tpu.memory_space<hbm>>
          %dma_wait3A_67 = arith.constant 0 : i32
          %dma_wait3A_68 = tpu.memref_slice %arg11[%mul3A_51, %dma_wait3A_67] : memref<10008x128xf32, #tpu.memory_space<vmem_shared>> -> memref<80x128xf32, #tpu.memory_space<vmem_shared>>
          tpu.wait_dma2 semaphore(%run_scoped3A : memref<!tpu.dma_semaphore, #tpu.memory_space<semaphore_mem>>) src(%dma_wait3A_68 : memref<80x128xf32, #tpu.memory_space<vmem_shared>>) dst(%dma_wait3A_66 : memref<80x128xf32, #tpu.memory_space<hbm>>)
          tpu.yield
        }) : () -> ()
      } else {
      }
    }
    %scan3A_40 = arith.constant 8 : i32
    return
  }
}

#map = affine_map<(d0, d1) -> (0, 0, 0)>
#map1 = affine_map<(d0, d1) -> (0, 0)>
module attributes {stable_mosaic.version = 14 : i64} {
  func.func @k(%arg0: i32, %arg1: i32, %arg2: memref<2x10000x128xf32, #tpu.memory_space<hbm>>, %arg3: memref<1280x128xi32, #tpu.memory_space<hbm>>, %arg4: memref<1x163840xi32, #tpu.memory_space<hbm>>, %arg5: memref<80x128xf32, #tpu.memory_space<hbm>>, %arg6: memref<2x10000x128xf32, #tpu.memory_space<hbm>>, %arg7: memref<80x128xi32, #tpu.memory_space<vmem>>, %arg8: memref<2x128xi32, #tpu.memory_space<vmem>>, %arg9: memref<128x128xf32, #tpu.memory_space<vmem>>, %arg10: memref<128x128xf32, #tpu.memory_space<vmem>>, %arg11: memref<10008x128xf32, #tpu.memory_space<vmem_shared>>, %arg12: memref<!tpu.dma_semaphore, #tpu.memory_space<semaphore_mem>>, %arg13: memref<!tpu.dma_semaphore, #tpu.memory_space<semaphore_mem>>) attributes {dimension_semantics = [#tpu.dimension_semantics<core_parallel>, #tpu.dimension_semantics<subcore_parallel>], iteration_bounds = array<i64: 2, 16>, scalar_prefetch = 0 : i64, scratch_operands = 7 : i64, tpu.core_type = #tpu.core_type<sc_vector_subcore>, window_params = [{transform_indices = #map}, {transform_indices = #map1}, {transform_indices = #map1}, {transform_indices = #map1}, {transform_indices = #map}]} {
    %mul3A = arith.constant 80 : i32
    %mul3A_0 = arith.muli %arg1, %mul3A : i32
    %mul3A_1 = arith.constant 128 : i32
    %mul3A_2 = arith.muli %mul3A_0, %mul3A_1 : i32
    "tpu.region"() ({
      %run_scoped3A = tpu.sem_alloc : memref<!tpu.dma_semaphore, #tpu.memory_space<semaphore_mem>>
      %dma_start3A_41 = arith.constant 0 : i32
      %dma_start3A_42 = arith.constant 0 : i32
      %dma_start3A_43 = tpu.memref_slice %arg9[%dma_start3A_41, %dma_start3A_42] : memref<128x128xf32, #tpu.memory_space<vmem>> -> memref<80x128xf32, #tpu.memory_space<vmem>>
      %dma_start3A_44 = arith.constant 0 : i32
      %dma_start3A_45 = arith.constant 0 : i32
      %dma_start3A_46 = tpu.memref_slice %arg9[%dma_start3A_44, %dma_start3A_45] : memref<128x128xf32, #tpu.memory_space<vmem>> -> memref<80x128xf32, #tpu.memory_space<vmem>>
      tpu.enqueue_dma source(%arg5 : memref<80x128xf32, #tpu.memory_space<hbm>>) target(%dma_start3A_46 : memref<80x128xf32, #tpu.memory_space<vmem>>) target_semaphore(%run_scoped3A : memref<!tpu.dma_semaphore, #tpu.memory_space<semaphore_mem>>)
      %dma_wait3A = arith.constant 0 : i32
      %dma_wait3A_47 = arith.constant 0 : i32
      %dma_wait3A_48 = tpu.memref_slice %arg9[%dma_wait3A, %dma_wait3A_47] : memref<128x128xf32, #tpu.memory_space<vmem>> -> memref<80x128xf32, #tpu.memory_space<vmem>>
      %dma_wait3A_49 = arith.constant 0 : i32
      %dma_wait3A_50 = arith.constant 0 : i32
      %dma_wait3A_51 = tpu.memref_slice %arg9[%dma_wait3A_49, %dma_wait3A_50] : memref<128x128xf32, #tpu.memory_space<vmem>> -> memref<80x128xf32, #tpu.memory_space<vmem>>
      tpu.wait_dma2 semaphore(%run_scoped3A : memref<!tpu.dma_semaphore, #tpu.memory_space<semaphore_mem>>) src(%arg5 : memref<80x128xf32, #tpu.memory_space<hbm>>) dst(%dma_wait3A_51 : memref<80x128xf32, #tpu.memory_space<vmem>>)
      tpu.yield
    }) : () -> ()
    %scan3A = arith.constant 0 : i32
    %scan3A_3 = arith.constant 8 : i32
    %scan3A_4 = arith.addi %scan3A, %scan3A_3 : i32
    %scan3A_5 = arith.constant 1 : i32
    scf.for %scan3A_41 = %scan3A to %scan3A_4 step %scan3A_5  : i32 {
      %mul3A_42 = arith.constant 1 : i32
      %mul3A_43 = arith.muli %scan3A_41, %mul3A_42 : i32
      %add3A = arith.constant 0 : i32
      %add3A_44 = arith.addi %add3A, %mul3A_43 : i32
      %mul3A_45 = arith.constant 16 : i32
      %mul3A_46 = arith.muli %add3A_44, %mul3A_45 : i32
      %add3A_47 = arith.addi %mul3A_46, %arg1 : i32
      %lt3A = arith.constant 125 : i32
      %lt3A_48 = arith.cmpi slt, %add3A_47, %lt3A : i32
      %convert_element_type3A = arith.extui %lt3A_48 : i1 to i32
      %cond3A = arith.constant 0 : i32
      %cond3A_49 = arith.cmpi ne, %convert_element_type3A, %cond3A : i32
      scf.if %cond3A_49 {
        %mul3A_50 = arith.constant 80 : i32
        %mul3A_51 = arith.muli %add3A_47, %mul3A_50 : i32
        "tpu.region"() ({
          %run_scoped3A = tpu.sem_alloc : memref<!tpu.dma_semaphore, #tpu.memory_space<semaphore_mem>>
          %dma_start3A_52 = arith.constant 0 : i32
          %dma_start3A_53 = arith.constant 0 : i32
          %dma_start3A_54 = tpu.memref_slice %arg9[%dma_start3A_52, %dma_start3A_53] : memref<128x128xf32, #tpu.memory_space<vmem>> -> memref<80x128xf32, #tpu.memory_space<vmem>>
          %dma_start3A_55 = arith.constant 0 : i32
          %dma_start3A_56 = tpu.memref_slice %arg11[%mul3A_51, %dma_start3A_55] : memref<10008x128xf32, #tpu.memory_space<vmem_shared>> -> memref<80x128xf32, #tpu.memory_space<vmem_shared>>
          %dma_start3A_57 = arith.constant 0 : i32
          %dma_start3A_58 = tpu.memref_slice %arg11[%mul3A_51, %dma_start3A_57] : memref<10008x128xf32, #tpu.memory_space<vmem_shared>> -> memref<80x128xf32, #tpu.memory_space<vmem_shared>>
          %dma_start3A_59 = arith.constant 0 : i32
          %dma_start3A_60 = arith.constant 0 : i32
          %dma_start3A_61 = tpu.memref_slice %arg9[%dma_start3A_59, %dma_start3A_60] : memref<128x128xf32, #tpu.memory_space<vmem>> -> memref<80x128xf32, #tpu.memory_space<vmem>>
          tpu.enqueue_dma source(%dma_start3A_61 : memref<80x128xf32, #tpu.memory_space<vmem>>) target(%dma_start3A_58 : memref<80x128xf32, #tpu.memory_space<vmem_shared>>) target_semaphore(%run_scoped3A : memref<!tpu.dma_semaphore, #tpu.memory_space<semaphore_mem>>)
          %dma_wait3A = arith.constant 0 : i32
          %dma_wait3A_62 = arith.constant 0 : i32
          %dma_wait3A_63 = tpu.memref_slice %arg9[%dma_wait3A, %dma_wait3A_62] : memref<128x128xf32, #tpu.memory_space<vmem>> -> memref<80x128xf32, #tpu.memory_space<vmem>>
          %dma_wait3A_64 = arith.constant 0 : i32
          %dma_wait3A_65 = tpu.memref_slice %arg11[%mul3A_51, %dma_wait3A_64] : memref<10008x128xf32, #tpu.memory_space<vmem_shared>> -> memref<80x128xf32, #tpu.memory_space<vmem_shared>>
          %dma_wait3A_66 = arith.constant 0 : i32
          %dma_wait3A_67 = tpu.memref_slice %arg11[%mul3A_51, %dma_wait3A_66] : memref<10008x128xf32, #tpu.memory_space<vmem_shared>> -> memref<80x128xf32, #tpu.memory_space<vmem_shared>>
          %dma_wait3A_68 = arith.constant 0 : i32
          %dma_wait3A_69 = arith.constant 0 : i32
          %dma_wait3A_70 = tpu.memref_slice %arg9[%dma_wait3A_68, %dma_wait3A_69] : memref<128x128xf32, #tpu.memory_space<vmem>> -> memref<80x128xf32, #tpu.memory_space<vmem>>
          tpu.wait_dma2 semaphore(%run_scoped3A : memref<!tpu.dma_semaphore, #tpu.memory_space<semaphore_mem>>) src(%dma_wait3A_70 : memref<80x128xf32, #tpu.memory_space<vmem>>) dst(%dma_wait3A_67 : memref<80x128xf32, #tpu.memory_space<vmem_shared>>)
          tpu.yield
        }) : () -> ()
      } else {
      }
    }
    %scan3A_6 = arith.constant 8 : i32
    %mul3A_7 = arith.constant 80 : i32
    %mul3A_8 = arith.muli %arg1, %mul3A_7 : i32
    "tpu.region"() ({
      %run_scoped3A = tpu.sem_alloc : memref<!tpu.dma_semaphore, #tpu.memory_space<semaphore_mem>>
      %dma_start3A_41 = arith.constant 0 : i32
      %dma_start3A_42 = tpu.memref_slice %arg3[%mul3A_8, %dma_start3A_41] : memref<1280x128xi32, #tpu.memory_space<hbm>> -> memref<80x128xi32, #tpu.memory_space<hbm>>
      %dma_start3A_43 = arith.constant 0 : i32
      %dma_start3A_44 = tpu.memref_slice %arg3[%mul3A_8, %dma_start3A_43] : memref<1280x128xi32, #tpu.memory_space<hbm>> -> memref<80x128xi32, #tpu.memory_space<hbm>>
      tpu.enqueue_dma source(%dma_start3A_44 : memref<80x128xi32, #tpu.memory_space<hbm>>) target(%arg7 : memref<80x128xi32, #tpu.memory_space<vmem>>) target_semaphore(%run_scoped3A : memref<!tpu.dma_semaphore, #tpu.memory_space<semaphore_mem>>)
      %dma_wait3A = arith.constant 0 : i32
      %dma_wait3A_45 = tpu.memref_slice %arg3[%mul3A_8, %dma_wait3A] : memref<1280x128xi32, #tpu.memory_space<hbm>> -> memref<80x128xi32, #tpu.memory_space<hbm>>
      %dma_wait3A_46 = arith.constant 0 : i32
      %dma_wait3A_47 = tpu.memref_slice %arg3[%mul3A_8, %dma_wait3A_46] : memref<1280x128xi32, #tpu.memory_space<hbm>> -> memref<80x128xi32, #tpu.memory_space<hbm>>
      tpu.wait_dma2 semaphore(%run_scoped3A : memref<!tpu.dma_semaphore, #tpu.memory_space<semaphore_mem>>) src(%dma_wait3A_47 : memref<80x128xi32, #tpu.memory_space<hbm>>) dst(%arg7 : memref<80x128xi32, #tpu.memory_space<vmem>>)
      tpu.yield
    }) : () -> ()
    %barrier3A = arith.constant 0 : index
    tpu.barrier barrier_id(%barrier3A)
    %dma_start3A = arith.constant 0 : i32
    %dma_start3A_9 = arith.constant 0 : i32
    %dma_start3A_10 = tpu.memref_slice %arg7[%dma_start3A, %dma_start3A_9] : memref<80x128xi32, #tpu.memory_space<vmem>> -> memref<1x128xi32, #tpu.memory_space<vmem>>
    %dma_start3A_11 = tpu.memref_squeeze %dma_start3A_10 : memref<1x128xi32, #tpu.memory_space<vmem>> -> memref<128xi32, #tpu.memory_space<vmem>>
    %dma_start3A_12 = arith.constant 0 : i32
    %dma_start3A_13 = arith.constant 0 : i32
    %dma_start3A_14 = tpu.memref_slice %arg2[%arg0, %dma_start3A_12, %dma_start3A_13] : memref<2x10000x128xf32, #tpu.memory_space<hbm>> -> memref<1x10000x128xf32, #tpu.memory_space<hbm>>
    %dma_start3A_15 = tpu.memref_squeeze %dma_start3A_14 : memref<1x10000x128xf32, #tpu.memory_space<hbm>> -> memref<10000x128xf32, #tpu.memory_space<hbm>>
    %dma_start3A_16 = arith.constant 0 : i32
    %dma_start3A_17 = arith.constant 0 : i32
    %dma_start3A_18 = tpu.memref_slice %dma_start3A_15[%dma_start3A_16, %dma_start3A_17] : memref<10000x128xf32, #tpu.memory_space<hbm>> -> memref<10000x128xf32, #tpu.memory_space<hbm>>
    tpu.enqueue_indirect_dma source(%dma_start3A_18 : memref<10000x128xf32, #tpu.memory_space<hbm>>) target(%arg9 : memref<128x128xf32, #tpu.memory_space<vmem>>) offsets(%dma_start3A_11 : memref<128xi32, #tpu.memory_space<vmem>>) semaphore(%arg12 : memref<!tpu.dma_semaphore, #tpu.memory_space<semaphore_mem>>)
    %dma_start3A_19 = arith.constant 1 : i32
    %dma_start3A_20 = arith.constant 0 : i32
    %dma_start3A_21 = tpu.memref_slice %arg7[%dma_start3A_19, %dma_start3A_20] : memref<80x128xi32, #tpu.memory_space<vmem>> -> memref<1x128xi32, #tpu.memory_space<vmem>>
    %dma_start3A_22 = tpu.memref_squeeze %dma_start3A_21 : memref<1x128xi32, #tpu.memory_space<vmem>> -> memref<128xi32, #tpu.memory_space<vmem>>
    %dma_start3A_23 = arith.constant 0 : i32
    %dma_start3A_24 = arith.constant 0 : i32
    %dma_start3A_25 = tpu.memref_slice %arg2[%arg0, %dma_start3A_23, %dma_start3A_24] : memref<2x10000x128xf32, #tpu.memory_space<hbm>> -> memref<1x10000x128xf32, #tpu.memory_space<hbm>>
    %dma_start3A_26 = tpu.memref_squeeze %dma_start3A_25 : memref<1x10000x128xf32, #tpu.memory_space<hbm>> -> memref<10000x128xf32, #tpu.memory_space<hbm>>
    %dma_start3A_27 = arith.constant 0 : i32
    %dma_start3A_28 = arith.constant 0 : i32
    %dma_start3A_29 = tpu.memref_slice %dma_start3A_26[%dma_start3A_27, %dma_start3A_28] : memref<10000x128xf32, #tpu.memory_space<hbm>> -> memref<10000x128xf32, #tpu.memory_space<hbm>>
    tpu.enqueue_indirect_dma source(%dma_start3A_29 : memref<10000x128xf32, #tpu.memory_space<hbm>>) target(%arg10 : memref<128x128xf32, #tpu.memory_space<vmem>>) offsets(%dma_start3A_22 : memref<128xi32, #tpu.memory_space<vmem>>) semaphore(%arg13 : memref<!tpu.dma_semaphore, #tpu.memory_space<semaphore_mem>>)
    %scan3A_30 = arith.constant 0 : i32
    %scan3A_31 = arith.constant 40 : i32
    %scan3A_32 = arith.addi %scan3A_30, %scan3A_31 : i32
    %scan3A_33 = arith.constant 1 : i32
    scf.for %scan3A_41 = %scan3A_30 to %scan3A_32 step %scan3A_33  : i32 {
      %mul3A_42 = arith.constant 1 : i32
      %mul3A_43 = arith.muli %scan3A_41, %mul3A_42 : i32
      %add3A = arith.constant 0 : i32
      %add3A_44 = arith.addi %add3A, %mul3A_43 : i32
      %mul3A_45 = arith.constant 2 : i32
      %mul3A_46 = arith.muli %mul3A_45, %add3A_44 : i32
      %add3A_47 = arith.constant 0 : i32
      %add3A_48 = arith.addi %mul3A_46, %add3A_47 : i32
      %mul3A_49 = arith.constant 128 : i32
      %mul3A_50 = arith.muli %add3A_48, %mul3A_49 : i32
      %add3A_51 = arith.addi %mul3A_2, %mul3A_50 : i32
      %run_scoped3A = arith.constant 0 : i32
      %run_scoped3A_52 = arith.constant 0 : i32
      "tpu.region"() ({
        %run_scoped3A_100 = tpu.sem_alloc : memref<!tpu.dma_semaphore, #tpu.memory_space<semaphore_mem>>
        %dma_start3A_101 = arith.constant 0 : i32
        %dma_start3A_102 = tpu.memref_slice %arg8[%run_scoped3A_52, %dma_start3A_101] : memref<2x128xi32, #tpu.memory_space<vmem>> -> memref<1x128xi32, #tpu.memory_space<vmem>>
        %dma_start3A_103 = tpu.memref_squeeze %dma_start3A_102 : memref<1x128xi32, #tpu.memory_space<vmem>> -> memref<128xi32, #tpu.memory_space<vmem>>
        %dma_start3A_104 = tpu.memref_slice %arg4[%run_scoped3A, %add3A_51] : memref<1x163840xi32, #tpu.memory_space<hbm>> -> memref<1x128xi32, #tpu.memory_space<hbm>>
        %dma_start3A_105 = tpu.memref_squeeze %dma_start3A_104 : memref<1x128xi32, #tpu.memory_space<hbm>> -> memref<128xi32, #tpu.memory_space<hbm>>
        %dma_start3A_106 = arith.constant 0 : i32
        %dma_start3A_107 = tpu.memref_slice %arg8[%run_scoped3A_52, %dma_start3A_106] : memref<2x128xi32, #tpu.memory_space<vmem>> -> memref<1x128xi32, #tpu.memory_space<vmem>>
        %dma_start3A_108 = tpu.memref_squeeze %dma_start3A_107 : memref<1x128xi32, #tpu.memory_space<vmem>> -> memref<128xi32, #tpu.memory_space<vmem>>
        %dma_start3A_109 = tpu.memref_slice %arg4[%run_scoped3A, %add3A_51] : memref<1x163840xi32, #tpu.memory_space<hbm>> -> memref<1x128xi32, #tpu.memory_space<hbm>>
        %dma_start3A_110 = tpu.memref_squeeze %dma_start3A_109 : memref<1x128xi32, #tpu.memory_space<hbm>> -> memref<128xi32, #tpu.memory_space<hbm>>
        tpu.enqueue_dma source(%dma_start3A_110 : memref<128xi32, #tpu.memory_space<hbm>>) target(%dma_start3A_108 : memref<128xi32, #tpu.memory_space<vmem>>) target_semaphore(%run_scoped3A_100 : memref<!tpu.dma_semaphore, #tpu.memory_space<semaphore_mem>>)
        %dma_wait3A_111 = arith.constant 0 : i32
        %dma_wait3A_112 = tpu.memref_slice %arg8[%run_scoped3A_52, %dma_wait3A_111] : memref<2x128xi32, #tpu.memory_space<vmem>> -> memref<1x128xi32, #tpu.memory_space<vmem>>
        %dma_wait3A_113 = tpu.memref_squeeze %dma_wait3A_112 : memref<1x128xi32, #tpu.memory_space<vmem>> -> memref<128xi32, #tpu.memory_space<vmem>>
        %dma_wait3A_114 = tpu.memref_slice %arg4[%run_scoped3A, %add3A_51] : memref<1x163840xi32, #tpu.memory_space<hbm>> -> memref<1x128xi32, #tpu.memory_space<hbm>>
        %dma_wait3A_115 = tpu.memref_squeeze %dma_wait3A_114 : memref<1x128xi32, #tpu.memory_space<hbm>> -> memref<128xi32, #tpu.memory_space<hbm>>
        %dma_wait3A_116 = arith.constant 0 : i32
        %dma_wait3A_117 = tpu.memref_slice %arg8[%run_scoped3A_52, %dma_wait3A_116] : memref<2x128xi32, #tpu.memory_space<vmem>> -> memref<1x128xi32, #tpu.memory_space<vmem>>
        %dma_wait3A_118 = tpu.memref_squeeze %dma_wait3A_117 : memref<1x128xi32, #tpu.memory_space<vmem>> -> memref<128xi32, #tpu.memory_space<vmem>>
        %dma_wait3A_119 = tpu.memref_slice %arg4[%run_scoped3A, %add3A_51] : memref<1x163840xi32, #tpu.memory_space<hbm>> -> memref<1x128xi32, #tpu.memory_space<hbm>>
        %dma_wait3A_120 = tpu.memref_squeeze %dma_wait3A_119 : memref<1x128xi32, #tpu.memory_space<hbm>> -> memref<128xi32, #tpu.memory_space<hbm>>
        tpu.wait_dma2 semaphore(%run_scoped3A_100 : memref<!tpu.dma_semaphore, #tpu.memory_space<semaphore_mem>>) src(%dma_wait3A_120 : memref<128xi32, #tpu.memory_space<hbm>>) dst(%dma_wait3A_118 : memref<128xi32, #tpu.memory_space<vmem>>)
        tpu.yield
      }) : () -> ()
      %add3A_53 = arith.constant 0 : i32
      %add3A_54 = arith.addi %mul3A_46, %add3A_53 : i32
      %dma_wait3A = arith.constant 0 : i32
      %dma_wait3A_55 = tpu.memref_slice %arg7[%add3A_54, %dma_wait3A] : memref<80x128xi32, #tpu.memory_space<vmem>> -> memref<1x128xi32, #tpu.memory_space<vmem>>
      %dma_wait3A_56 = tpu.memref_squeeze %dma_wait3A_55 : memref<1x128xi32, #tpu.memory_space<vmem>> -> memref<128xi32, #tpu.memory_space<vmem>>
      %dma_wait3A_57 = arith.constant 0 : i32
      %dma_wait3A_58 = arith.constant 0 : i32
      %dma_wait3A_59 = tpu.memref_slice %arg2[%arg0, %dma_wait3A_57, %dma_wait3A_58] : memref<2x10000x128xf32, #tpu.memory_space<hbm>> -> memref<1x10000x128xf32, #tpu.memory_space<hbm>>
      %dma_wait3A_60 = tpu.memref_squeeze %dma_wait3A_59 : memref<1x10000x128xf32, #tpu.memory_space<hbm>> -> memref<10000x128xf32, #tpu.memory_space<hbm>>
      %dma_wait3A_61 = arith.constant 0 : i32
      %dma_wait3A_62 = arith.constant 0 : i32
      %dma_wait3A_63 = tpu.memref_slice %dma_wait3A_60[%dma_wait3A_61, %dma_wait3A_62] : memref<10000x128xf32, #tpu.memory_space<hbm>> -> memref<10000x128xf32, #tpu.memory_space<hbm>>
      tpu.wait_indirect_dma semaphore(%arg12 : memref<!tpu.dma_semaphore, #tpu.memory_space<semaphore_mem>>) src(%dma_wait3A_63 : memref<10000x128xf32, #tpu.memory_space<hbm>>) dst(%arg9 : memref<128x128xf32, #tpu.memory_space<vmem>>)
      %run_scoped3A_64 = arith.constant 0 : i32
      "tpu.region"() ({
        %run_scoped3A_100 = tpu.sem_alloc : memref<!tpu.dma_semaphore, #tpu.memory_space<semaphore_mem>>
        %dma_start3A_101 = arith.constant 0 : i32
        %dma_start3A_102 = tpu.memref_slice %arg8[%run_scoped3A_64, %dma_start3A_101] : memref<2x128xi32, #tpu.memory_space<vmem>> -> memref<1x128xi32, #tpu.memory_space<vmem>>
        %dma_start3A_103 = tpu.memref_squeeze %dma_start3A_102 : memref<1x128xi32, #tpu.memory_space<vmem>> -> memref<128xi32, #tpu.memory_space<vmem>>
        %dma_start3A_104 = arith.constant 0 : i32
        %dma_start3A_105 = arith.constant 0 : i32
        %dma_start3A_106 = tpu.memref_slice %arg11[%dma_start3A_104, %dma_start3A_105] : memref<10008x128xf32, #tpu.memory_space<vmem_shared>> -> memref<10008x128xf32, #tpu.memory_space<vmem_shared>>
        tpu.enqueue_indirect_dma source(%arg9 : memref<128x128xf32, #tpu.memory_space<vmem>>) target(%dma_start3A_106 : memref<10008x128xf32, #tpu.memory_space<vmem_shared>>) offsets(%dma_start3A_103 : memref<128xi32, #tpu.memory_space<vmem>>) semaphore(%run_scoped3A_100 : memref<!tpu.dma_semaphore, #tpu.memory_space<semaphore_mem>>) {add = true}
        %dma_wait3A_107 = arith.constant 0 : i32
        %dma_wait3A_108 = tpu.memref_slice %arg8[%run_scoped3A_64, %dma_wait3A_107] : memref<2x128xi32, #tpu.memory_space<vmem>> -> memref<1x128xi32, #tpu.memory_space<vmem>>
        %dma_wait3A_109 = tpu.memref_squeeze %dma_wait3A_108 : memref<1x128xi32, #tpu.memory_space<vmem>> -> memref<128xi32, #tpu.memory_space<vmem>>
        %dma_wait3A_110 = arith.constant 0 : i32
        %dma_wait3A_111 = arith.constant 0 : i32
        %dma_wait3A_112 = tpu.memref_slice %arg11[%dma_wait3A_110, %dma_wait3A_111] : memref<10008x128xf32, #tpu.memory_space<vmem_shared>> -> memref<10008x128xf32, #tpu.memory_space<vmem_shared>>
        tpu.wait_indirect_dma semaphore(%run_scoped3A_100 : memref<!tpu.dma_semaphore, #tpu.memory_space<semaphore_mem>>) src(%arg9 : memref<128x128xf32, #tpu.memory_space<vmem>>) dst(%dma_wait3A_112 : memref<10008x128xf32, #tpu.memory_space<vmem_shared>>)
        tpu.yield
      }) : () -> ()
      %add3A_65 = arith.constant 0 : i32
      %add3A_66 = arith.addi %mul3A_46, %add3A_65 : i32
      %add3A_67 = arith.constant 2 : i32
      %add3A_68 = arith.addi %add3A_66, %add3A_67 : i32
      %lt3A = arith.constant 80 : i32
      %lt3A_69 = arith.cmpi slt, %add3A_68, %lt3A : i32
      %convert_element_type3A = arith.extui %lt3A_69 : i1 to i32
      %cond3A = arith.constant 0 : i32
      %cond3A_70 = arith.cmpi ne, %convert_element_type3A, %cond3A : i32
      scf.if %cond3A_70 {
        %add3A_100 = arith.constant 0 : i32
        %add3A_101 = arith.addi %mul3A_46, %add3A_100 : i32
        %add3A_102 = arith.constant 2 : i32
        %add3A_103 = arith.addi %add3A_101, %add3A_102 : i32
        %dma_start3A_104 = arith.constant 0 : i32
        %dma_start3A_105 = tpu.memref_slice %arg7[%add3A_103, %dma_start3A_104] : memref<80x128xi32, #tpu.memory_space<vmem>> -> memref<1x128xi32, #tpu.memory_space<vmem>>
        %dma_start3A_106 = tpu.memref_squeeze %dma_start3A_105 : memref<1x128xi32, #tpu.memory_space<vmem>> -> memref<128xi32, #tpu.memory_space<vmem>>
        %dma_start3A_107 = arith.constant 0 : i32
        %dma_start3A_108 = arith.constant 0 : i32
        %dma_start3A_109 = tpu.memref_slice %arg2[%arg0, %dma_start3A_107, %dma_start3A_108] : memref<2x10000x128xf32, #tpu.memory_space<hbm>> -> memref<1x10000x128xf32, #tpu.memory_space<hbm>>
        %dma_start3A_110 = tpu.memref_squeeze %dma_start3A_109 : memref<1x10000x128xf32, #tpu.memory_space<hbm>> -> memref<10000x128xf32, #tpu.memory_space<hbm>>
        %dma_start3A_111 = arith.constant 0 : i32
        %dma_start3A_112 = arith.constant 0 : i32
        %dma_start3A_113 = tpu.memref_slice %dma_start3A_110[%dma_start3A_111, %dma_start3A_112] : memref<10000x128xf32, #tpu.memory_space<hbm>> -> memref<10000x128xf32, #tpu.memory_space<hbm>>
        tpu.enqueue_indirect_dma source(%dma_start3A_113 : memref<10000x128xf32, #tpu.memory_space<hbm>>) target(%arg9 : memref<128x128xf32, #tpu.memory_space<vmem>>) offsets(%dma_start3A_106 : memref<128xi32, #tpu.memory_space<vmem>>) semaphore(%arg12 : memref<!tpu.dma_semaphore, #tpu.memory_space<semaphore_mem>>)
      } else {
      }
      %add3A_71 = arith.constant 1 : i32
      %add3A_72 = arith.addi %mul3A_46, %add3A_71 : i32
      %mul3A_73 = arith.constant 128 : i32
      %mul3A_74 = arith.muli %add3A_72, %mul3A_73 : i32
      %add3A_75 = arith.addi %mul3A_2, %mul3A_74 : i32
      %run_scoped3A_76 = arith.constant 0 : i32
      %run_scoped3A_77 = arith.constant 1 : i32
      "tpu.region"() ({
        %run_scoped3A_100 = tpu.sem_alloc : memref<!tpu.dma_semaphore, #tpu.memory_space<semaphore_mem>>
        %dma_start3A_101 = arith.constant 0 : i32
        %dma_start3A_102 = tpu.memref_slice %arg8[%run_scoped3A_77, %dma_start3A_101] : memref<2x128xi32, #tpu.memory_space<vmem>> -> memref<1x128xi32, #tpu.memory_space<vmem>>
        %dma_start3A_103 = tpu.memref_squeeze %dma_start3A_102 : memref<1x128xi32, #tpu.memory_space<vmem>> -> memref<128xi32, #tpu.memory_space<vmem>>
        %dma_start3A_104 = tpu.memref_slice %arg4[%run_scoped3A_76, %add3A_75] : memref<1x163840xi32, #tpu.memory_space<hbm>> -> memref<1x128xi32, #tpu.memory_space<hbm>>
        %dma_start3A_105 = tpu.memref_squeeze %dma_start3A_104 : memref<1x128xi32, #tpu.memory_space<hbm>> -> memref<128xi32, #tpu.memory_space<hbm>>
        %dma_start3A_106 = arith.constant 0 : i32
        %dma_start3A_107 = tpu.memref_slice %arg8[%run_scoped3A_77, %dma_start3A_106] : memref<2x128xi32, #tpu.memory_space<vmem>> -> memref<1x128xi32, #tpu.memory_space<vmem>>
        %dma_start3A_108 = tpu.memref_squeeze %dma_start3A_107 : memref<1x128xi32, #tpu.memory_space<vmem>> -> memref<128xi32, #tpu.memory_space<vmem>>
        %dma_start3A_109 = tpu.memref_slice %arg4[%run_scoped3A_76, %add3A_75] : memref<1x163840xi32, #tpu.memory_space<hbm>> -> memref<1x128xi32, #tpu.memory_space<hbm>>
        %dma_start3A_110 = tpu.memref_squeeze %dma_start3A_109 : memref<1x128xi32, #tpu.memory_space<hbm>> -> memref<128xi32, #tpu.memory_space<hbm>>
        tpu.enqueue_dma source(%dma_start3A_110 : memref<128xi32, #tpu.memory_space<hbm>>) target(%dma_start3A_108 : memref<128xi32, #tpu.memory_space<vmem>>) target_semaphore(%run_scoped3A_100 : memref<!tpu.dma_semaphore, #tpu.memory_space<semaphore_mem>>)
        %dma_wait3A_111 = arith.constant 0 : i32
        %dma_wait3A_112 = tpu.memref_slice %arg8[%run_scoped3A_77, %dma_wait3A_111] : memref<2x128xi32, #tpu.memory_space<vmem>> -> memref<1x128xi32, #tpu.memory_space<vmem>>
        %dma_wait3A_113 = tpu.memref_squeeze %dma_wait3A_112 : memref<1x128xi32, #tpu.memory_space<vmem>> -> memref<128xi32, #tpu.memory_space<vmem>>
        %dma_wait3A_114 = tpu.memref_slice %arg4[%run_scoped3A_76, %add3A_75] : memref<1x163840xi32, #tpu.memory_space<hbm>> -> memref<1x128xi32, #tpu.memory_space<hbm>>
        %dma_wait3A_115 = tpu.memref_squeeze %dma_wait3A_114 : memref<1x128xi32, #tpu.memory_space<hbm>> -> memref<128xi32, #tpu.memory_space<hbm>>
        %dma_wait3A_116 = arith.constant 0 : i32
        %dma_wait3A_117 = tpu.memref_slice %arg8[%run_scoped3A_77, %dma_wait3A_116] : memref<2x128xi32, #tpu.memory_space<vmem>> -> memref<1x128xi32, #tpu.memory_space<vmem>>
        %dma_wait3A_118 = tpu.memref_squeeze %dma_wait3A_117 : memref<1x128xi32, #tpu.memory_space<vmem>> -> memref<128xi32, #tpu.memory_space<vmem>>
        %dma_wait3A_119 = tpu.memref_slice %arg4[%run_scoped3A_76, %add3A_75] : memref<1x163840xi32, #tpu.memory_space<hbm>> -> memref<1x128xi32, #tpu.memory_space<hbm>>
        %dma_wait3A_120 = tpu.memref_squeeze %dma_wait3A_119 : memref<1x128xi32, #tpu.memory_space<hbm>> -> memref<128xi32, #tpu.memory_space<hbm>>
        tpu.wait_dma2 semaphore(%run_scoped3A_100 : memref<!tpu.dma_semaphore, #tpu.memory_space<semaphore_mem>>) src(%dma_wait3A_120 : memref<128xi32, #tpu.memory_space<hbm>>) dst(%dma_wait3A_118 : memref<128xi32, #tpu.memory_space<vmem>>)
        tpu.yield
      }) : () -> ()
      %add3A_78 = arith.constant 1 : i32
      %add3A_79 = arith.addi %mul3A_46, %add3A_78 : i32
      %dma_wait3A_80 = arith.constant 0 : i32
      %dma_wait3A_81 = tpu.memref_slice %arg7[%add3A_79, %dma_wait3A_80] : memref<80x128xi32, #tpu.memory_space<vmem>> -> memref<1x128xi32, #tpu.memory_space<vmem>>
      %dma_wait3A_82 = tpu.memref_squeeze %dma_wait3A_81 : memref<1x128xi32, #tpu.memory_space<vmem>> -> memref<128xi32, #tpu.memory_space<vmem>>
      %dma_wait3A_83 = arith.constant 0 : i32
      %dma_wait3A_84 = arith.constant 0 : i32
      %dma_wait3A_85 = tpu.memref_slice %arg2[%arg0, %dma_wait3A_83, %dma_wait3A_84] : memref<2x10000x128xf32, #tpu.memory_space<hbm>> -> memref<1x10000x128xf32, #tpu.memory_space<hbm>>
      %dma_wait3A_86 = tpu.memref_squeeze %dma_wait3A_85 : memref<1x10000x128xf32, #tpu.memory_space<hbm>> -> memref<10000x128xf32, #tpu.memory_space<hbm>>
      %dma_wait3A_87 = arith.constant 0 : i32
      %dma_wait3A_88 = arith.constant 0 : i32
      %dma_wait3A_89 = tpu.memref_slice %dma_wait3A_86[%dma_wait3A_87, %dma_wait3A_88] : memref<10000x128xf32, #tpu.memory_space<hbm>> -> memref<10000x128xf32, #tpu.memory_space<hbm>>
      tpu.wait_indirect_dma semaphore(%arg13 : memref<!tpu.dma_semaphore, #tpu.memory_space<semaphore_mem>>) src(%dma_wait3A_89 : memref<10000x128xf32, #tpu.memory_space<hbm>>) dst(%arg10 : memref<128x128xf32, #tpu.memory_space<vmem>>)
      %run_scoped3A_90 = arith.constant 1 : i32
      "tpu.region"() ({
        %run_scoped3A_100 = tpu.sem_alloc : memref<!tpu.dma_semaphore, #tpu.memory_space<semaphore_mem>>
        %dma_start3A_101 = arith.constant 0 : i32
        %dma_start3A_102 = tpu.memref_slice %arg8[%run_scoped3A_90, %dma_start3A_101] : memref<2x128xi32, #tpu.memory_space<vmem>> -> memref<1x128xi32, #tpu.memory_space<vmem>>
        %dma_start3A_103 = tpu.memref_squeeze %dma_start3A_102 : memref<1x128xi32, #tpu.memory_space<vmem>> -> memref<128xi32, #tpu.memory_space<vmem>>
        %dma_start3A_104 = arith.constant 0 : i32
        %dma_start3A_105 = arith.constant 0 : i32
        %dma_start3A_106 = tpu.memref_slice %arg11[%dma_start3A_104, %dma_start3A_105] : memref<10008x128xf32, #tpu.memory_space<vmem_shared>> -> memref<10008x128xf32, #tpu.memory_space<vmem_shared>>
        tpu.enqueue_indirect_dma source(%arg10 : memref<128x128xf32, #tpu.memory_space<vmem>>) target(%dma_start3A_106 : memref<10008x128xf32, #tpu.memory_space<vmem_shared>>) offsets(%dma_start3A_103 : memref<128xi32, #tpu.memory_space<vmem>>) semaphore(%run_scoped3A_100 : memref<!tpu.dma_semaphore, #tpu.memory_space<semaphore_mem>>) {add = true}
        %dma_wait3A_107 = arith.constant 0 : i32
        %dma_wait3A_108 = tpu.memref_slice %arg8[%run_scoped3A_90, %dma_wait3A_107] : memref<2x128xi32, #tpu.memory_space<vmem>> -> memref<1x128xi32, #tpu.memory_space<vmem>>
        %dma_wait3A_109 = tpu.memref_squeeze %dma_wait3A_108 : memref<1x128xi32, #tpu.memory_space<vmem>> -> memref<128xi32, #tpu.memory_space<vmem>>
        %dma_wait3A_110 = arith.constant 0 : i32
        %dma_wait3A_111 = arith.constant 0 : i32
        %dma_wait3A_112 = tpu.memref_slice %arg11[%dma_wait3A_110, %dma_wait3A_111] : memref<10008x128xf32, #tpu.memory_space<vmem_shared>> -> memref<10008x128xf32, #tpu.memory_space<vmem_shared>>
        tpu.wait_indirect_dma semaphore(%run_scoped3A_100 : memref<!tpu.dma_semaphore, #tpu.memory_space<semaphore_mem>>) src(%arg10 : memref<128x128xf32, #tpu.memory_space<vmem>>) dst(%dma_wait3A_112 : memref<10008x128xf32, #tpu.memory_space<vmem_shared>>)
        tpu.yield
      }) : () -> ()
      %add3A_91 = arith.constant 1 : i32
      %add3A_92 = arith.addi %mul3A_46, %add3A_91 : i32
      %add3A_93 = arith.constant 2 : i32
      %add3A_94 = arith.addi %add3A_92, %add3A_93 : i32
      %lt3A_95 = arith.constant 80 : i32
      %lt3A_96 = arith.cmpi slt, %add3A_94, %lt3A_95 : i32
      %convert_element_type3A_97 = arith.extui %lt3A_96 : i1 to i32
      %cond3A_98 = arith.constant 0 : i32
      %cond3A_99 = arith.cmpi ne, %convert_element_type3A_97, %cond3A_98 : i32
      scf.if %cond3A_99 {
        %add3A_100 = arith.constant 1 : i32
        %add3A_101 = arith.addi %mul3A_46, %add3A_100 : i32
        %add3A_102 = arith.constant 2 : i32
        %add3A_103 = arith.addi %add3A_101, %add3A_102 : i32
        %dma_start3A_104 = arith.constant 0 : i32
        %dma_start3A_105 = tpu.memref_slice %arg7[%add3A_103, %dma_start3A_104] : memref<80x128xi32, #tpu.memory_space<vmem>> -> memref<1x128xi32, #tpu.memory_space<vmem>>
        %dma_start3A_106 = tpu.memref_squeeze %dma_start3A_105 : memref<1x128xi32, #tpu.memory_space<vmem>> -> memref<128xi32, #tpu.memory_space<vmem>>
        %dma_start3A_107 = arith.constant 0 : i32
        %dma_start3A_108 = arith.constant 0 : i32
        %dma_start3A_109 = tpu.memref_slice %arg2[%arg0, %dma_start3A_107, %dma_start3A_108] : memref<2x10000x128xf32, #tpu.memory_space<hbm>> -> memref<1x10000x128xf32, #tpu.memory_space<hbm>>
        %dma_start3A_110 = tpu.memref_squeeze %dma_start3A_109 : memref<1x10000x128xf32, #tpu.memory_space<hbm>> -> memref<10000x128xf32, #tpu.memory_space<hbm>>
        %dma_start3A_111 = arith.constant 0 : i32
        %dma_start3A_112 = arith.constant 0 : i32
        %dma_start3A_113 = tpu.memref_slice %dma_start3A_110[%dma_start3A_111, %dma_start3A_112] : memref<10000x128xf32, #tpu.memory_space<hbm>> -> memref<10000x128xf32, #tpu.memory_space<hbm>>
        tpu.enqueue_indirect_dma source(%dma_start3A_113 : memref<10000x128xf32, #tpu.memory_space<hbm>>) target(%arg10 : memref<128x128xf32, #tpu.memory_space<vmem>>) offsets(%dma_start3A_106 : memref<128xi32, #tpu.memory_space<vmem>>) semaphore(%arg13 : memref<!tpu.dma_semaphore, #tpu.memory_space<semaphore_mem>>)
      } else {
      }
    }
    %scan3A_34 = arith.constant 40 : i32
    %barrier3A_35 = arith.constant 0 : index
    tpu.barrier barrier_id(%barrier3A_35)
    %scan3A_36 = arith.constant 0 : i32
    %scan3A_37 = arith.constant 8 : i32
    %scan3A_38 = arith.addi %scan3A_36, %scan3A_37 : i32
    %scan3A_39 = arith.constant 1 : i32
    scf.for %scan3A_41 = %scan3A_36 to %scan3A_38 step %scan3A_39  : i32 {
      %mul3A_42 = arith.constant 1 : i32
      %mul3A_43 = arith.muli %scan3A_41, %mul3A_42 : i32
      %add3A = arith.constant 0 : i32
      %add3A_44 = arith.addi %add3A, %mul3A_43 : i32
      %mul3A_45 = arith.constant 16 : i32
      %mul3A_46 = arith.muli %add3A_44, %mul3A_45 : i32
      %add3A_47 = arith.addi %mul3A_46, %arg1 : i32
      %lt3A = arith.constant 125 : i32
      %lt3A_48 = arith.cmpi slt, %add3A_47, %lt3A : i32
      %convert_element_type3A = arith.extui %lt3A_48 : i1 to i32
      %cond3A = arith.constant 0 : i32
      %cond3A_49 = arith.cmpi ne, %convert_element_type3A, %cond3A : i32
      scf.if %cond3A_49 {
        %mul3A_50 = arith.constant 80 : i32
        %mul3A_51 = arith.muli %add3A_47, %mul3A_50 : i32
        %mul3A_52 = arith.constant 80 : i32
        %mul3A_53 = arith.muli %add3A_47, %mul3A_52 : i32
        "tpu.region"() ({
          %run_scoped3A = tpu.sem_alloc : memref<!tpu.dma_semaphore, #tpu.memory_space<semaphore_mem>>
          %dma_start3A_54 = arith.constant 0 : i32
          %dma_start3A_55 = arith.constant 0 : i32
          %dma_start3A_56 = tpu.memref_slice %arg6[%arg0, %dma_start3A_54, %dma_start3A_55] : memref<2x10000x128xf32, #tpu.memory_space<hbm>> -> memref<1x10000x128xf32, #tpu.memory_space<hbm>>
          %dma_start3A_57 = tpu.memref_squeeze %dma_start3A_56 : memref<1x10000x128xf32, #tpu.memory_space<hbm>> -> memref<10000x128xf32, #tpu.memory_space<hbm>>
          %dma_start3A_58 = arith.constant 0 : i32
          %dma_start3A_59 = tpu.memref_slice %dma_start3A_57[%mul3A_53, %dma_start3A_58] : memref<10000x128xf32, #tpu.memory_space<hbm>> -> memref<80x128xf32, #tpu.memory_space<hbm>>
          %dma_start3A_60 = arith.constant 0 : i32
          %dma_start3A_61 = tpu.memref_slice %arg11[%mul3A_51, %dma_start3A_60] : memref<10008x128xf32, #tpu.memory_space<vmem_shared>> -> memref<80x128xf32, #tpu.memory_space<vmem_shared>>
          tpu.enqueue_dma source(%dma_start3A_61 : memref<80x128xf32, #tpu.memory_space<vmem_shared>>) target(%dma_start3A_59 : memref<80x128xf32, #tpu.memory_space<hbm>>) target_semaphore(%run_scoped3A : memref<!tpu.dma_semaphore, #tpu.memory_space<semaphore_mem>>)
          %dma_wait3A = arith.constant 0 : i32
          %dma_wait3A_62 = arith.constant 0 : i32
          %dma_wait3A_63 = tpu.memref_slice %arg6[%arg0, %dma_wait3A, %dma_wait3A_62] : memref<2x10000x128xf32, #tpu.memory_space<hbm>> -> memref<1x10000x128xf32, #tpu.memory_space<hbm>>
          %dma_wait3A_64 = tpu.memref_squeeze %dma_wait3A_63 : memref<1x10000x128xf32, #tpu.memory_space<hbm>> -> memref<10000x128xf32, #tpu.memory_space<hbm>>
          %dma_wait3A_65 = arith.constant 0 : i32
          %dma_wait3A_66 = tpu.memref_slice %dma_wait3A_64[%mul3A_53, %dma_wait3A_65] : memref<10000x128xf32, #tpu.memory_space<hbm>> -> memref<80x128xf32, #tpu.memory_space<hbm>>
          %dma_wait3A_67 = arith.constant 0 : i32
          %dma_wait3A_68 = tpu.memref_slice %arg11[%mul3A_51, %dma_wait3A_67] : memref<10008x128xf32, #tpu.memory_space<vmem_shared>> -> memref<80x128xf32, #tpu.memory_space<vmem_shared>>
          tpu.wait_dma2 semaphore(%run_scoped3A : memref<!tpu.dma_semaphore, #tpu.memory_space<semaphore_mem>>) src(%dma_wait3A_68 : memref<80x128xf32, #tpu.memory_space<vmem_shared>>) dst(%dma_wait3A_66 : memref<80x128xf32, #tpu.memory_space<hbm>>)
          tpu.yield
        }) : () -> ()
      } else {
      }
    }
    %scan3A_40 = arith.constant 8 : i32
    return
  }
}

#map = affine_map<(d0, d1) -> (0, 0, 0)>
#map1 = affine_map<(d0, d1) -> (0, 0)>
module attributes {stable_mosaic.version = 14 : i64} {
  func.func @k(%arg0: i32, %arg1: i32, %arg2: memref<2x10000x128xf32, #tpu.memory_space<hbm>>, %arg3: memref<1280x128xi32, #tpu.memory_space<hbm>>, %arg4: memref<1x163840xi32, #tpu.memory_space<hbm>>, %arg5: memref<80x128xf32, #tpu.memory_space<hbm>>, %arg6: memref<2x10000x128xf32, #tpu.memory_space<hbm>>, %arg7: memref<80x128xi32, #tpu.memory_space<vmem>>, %arg8: memref<2x128xi32, #tpu.memory_space<vmem>>, %arg9: memref<128x128xf32, #tpu.memory_space<vmem>>, %arg10: memref<128x128xf32, #tpu.memory_space<vmem>>, %arg11: memref<10008x128xf32, #tpu.memory_space<vmem_shared>>, %arg12: memref<!tpu.dma_semaphore, #tpu.memory_space<semaphore_mem>>, %arg13: memref<!tpu.dma_semaphore, #tpu.memory_space<semaphore_mem>>) attributes {dimension_semantics = [#tpu.dimension_semantics<core_parallel>, #tpu.dimension_semantics<subcore_parallel>], iteration_bounds = array<i64: 2, 16>, scalar_prefetch = 0 : i64, scratch_operands = 7 : i64, tpu.core_type = #tpu.core_type<sc_vector_subcore>, window_params = [{transform_indices = #map}, {transform_indices = #map1}, {transform_indices = #map1}, {transform_indices = #map1}, {transform_indices = #map}]} {
    %mul3A = arith.constant 80 : i32
    %mul3A_0 = arith.muli %arg1, %mul3A : i32
    %mul3A_1 = arith.constant 128 : i32
    %mul3A_2 = arith.muli %mul3A_0, %mul3A_1 : i32
    "tpu.region"() ({
      %run_scoped3A = tpu.sem_alloc : memref<!tpu.dma_semaphore, #tpu.memory_space<semaphore_mem>>
      %dma_start3A_41 = arith.constant 0 : i32
      %dma_start3A_42 = arith.constant 0 : i32
      %dma_start3A_43 = tpu.memref_slice %arg9[%dma_start3A_41, %dma_start3A_42] : memref<128x128xf32, #tpu.memory_space<vmem>> -> memref<80x128xf32, #tpu.memory_space<vmem>>
      %dma_start3A_44 = arith.constant 0 : i32
      %dma_start3A_45 = arith.constant 0 : i32
      %dma_start3A_46 = tpu.memref_slice %arg9[%dma_start3A_44, %dma_start3A_45] : memref<128x128xf32, #tpu.memory_space<vmem>> -> memref<80x128xf32, #tpu.memory_space<vmem>>
      tpu.enqueue_dma source(%arg5 : memref<80x128xf32, #tpu.memory_space<hbm>>) target(%dma_start3A_46 : memref<80x128xf32, #tpu.memory_space<vmem>>) target_semaphore(%run_scoped3A : memref<!tpu.dma_semaphore, #tpu.memory_space<semaphore_mem>>)
      %dma_wait3A = arith.constant 0 : i32
      %dma_wait3A_47 = arith.constant 0 : i32
      %dma_wait3A_48 = tpu.memref_slice %arg9[%dma_wait3A, %dma_wait3A_47] : memref<128x128xf32, #tpu.memory_space<vmem>> -> memref<80x128xf32, #tpu.memory_space<vmem>>
      %dma_wait3A_49 = arith.constant 0 : i32
      %dma_wait3A_50 = arith.constant 0 : i32
      %dma_wait3A_51 = tpu.memref_slice %arg9[%dma_wait3A_49, %dma_wait3A_50] : memref<128x128xf32, #tpu.memory_space<vmem>> -> memref<80x128xf32, #tpu.memory_space<vmem>>
      tpu.wait_dma2 semaphore(%run_scoped3A : memref<!tpu.dma_semaphore, #tpu.memory_space<semaphore_mem>>) src(%arg5 : memref<80x128xf32, #tpu.memory_space<hbm>>) dst(%dma_wait3A_51 : memref<80x128xf32, #tpu.memory_space<vmem>>)
      tpu.yield
    }) : () -> ()
    %scan3A = arith.constant 0 : i32
    %scan3A_3 = arith.constant 8 : i32
    %scan3A_4 = arith.addi %scan3A, %scan3A_3 : i32
    %scan3A_5 = arith.constant 1 : i32
    scf.for %scan3A_41 = %scan3A to %scan3A_4 step %scan3A_5  : i32 {
      %mul3A_42 = arith.constant 1 : i32
      %mul3A_43 = arith.muli %scan3A_41, %mul3A_42 : i32
      %add3A = arith.constant 0 : i32
      %add3A_44 = arith.addi %add3A, %mul3A_43 : i32
      %mul3A_45 = arith.constant 16 : i32
      %mul3A_46 = arith.muli %add3A_44, %mul3A_45 : i32
      %add3A_47 = arith.addi %mul3A_46, %arg1 : i32
      %lt3A = arith.constant 125 : i32
      %lt3A_48 = arith.cmpi slt, %add3A_47, %lt3A : i32
      %convert_element_type3A = arith.extui %lt3A_48 : i1 to i32
      %cond3A = arith.constant 0 : i32
      %cond3A_49 = arith.cmpi ne, %convert_element_type3A, %cond3A : i32
      scf.if %cond3A_49 {
        %mul3A_50 = arith.constant 80 : i32
        %mul3A_51 = arith.muli %add3A_47, %mul3A_50 : i32
        "tpu.region"() ({
          %run_scoped3A = tpu.sem_alloc : memref<!tpu.dma_semaphore, #tpu.memory_space<semaphore_mem>>
          %dma_start3A_52 = arith.constant 0 : i32
          %dma_start3A_53 = arith.constant 0 : i32
          %dma_start3A_54 = tpu.memref_slice %arg9[%dma_start3A_52, %dma_start3A_53] : memref<128x128xf32, #tpu.memory_space<vmem>> -> memref<80x128xf32, #tpu.memory_space<vmem>>
          %dma_start3A_55 = arith.constant 0 : i32
          %dma_start3A_56 = tpu.memref_slice %arg11[%mul3A_51, %dma_start3A_55] : memref<10008x128xf32, #tpu.memory_space<vmem_shared>> -> memref<80x128xf32, #tpu.memory_space<vmem_shared>>
          %dma_start3A_57 = arith.constant 0 : i32
          %dma_start3A_58 = tpu.memref_slice %arg11[%mul3A_51, %dma_start3A_57] : memref<10008x128xf32, #tpu.memory_space<vmem_shared>> -> memref<80x128xf32, #tpu.memory_space<vmem_shared>>
          %dma_start3A_59 = arith.constant 0 : i32
          %dma_start3A_60 = arith.constant 0 : i32
          %dma_start3A_61 = tpu.memref_slice %arg9[%dma_start3A_59, %dma_start3A_60] : memref<128x128xf32, #tpu.memory_space<vmem>> -> memref<80x128xf32, #tpu.memory_space<vmem>>
          tpu.enqueue_dma source(%dma_start3A_61 : memref<80x128xf32, #tpu.memory_space<vmem>>) target(%dma_start3A_58 : memref<80x128xf32, #tpu.memory_space<vmem_shared>>) target_semaphore(%run_scoped3A : memref<!tpu.dma_semaphore, #tpu.memory_space<semaphore_mem>>)
          %dma_wait3A = arith.constant 0 : i32
          %dma_wait3A_62 = arith.constant 0 : i32
          %dma_wait3A_63 = tpu.memref_slice %arg9[%dma_wait3A, %dma_wait3A_62] : memref<128x128xf32, #tpu.memory_space<vmem>> -> memref<80x128xf32, #tpu.memory_space<vmem>>
          %dma_wait3A_64 = arith.constant 0 : i32
          %dma_wait3A_65 = tpu.memref_slice %arg11[%mul3A_51, %dma_wait3A_64] : memref<10008x128xf32, #tpu.memory_space<vmem_shared>> -> memref<80x128xf32, #tpu.memory_space<vmem_shared>>
          %dma_wait3A_66 = arith.constant 0 : i32
          %dma_wait3A_67 = tpu.memref_slice %arg11[%mul3A_51, %dma_wait3A_66] : memref<10008x128xf32, #tpu.memory_space<vmem_shared>> -> memref<80x128xf32, #tpu.memory_space<vmem_shared>>
          %dma_wait3A_68 = arith.constant 0 : i32
          %dma_wait3A_69 = arith.constant 0 : i32
          %dma_wait3A_70 = tpu.memref_slice %arg9[%dma_wait3A_68, %dma_wait3A_69] : memref<128x128xf32, #tpu.memory_space<vmem>> -> memref<80x128xf32, #tpu.memory_space<vmem>>
          tpu.wait_dma2 semaphore(%run_scoped3A : memref<!tpu.dma_semaphore, #tpu.memory_space<semaphore_mem>>) src(%dma_wait3A_70 : memref<80x128xf32, #tpu.memory_space<vmem>>) dst(%dma_wait3A_67 : memref<80x128xf32, #tpu.memory_space<vmem_shared>>)
          tpu.yield
        }) : () -> ()
      } else {
      }
    }
    %scan3A_6 = arith.constant 8 : i32
    %mul3A_7 = arith.constant 80 : i32
    %mul3A_8 = arith.muli %arg1, %mul3A_7 : i32
    "tpu.region"() ({
      %run_scoped3A = tpu.sem_alloc : memref<!tpu.dma_semaphore, #tpu.memory_space<semaphore_mem>>
      %dma_start3A_41 = arith.constant 0 : i32
      %dma_start3A_42 = tpu.memref_slice %arg3[%mul3A_8, %dma_start3A_41] : memref<1280x128xi32, #tpu.memory_space<hbm>> -> memref<80x128xi32, #tpu.memory_space<hbm>>
      %dma_start3A_43 = arith.constant 0 : i32
      %dma_start3A_44 = tpu.memref_slice %arg3[%mul3A_8, %dma_start3A_43] : memref<1280x128xi32, #tpu.memory_space<hbm>> -> memref<80x128xi32, #tpu.memory_space<hbm>>
      tpu.enqueue_dma source(%dma_start3A_44 : memref<80x128xi32, #tpu.memory_space<hbm>>) target(%arg7 : memref<80x128xi32, #tpu.memory_space<vmem>>) target_semaphore(%run_scoped3A : memref<!tpu.dma_semaphore, #tpu.memory_space<semaphore_mem>>)
      %dma_wait3A = arith.constant 0 : i32
      %dma_wait3A_45 = tpu.memref_slice %arg3[%mul3A_8, %dma_wait3A] : memref<1280x128xi32, #tpu.memory_space<hbm>> -> memref<80x128xi32, #tpu.memory_space<hbm>>
      %dma_wait3A_46 = arith.constant 0 : i32
      %dma_wait3A_47 = tpu.memref_slice %arg3[%mul3A_8, %dma_wait3A_46] : memref<1280x128xi32, #tpu.memory_space<hbm>> -> memref<80x128xi32, #tpu.memory_space<hbm>>
      tpu.wait_dma2 semaphore(%run_scoped3A : memref<!tpu.dma_semaphore, #tpu.memory_space<semaphore_mem>>) src(%dma_wait3A_47 : memref<80x128xi32, #tpu.memory_space<hbm>>) dst(%arg7 : memref<80x128xi32, #tpu.memory_space<vmem>>)
      tpu.yield
    }) : () -> ()
    %barrier3A = arith.constant 0 : index
    tpu.barrier barrier_id(%barrier3A)
    %dma_start3A = arith.constant 0 : i32
    %dma_start3A_9 = arith.constant 0 : i32
    %dma_start3A_10 = tpu.memref_slice %arg7[%dma_start3A, %dma_start3A_9] : memref<80x128xi32, #tpu.memory_space<vmem>> -> memref<1x128xi32, #tpu.memory_space<vmem>>
    %dma_start3A_11 = tpu.memref_squeeze %dma_start3A_10 : memref<1x128xi32, #tpu.memory_space<vmem>> -> memref<128xi32, #tpu.memory_space<vmem>>
    %dma_start3A_12 = arith.constant 0 : i32
    %dma_start3A_13 = arith.constant 0 : i32
    %dma_start3A_14 = tpu.memref_slice %arg2[%arg0, %dma_start3A_12, %dma_start3A_13] : memref<2x10000x128xf32, #tpu.memory_space<hbm>> -> memref<1x10000x128xf32, #tpu.memory_space<hbm>>
    %dma_start3A_15 = tpu.memref_squeeze %dma_start3A_14 : memref<1x10000x128xf32, #tpu.memory_space<hbm>> -> memref<10000x128xf32, #tpu.memory_space<hbm>>
    %dma_start3A_16 = arith.constant 0 : i32
    %dma_start3A_17 = arith.constant 0 : i32
    %dma_start3A_18 = tpu.memref_slice %dma_start3A_15[%dma_start3A_16, %dma_start3A_17] : memref<10000x128xf32, #tpu.memory_space<hbm>> -> memref<10000x128xf32, #tpu.memory_space<hbm>>
    tpu.enqueue_indirect_dma source(%dma_start3A_18 : memref<10000x128xf32, #tpu.memory_space<hbm>>) target(%arg9 : memref<128x128xf32, #tpu.memory_space<vmem>>) offsets(%dma_start3A_11 : memref<128xi32, #tpu.memory_space<vmem>>) semaphore(%arg12 : memref<!tpu.dma_semaphore, #tpu.memory_space<semaphore_mem>>)
    %dma_start3A_19 = arith.constant 1 : i32
    %dma_start3A_20 = arith.constant 0 : i32
    %dma_start3A_21 = tpu.memref_slice %arg7[%dma_start3A_19, %dma_start3A_20] : memref<80x128xi32, #tpu.memory_space<vmem>> -> memref<1x128xi32, #tpu.memory_space<vmem>>
    %dma_start3A_22 = tpu.memref_squeeze %dma_start3A_21 : memref<1x128xi32, #tpu.memory_space<vmem>> -> memref<128xi32, #tpu.memory_space<vmem>>
    %dma_start3A_23 = arith.constant 0 : i32
    %dma_start3A_24 = arith.constant 0 : i32
    %dma_start3A_25 = tpu.memref_slice %arg2[%arg0, %dma_start3A_23, %dma_start3A_24] : memref<2x10000x128xf32, #tpu.memory_space<hbm>> -> memref<1x10000x128xf32, #tpu.memory_space<hbm>>
    %dma_start3A_26 = tpu.memref_squeeze %dma_start3A_25 : memref<1x10000x128xf32, #tpu.memory_space<hbm>> -> memref<10000x128xf32, #tpu.memory_space<hbm>>
    %dma_start3A_27 = arith.constant 0 : i32
    %dma_start3A_28 = arith.constant 0 : i32
    %dma_start3A_29 = tpu.memref_slice %dma_start3A_26[%dma_start3A_27, %dma_start3A_28] : memref<10000x128xf32, #tpu.memory_space<hbm>> -> memref<10000x128xf32, #tpu.memory_space<hbm>>
    tpu.enqueue_indirect_dma source(%dma_start3A_29 : memref<10000x128xf32, #tpu.memory_space<hbm>>) target(%arg10 : memref<128x128xf32, #tpu.memory_space<vmem>>) offsets(%dma_start3A_22 : memref<128xi32, #tpu.memory_space<vmem>>) semaphore(%arg13 : memref<!tpu.dma_semaphore, #tpu.memory_space<semaphore_mem>>)
    %scan3A_30 = arith.constant 0 : i32
    %scan3A_31 = arith.constant 40 : i32
    %scan3A_32 = arith.addi %scan3A_30, %scan3A_31 : i32
    %scan3A_33 = arith.constant 1 : i32
    scf.for %scan3A_41 = %scan3A_30 to %scan3A_32 step %scan3A_33  : i32 {
      %mul3A_42 = arith.constant 1 : i32
      %mul3A_43 = arith.muli %scan3A_41, %mul3A_42 : i32
      %add3A = arith.constant 0 : i32
      %add3A_44 = arith.addi %add3A, %mul3A_43 : i32
      %mul3A_45 = arith.constant 2 : i32
      %mul3A_46 = arith.muli %mul3A_45, %add3A_44 : i32
      %add3A_47 = arith.constant 0 : i32
      %add3A_48 = arith.addi %mul3A_46, %add3A_47 : i32
      %mul3A_49 = arith.constant 128 : i32
      %mul3A_50 = arith.muli %add3A_48, %mul3A_49 : i32
      %add3A_51 = arith.addi %mul3A_2, %mul3A_50 : i32
      %run_scoped3A = arith.constant 0 : i32
      %run_scoped3A_52 = arith.constant 0 : i32
      "tpu.region"() ({
        %run_scoped3A_100 = tpu.sem_alloc : memref<!tpu.dma_semaphore, #tpu.memory_space<semaphore_mem>>
        %dma_start3A_101 = arith.constant 0 : i32
        %dma_start3A_102 = tpu.memref_slice %arg8[%run_scoped3A_52, %dma_start3A_101] : memref<2x128xi32, #tpu.memory_space<vmem>> -> memref<1x128xi32, #tpu.memory_space<vmem>>
        %dma_start3A_103 = tpu.memref_squeeze %dma_start3A_102 : memref<1x128xi32, #tpu.memory_space<vmem>> -> memref<128xi32, #tpu.memory_space<vmem>>
        %dma_start3A_104 = tpu.memref_slice %arg4[%run_scoped3A, %add3A_51] : memref<1x163840xi32, #tpu.memory_space<hbm>> -> memref<1x128xi32, #tpu.memory_space<hbm>>
        %dma_start3A_105 = tpu.memref_squeeze %dma_start3A_104 : memref<1x128xi32, #tpu.memory_space<hbm>> -> memref<128xi32, #tpu.memory_space<hbm>>
        %dma_start3A_106 = arith.constant 0 : i32
        %dma_start3A_107 = tpu.memref_slice %arg8[%run_scoped3A_52, %dma_start3A_106] : memref<2x128xi32, #tpu.memory_space<vmem>> -> memref<1x128xi32, #tpu.memory_space<vmem>>
        %dma_start3A_108 = tpu.memref_squeeze %dma_start3A_107 : memref<1x128xi32, #tpu.memory_space<vmem>> -> memref<128xi32, #tpu.memory_space<vmem>>
        %dma_start3A_109 = tpu.memref_slice %arg4[%run_scoped3A, %add3A_51] : memref<1x163840xi32, #tpu.memory_space<hbm>> -> memref<1x128xi32, #tpu.memory_space<hbm>>
        %dma_start3A_110 = tpu.memref_squeeze %dma_start3A_109 : memref<1x128xi32, #tpu.memory_space<hbm>> -> memref<128xi32, #tpu.memory_space<hbm>>
        tpu.enqueue_dma source(%dma_start3A_110 : memref<128xi32, #tpu.memory_space<hbm>>) target(%dma_start3A_108 : memref<128xi32, #tpu.memory_space<vmem>>) target_semaphore(%run_scoped3A_100 : memref<!tpu.dma_semaphore, #tpu.memory_space<semaphore_mem>>)
        %dma_wait3A_111 = arith.constant 0 : i32
        %dma_wait3A_112 = tpu.memref_slice %arg8[%run_scoped3A_52, %dma_wait3A_111] : memref<2x128xi32, #tpu.memory_space<vmem>> -> memref<1x128xi32, #tpu.memory_space<vmem>>
        %dma_wait3A_113 = tpu.memref_squeeze %dma_wait3A_112 : memref<1x128xi32, #tpu.memory_space<vmem>> -> memref<128xi32, #tpu.memory_space<vmem>>
        %dma_wait3A_114 = tpu.memref_slice %arg4[%run_scoped3A, %add3A_51] : memref<1x163840xi32, #tpu.memory_space<hbm>> -> memref<1x128xi32, #tpu.memory_space<hbm>>
        %dma_wait3A_115 = tpu.memref_squeeze %dma_wait3A_114 : memref<1x128xi32, #tpu.memory_space<hbm>> -> memref<128xi32, #tpu.memory_space<hbm>>
        %dma_wait3A_116 = arith.constant 0 : i32
        %dma_wait3A_117 = tpu.memref_slice %arg8[%run_scoped3A_52, %dma_wait3A_116] : memref<2x128xi32, #tpu.memory_space<vmem>> -> memref<1x128xi32, #tpu.memory_space<vmem>>
        %dma_wait3A_118 = tpu.memref_squeeze %dma_wait3A_117 : memref<1x128xi32, #tpu.memory_space<vmem>> -> memref<128xi32, #tpu.memory_space<vmem>>
        %dma_wait3A_119 = tpu.memref_slice %arg4[%run_scoped3A, %add3A_51] : memref<1x163840xi32, #tpu.memory_space<hbm>> -> memref<1x128xi32, #tpu.memory_space<hbm>>
        %dma_wait3A_120 = tpu.memref_squeeze %dma_wait3A_119 : memref<1x128xi32, #tpu.memory_space<hbm>> -> memref<128xi32, #tpu.memory_space<hbm>>
        tpu.wait_dma2 semaphore(%run_scoped3A_100 : memref<!tpu.dma_semaphore, #tpu.memory_space<semaphore_mem>>) src(%dma_wait3A_120 : memref<128xi32, #tpu.memory_space<hbm>>) dst(%dma_wait3A_118 : memref<128xi32, #tpu.memory_space<vmem>>)
        tpu.yield
      }) : () -> ()
      %add3A_53 = arith.constant 0 : i32
      %add3A_54 = arith.addi %mul3A_46, %add3A_53 : i32
      %dma_wait3A = arith.constant 0 : i32
      %dma_wait3A_55 = tpu.memref_slice %arg7[%add3A_54, %dma_wait3A] : memref<80x128xi32, #tpu.memory_space<vmem>> -> memref<1x128xi32, #tpu.memory_space<vmem>>
      %dma_wait3A_56 = tpu.memref_squeeze %dma_wait3A_55 : memref<1x128xi32, #tpu.memory_space<vmem>> -> memref<128xi32, #tpu.memory_space<vmem>>
      %dma_wait3A_57 = arith.constant 0 : i32
      %dma_wait3A_58 = arith.constant 0 : i32
      %dma_wait3A_59 = tpu.memref_slice %arg2[%arg0, %dma_wait3A_57, %dma_wait3A_58] : memref<2x10000x128xf32, #tpu.memory_space<hbm>> -> memref<1x10000x128xf32, #tpu.memory_space<hbm>>
      %dma_wait3A_60 = tpu.memref_squeeze %dma_wait3A_59 : memref<1x10000x128xf32, #tpu.memory_space<hbm>> -> memref<10000x128xf32, #tpu.memory_space<hbm>>
      %dma_wait3A_61 = arith.constant 0 : i32
      %dma_wait3A_62 = arith.constant 0 : i32
      %dma_wait3A_63 = tpu.memref_slice %dma_wait3A_60[%dma_wait3A_61, %dma_wait3A_62] : memref<10000x128xf32, #tpu.memory_space<hbm>> -> memref<10000x128xf32, #tpu.memory_space<hbm>>
      tpu.wait_indirect_dma semaphore(%arg12 : memref<!tpu.dma_semaphore, #tpu.memory_space<semaphore_mem>>) src(%dma_wait3A_63 : memref<10000x128xf32, #tpu.memory_space<hbm>>) dst(%arg9 : memref<128x128xf32, #tpu.memory_space<vmem>>)
      %run_scoped3A_64 = arith.constant 0 : i32
      "tpu.region"() ({
        %run_scoped3A_100 = tpu.sem_alloc : memref<!tpu.dma_semaphore, #tpu.memory_space<semaphore_mem>>
        %dma_start3A_101 = arith.constant 0 : i32
        %dma_start3A_102 = tpu.memref_slice %arg8[%run_scoped3A_64, %dma_start3A_101] : memref<2x128xi32, #tpu.memory_space<vmem>> -> memref<1x128xi32, #tpu.memory_space<vmem>>
        %dma_start3A_103 = tpu.memref_squeeze %dma_start3A_102 : memref<1x128xi32, #tpu.memory_space<vmem>> -> memref<128xi32, #tpu.memory_space<vmem>>
        %dma_start3A_104 = arith.constant 0 : i32
        %dma_start3A_105 = arith.constant 0 : i32
        %dma_start3A_106 = tpu.memref_slice %arg11[%dma_start3A_104, %dma_start3A_105] : memref<10008x128xf32, #tpu.memory_space<vmem_shared>> -> memref<10008x128xf32, #tpu.memory_space<vmem_shared>>
        tpu.enqueue_indirect_dma source(%arg9 : memref<128x128xf32, #tpu.memory_space<vmem>>) target(%dma_start3A_106 : memref<10008x128xf32, #tpu.memory_space<vmem_shared>>) offsets(%dma_start3A_103 : memref<128xi32, #tpu.memory_space<vmem>>) semaphore(%run_scoped3A_100 : memref<!tpu.dma_semaphore, #tpu.memory_space<semaphore_mem>>) {add = true}
        %dma_wait3A_107 = arith.constant 0 : i32
        %dma_wait3A_108 = tpu.memref_slice %arg8[%run_scoped3A_64, %dma_wait3A_107] : memref<2x128xi32, #tpu.memory_space<vmem>> -> memref<1x128xi32, #tpu.memory_space<vmem>>
        %dma_wait3A_109 = tpu.memref_squeeze %dma_wait3A_108 : memref<1x128xi32, #tpu.memory_space<vmem>> -> memref<128xi32, #tpu.memory_space<vmem>>
        %dma_wait3A_110 = arith.constant 0 : i32
        %dma_wait3A_111 = arith.constant 0 : i32
        %dma_wait3A_112 = tpu.memref_slice %arg11[%dma_wait3A_110, %dma_wait3A_111] : memref<10008x128xf32, #tpu.memory_space<vmem_shared>> -> memref<10008x128xf32, #tpu.memory_space<vmem_shared>>
        tpu.wait_indirect_dma semaphore(%run_scoped3A_100 : memref<!tpu.dma_semaphore, #tpu.memory_space<semaphore_mem>>) src(%arg9 : memref<128x128xf32, #tpu.memory_space<vmem>>) dst(%dma_wait3A_112 : memref<10008x128xf32, #tpu.memory_space<vmem_shared>>)
        tpu.yield
      }) : () -> ()
      %add3A_65 = arith.constant 0 : i32
      %add3A_66 = arith.addi %mul3A_46, %add3A_65 : i32
      %add3A_67 = arith.constant 2 : i32
      %add3A_68 = arith.addi %add3A_66, %add3A_67 : i32
      %lt3A = arith.constant 80 : i32
      %lt3A_69 = arith.cmpi slt, %add3A_68, %lt3A : i32
      %convert_element_type3A = arith.extui %lt3A_69 : i1 to i32
      %cond3A = arith.constant 0 : i32
      %cond3A_70 = arith.cmpi ne, %convert_element_type3A, %cond3A : i32
      scf.if %cond3A_70 {
        %add3A_100 = arith.constant 0 : i32
        %add3A_101 = arith.addi %mul3A_46, %add3A_100 : i32
        %add3A_102 = arith.constant 2 : i32
        %add3A_103 = arith.addi %add3A_101, %add3A_102 : i32
        %dma_start3A_104 = arith.constant 0 : i32
        %dma_start3A_105 = tpu.memref_slice %arg7[%add3A_103, %dma_start3A_104] : memref<80x128xi32, #tpu.memory_space<vmem>> -> memref<1x128xi32, #tpu.memory_space<vmem>>
        %dma_start3A_106 = tpu.memref_squeeze %dma_start3A_105 : memref<1x128xi32, #tpu.memory_space<vmem>> -> memref<128xi32, #tpu.memory_space<vmem>>
        %dma_start3A_107 = arith.constant 0 : i32
        %dma_start3A_108 = arith.constant 0 : i32
        %dma_start3A_109 = tpu.memref_slice %arg2[%arg0, %dma_start3A_107, %dma_start3A_108] : memref<2x10000x128xf32, #tpu.memory_space<hbm>> -> memref<1x10000x128xf32, #tpu.memory_space<hbm>>
        %dma_start3A_110 = tpu.memref_squeeze %dma_start3A_109 : memref<1x10000x128xf32, #tpu.memory_space<hbm>> -> memref<10000x128xf32, #tpu.memory_space<hbm>>
        %dma_start3A_111 = arith.constant 0 : i32
        %dma_start3A_112 = arith.constant 0 : i32
        %dma_start3A_113 = tpu.memref_slice %dma_start3A_110[%dma_start3A_111, %dma_start3A_112] : memref<10000x128xf32, #tpu.memory_space<hbm>> -> memref<10000x128xf32, #tpu.memory_space<hbm>>
        tpu.enqueue_indirect_dma source(%dma_start3A_113 : memref<10000x128xf32, #tpu.memory_space<hbm>>) target(%arg9 : memref<128x128xf32, #tpu.memory_space<vmem>>) offsets(%dma_start3A_106 : memref<128xi32, #tpu.memory_space<vmem>>) semaphore(%arg12 : memref<!tpu.dma_semaphore, #tpu.memory_space<semaphore_mem>>)
      } else {
      }
      %add3A_71 = arith.constant 1 : i32
      %add3A_72 = arith.addi %mul3A_46, %add3A_71 : i32
      %mul3A_73 = arith.constant 128 : i32
      %mul3A_74 = arith.muli %add3A_72, %mul3A_73 : i32
      %add3A_75 = arith.addi %mul3A_2, %mul3A_74 : i32
      %run_scoped3A_76 = arith.constant 0 : i32
      %run_scoped3A_77 = arith.constant 1 : i32
      "tpu.region"() ({
        %run_scoped3A_100 = tpu.sem_alloc : memref<!tpu.dma_semaphore, #tpu.memory_space<semaphore_mem>>
        %dma_start3A_101 = arith.constant 0 : i32
        %dma_start3A_102 = tpu.memref_slice %arg8[%run_scoped3A_77, %dma_start3A_101] : memref<2x128xi32, #tpu.memory_space<vmem>> -> memref<1x128xi32, #tpu.memory_space<vmem>>
        %dma_start3A_103 = tpu.memref_squeeze %dma_start3A_102 : memref<1x128xi32, #tpu.memory_space<vmem>> -> memref<128xi32, #tpu.memory_space<vmem>>
        %dma_start3A_104 = tpu.memref_slice %arg4[%run_scoped3A_76, %add3A_75] : memref<1x163840xi32, #tpu.memory_space<hbm>> -> memref<1x128xi32, #tpu.memory_space<hbm>>
        %dma_start3A_105 = tpu.memref_squeeze %dma_start3A_104 : memref<1x128xi32, #tpu.memory_space<hbm>> -> memref<128xi32, #tpu.memory_space<hbm>>
        %dma_start3A_106 = arith.constant 0 : i32
        %dma_start3A_107 = tpu.memref_slice %arg8[%run_scoped3A_77, %dma_start3A_106] : memref<2x128xi32, #tpu.memory_space<vmem>> -> memref<1x128xi32, #tpu.memory_space<vmem>>
        %dma_start3A_108 = tpu.memref_squeeze %dma_start3A_107 : memref<1x128xi32, #tpu.memory_space<vmem>> -> memref<128xi32, #tpu.memory_space<vmem>>
        %dma_start3A_109 = tpu.memref_slice %arg4[%run_scoped3A_76, %add3A_75] : memref<1x163840xi32, #tpu.memory_space<hbm>> -> memref<1x128xi32, #tpu.memory_space<hbm>>
        %dma_start3A_110 = tpu.memref_squeeze %dma_start3A_109 : memref<1x128xi32, #tpu.memory_space<hbm>> -> memref<128xi32, #tpu.memory_space<hbm>>
        tpu.enqueue_dma source(%dma_start3A_110 : memref<128xi32, #tpu.memory_space<hbm>>) target(%dma_start3A_108 : memref<128xi32, #tpu.memory_space<vmem>>) target_semaphore(%run_scoped3A_100 : memref<!tpu.dma_semaphore, #tpu.memory_space<semaphore_mem>>)
        %dma_wait3A_111 = arith.constant 0 : i32
        %dma_wait3A_112 = tpu.memref_slice %arg8[%run_scoped3A_77, %dma_wait3A_111] : memref<2x128xi32, #tpu.memory_space<vmem>> -> memref<1x128xi32, #tpu.memory_space<vmem>>
        %dma_wait3A_113 = tpu.memref_squeeze %dma_wait3A_112 : memref<1x128xi32, #tpu.memory_space<vmem>> -> memref<128xi32, #tpu.memory_space<vmem>>
        %dma_wait3A_114 = tpu.memref_slice %arg4[%run_scoped3A_76, %add3A_75] : memref<1x163840xi32, #tpu.memory_space<hbm>> -> memref<1x128xi32, #tpu.memory_space<hbm>>
        %dma_wait3A_115 = tpu.memref_squeeze %dma_wait3A_114 : memref<1x128xi32, #tpu.memory_space<hbm>> -> memref<128xi32, #tpu.memory_space<hbm>>
        %dma_wait3A_116 = arith.constant 0 : i32
        %dma_wait3A_117 = tpu.memref_slice %arg8[%run_scoped3A_77, %dma_wait3A_116] : memref<2x128xi32, #tpu.memory_space<vmem>> -> memref<1x128xi32, #tpu.memory_space<vmem>>
        %dma_wait3A_118 = tpu.memref_squeeze %dma_wait3A_117 : memref<1x128xi32, #tpu.memory_space<vmem>> -> memref<128xi32, #tpu.memory_space<vmem>>
        %dma_wait3A_119 = tpu.memref_slice %arg4[%run_scoped3A_76, %add3A_75] : memref<1x163840xi32, #tpu.memory_space<hbm>> -> memref<1x128xi32, #tpu.memory_space<hbm>>
        %dma_wait3A_120 = tpu.memref_squeeze %dma_wait3A_119 : memref<1x128xi32, #tpu.memory_space<hbm>> -> memref<128xi32, #tpu.memory_space<hbm>>
        tpu.wait_dma2 semaphore(%run_scoped3A_100 : memref<!tpu.dma_semaphore, #tpu.memory_space<semaphore_mem>>) src(%dma_wait3A_120 : memref<128xi32, #tpu.memory_space<hbm>>) dst(%dma_wait3A_118 : memref<128xi32, #tpu.memory_space<vmem>>)
        tpu.yield
      }) : () -> ()
      %add3A_78 = arith.constant 1 : i32
      %add3A_79 = arith.addi %mul3A_46, %add3A_78 : i32
      %dma_wait3A_80 = arith.constant 0 : i32
      %dma_wait3A_81 = tpu.memref_slice %arg7[%add3A_79, %dma_wait3A_80] : memref<80x128xi32, #tpu.memory_space<vmem>> -> memref<1x128xi32, #tpu.memory_space<vmem>>
      %dma_wait3A_82 = tpu.memref_squeeze %dma_wait3A_81 : memref<1x128xi32, #tpu.memory_space<vmem>> -> memref<128xi32, #tpu.memory_space<vmem>>
      %dma_wait3A_83 = arith.constant 0 : i32
      %dma_wait3A_84 = arith.constant 0 : i32
      %dma_wait3A_85 = tpu.memref_slice %arg2[%arg0, %dma_wait3A_83, %dma_wait3A_84] : memref<2x10000x128xf32, #tpu.memory_space<hbm>> -> memref<1x10000x128xf32, #tpu.memory_space<hbm>>
      %dma_wait3A_86 = tpu.memref_squeeze %dma_wait3A_85 : memref<1x10000x128xf32, #tpu.memory_space<hbm>> -> memref<10000x128xf32, #tpu.memory_space<hbm>>
      %dma_wait3A_87 = arith.constant 0 : i32
      %dma_wait3A_88 = arith.constant 0 : i32
      %dma_wait3A_89 = tpu.memref_slice %dma_wait3A_86[%dma_wait3A_87, %dma_wait3A_88] : memref<10000x128xf32, #tpu.memory_space<hbm>> -> memref<10000x128xf32, #tpu.memory_space<hbm>>
      tpu.wait_indirect_dma semaphore(%arg13 : memref<!tpu.dma_semaphore, #tpu.memory_space<semaphore_mem>>) src(%dma_wait3A_89 : memref<10000x128xf32, #tpu.memory_space<hbm>>) dst(%arg10 : memref<128x128xf32, #tpu.memory_space<vmem>>)
      %run_scoped3A_90 = arith.constant 1 : i32
      "tpu.region"() ({
        %run_scoped3A_100 = tpu.sem_alloc : memref<!tpu.dma_semaphore, #tpu.memory_space<semaphore_mem>>
        %dma_start3A_101 = arith.constant 0 : i32
        %dma_start3A_102 = tpu.memref_slice %arg8[%run_scoped3A_90, %dma_start3A_101] : memref<2x128xi32, #tpu.memory_space<vmem>> -> memref<1x128xi32, #tpu.memory_space<vmem>>
        %dma_start3A_103 = tpu.memref_squeeze %dma_start3A_102 : memref<1x128xi32, #tpu.memory_space<vmem>> -> memref<128xi32, #tpu.memory_space<vmem>>
        %dma_start3A_104 = arith.constant 0 : i32
        %dma_start3A_105 = arith.constant 0 : i32
        %dma_start3A_106 = tpu.memref_slice %arg11[%dma_start3A_104, %dma_start3A_105] : memref<10008x128xf32, #tpu.memory_space<vmem_shared>> -> memref<10008x128xf32, #tpu.memory_space<vmem_shared>>
        tpu.enqueue_indirect_dma source(%arg10 : memref<128x128xf32, #tpu.memory_space<vmem>>) target(%dma_start3A_106 : memref<10008x128xf32, #tpu.memory_space<vmem_shared>>) offsets(%dma_start3A_103 : memref<128xi32, #tpu.memory_space<vmem>>) semaphore(%run_scoped3A_100 : memref<!tpu.dma_semaphore, #tpu.memory_space<semaphore_mem>>) {add = true}
        %dma_wait3A_107 = arith.constant 0 : i32
        %dma_wait3A_108 = tpu.memref_slice %arg8[%run_scoped3A_90, %dma_wait3A_107] : memref<2x128xi32, #tpu.memory_space<vmem>> -> memref<1x128xi32, #tpu.memory_space<vmem>>
        %dma_wait3A_109 = tpu.memref_squeeze %dma_wait3A_108 : memref<1x128xi32, #tpu.memory_space<vmem>> -> memref<128xi32, #tpu.memory_space<vmem>>
        %dma_wait3A_110 = arith.constant 0 : i32
        %dma_wait3A_111 = arith.constant 0 : i32
        %dma_wait3A_112 = tpu.memref_slice %arg11[%dma_wait3A_110, %dma_wait3A_111] : memref<10008x128xf32, #tpu.memory_space<vmem_shared>> -> memref<10008x128xf32, #tpu.memory_space<vmem_shared>>
        tpu.wait_indirect_dma semaphore(%run_scoped3A_100 : memref<!tpu.dma_semaphore, #tpu.memory_space<semaphore_mem>>) src(%arg10 : memref<128x128xf32, #tpu.memory_space<vmem>>) dst(%dma_wait3A_112 : memref<10008x128xf32, #tpu.memory_space<vmem_shared>>)
        tpu.yield
      }) : () -> ()
      %add3A_91 = arith.constant 1 : i32
      %add3A_92 = arith.addi %mul3A_46, %add3A_91 : i32
      %add3A_93 = arith.constant 2 : i32
      %add3A_94 = arith.addi %add3A_92, %add3A_93 : i32
      %lt3A_95 = arith.constant 80 : i32
      %lt3A_96 = arith.cmpi slt, %add3A_94, %lt3A_95 : i32
      %convert_element_type3A_97 = arith.extui %lt3A_96 : i1 to i32
      %cond3A_98 = arith.constant 0 : i32
      %cond3A_99 = arith.cmpi ne, %convert_element_type3A_97, %cond3A_98 : i32
      scf.if %cond3A_99 {
        %add3A_100 = arith.constant 1 : i32
        %add3A_101 = arith.addi %mul3A_46, %add3A_100 : i32
        %add3A_102 = arith.constant 2 : i32
        %add3A_103 = arith.addi %add3A_101, %add3A_102 : i32
        %dma_start3A_104 = arith.constant 0 : i32
        %dma_start3A_105 = tpu.memref_slice %arg7[%add3A_103, %dma_start3A_104] : memref<80x128xi32, #tpu.memory_space<vmem>> -> memref<1x128xi32, #tpu.memory_space<vmem>>
        %dma_start3A_106 = tpu.memref_squeeze %dma_start3A_105 : memref<1x128xi32, #tpu.memory_space<vmem>> -> memref<128xi32, #tpu.memory_space<vmem>>
        %dma_start3A_107 = arith.constant 0 : i32
        %dma_start3A_108 = arith.constant 0 : i32
        %dma_start3A_109 = tpu.memref_slice %arg2[%arg0, %dma_start3A_107, %dma_start3A_108] : memref<2x10000x128xf32, #tpu.memory_space<hbm>> -> memref<1x10000x128xf32, #tpu.memory_space<hbm>>
        %dma_start3A_110 = tpu.memref_squeeze %dma_start3A_109 : memref<1x10000x128xf32, #tpu.memory_space<hbm>> -> memref<10000x128xf32, #tpu.memory_space<hbm>>
        %dma_start3A_111 = arith.constant 0 : i32
        %dma_start3A_112 = arith.constant 0 : i32
        %dma_start3A_113 = tpu.memref_slice %dma_start3A_110[%dma_start3A_111, %dma_start3A_112] : memref<10000x128xf32, #tpu.memory_space<hbm>> -> memref<10000x128xf32, #tpu.memory_space<hbm>>
        tpu.enqueue_indirect_dma source(%dma_start3A_113 : memref<10000x128xf32, #tpu.memory_space<hbm>>) target(%arg10 : memref<128x128xf32, #tpu.memory_space<vmem>>) offsets(%dma_start3A_106 : memref<128xi32, #tpu.memory_space<vmem>>) semaphore(%arg13 : memref<!tpu.dma_semaphore, #tpu.memory_space<semaphore_mem>>)
      } else {
      }
    }
    %scan3A_34 = arith.constant 40 : i32
    %barrier3A_35 = arith.constant 0 : index
    tpu.barrier barrier_id(%barrier3A_35)
    %scan3A_36 = arith.constant 0 : i32
    %scan3A_37 = arith.constant 8 : i32
    %scan3A_38 = arith.addi %scan3A_36, %scan3A_37 : i32
    %scan3A_39 = arith.constant 1 : i32
    scf.for %scan3A_41 = %scan3A_36 to %scan3A_38 step %scan3A_39  : i32 {
      %mul3A_42 = arith.constant 1 : i32
      %mul3A_43 = arith.muli %scan3A_41, %mul3A_42 : i32
      %add3A = arith.constant 0 : i32
      %add3A_44 = arith.addi %add3A, %mul3A_43 : i32
      %mul3A_45 = arith.constant 16 : i32
      %mul3A_46 = arith.muli %add3A_44, %mul3A_45 : i32
      %add3A_47 = arith.addi %mul3A_46, %arg1 : i32
      %lt3A = arith.constant 125 : i32
      %lt3A_48 = arith.cmpi slt, %add3A_47, %lt3A : i32
      %convert_element_type3A = arith.extui %lt3A_48 : i1 to i32
      %cond3A = arith.constant 0 : i32
      %cond3A_49 = arith.cmpi ne, %convert_element_type3A, %cond3A : i32
      scf.if %cond3A_49 {
        %mul3A_50 = arith.constant 80 : i32
        %mul3A_51 = arith.muli %add3A_47, %mul3A_50 : i32
        %mul3A_52 = arith.constant 80 : i32
        %mul3A_53 = arith.muli %add3A_47, %mul3A_52 : i32
        "tpu.region"() ({
          %run_scoped3A = tpu.sem_alloc : memref<!tpu.dma_semaphore, #tpu.memory_space<semaphore_mem>>
          %dma_start3A_54 = arith.constant 0 : i32
          %dma_start3A_55 = arith.constant 0 : i32
          %dma_start3A_56 = tpu.memref_slice %arg6[%arg0, %dma_start3A_54, %dma_start3A_55] : memref<2x10000x128xf32, #tpu.memory_space<hbm>> -> memref<1x10000x128xf32, #tpu.memory_space<hbm>>
          %dma_start3A_57 = tpu.memref_squeeze %dma_start3A_56 : memref<1x10000x128xf32, #tpu.memory_space<hbm>> -> memref<10000x128xf32, #tpu.memory_space<hbm>>
          %dma_start3A_58 = arith.constant 0 : i32
          %dma_start3A_59 = tpu.memref_slice %dma_start3A_57[%mul3A_53, %dma_start3A_58] : memref<10000x128xf32, #tpu.memory_space<hbm>> -> memref<80x128xf32, #tpu.memory_space<hbm>>
          %dma_start3A_60 = arith.constant 0 : i32
          %dma_start3A_61 = tpu.memref_slice %arg11[%mul3A_51, %dma_start3A_60] : memref<10008x128xf32, #tpu.memory_space<vmem_shared>> -> memref<80x128xf32, #tpu.memory_space<vmem_shared>>
          tpu.enqueue_dma source(%dma_start3A_61 : memref<80x128xf32, #tpu.memory_space<vmem_shared>>) target(%dma_start3A_59 : memref<80x128xf32, #tpu.memory_space<hbm>>) target_semaphore(%run_scoped3A : memref<!tpu.dma_semaphore, #tpu.memory_space<semaphore_mem>>)
          %dma_wait3A = arith.constant 0 : i32
          %dma_wait3A_62 = arith.constant 0 : i32
          %dma_wait3A_63 = tpu.memref_slice %arg6[%arg0, %dma_wait3A, %dma_wait3A_62] : memref<2x10000x128xf32, #tpu.memory_space<hbm>> -> memref<1x10000x128xf32, #tpu.memory_space<hbm>>
          %dma_wait3A_64 = tpu.memref_squeeze %dma_wait3A_63 : memref<1x10000x128xf32, #tpu.memory_space<hbm>> -> memref<10000x128xf32, #tpu.memory_space<hbm>>
          %dma_wait3A_65 = arith.constant 0 : i32
          %dma_wait3A_66 = tpu.memref_slice %dma_wait3A_64[%mul3A_53, %dma_wait3A_65] : memref<10000x128xf32, #tpu.memory_space<hbm>> -> memref<80x128xf32, #tpu.memory_space<hbm>>
          %dma_wait3A_67 = arith.constant 0 : i32
          %dma_wait3A_68 = tpu.memref_slice %arg11[%mul3A_51, %dma_wait3A_67] : memref<10008x128xf32, #tpu.memory_space<vmem_shared>> -> memref<80x128xf32, #tpu.memory_space<vmem_shared>>
          tpu.wait_dma2 semaphore(%run_scoped3A : memref<!tpu.dma_semaphore, #tpu.memory_space<semaphore_mem>>) src(%dma_wait3A_68 : memref<80x128xf32, #tpu.memory_space<vmem_shared>>) dst(%dma_wait3A_66 : memref<80x128xf32, #tpu.memory_space<hbm>>)
          tpu.yield
        }) : () -> ()
      } else {
      }
    }
    %scan3A_40 = arith.constant 8 : i32
    return
  }
}

#map = affine_map<(d0, d1) -> (0, 0, 0)>
#map1 = affine_map<(d0, d1) -> (0, 0)>
module attributes {stable_mosaic.version = 14 : i64} {
  func.func @k(%arg0: i32, %arg1: i32, %arg2: memref<2x10000x128xf32, #tpu.memory_space<hbm>>, %arg3: memref<1280x128xi32, #tpu.memory_space<hbm>>, %arg4: memref<1x163840xi32, #tpu.memory_space<hbm>>, %arg5: memref<80x128xf32, #tpu.memory_space<hbm>>, %arg6: memref<2x10000x128xf32, #tpu.memory_space<hbm>>, %arg7: memref<80x128xi32, #tpu.memory_space<vmem>>, %arg8: memref<2x128xi32, #tpu.memory_space<vmem>>, %arg9: memref<128x128xf32, #tpu.memory_space<vmem>>, %arg10: memref<128x128xf32, #tpu.memory_space<vmem>>, %arg11: memref<10008x128xf32, #tpu.memory_space<vmem_shared>>, %arg12: memref<!tpu.dma_semaphore, #tpu.memory_space<semaphore_mem>>, %arg13: memref<!tpu.dma_semaphore, #tpu.memory_space<semaphore_mem>>) attributes {dimension_semantics = [#tpu.dimension_semantics<core_parallel>, #tpu.dimension_semantics<subcore_parallel>], iteration_bounds = array<i64: 2, 16>, scalar_prefetch = 0 : i64, scratch_operands = 7 : i64, tpu.core_type = #tpu.core_type<sc_vector_subcore>, window_params = [{transform_indices = #map}, {transform_indices = #map1}, {transform_indices = #map1}, {transform_indices = #map1}, {transform_indices = #map}]} {
    %mul3A = arith.constant 80 : i32
    %mul3A_0 = arith.muli %arg1, %mul3A : i32
    %mul3A_1 = arith.constant 128 : i32
    %mul3A_2 = arith.muli %mul3A_0, %mul3A_1 : i32
    "tpu.region"() ({
      %run_scoped3A = tpu.sem_alloc : memref<!tpu.dma_semaphore, #tpu.memory_space<semaphore_mem>>
      %dma_start3A_41 = arith.constant 0 : i32
      %dma_start3A_42 = arith.constant 0 : i32
      %dma_start3A_43 = tpu.memref_slice %arg9[%dma_start3A_41, %dma_start3A_42] : memref<128x128xf32, #tpu.memory_space<vmem>> -> memref<80x128xf32, #tpu.memory_space<vmem>>
      %dma_start3A_44 = arith.constant 0 : i32
      %dma_start3A_45 = arith.constant 0 : i32
      %dma_start3A_46 = tpu.memref_slice %arg9[%dma_start3A_44, %dma_start3A_45] : memref<128x128xf32, #tpu.memory_space<vmem>> -> memref<80x128xf32, #tpu.memory_space<vmem>>
      tpu.enqueue_dma source(%arg5 : memref<80x128xf32, #tpu.memory_space<hbm>>) target(%dma_start3A_46 : memref<80x128xf32, #tpu.memory_space<vmem>>) target_semaphore(%run_scoped3A : memref<!tpu.dma_semaphore, #tpu.memory_space<semaphore_mem>>)
      %dma_wait3A = arith.constant 0 : i32
      %dma_wait3A_47 = arith.constant 0 : i32
      %dma_wait3A_48 = tpu.memref_slice %arg9[%dma_wait3A, %dma_wait3A_47] : memref<128x128xf32, #tpu.memory_space<vmem>> -> memref<80x128xf32, #tpu.memory_space<vmem>>
      %dma_wait3A_49 = arith.constant 0 : i32
      %dma_wait3A_50 = arith.constant 0 : i32
      %dma_wait3A_51 = tpu.memref_slice %arg9[%dma_wait3A_49, %dma_wait3A_50] : memref<128x128xf32, #tpu.memory_space<vmem>> -> memref<80x128xf32, #tpu.memory_space<vmem>>
      tpu.wait_dma2 semaphore(%run_scoped3A : memref<!tpu.dma_semaphore, #tpu.memory_space<semaphore_mem>>) src(%arg5 : memref<80x128xf32, #tpu.memory_space<hbm>>) dst(%dma_wait3A_51 : memref<80x128xf32, #tpu.memory_space<vmem>>)
      tpu.yield
    }) : () -> ()
    %scan3A = arith.constant 0 : i32
    %scan3A_3 = arith.constant 8 : i32
    %scan3A_4 = arith.addi %scan3A, %scan3A_3 : i32
    %scan3A_5 = arith.constant 1 : i32
    scf.for %scan3A_41 = %scan3A to %scan3A_4 step %scan3A_5  : i32 {
      %mul3A_42 = arith.constant 1 : i32
      %mul3A_43 = arith.muli %scan3A_41, %mul3A_42 : i32
      %add3A = arith.constant 0 : i32
      %add3A_44 = arith.addi %add3A, %mul3A_43 : i32
      %mul3A_45 = arith.constant 16 : i32
      %mul3A_46 = arith.muli %add3A_44, %mul3A_45 : i32
      %add3A_47 = arith.addi %mul3A_46, %arg1 : i32
      %lt3A = arith.constant 125 : i32
      %lt3A_48 = arith.cmpi slt, %add3A_47, %lt3A : i32
      %convert_element_type3A = arith.extui %lt3A_48 : i1 to i32
      %cond3A = arith.constant 0 : i32
      %cond3A_49 = arith.cmpi ne, %convert_element_type3A, %cond3A : i32
      scf.if %cond3A_49 {
        %mul3A_50 = arith.constant 80 : i32
        %mul3A_51 = arith.muli %add3A_47, %mul3A_50 : i32
        "tpu.region"() ({
          %run_scoped3A = tpu.sem_alloc : memref<!tpu.dma_semaphore, #tpu.memory_space<semaphore_mem>>
          %dma_start3A_52 = arith.constant 0 : i32
          %dma_start3A_53 = arith.constant 0 : i32
          %dma_start3A_54 = tpu.memref_slice %arg9[%dma_start3A_52, %dma_start3A_53] : memref<128x128xf32, #tpu.memory_space<vmem>> -> memref<80x128xf32, #tpu.memory_space<vmem>>
          %dma_start3A_55 = arith.constant 0 : i32
          %dma_start3A_56 = tpu.memref_slice %arg11[%mul3A_51, %dma_start3A_55] : memref<10008x128xf32, #tpu.memory_space<vmem_shared>> -> memref<80x128xf32, #tpu.memory_space<vmem_shared>>
          %dma_start3A_57 = arith.constant 0 : i32
          %dma_start3A_58 = tpu.memref_slice %arg11[%mul3A_51, %dma_start3A_57] : memref<10008x128xf32, #tpu.memory_space<vmem_shared>> -> memref<80x128xf32, #tpu.memory_space<vmem_shared>>
          %dma_start3A_59 = arith.constant 0 : i32
          %dma_start3A_60 = arith.constant 0 : i32
          %dma_start3A_61 = tpu.memref_slice %arg9[%dma_start3A_59, %dma_start3A_60] : memref<128x128xf32, #tpu.memory_space<vmem>> -> memref<80x128xf32, #tpu.memory_space<vmem>>
          tpu.enqueue_dma source(%dma_start3A_61 : memref<80x128xf32, #tpu.memory_space<vmem>>) target(%dma_start3A_58 : memref<80x128xf32, #tpu.memory_space<vmem_shared>>) target_semaphore(%run_scoped3A : memref<!tpu.dma_semaphore, #tpu.memory_space<semaphore_mem>>)
          %dma_wait3A = arith.constant 0 : i32
          %dma_wait3A_62 = arith.constant 0 : i32
          %dma_wait3A_63 = tpu.memref_slice %arg9[%dma_wait3A, %dma_wait3A_62] : memref<128x128xf32, #tpu.memory_space<vmem>> -> memref<80x128xf32, #tpu.memory_space<vmem>>
          %dma_wait3A_64 = arith.constant 0 : i32
          %dma_wait3A_65 = tpu.memref_slice %arg11[%mul3A_51, %dma_wait3A_64] : memref<10008x128xf32, #tpu.memory_space<vmem_shared>> -> memref<80x128xf32, #tpu.memory_space<vmem_shared>>
          %dma_wait3A_66 = arith.constant 0 : i32
          %dma_wait3A_67 = tpu.memref_slice %arg11[%mul3A_51, %dma_wait3A_66] : memref<10008x128xf32, #tpu.memory_space<vmem_shared>> -> memref<80x128xf32, #tpu.memory_space<vmem_shared>>
          %dma_wait3A_68 = arith.constant 0 : i32
          %dma_wait3A_69 = arith.constant 0 : i32
          %dma_wait3A_70 = tpu.memref_slice %arg9[%dma_wait3A_68, %dma_wait3A_69] : memref<128x128xf32, #tpu.memory_space<vmem>> -> memref<80x128xf32, #tpu.memory_space<vmem>>
          tpu.wait_dma2 semaphore(%run_scoped3A : memref<!tpu.dma_semaphore, #tpu.memory_space<semaphore_mem>>) src(%dma_wait3A_70 : memref<80x128xf32, #tpu.memory_space<vmem>>) dst(%dma_wait3A_67 : memref<80x128xf32, #tpu.memory_space<vmem_shared>>)
          tpu.yield
        }) : () -> ()
      } else {
      }
    }
    %scan3A_6 = arith.constant 8 : i32
    %mul3A_7 = arith.constant 80 : i32
    %mul3A_8 = arith.muli %arg1, %mul3A_7 : i32
    "tpu.region"() ({
      %run_scoped3A = tpu.sem_alloc : memref<!tpu.dma_semaphore, #tpu.memory_space<semaphore_mem>>
      %dma_start3A_41 = arith.constant 0 : i32
      %dma_start3A_42 = tpu.memref_slice %arg3[%mul3A_8, %dma_start3A_41] : memref<1280x128xi32, #tpu.memory_space<hbm>> -> memref<80x128xi32, #tpu.memory_space<hbm>>
      %dma_start3A_43 = arith.constant 0 : i32
      %dma_start3A_44 = tpu.memref_slice %arg3[%mul3A_8, %dma_start3A_43] : memref<1280x128xi32, #tpu.memory_space<hbm>> -> memref<80x128xi32, #tpu.memory_space<hbm>>
      tpu.enqueue_dma source(%dma_start3A_44 : memref<80x128xi32, #tpu.memory_space<hbm>>) target(%arg7 : memref<80x128xi32, #tpu.memory_space<vmem>>) target_semaphore(%run_scoped3A : memref<!tpu.dma_semaphore, #tpu.memory_space<semaphore_mem>>)
      %dma_wait3A = arith.constant 0 : i32
      %dma_wait3A_45 = tpu.memref_slice %arg3[%mul3A_8, %dma_wait3A] : memref<1280x128xi32, #tpu.memory_space<hbm>> -> memref<80x128xi32, #tpu.memory_space<hbm>>
      %dma_wait3A_46 = arith.constant 0 : i32
      %dma_wait3A_47 = tpu.memref_slice %arg3[%mul3A_8, %dma_wait3A_46] : memref<1280x128xi32, #tpu.memory_space<hbm>> -> memref<80x128xi32, #tpu.memory_space<hbm>>
      tpu.wait_dma2 semaphore(%run_scoped3A : memref<!tpu.dma_semaphore, #tpu.memory_space<semaphore_mem>>) src(%dma_wait3A_47 : memref<80x128xi32, #tpu.memory_space<hbm>>) dst(%arg7 : memref<80x128xi32, #tpu.memory_space<vmem>>)
      tpu.yield
    }) : () -> ()
    %barrier3A = arith.constant 0 : index
    tpu.barrier barrier_id(%barrier3A)
    %dma_start3A = arith.constant 0 : i32
    %dma_start3A_9 = arith.constant 0 : i32
    %dma_start3A_10 = tpu.memref_slice %arg7[%dma_start3A, %dma_start3A_9] : memref<80x128xi32, #tpu.memory_space<vmem>> -> memref<1x128xi32, #tpu.memory_space<vmem>>
    %dma_start3A_11 = tpu.memref_squeeze %dma_start3A_10 : memref<1x128xi32, #tpu.memory_space<vmem>> -> memref<128xi32, #tpu.memory_space<vmem>>
    %dma_start3A_12 = arith.constant 0 : i32
    %dma_start3A_13 = arith.constant 0 : i32
    %dma_start3A_14 = tpu.memref_slice %arg2[%arg0, %dma_start3A_12, %dma_start3A_13] : memref<2x10000x128xf32, #tpu.memory_space<hbm>> -> memref<1x10000x128xf32, #tpu.memory_space<hbm>>
    %dma_start3A_15 = tpu.memref_squeeze %dma_start3A_14 : memref<1x10000x128xf32, #tpu.memory_space<hbm>> -> memref<10000x128xf32, #tpu.memory_space<hbm>>
    %dma_start3A_16 = arith.constant 0 : i32
    %dma_start3A_17 = arith.constant 0 : i32
    %dma_start3A_18 = tpu.memref_slice %dma_start3A_15[%dma_start3A_16, %dma_start3A_17] : memref<10000x128xf32, #tpu.memory_space<hbm>> -> memref<10000x128xf32, #tpu.memory_space<hbm>>
    tpu.enqueue_indirect_dma source(%dma_start3A_18 : memref<10000x128xf32, #tpu.memory_space<hbm>>) target(%arg9 : memref<128x128xf32, #tpu.memory_space<vmem>>) offsets(%dma_start3A_11 : memref<128xi32, #tpu.memory_space<vmem>>) semaphore(%arg12 : memref<!tpu.dma_semaphore, #tpu.memory_space<semaphore_mem>>)
    %dma_start3A_19 = arith.constant 1 : i32
    %dma_start3A_20 = arith.constant 0 : i32
    %dma_start3A_21 = tpu.memref_slice %arg7[%dma_start3A_19, %dma_start3A_20] : memref<80x128xi32, #tpu.memory_space<vmem>> -> memref<1x128xi32, #tpu.memory_space<vmem>>
    %dma_start3A_22 = tpu.memref_squeeze %dma_start3A_21 : memref<1x128xi32, #tpu.memory_space<vmem>> -> memref<128xi32, #tpu.memory_space<vmem>>
    %dma_start3A_23 = arith.constant 0 : i32
    %dma_start3A_24 = arith.constant 0 : i32
    %dma_start3A_25 = tpu.memref_slice %arg2[%arg0, %dma_start3A_23, %dma_start3A_24] : memref<2x10000x128xf32, #tpu.memory_space<hbm>> -> memref<1x10000x128xf32, #tpu.memory_space<hbm>>
    %dma_start3A_26 = tpu.memref_squeeze %dma_start3A_25 : memref<1x10000x128xf32, #tpu.memory_space<hbm>> -> memref<10000x128xf32, #tpu.memory_space<hbm>>
    %dma_start3A_27 = arith.constant 0 : i32
    %dma_start3A_28 = arith.constant 0 : i32
    %dma_start3A_29 = tpu.memref_slice %dma_start3A_26[%dma_start3A_27, %dma_start3A_28] : memref<10000x128xf32, #tpu.memory_space<hbm>> -> memref<10000x128xf32, #tpu.memory_space<hbm>>
    tpu.enqueue_indirect_dma source(%dma_start3A_29 : memref<10000x128xf32, #tpu.memory_space<hbm>>) target(%arg10 : memref<128x128xf32, #tpu.memory_space<vmem>>) offsets(%dma_start3A_22 : memref<128xi32, #tpu.memory_space<vmem>>) semaphore(%arg13 : memref<!tpu.dma_semaphore, #tpu.memory_space<semaphore_mem>>)
    %scan3A_30 = arith.constant 0 : i32
    %scan3A_31 = arith.constant 40 : i32
    %scan3A_32 = arith.addi %scan3A_30, %scan3A_31 : i32
    %scan3A_33 = arith.constant 1 : i32
    scf.for %scan3A_41 = %scan3A_30 to %scan3A_32 step %scan3A_33  : i32 {
      %mul3A_42 = arith.constant 1 : i32
      %mul3A_43 = arith.muli %scan3A_41, %mul3A_42 : i32
      %add3A = arith.constant 0 : i32
      %add3A_44 = arith.addi %add3A, %mul3A_43 : i32
      %mul3A_45 = arith.constant 2 : i32
      %mul3A_46 = arith.muli %mul3A_45, %add3A_44 : i32
      %add3A_47 = arith.constant 0 : i32
      %add3A_48 = arith.addi %mul3A_46, %add3A_47 : i32
      %mul3A_49 = arith.constant 128 : i32
      %mul3A_50 = arith.muli %add3A_48, %mul3A_49 : i32
      %add3A_51 = arith.addi %mul3A_2, %mul3A_50 : i32
      %run_scoped3A = arith.constant 0 : i32
      %run_scoped3A_52 = arith.constant 0 : i32
      "tpu.region"() ({
        %run_scoped3A_100 = tpu.sem_alloc : memref<!tpu.dma_semaphore, #tpu.memory_space<semaphore_mem>>
        %dma_start3A_101 = arith.constant 0 : i32
        %dma_start3A_102 = tpu.memref_slice %arg8[%run_scoped3A_52, %dma_start3A_101] : memref<2x128xi32, #tpu.memory_space<vmem>> -> memref<1x128xi32, #tpu.memory_space<vmem>>
        %dma_start3A_103 = tpu.memref_squeeze %dma_start3A_102 : memref<1x128xi32, #tpu.memory_space<vmem>> -> memref<128xi32, #tpu.memory_space<vmem>>
        %dma_start3A_104 = tpu.memref_slice %arg4[%run_scoped3A, %add3A_51] : memref<1x163840xi32, #tpu.memory_space<hbm>> -> memref<1x128xi32, #tpu.memory_space<hbm>>
        %dma_start3A_105 = tpu.memref_squeeze %dma_start3A_104 : memref<1x128xi32, #tpu.memory_space<hbm>> -> memref<128xi32, #tpu.memory_space<hbm>>
        %dma_start3A_106 = arith.constant 0 : i32
        %dma_start3A_107 = tpu.memref_slice %arg8[%run_scoped3A_52, %dma_start3A_106] : memref<2x128xi32, #tpu.memory_space<vmem>> -> memref<1x128xi32, #tpu.memory_space<vmem>>
        %dma_start3A_108 = tpu.memref_squeeze %dma_start3A_107 : memref<1x128xi32, #tpu.memory_space<vmem>> -> memref<128xi32, #tpu.memory_space<vmem>>
        %dma_start3A_109 = tpu.memref_slice %arg4[%run_scoped3A, %add3A_51] : memref<1x163840xi32, #tpu.memory_space<hbm>> -> memref<1x128xi32, #tpu.memory_space<hbm>>
        %dma_start3A_110 = tpu.memref_squeeze %dma_start3A_109 : memref<1x128xi32, #tpu.memory_space<hbm>> -> memref<128xi32, #tpu.memory_space<hbm>>
        tpu.enqueue_dma source(%dma_start3A_110 : memref<128xi32, #tpu.memory_space<hbm>>) target(%dma_start3A_108 : memref<128xi32, #tpu.memory_space<vmem>>) target_semaphore(%run_scoped3A_100 : memref<!tpu.dma_semaphore, #tpu.memory_space<semaphore_mem>>)
        %dma_wait3A_111 = arith.constant 0 : i32
        %dma_wait3A_112 = tpu.memref_slice %arg8[%run_scoped3A_52, %dma_wait3A_111] : memref<2x128xi32, #tpu.memory_space<vmem>> -> memref<1x128xi32, #tpu.memory_space<vmem>>
        %dma_wait3A_113 = tpu.memref_squeeze %dma_wait3A_112 : memref<1x128xi32, #tpu.memory_space<vmem>> -> memref<128xi32, #tpu.memory_space<vmem>>
        %dma_wait3A_114 = tpu.memref_slice %arg4[%run_scoped3A, %add3A_51] : memref<1x163840xi32, #tpu.memory_space<hbm>> -> memref<1x128xi32, #tpu.memory_space<hbm>>
        %dma_wait3A_115 = tpu.memref_squeeze %dma_wait3A_114 : memref<1x128xi32, #tpu.memory_space<hbm>> -> memref<128xi32, #tpu.memory_space<hbm>>
        %dma_wait3A_116 = arith.constant 0 : i32
        %dma_wait3A_117 = tpu.memref_slice %arg8[%run_scoped3A_52, %dma_wait3A_116] : memref<2x128xi32, #tpu.memory_space<vmem>> -> memref<1x128xi32, #tpu.memory_space<vmem>>
        %dma_wait3A_118 = tpu.memref_squeeze %dma_wait3A_117 : memref<1x128xi32, #tpu.memory_space<vmem>> -> memref<128xi32, #tpu.memory_space<vmem>>
        %dma_wait3A_119 = tpu.memref_slice %arg4[%run_scoped3A, %add3A_51] : memref<1x163840xi32, #tpu.memory_space<hbm>> -> memref<1x128xi32, #tpu.memory_space<hbm>>
        %dma_wait3A_120 = tpu.memref_squeeze %dma_wait3A_119 : memref<1x128xi32, #tpu.memory_space<hbm>> -> memref<128xi32, #tpu.memory_space<hbm>>
        tpu.wait_dma2 semaphore(%run_scoped3A_100 : memref<!tpu.dma_semaphore, #tpu.memory_space<semaphore_mem>>) src(%dma_wait3A_120 : memref<128xi32, #tpu.memory_space<hbm>>) dst(%dma_wait3A_118 : memref<128xi32, #tpu.memory_space<vmem>>)
        tpu.yield
      }) : () -> ()
      %add3A_53 = arith.constant 0 : i32
      %add3A_54 = arith.addi %mul3A_46, %add3A_53 : i32
      %dma_wait3A = arith.constant 0 : i32
      %dma_wait3A_55 = tpu.memref_slice %arg7[%add3A_54, %dma_wait3A] : memref<80x128xi32, #tpu.memory_space<vmem>> -> memref<1x128xi32, #tpu.memory_space<vmem>>
      %dma_wait3A_56 = tpu.memref_squeeze %dma_wait3A_55 : memref<1x128xi32, #tpu.memory_space<vmem>> -> memref<128xi32, #tpu.memory_space<vmem>>
      %dma_wait3A_57 = arith.constant 0 : i32
      %dma_wait3A_58 = arith.constant 0 : i32
      %dma_wait3A_59 = tpu.memref_slice %arg2[%arg0, %dma_wait3A_57, %dma_wait3A_58] : memref<2x10000x128xf32, #tpu.memory_space<hbm>> -> memref<1x10000x128xf32, #tpu.memory_space<hbm>>
      %dma_wait3A_60 = tpu.memref_squeeze %dma_wait3A_59 : memref<1x10000x128xf32, #tpu.memory_space<hbm>> -> memref<10000x128xf32, #tpu.memory_space<hbm>>
      %dma_wait3A_61 = arith.constant 0 : i32
      %dma_wait3A_62 = arith.constant 0 : i32
      %dma_wait3A_63 = tpu.memref_slice %dma_wait3A_60[%dma_wait3A_61, %dma_wait3A_62] : memref<10000x128xf32, #tpu.memory_space<hbm>> -> memref<10000x128xf32, #tpu.memory_space<hbm>>
      tpu.wait_indirect_dma semaphore(%arg12 : memref<!tpu.dma_semaphore, #tpu.memory_space<semaphore_mem>>) src(%dma_wait3A_63 : memref<10000x128xf32, #tpu.memory_space<hbm>>) dst(%arg9 : memref<128x128xf32, #tpu.memory_space<vmem>>)
      %run_scoped3A_64 = arith.constant 0 : i32
      "tpu.region"() ({
        %run_scoped3A_100 = tpu.sem_alloc : memref<!tpu.dma_semaphore, #tpu.memory_space<semaphore_mem>>
        %dma_start3A_101 = arith.constant 0 : i32
        %dma_start3A_102 = tpu.memref_slice %arg8[%run_scoped3A_64, %dma_start3A_101] : memref<2x128xi32, #tpu.memory_space<vmem>> -> memref<1x128xi32, #tpu.memory_space<vmem>>
        %dma_start3A_103 = tpu.memref_squeeze %dma_start3A_102 : memref<1x128xi32, #tpu.memory_space<vmem>> -> memref<128xi32, #tpu.memory_space<vmem>>
        %dma_start3A_104 = arith.constant 0 : i32
        %dma_start3A_105 = arith.constant 0 : i32
        %dma_start3A_106 = tpu.memref_slice %arg11[%dma_start3A_104, %dma_start3A_105] : memref<10008x128xf32, #tpu.memory_space<vmem_shared>> -> memref<10008x128xf32, #tpu.memory_space<vmem_shared>>
        tpu.enqueue_indirect_dma source(%arg9 : memref<128x128xf32, #tpu.memory_space<vmem>>) target(%dma_start3A_106 : memref<10008x128xf32, #tpu.memory_space<vmem_shared>>) offsets(%dma_start3A_103 : memref<128xi32, #tpu.memory_space<vmem>>) semaphore(%run_scoped3A_100 : memref<!tpu.dma_semaphore, #tpu.memory_space<semaphore_mem>>) {add = true}
        %dma_wait3A_107 = arith.constant 0 : i32
        %dma_wait3A_108 = tpu.memref_slice %arg8[%run_scoped3A_64, %dma_wait3A_107] : memref<2x128xi32, #tpu.memory_space<vmem>> -> memref<1x128xi32, #tpu.memory_space<vmem>>
        %dma_wait3A_109 = tpu.memref_squeeze %dma_wait3A_108 : memref<1x128xi32, #tpu.memory_space<vmem>> -> memref<128xi32, #tpu.memory_space<vmem>>
        %dma_wait3A_110 = arith.constant 0 : i32
        %dma_wait3A_111 = arith.constant 0 : i32
        %dma_wait3A_112 = tpu.memref_slice %arg11[%dma_wait3A_110, %dma_wait3A_111] : memref<10008x128xf32, #tpu.memory_space<vmem_shared>> -> memref<10008x128xf32, #tpu.memory_space<vmem_shared>>
        tpu.wait_indirect_dma semaphore(%run_scoped3A_100 : memref<!tpu.dma_semaphore, #tpu.memory_space<semaphore_mem>>) src(%arg9 : memref<128x128xf32, #tpu.memory_space<vmem>>) dst(%dma_wait3A_112 : memref<10008x128xf32, #tpu.memory_space<vmem_shared>>)
        tpu.yield
      }) : () -> ()
      %add3A_65 = arith.constant 0 : i32
      %add3A_66 = arith.addi %mul3A_46, %add3A_65 : i32
      %add3A_67 = arith.constant 2 : i32
      %add3A_68 = arith.addi %add3A_66, %add3A_67 : i32
      %lt3A = arith.constant 80 : i32
      %lt3A_69 = arith.cmpi slt, %add3A_68, %lt3A : i32
      %convert_element_type3A = arith.extui %lt3A_69 : i1 to i32
      %cond3A = arith.constant 0 : i32
      %cond3A_70 = arith.cmpi ne, %convert_element_type3A, %cond3A : i32
      scf.if %cond3A_70 {
        %add3A_100 = arith.constant 0 : i32
        %add3A_101 = arith.addi %mul3A_46, %add3A_100 : i32
        %add3A_102 = arith.constant 2 : i32
        %add3A_103 = arith.addi %add3A_101, %add3A_102 : i32
        %dma_start3A_104 = arith.constant 0 : i32
        %dma_start3A_105 = tpu.memref_slice %arg7[%add3A_103, %dma_start3A_104] : memref<80x128xi32, #tpu.memory_space<vmem>> -> memref<1x128xi32, #tpu.memory_space<vmem>>
        %dma_start3A_106 = tpu.memref_squeeze %dma_start3A_105 : memref<1x128xi32, #tpu.memory_space<vmem>> -> memref<128xi32, #tpu.memory_space<vmem>>
        %dma_start3A_107 = arith.constant 0 : i32
        %dma_start3A_108 = arith.constant 0 : i32
        %dma_start3A_109 = tpu.memref_slice %arg2[%arg0, %dma_start3A_107, %dma_start3A_108] : memref<2x10000x128xf32, #tpu.memory_space<hbm>> -> memref<1x10000x128xf32, #tpu.memory_space<hbm>>
        %dma_start3A_110 = tpu.memref_squeeze %dma_start3A_109 : memref<1x10000x128xf32, #tpu.memory_space<hbm>> -> memref<10000x128xf32, #tpu.memory_space<hbm>>
        %dma_start3A_111 = arith.constant 0 : i32
        %dma_start3A_112 = arith.constant 0 : i32
        %dma_start3A_113 = tpu.memref_slice %dma_start3A_110[%dma_start3A_111, %dma_start3A_112] : memref<10000x128xf32, #tpu.memory_space<hbm>> -> memref<10000x128xf32, #tpu.memory_space<hbm>>
        tpu.enqueue_indirect_dma source(%dma_start3A_113 : memref<10000x128xf32, #tpu.memory_space<hbm>>) target(%arg9 : memref<128x128xf32, #tpu.memory_space<vmem>>) offsets(%dma_start3A_106 : memref<128xi32, #tpu.memory_space<vmem>>) semaphore(%arg12 : memref<!tpu.dma_semaphore, #tpu.memory_space<semaphore_mem>>)
      } else {
      }
      %add3A_71 = arith.constant 1 : i32
      %add3A_72 = arith.addi %mul3A_46, %add3A_71 : i32
      %mul3A_73 = arith.constant 128 : i32
      %mul3A_74 = arith.muli %add3A_72, %mul3A_73 : i32
      %add3A_75 = arith.addi %mul3A_2, %mul3A_74 : i32
      %run_scoped3A_76 = arith.constant 0 : i32
      %run_scoped3A_77 = arith.constant 1 : i32
      "tpu.region"() ({
        %run_scoped3A_100 = tpu.sem_alloc : memref<!tpu.dma_semaphore, #tpu.memory_space<semaphore_mem>>
        %dma_start3A_101 = arith.constant 0 : i32
        %dma_start3A_102 = tpu.memref_slice %arg8[%run_scoped3A_77, %dma_start3A_101] : memref<2x128xi32, #tpu.memory_space<vmem>> -> memref<1x128xi32, #tpu.memory_space<vmem>>
        %dma_start3A_103 = tpu.memref_squeeze %dma_start3A_102 : memref<1x128xi32, #tpu.memory_space<vmem>> -> memref<128xi32, #tpu.memory_space<vmem>>
        %dma_start3A_104 = tpu.memref_slice %arg4[%run_scoped3A_76, %add3A_75] : memref<1x163840xi32, #tpu.memory_space<hbm>> -> memref<1x128xi32, #tpu.memory_space<hbm>>
        %dma_start3A_105 = tpu.memref_squeeze %dma_start3A_104 : memref<1x128xi32, #tpu.memory_space<hbm>> -> memref<128xi32, #tpu.memory_space<hbm>>
        %dma_start3A_106 = arith.constant 0 : i32
        %dma_start3A_107 = tpu.memref_slice %arg8[%run_scoped3A_77, %dma_start3A_106] : memref<2x128xi32, #tpu.memory_space<vmem>> -> memref<1x128xi32, #tpu.memory_space<vmem>>
        %dma_start3A_108 = tpu.memref_squeeze %dma_start3A_107 : memref<1x128xi32, #tpu.memory_space<vmem>> -> memref<128xi32, #tpu.memory_space<vmem>>
        %dma_start3A_109 = tpu.memref_slice %arg4[%run_scoped3A_76, %add3A_75] : memref<1x163840xi32, #tpu.memory_space<hbm>> -> memref<1x128xi32, #tpu.memory_space<hbm>>
        %dma_start3A_110 = tpu.memref_squeeze %dma_start3A_109 : memref<1x128xi32, #tpu.memory_space<hbm>> -> memref<128xi32, #tpu.memory_space<hbm>>
        tpu.enqueue_dma source(%dma_start3A_110 : memref<128xi32, #tpu.memory_space<hbm>>) target(%dma_start3A_108 : memref<128xi32, #tpu.memory_space<vmem>>) target_semaphore(%run_scoped3A_100 : memref<!tpu.dma_semaphore, #tpu.memory_space<semaphore_mem>>)
        %dma_wait3A_111 = arith.constant 0 : i32
        %dma_wait3A_112 = tpu.memref_slice %arg8[%run_scoped3A_77, %dma_wait3A_111] : memref<2x128xi32, #tpu.memory_space<vmem>> -> memref<1x128xi32, #tpu.memory_space<vmem>>
        %dma_wait3A_113 = tpu.memref_squeeze %dma_wait3A_112 : memref<1x128xi32, #tpu.memory_space<vmem>> -> memref<128xi32, #tpu.memory_space<vmem>>
        %dma_wait3A_114 = tpu.memref_slice %arg4[%run_scoped3A_76, %add3A_75] : memref<1x163840xi32, #tpu.memory_space<hbm>> -> memref<1x128xi32, #tpu.memory_space<hbm>>
        %dma_wait3A_115 = tpu.memref_squeeze %dma_wait3A_114 : memref<1x128xi32, #tpu.memory_space<hbm>> -> memref<128xi32, #tpu.memory_space<hbm>>
        %dma_wait3A_116 = arith.constant 0 : i32
        %dma_wait3A_117 = tpu.memref_slice %arg8[%run_scoped3A_77, %dma_wait3A_116] : memref<2x128xi32, #tpu.memory_space<vmem>> -> memref<1x128xi32, #tpu.memory_space<vmem>>
        %dma_wait3A_118 = tpu.memref_squeeze %dma_wait3A_117 : memref<1x128xi32, #tpu.memory_space<vmem>> -> memref<128xi32, #tpu.memory_space<vmem>>
        %dma_wait3A_119 = tpu.memref_slice %arg4[%run_scoped3A_76, %add3A_75] : memref<1x163840xi32, #tpu.memory_space<hbm>> -> memref<1x128xi32, #tpu.memory_space<hbm>>
        %dma_wait3A_120 = tpu.memref_squeeze %dma_wait3A_119 : memref<1x128xi32, #tpu.memory_space<hbm>> -> memref<128xi32, #tpu.memory_space<hbm>>
        tpu.wait_dma2 semaphore(%run_scoped3A_100 : memref<!tpu.dma_semaphore, #tpu.memory_space<semaphore_mem>>) src(%dma_wait3A_120 : memref<128xi32, #tpu.memory_space<hbm>>) dst(%dma_wait3A_118 : memref<128xi32, #tpu.memory_space<vmem>>)
        tpu.yield
      }) : () -> ()
      %add3A_78 = arith.constant 1 : i32
      %add3A_79 = arith.addi %mul3A_46, %add3A_78 : i32
      %dma_wait3A_80 = arith.constant 0 : i32
      %dma_wait3A_81 = tpu.memref_slice %arg7[%add3A_79, %dma_wait3A_80] : memref<80x128xi32, #tpu.memory_space<vmem>> -> memref<1x128xi32, #tpu.memory_space<vmem>>
      %dma_wait3A_82 = tpu.memref_squeeze %dma_wait3A_81 : memref<1x128xi32, #tpu.memory_space<vmem>> -> memref<128xi32, #tpu.memory_space<vmem>>
      %dma_wait3A_83 = arith.constant 0 : i32
      %dma_wait3A_84 = arith.constant 0 : i32
      %dma_wait3A_85 = tpu.memref_slice %arg2[%arg0, %dma_wait3A_83, %dma_wait3A_84] : memref<2x10000x128xf32, #tpu.memory_space<hbm>> -> memref<1x10000x128xf32, #tpu.memory_space<hbm>>
      %dma_wait3A_86 = tpu.memref_squeeze %dma_wait3A_85 : memref<1x10000x128xf32, #tpu.memory_space<hbm>> -> memref<10000x128xf32, #tpu.memory_space<hbm>>
      %dma_wait3A_87 = arith.constant 0 : i32
      %dma_wait3A_88 = arith.constant 0 : i32
      %dma_wait3A_89 = tpu.memref_slice %dma_wait3A_86[%dma_wait3A_87, %dma_wait3A_88] : memref<10000x128xf32, #tpu.memory_space<hbm>> -> memref<10000x128xf32, #tpu.memory_space<hbm>>
      tpu.wait_indirect_dma semaphore(%arg13 : memref<!tpu.dma_semaphore, #tpu.memory_space<semaphore_mem>>) src(%dma_wait3A_89 : memref<10000x128xf32, #tpu.memory_space<hbm>>) dst(%arg10 : memref<128x128xf32, #tpu.memory_space<vmem>>)
      %run_scoped3A_90 = arith.constant 1 : i32
      "tpu.region"() ({
        %run_scoped3A_100 = tpu.sem_alloc : memref<!tpu.dma_semaphore, #tpu.memory_space<semaphore_mem>>
        %dma_start3A_101 = arith.constant 0 : i32
        %dma_start3A_102 = tpu.memref_slice %arg8[%run_scoped3A_90, %dma_start3A_101] : memref<2x128xi32, #tpu.memory_space<vmem>> -> memref<1x128xi32, #tpu.memory_space<vmem>>
        %dma_start3A_103 = tpu.memref_squeeze %dma_start3A_102 : memref<1x128xi32, #tpu.memory_space<vmem>> -> memref<128xi32, #tpu.memory_space<vmem>>
        %dma_start3A_104 = arith.constant 0 : i32
        %dma_start3A_105 = arith.constant 0 : i32
        %dma_start3A_106 = tpu.memref_slice %arg11[%dma_start3A_104, %dma_start3A_105] : memref<10008x128xf32, #tpu.memory_space<vmem_shared>> -> memref<10008x128xf32, #tpu.memory_space<vmem_shared>>
        tpu.enqueue_indirect_dma source(%arg10 : memref<128x128xf32, #tpu.memory_space<vmem>>) target(%dma_start3A_106 : memref<10008x128xf32, #tpu.memory_space<vmem_shared>>) offsets(%dma_start3A_103 : memref<128xi32, #tpu.memory_space<vmem>>) semaphore(%run_scoped3A_100 : memref<!tpu.dma_semaphore, #tpu.memory_space<semaphore_mem>>) {add = true}
        %dma_wait3A_107 = arith.constant 0 : i32
        %dma_wait3A_108 = tpu.memref_slice %arg8[%run_scoped3A_90, %dma_wait3A_107] : memref<2x128xi32, #tpu.memory_space<vmem>> -> memref<1x128xi32, #tpu.memory_space<vmem>>
        %dma_wait3A_109 = tpu.memref_squeeze %dma_wait3A_108 : memref<1x128xi32, #tpu.memory_space<vmem>> -> memref<128xi32, #tpu.memory_space<vmem>>
        %dma_wait3A_110 = arith.constant 0 : i32
        %dma_wait3A_111 = arith.constant 0 : i32
        %dma_wait3A_112 = tpu.memref_slice %arg11[%dma_wait3A_110, %dma_wait3A_111] : memref<10008x128xf32, #tpu.memory_space<vmem_shared>> -> memref<10008x128xf32, #tpu.memory_space<vmem_shared>>
        tpu.wait_indirect_dma semaphore(%run_scoped3A_100 : memref<!tpu.dma_semaphore, #tpu.memory_space<semaphore_mem>>) src(%arg10 : memref<128x128xf32, #tpu.memory_space<vmem>>) dst(%dma_wait3A_112 : memref<10008x128xf32, #tpu.memory_space<vmem_shared>>)
        tpu.yield
      }) : () -> ()
      %add3A_91 = arith.constant 1 : i32
      %add3A_92 = arith.addi %mul3A_46, %add3A_91 : i32
      %add3A_93 = arith.constant 2 : i32
      %add3A_94 = arith.addi %add3A_92, %add3A_93 : i32
      %lt3A_95 = arith.constant 80 : i32
      %lt3A_96 = arith.cmpi slt, %add3A_94, %lt3A_95 : i32
      %convert_element_type3A_97 = arith.extui %lt3A_96 : i1 to i32
      %cond3A_98 = arith.constant 0 : i32
      %cond3A_99 = arith.cmpi ne, %convert_element_type3A_97, %cond3A_98 : i32
      scf.if %cond3A_99 {
        %add3A_100 = arith.constant 1 : i32
        %add3A_101 = arith.addi %mul3A_46, %add3A_100 : i32
        %add3A_102 = arith.constant 2 : i32
        %add3A_103 = arith.addi %add3A_101, %add3A_102 : i32
        %dma_start3A_104 = arith.constant 0 : i32
        %dma_start3A_105 = tpu.memref_slice %arg7[%add3A_103, %dma_start3A_104] : memref<80x128xi32, #tpu.memory_space<vmem>> -> memref<1x128xi32, #tpu.memory_space<vmem>>
        %dma_start3A_106 = tpu.memref_squeeze %dma_start3A_105 : memref<1x128xi32, #tpu.memory_space<vmem>> -> memref<128xi32, #tpu.memory_space<vmem>>
        %dma_start3A_107 = arith.constant 0 : i32
        %dma_start3A_108 = arith.constant 0 : i32
        %dma_start3A_109 = tpu.memref_slice %arg2[%arg0, %dma_start3A_107, %dma_start3A_108] : memref<2x10000x128xf32, #tpu.memory_space<hbm>> -> memref<1x10000x128xf32, #tpu.memory_space<hbm>>
        %dma_start3A_110 = tpu.memref_squeeze %dma_start3A_109 : memref<1x10000x128xf32, #tpu.memory_space<hbm>> -> memref<10000x128xf32, #tpu.memory_space<hbm>>
        %dma_start3A_111 = arith.constant 0 : i32
        %dma_start3A_112 = arith.constant 0 : i32
        %dma_start3A_113 = tpu.memref_slice %dma_start3A_110[%dma_start3A_111, %dma_start3A_112] : memref<10000x128xf32, #tpu.memory_space<hbm>> -> memref<10000x128xf32, #tpu.memory_space<hbm>>
        tpu.enqueue_indirect_dma source(%dma_start3A_113 : memref<10000x128xf32, #tpu.memory_space<hbm>>) target(%arg10 : memref<128x128xf32, #tpu.memory_space<vmem>>) offsets(%dma_start3A_106 : memref<128xi32, #tpu.memory_space<vmem>>) semaphore(%arg13 : memref<!tpu.dma_semaphore, #tpu.memory_space<semaphore_mem>>)
      } else {
      }
    }
    %scan3A_34 = arith.constant 40 : i32
    %barrier3A_35 = arith.constant 0 : index
    tpu.barrier barrier_id(%barrier3A_35)
    %scan3A_36 = arith.constant 0 : i32
    %scan3A_37 = arith.constant 8 : i32
    %scan3A_38 = arith.addi %scan3A_36, %scan3A_37 : i32
    %scan3A_39 = arith.constant 1 : i32
    scf.for %scan3A_41 = %scan3A_36 to %scan3A_38 step %scan3A_39  : i32 {
      %mul3A_42 = arith.constant 1 : i32
      %mul3A_43 = arith.muli %scan3A_41, %mul3A_42 : i32
      %add3A = arith.constant 0 : i32
      %add3A_44 = arith.addi %add3A, %mul3A_43 : i32
      %mul3A_45 = arith.constant 16 : i32
      %mul3A_46 = arith.muli %add3A_44, %mul3A_45 : i32
      %add3A_47 = arith.addi %mul3A_46, %arg1 : i32
      %lt3A = arith.constant 125 : i32
      %lt3A_48 = arith.cmpi slt, %add3A_47, %lt3A : i32
      %convert_element_type3A = arith.extui %lt3A_48 : i1 to i32
      %cond3A = arith.constant 0 : i32
      %cond3A_49 = arith.cmpi ne, %convert_element_type3A, %cond3A : i32
      scf.if %cond3A_49 {
        %mul3A_50 = arith.constant 80 : i32
        %mul3A_51 = arith.muli %add3A_47, %mul3A_50 : i32
        %mul3A_52 = arith.constant 80 : i32
        %mul3A_53 = arith.muli %add3A_47, %mul3A_52 : i32
        "tpu.region"() ({
          %run_scoped3A = tpu.sem_alloc : memref<!tpu.dma_semaphore, #tpu.memory_space<semaphore_mem>>
          %dma_start3A_54 = arith.constant 0 : i32
          %dma_start3A_55 = arith.constant 0 : i32
          %dma_start3A_56 = tpu.memref_slice %arg6[%arg0, %dma_start3A_54, %dma_start3A_55] : memref<2x10000x128xf32, #tpu.memory_space<hbm>> -> memref<1x10000x128xf32, #tpu.memory_space<hbm>>
          %dma_start3A_57 = tpu.memref_squeeze %dma_start3A_56 : memref<1x10000x128xf32, #tpu.memory_space<hbm>> -> memref<10000x128xf32, #tpu.memory_space<hbm>>
          %dma_start3A_58 = arith.constant 0 : i32
          %dma_start3A_59 = tpu.memref_slice %dma_start3A_57[%mul3A_53, %dma_start3A_58] : memref<10000x128xf32, #tpu.memory_space<hbm>> -> memref<80x128xf32, #tpu.memory_space<hbm>>
          %dma_start3A_60 = arith.constant 0 : i32
          %dma_start3A_61 = tpu.memref_slice %arg11[%mul3A_51, %dma_start3A_60] : memref<10008x128xf32, #tpu.memory_space<vmem_shared>> -> memref<80x128xf32, #tpu.memory_space<vmem_shared>>
          tpu.enqueue_dma source(%dma_start3A_61 : memref<80x128xf32, #tpu.memory_space<vmem_shared>>) target(%dma_start3A_59 : memref<80x128xf32, #tpu.memory_space<hbm>>) target_semaphore(%run_scoped3A : memref<!tpu.dma_semaphore, #tpu.memory_space<semaphore_mem>>)
          %dma_wait3A = arith.constant 0 : i32
          %dma_wait3A_62 = arith.constant 0 : i32
          %dma_wait3A_63 = tpu.memref_slice %arg6[%arg0, %dma_wait3A, %dma_wait3A_62] : memref<2x10000x128xf32, #tpu.memory_space<hbm>> -> memref<1x10000x128xf32, #tpu.memory_space<hbm>>
          %dma_wait3A_64 = tpu.memref_squeeze %dma_wait3A_63 : memref<1x10000x128xf32, #tpu.memory_space<hbm>> -> memref<10000x128xf32, #tpu.memory_space<hbm>>
          %dma_wait3A_65 = arith.constant 0 : i32
          %dma_wait3A_66 = tpu.memref_slice %dma_wait3A_64[%mul3A_53, %dma_wait3A_65] : memref<10000x128xf32, #tpu.memory_space<hbm>> -> memref<80x128xf32, #tpu.memory_space<hbm>>
          %dma_wait3A_67 = arith.constant 0 : i32
          %dma_wait3A_68 = tpu.memref_slice %arg11[%mul3A_51, %dma_wait3A_67] : memref<10008x128xf32, #tpu.memory_space<vmem_shared>> -> memref<80x128xf32, #tpu.memory_space<vmem_shared>>
          tpu.wait_dma2 semaphore(%run_scoped3A : memref<!tpu.dma_semaphore, #tpu.memory_space<semaphore_mem>>) src(%dma_wait3A_68 : memref<80x128xf32, #tpu.memory_space<vmem_shared>>) dst(%dma_wait3A_66 : memref<80x128xf32, #tpu.memory_space<hbm>>)
          tpu.yield
        }) : () -> ()
      } else {
      }
    }
    %scan3A_40 = arith.constant 8 : i32
    return
  }
}

#map = affine_map<(d0, d1) -> (0, 0, 0)>
#map1 = affine_map<(d0, d1) -> (0, 0)>
module attributes {stable_mosaic.version = 14 : i64} {
  func.func @k(%arg0: i32, %arg1: i32, %arg2: memref<2x10000x128xf32, #tpu.memory_space<hbm>>, %arg3: memref<1280x128xi32, #tpu.memory_space<hbm>>, %arg4: memref<1x163840xi32, #tpu.memory_space<hbm>>, %arg5: memref<80x128xf32, #tpu.memory_space<hbm>>, %arg6: memref<2x10000x128xf32, #tpu.memory_space<hbm>>, %arg7: memref<80x128xi32, #tpu.memory_space<vmem>>, %arg8: memref<2x128xi32, #tpu.memory_space<vmem>>, %arg9: memref<128x128xf32, #tpu.memory_space<vmem>>, %arg10: memref<128x128xf32, #tpu.memory_space<vmem>>, %arg11: memref<10008x128xf32, #tpu.memory_space<vmem_shared>>, %arg12: memref<!tpu.dma_semaphore, #tpu.memory_space<semaphore_mem>>, %arg13: memref<!tpu.dma_semaphore, #tpu.memory_space<semaphore_mem>>) attributes {dimension_semantics = [#tpu.dimension_semantics<core_parallel>, #tpu.dimension_semantics<subcore_parallel>], iteration_bounds = array<i64: 2, 16>, scalar_prefetch = 0 : i64, scratch_operands = 7 : i64, tpu.core_type = #tpu.core_type<sc_vector_subcore>, window_params = [{transform_indices = #map}, {transform_indices = #map1}, {transform_indices = #map1}, {transform_indices = #map1}, {transform_indices = #map}]} {
    %mul3A = arith.constant 80 : i32
    %mul3A_0 = arith.muli %arg1, %mul3A : i32
    %mul3A_1 = arith.constant 128 : i32
    %mul3A_2 = arith.muli %mul3A_0, %mul3A_1 : i32
    "tpu.region"() ({
      %run_scoped3A = tpu.sem_alloc : memref<!tpu.dma_semaphore, #tpu.memory_space<semaphore_mem>>
      %dma_start3A_41 = arith.constant 0 : i32
      %dma_start3A_42 = arith.constant 0 : i32
      %dma_start3A_43 = tpu.memref_slice %arg9[%dma_start3A_41, %dma_start3A_42] : memref<128x128xf32, #tpu.memory_space<vmem>> -> memref<80x128xf32, #tpu.memory_space<vmem>>
      %dma_start3A_44 = arith.constant 0 : i32
      %dma_start3A_45 = arith.constant 0 : i32
      %dma_start3A_46 = tpu.memref_slice %arg9[%dma_start3A_44, %dma_start3A_45] : memref<128x128xf32, #tpu.memory_space<vmem>> -> memref<80x128xf32, #tpu.memory_space<vmem>>
      tpu.enqueue_dma source(%arg5 : memref<80x128xf32, #tpu.memory_space<hbm>>) target(%dma_start3A_46 : memref<80x128xf32, #tpu.memory_space<vmem>>) target_semaphore(%run_scoped3A : memref<!tpu.dma_semaphore, #tpu.memory_space<semaphore_mem>>)
      %dma_wait3A = arith.constant 0 : i32
      %dma_wait3A_47 = arith.constant 0 : i32
      %dma_wait3A_48 = tpu.memref_slice %arg9[%dma_wait3A, %dma_wait3A_47] : memref<128x128xf32, #tpu.memory_space<vmem>> -> memref<80x128xf32, #tpu.memory_space<vmem>>
      %dma_wait3A_49 = arith.constant 0 : i32
      %dma_wait3A_50 = arith.constant 0 : i32
      %dma_wait3A_51 = tpu.memref_slice %arg9[%dma_wait3A_49, %dma_wait3A_50] : memref<128x128xf32, #tpu.memory_space<vmem>> -> memref<80x128xf32, #tpu.memory_space<vmem>>
      tpu.wait_dma2 semaphore(%run_scoped3A : memref<!tpu.dma_semaphore, #tpu.memory_space<semaphore_mem>>) src(%arg5 : memref<80x128xf32, #tpu.memory_space<hbm>>) dst(%dma_wait3A_51 : memref<80x128xf32, #tpu.memory_space<vmem>>)
      tpu.yield
    }) : () -> ()
    %scan3A = arith.constant 0 : i32
    %scan3A_3 = arith.constant 8 : i32
    %scan3A_4 = arith.addi %scan3A, %scan3A_3 : i32
    %scan3A_5 = arith.constant 1 : i32
    scf.for %scan3A_41 = %scan3A to %scan3A_4 step %scan3A_5  : i32 {
      %mul3A_42 = arith.constant 1 : i32
      %mul3A_43 = arith.muli %scan3A_41, %mul3A_42 : i32
      %add3A = arith.constant 0 : i32
      %add3A_44 = arith.addi %add3A, %mul3A_43 : i32
      %mul3A_45 = arith.constant 16 : i32
      %mul3A_46 = arith.muli %add3A_44, %mul3A_45 : i32
      %add3A_47 = arith.addi %mul3A_46, %arg1 : i32
      %lt3A = arith.constant 125 : i32
      %lt3A_48 = arith.cmpi slt, %add3A_47, %lt3A : i32
      %convert_element_type3A = arith.extui %lt3A_48 : i1 to i32
      %cond3A = arith.constant 0 : i32
      %cond3A_49 = arith.cmpi ne, %convert_element_type3A, %cond3A : i32
      scf.if %cond3A_49 {
        %mul3A_50 = arith.constant 80 : i32
        %mul3A_51 = arith.muli %add3A_47, %mul3A_50 : i32
        "tpu.region"() ({
          %run_scoped3A = tpu.sem_alloc : memref<!tpu.dma_semaphore, #tpu.memory_space<semaphore_mem>>
          %dma_start3A_52 = arith.constant 0 : i32
          %dma_start3A_53 = arith.constant 0 : i32
          %dma_start3A_54 = tpu.memref_slice %arg9[%dma_start3A_52, %dma_start3A_53] : memref<128x128xf32, #tpu.memory_space<vmem>> -> memref<80x128xf32, #tpu.memory_space<vmem>>
          %dma_start3A_55 = arith.constant 0 : i32
          %dma_start3A_56 = tpu.memref_slice %arg11[%mul3A_51, %dma_start3A_55] : memref<10008x128xf32, #tpu.memory_space<vmem_shared>> -> memref<80x128xf32, #tpu.memory_space<vmem_shared>>
          %dma_start3A_57 = arith.constant 0 : i32
          %dma_start3A_58 = tpu.memref_slice %arg11[%mul3A_51, %dma_start3A_57] : memref<10008x128xf32, #tpu.memory_space<vmem_shared>> -> memref<80x128xf32, #tpu.memory_space<vmem_shared>>
          %dma_start3A_59 = arith.constant 0 : i32
          %dma_start3A_60 = arith.constant 0 : i32
          %dma_start3A_61 = tpu.memref_slice %arg9[%dma_start3A_59, %dma_start3A_60] : memref<128x128xf32, #tpu.memory_space<vmem>> -> memref<80x128xf32, #tpu.memory_space<vmem>>
          tpu.enqueue_dma source(%dma_start3A_61 : memref<80x128xf32, #tpu.memory_space<vmem>>) target(%dma_start3A_58 : memref<80x128xf32, #tpu.memory_space<vmem_shared>>) target_semaphore(%run_scoped3A : memref<!tpu.dma_semaphore, #tpu.memory_space<semaphore_mem>>)
          %dma_wait3A = arith.constant 0 : i32
          %dma_wait3A_62 = arith.constant 0 : i32
          %dma_wait3A_63 = tpu.memref_slice %arg9[%dma_wait3A, %dma_wait3A_62] : memref<128x128xf32, #tpu.memory_space<vmem>> -> memref<80x128xf32, #tpu.memory_space<vmem>>
          %dma_wait3A_64 = arith.constant 0 : i32
          %dma_wait3A_65 = tpu.memref_slice %arg11[%mul3A_51, %dma_wait3A_64] : memref<10008x128xf32, #tpu.memory_space<vmem_shared>> -> memref<80x128xf32, #tpu.memory_space<vmem_shared>>
          %dma_wait3A_66 = arith.constant 0 : i32
          %dma_wait3A_67 = tpu.memref_slice %arg11[%mul3A_51, %dma_wait3A_66] : memref<10008x128xf32, #tpu.memory_space<vmem_shared>> -> memref<80x128xf32, #tpu.memory_space<vmem_shared>>
          %dma_wait3A_68 = arith.constant 0 : i32
          %dma_wait3A_69 = arith.constant 0 : i32
          %dma_wait3A_70 = tpu.memref_slice %arg9[%dma_wait3A_68, %dma_wait3A_69] : memref<128x128xf32, #tpu.memory_space<vmem>> -> memref<80x128xf32, #tpu.memory_space<vmem>>
          tpu.wait_dma2 semaphore(%run_scoped3A : memref<!tpu.dma_semaphore, #tpu.memory_space<semaphore_mem>>) src(%dma_wait3A_70 : memref<80x128xf32, #tpu.memory_space<vmem>>) dst(%dma_wait3A_67 : memref<80x128xf32, #tpu.memory_space<vmem_shared>>)
          tpu.yield
        }) : () -> ()
      } else {
      }
    }
    %scan3A_6 = arith.constant 8 : i32
    %mul3A_7 = arith.constant 80 : i32
    %mul3A_8 = arith.muli %arg1, %mul3A_7 : i32
    "tpu.region"() ({
      %run_scoped3A = tpu.sem_alloc : memref<!tpu.dma_semaphore, #tpu.memory_space<semaphore_mem>>
      %dma_start3A_41 = arith.constant 0 : i32
      %dma_start3A_42 = tpu.memref_slice %arg3[%mul3A_8, %dma_start3A_41] : memref<1280x128xi32, #tpu.memory_space<hbm>> -> memref<80x128xi32, #tpu.memory_space<hbm>>
      %dma_start3A_43 = arith.constant 0 : i32
      %dma_start3A_44 = tpu.memref_slice %arg3[%mul3A_8, %dma_start3A_43] : memref<1280x128xi32, #tpu.memory_space<hbm>> -> memref<80x128xi32, #tpu.memory_space<hbm>>
      tpu.enqueue_dma source(%dma_start3A_44 : memref<80x128xi32, #tpu.memory_space<hbm>>) target(%arg7 : memref<80x128xi32, #tpu.memory_space<vmem>>) target_semaphore(%run_scoped3A : memref<!tpu.dma_semaphore, #tpu.memory_space<semaphore_mem>>)
      %dma_wait3A = arith.constant 0 : i32
      %dma_wait3A_45 = tpu.memref_slice %arg3[%mul3A_8, %dma_wait3A] : memref<1280x128xi32, #tpu.memory_space<hbm>> -> memref<80x128xi32, #tpu.memory_space<hbm>>
      %dma_wait3A_46 = arith.constant 0 : i32
      %dma_wait3A_47 = tpu.memref_slice %arg3[%mul3A_8, %dma_wait3A_46] : memref<1280x128xi32, #tpu.memory_space<hbm>> -> memref<80x128xi32, #tpu.memory_space<hbm>>
      tpu.wait_dma2 semaphore(%run_scoped3A : memref<!tpu.dma_semaphore, #tpu.memory_space<semaphore_mem>>) src(%dma_wait3A_47 : memref<80x128xi32, #tpu.memory_space<hbm>>) dst(%arg7 : memref<80x128xi32, #tpu.memory_space<vmem>>)
      tpu.yield
    }) : () -> ()
    %barrier3A = arith.constant 0 : index
    tpu.barrier barrier_id(%barrier3A)
    %dma_start3A = arith.constant 0 : i32
    %dma_start3A_9 = arith.constant 0 : i32
    %dma_start3A_10 = tpu.memref_slice %arg7[%dma_start3A, %dma_start3A_9] : memref<80x128xi32, #tpu.memory_space<vmem>> -> memref<1x128xi32, #tpu.memory_space<vmem>>
    %dma_start3A_11 = tpu.memref_squeeze %dma_start3A_10 : memref<1x128xi32, #tpu.memory_space<vmem>> -> memref<128xi32, #tpu.memory_space<vmem>>
    %dma_start3A_12 = arith.constant 0 : i32
    %dma_start3A_13 = arith.constant 0 : i32
    %dma_start3A_14 = tpu.memref_slice %arg2[%arg0, %dma_start3A_12, %dma_start3A_13] : memref<2x10000x128xf32, #tpu.memory_space<hbm>> -> memref<1x10000x128xf32, #tpu.memory_space<hbm>>
    %dma_start3A_15 = tpu.memref_squeeze %dma_start3A_14 : memref<1x10000x128xf32, #tpu.memory_space<hbm>> -> memref<10000x128xf32, #tpu.memory_space<hbm>>
    %dma_start3A_16 = arith.constant 0 : i32
    %dma_start3A_17 = arith.constant 0 : i32
    %dma_start3A_18 = tpu.memref_slice %dma_start3A_15[%dma_start3A_16, %dma_start3A_17] : memref<10000x128xf32, #tpu.memory_space<hbm>> -> memref<10000x128xf32, #tpu.memory_space<hbm>>
    tpu.enqueue_indirect_dma source(%dma_start3A_18 : memref<10000x128xf32, #tpu.memory_space<hbm>>) target(%arg9 : memref<128x128xf32, #tpu.memory_space<vmem>>) offsets(%dma_start3A_11 : memref<128xi32, #tpu.memory_space<vmem>>) semaphore(%arg12 : memref<!tpu.dma_semaphore, #tpu.memory_space<semaphore_mem>>)
    %dma_start3A_19 = arith.constant 1 : i32
    %dma_start3A_20 = arith.constant 0 : i32
    %dma_start3A_21 = tpu.memref_slice %arg7[%dma_start3A_19, %dma_start3A_20] : memref<80x128xi32, #tpu.memory_space<vmem>> -> memref<1x128xi32, #tpu.memory_space<vmem>>
    %dma_start3A_22 = tpu.memref_squeeze %dma_start3A_21 : memref<1x128xi32, #tpu.memory_space<vmem>> -> memref<128xi32, #tpu.memory_space<vmem>>
    %dma_start3A_23 = arith.constant 0 : i32
    %dma_start3A_24 = arith.constant 0 : i32
    %dma_start3A_25 = tpu.memref_slice %arg2[%arg0, %dma_start3A_23, %dma_start3A_24] : memref<2x10000x128xf32, #tpu.memory_space<hbm>> -> memref<1x10000x128xf32, #tpu.memory_space<hbm>>
    %dma_start3A_26 = tpu.memref_squeeze %dma_start3A_25 : memref<1x10000x128xf32, #tpu.memory_space<hbm>> -> memref<10000x128xf32, #tpu.memory_space<hbm>>
    %dma_start3A_27 = arith.constant 0 : i32
    %dma_start3A_28 = arith.constant 0 : i32
    %dma_start3A_29 = tpu.memref_slice %dma_start3A_26[%dma_start3A_27, %dma_start3A_28] : memref<10000x128xf32, #tpu.memory_space<hbm>> -> memref<10000x128xf32, #tpu.memory_space<hbm>>
    tpu.enqueue_indirect_dma source(%dma_start3A_29 : memref<10000x128xf32, #tpu.memory_space<hbm>>) target(%arg10 : memref<128x128xf32, #tpu.memory_space<vmem>>) offsets(%dma_start3A_22 : memref<128xi32, #tpu.memory_space<vmem>>) semaphore(%arg13 : memref<!tpu.dma_semaphore, #tpu.memory_space<semaphore_mem>>)
    %scan3A_30 = arith.constant 0 : i32
    %scan3A_31 = arith.constant 40 : i32
    %scan3A_32 = arith.addi %scan3A_30, %scan3A_31 : i32
    %scan3A_33 = arith.constant 1 : i32
    scf.for %scan3A_41 = %scan3A_30 to %scan3A_32 step %scan3A_33  : i32 {
      %mul3A_42 = arith.constant 1 : i32
      %mul3A_43 = arith.muli %scan3A_41, %mul3A_42 : i32
      %add3A = arith.constant 0 : i32
      %add3A_44 = arith.addi %add3A, %mul3A_43 : i32
      %mul3A_45 = arith.constant 2 : i32
      %mul3A_46 = arith.muli %mul3A_45, %add3A_44 : i32
      %add3A_47 = arith.constant 0 : i32
      %add3A_48 = arith.addi %mul3A_46, %add3A_47 : i32
      %mul3A_49 = arith.constant 128 : i32
      %mul3A_50 = arith.muli %add3A_48, %mul3A_49 : i32
      %add3A_51 = arith.addi %mul3A_2, %mul3A_50 : i32
      %run_scoped3A = arith.constant 0 : i32
      %run_scoped3A_52 = arith.constant 0 : i32
      "tpu.region"() ({
        %run_scoped3A_100 = tpu.sem_alloc : memref<!tpu.dma_semaphore, #tpu.memory_space<semaphore_mem>>
        %dma_start3A_101 = arith.constant 0 : i32
        %dma_start3A_102 = tpu.memref_slice %arg8[%run_scoped3A_52, %dma_start3A_101] : memref<2x128xi32, #tpu.memory_space<vmem>> -> memref<1x128xi32, #tpu.memory_space<vmem>>
        %dma_start3A_103 = tpu.memref_squeeze %dma_start3A_102 : memref<1x128xi32, #tpu.memory_space<vmem>> -> memref<128xi32, #tpu.memory_space<vmem>>
        %dma_start3A_104 = tpu.memref_slice %arg4[%run_scoped3A, %add3A_51] : memref<1x163840xi32, #tpu.memory_space<hbm>> -> memref<1x128xi32, #tpu.memory_space<hbm>>
        %dma_start3A_105 = tpu.memref_squeeze %dma_start3A_104 : memref<1x128xi32, #tpu.memory_space<hbm>> -> memref<128xi32, #tpu.memory_space<hbm>>
        %dma_start3A_106 = arith.constant 0 : i32
        %dma_start3A_107 = tpu.memref_slice %arg8[%run_scoped3A_52, %dma_start3A_106] : memref<2x128xi32, #tpu.memory_space<vmem>> -> memref<1x128xi32, #tpu.memory_space<vmem>>
        %dma_start3A_108 = tpu.memref_squeeze %dma_start3A_107 : memref<1x128xi32, #tpu.memory_space<vmem>> -> memref<128xi32, #tpu.memory_space<vmem>>
        %dma_start3A_109 = tpu.memref_slice %arg4[%run_scoped3A, %add3A_51] : memref<1x163840xi32, #tpu.memory_space<hbm>> -> memref<1x128xi32, #tpu.memory_space<hbm>>
        %dma_start3A_110 = tpu.memref_squeeze %dma_start3A_109 : memref<1x128xi32, #tpu.memory_space<hbm>> -> memref<128xi32, #tpu.memory_space<hbm>>
        tpu.enqueue_dma source(%dma_start3A_110 : memref<128xi32, #tpu.memory_space<hbm>>) target(%dma_start3A_108 : memref<128xi32, #tpu.memory_space<vmem>>) target_semaphore(%run_scoped3A_100 : memref<!tpu.dma_semaphore, #tpu.memory_space<semaphore_mem>>)
        %dma_wait3A_111 = arith.constant 0 : i32
        %dma_wait3A_112 = tpu.memref_slice %arg8[%run_scoped3A_52, %dma_wait3A_111] : memref<2x128xi32, #tpu.memory_space<vmem>> -> memref<1x128xi32, #tpu.memory_space<vmem>>
        %dma_wait3A_113 = tpu.memref_squeeze %dma_wait3A_112 : memref<1x128xi32, #tpu.memory_space<vmem>> -> memref<128xi32, #tpu.memory_space<vmem>>
        %dma_wait3A_114 = tpu.memref_slice %arg4[%run_scoped3A, %add3A_51] : memref<1x163840xi32, #tpu.memory_space<hbm>> -> memref<1x128xi32, #tpu.memory_space<hbm>>
        %dma_wait3A_115 = tpu.memref_squeeze %dma_wait3A_114 : memref<1x128xi32, #tpu.memory_space<hbm>> -> memref<128xi32, #tpu.memory_space<hbm>>
        %dma_wait3A_116 = arith.constant 0 : i32
        %dma_wait3A_117 = tpu.memref_slice %arg8[%run_scoped3A_52, %dma_wait3A_116] : memref<2x128xi32, #tpu.memory_space<vmem>> -> memref<1x128xi32, #tpu.memory_space<vmem>>
        %dma_wait3A_118 = tpu.memref_squeeze %dma_wait3A_117 : memref<1x128xi32, #tpu.memory_space<vmem>> -> memref<128xi32, #tpu.memory_space<vmem>>
        %dma_wait3A_119 = tpu.memref_slice %arg4[%run_scoped3A, %add3A_51] : memref<1x163840xi32, #tpu.memory_space<hbm>> -> memref<1x128xi32, #tpu.memory_space<hbm>>
        %dma_wait3A_120 = tpu.memref_squeeze %dma_wait3A_119 : memref<1x128xi32, #tpu.memory_space<hbm>> -> memref<128xi32, #tpu.memory_space<hbm>>
        tpu.wait_dma2 semaphore(%run_scoped3A_100 : memref<!tpu.dma_semaphore, #tpu.memory_space<semaphore_mem>>) src(%dma_wait3A_120 : memref<128xi32, #tpu.memory_space<hbm>>) dst(%dma_wait3A_118 : memref<128xi32, #tpu.memory_space<vmem>>)
        tpu.yield
      }) : () -> ()
      %add3A_53 = arith.constant 0 : i32
      %add3A_54 = arith.addi %mul3A_46, %add3A_53 : i32
      %dma_wait3A = arith.constant 0 : i32
      %dma_wait3A_55 = tpu.memref_slice %arg7[%add3A_54, %dma_wait3A] : memref<80x128xi32, #tpu.memory_space<vmem>> -> memref<1x128xi32, #tpu.memory_space<vmem>>
      %dma_wait3A_56 = tpu.memref_squeeze %dma_wait3A_55 : memref<1x128xi32, #tpu.memory_space<vmem>> -> memref<128xi32, #tpu.memory_space<vmem>>
      %dma_wait3A_57 = arith.constant 0 : i32
      %dma_wait3A_58 = arith.constant 0 : i32
      %dma_wait3A_59 = tpu.memref_slice %arg2[%arg0, %dma_wait3A_57, %dma_wait3A_58] : memref<2x10000x128xf32, #tpu.memory_space<hbm>> -> memref<1x10000x128xf32, #tpu.memory_space<hbm>>
      %dma_wait3A_60 = tpu.memref_squeeze %dma_wait3A_59 : memref<1x10000x128xf32, #tpu.memory_space<hbm>> -> memref<10000x128xf32, #tpu.memory_space<hbm>>
      %dma_wait3A_61 = arith.constant 0 : i32
      %dma_wait3A_62 = arith.constant 0 : i32
      %dma_wait3A_63 = tpu.memref_slice %dma_wait3A_60[%dma_wait3A_61, %dma_wait3A_62] : memref<10000x128xf32, #tpu.memory_space<hbm>> -> memref<10000x128xf32, #tpu.memory_space<hbm>>
      tpu.wait_indirect_dma semaphore(%arg12 : memref<!tpu.dma_semaphore, #tpu.memory_space<semaphore_mem>>) src(%dma_wait3A_63 : memref<10000x128xf32, #tpu.memory_space<hbm>>) dst(%arg9 : memref<128x128xf32, #tpu.memory_space<vmem>>)
      %run_scoped3A_64 = arith.constant 0 : i32
      "tpu.region"() ({
        %run_scoped3A_100 = tpu.sem_alloc : memref<!tpu.dma_semaphore, #tpu.memory_space<semaphore_mem>>
        %dma_start3A_101 = arith.constant 0 : i32
        %dma_start3A_102 = tpu.memref_slice %arg8[%run_scoped3A_64, %dma_start3A_101] : memref<2x128xi32, #tpu.memory_space<vmem>> -> memref<1x128xi32, #tpu.memory_space<vmem>>
        %dma_start3A_103 = tpu.memref_squeeze %dma_start3A_102 : memref<1x128xi32, #tpu.memory_space<vmem>> -> memref<128xi32, #tpu.memory_space<vmem>>
        %dma_start3A_104 = arith.constant 0 : i32
        %dma_start3A_105 = arith.constant 0 : i32
        %dma_start3A_106 = tpu.memref_slice %arg11[%dma_start3A_104, %dma_start3A_105] : memref<10008x128xf32, #tpu.memory_space<vmem_shared>> -> memref<10008x128xf32, #tpu.memory_space<vmem_shared>>
        tpu.enqueue_indirect_dma source(%arg9 : memref<128x128xf32, #tpu.memory_space<vmem>>) target(%dma_start3A_106 : memref<10008x128xf32, #tpu.memory_space<vmem_shared>>) offsets(%dma_start3A_103 : memref<128xi32, #tpu.memory_space<vmem>>) semaphore(%run_scoped3A_100 : memref<!tpu.dma_semaphore, #tpu.memory_space<semaphore_mem>>) {add = true}
        %dma_wait3A_107 = arith.constant 0 : i32
        %dma_wait3A_108 = tpu.memref_slice %arg8[%run_scoped3A_64, %dma_wait3A_107] : memref<2x128xi32, #tpu.memory_space<vmem>> -> memref<1x128xi32, #tpu.memory_space<vmem>>
        %dma_wait3A_109 = tpu.memref_squeeze %dma_wait3A_108 : memref<1x128xi32, #tpu.memory_space<vmem>> -> memref<128xi32, #tpu.memory_space<vmem>>
        %dma_wait3A_110 = arith.constant 0 : i32
        %dma_wait3A_111 = arith.constant 0 : i32
        %dma_wait3A_112 = tpu.memref_slice %arg11[%dma_wait3A_110, %dma_wait3A_111] : memref<10008x128xf32, #tpu.memory_space<vmem_shared>> -> memref<10008x128xf32, #tpu.memory_space<vmem_shared>>
        tpu.wait_indirect_dma semaphore(%run_scoped3A_100 : memref<!tpu.dma_semaphore, #tpu.memory_space<semaphore_mem>>) src(%arg9 : memref<128x128xf32, #tpu.memory_space<vmem>>) dst(%dma_wait3A_112 : memref<10008x128xf32, #tpu.memory_space<vmem_shared>>)
        tpu.yield
      }) : () -> ()
      %add3A_65 = arith.constant 0 : i32
      %add3A_66 = arith.addi %mul3A_46, %add3A_65 : i32
      %add3A_67 = arith.constant 2 : i32
      %add3A_68 = arith.addi %add3A_66, %add3A_67 : i32
      %lt3A = arith.constant 80 : i32
      %lt3A_69 = arith.cmpi slt, %add3A_68, %lt3A : i32
      %convert_element_type3A = arith.extui %lt3A_69 : i1 to i32
      %cond3A = arith.constant 0 : i32
      %cond3A_70 = arith.cmpi ne, %convert_element_type3A, %cond3A : i32
      scf.if %cond3A_70 {
        %add3A_100 = arith.constant 0 : i32
        %add3A_101 = arith.addi %mul3A_46, %add3A_100 : i32
        %add3A_102 = arith.constant 2 : i32
        %add3A_103 = arith.addi %add3A_101, %add3A_102 : i32
        %dma_start3A_104 = arith.constant 0 : i32
        %dma_start3A_105 = tpu.memref_slice %arg7[%add3A_103, %dma_start3A_104] : memref<80x128xi32, #tpu.memory_space<vmem>> -> memref<1x128xi32, #tpu.memory_space<vmem>>
        %dma_start3A_106 = tpu.memref_squeeze %dma_start3A_105 : memref<1x128xi32, #tpu.memory_space<vmem>> -> memref<128xi32, #tpu.memory_space<vmem>>
        %dma_start3A_107 = arith.constant 0 : i32
        %dma_start3A_108 = arith.constant 0 : i32
        %dma_start3A_109 = tpu.memref_slice %arg2[%arg0, %dma_start3A_107, %dma_start3A_108] : memref<2x10000x128xf32, #tpu.memory_space<hbm>> -> memref<1x10000x128xf32, #tpu.memory_space<hbm>>
        %dma_start3A_110 = tpu.memref_squeeze %dma_start3A_109 : memref<1x10000x128xf32, #tpu.memory_space<hbm>> -> memref<10000x128xf32, #tpu.memory_space<hbm>>
        %dma_start3A_111 = arith.constant 0 : i32
        %dma_start3A_112 = arith.constant 0 : i32
        %dma_start3A_113 = tpu.memref_slice %dma_start3A_110[%dma_start3A_111, %dma_start3A_112] : memref<10000x128xf32, #tpu.memory_space<hbm>> -> memref<10000x128xf32, #tpu.memory_space<hbm>>
        tpu.enqueue_indirect_dma source(%dma_start3A_113 : memref<10000x128xf32, #tpu.memory_space<hbm>>) target(%arg9 : memref<128x128xf32, #tpu.memory_space<vmem>>) offsets(%dma_start3A_106 : memref<128xi32, #tpu.memory_space<vmem>>) semaphore(%arg12 : memref<!tpu.dma_semaphore, #tpu.memory_space<semaphore_mem>>)
      } else {
      }
      %add3A_71 = arith.constant 1 : i32
      %add3A_72 = arith.addi %mul3A_46, %add3A_71 : i32
      %mul3A_73 = arith.constant 128 : i32
      %mul3A_74 = arith.muli %add3A_72, %mul3A_73 : i32
      %add3A_75 = arith.addi %mul3A_2, %mul3A_74 : i32
      %run_scoped3A_76 = arith.constant 0 : i32
      %run_scoped3A_77 = arith.constant 1 : i32
      "tpu.region"() ({
        %run_scoped3A_100 = tpu.sem_alloc : memref<!tpu.dma_semaphore, #tpu.memory_space<semaphore_mem>>
        %dma_start3A_101 = arith.constant 0 : i32
        %dma_start3A_102 = tpu.memref_slice %arg8[%run_scoped3A_77, %dma_start3A_101] : memref<2x128xi32, #tpu.memory_space<vmem>> -> memref<1x128xi32, #tpu.memory_space<vmem>>
        %dma_start3A_103 = tpu.memref_squeeze %dma_start3A_102 : memref<1x128xi32, #tpu.memory_space<vmem>> -> memref<128xi32, #tpu.memory_space<vmem>>
        %dma_start3A_104 = tpu.memref_slice %arg4[%run_scoped3A_76, %add3A_75] : memref<1x163840xi32, #tpu.memory_space<hbm>> -> memref<1x128xi32, #tpu.memory_space<hbm>>
        %dma_start3A_105 = tpu.memref_squeeze %dma_start3A_104 : memref<1x128xi32, #tpu.memory_space<hbm>> -> memref<128xi32, #tpu.memory_space<hbm>>
        %dma_start3A_106 = arith.constant 0 : i32
        %dma_start3A_107 = tpu.memref_slice %arg8[%run_scoped3A_77, %dma_start3A_106] : memref<2x128xi32, #tpu.memory_space<vmem>> -> memref<1x128xi32, #tpu.memory_space<vmem>>
        %dma_start3A_108 = tpu.memref_squeeze %dma_start3A_107 : memref<1x128xi32, #tpu.memory_space<vmem>> -> memref<128xi32, #tpu.memory_space<vmem>>
        %dma_start3A_109 = tpu.memref_slice %arg4[%run_scoped3A_76, %add3A_75] : memref<1x163840xi32, #tpu.memory_space<hbm>> -> memref<1x128xi32, #tpu.memory_space<hbm>>
        %dma_start3A_110 = tpu.memref_squeeze %dma_start3A_109 : memref<1x128xi32, #tpu.memory_space<hbm>> -> memref<128xi32, #tpu.memory_space<hbm>>
        tpu.enqueue_dma source(%dma_start3A_110 : memref<128xi32, #tpu.memory_space<hbm>>) target(%dma_start3A_108 : memref<128xi32, #tpu.memory_space<vmem>>) target_semaphore(%run_scoped3A_100 : memref<!tpu.dma_semaphore, #tpu.memory_space<semaphore_mem>>)
        %dma_wait3A_111 = arith.constant 0 : i32
        %dma_wait3A_112 = tpu.memref_slice %arg8[%run_scoped3A_77, %dma_wait3A_111] : memref<2x128xi32, #tpu.memory_space<vmem>> -> memref<1x128xi32, #tpu.memory_space<vmem>>
        %dma_wait3A_113 = tpu.memref_squeeze %dma_wait3A_112 : memref<1x128xi32, #tpu.memory_space<vmem>> -> memref<128xi32, #tpu.memory_space<vmem>>
        %dma_wait3A_114 = tpu.memref_slice %arg4[%run_scoped3A_76, %add3A_75] : memref<1x163840xi32, #tpu.memory_space<hbm>> -> memref<1x128xi32, #tpu.memory_space<hbm>>
        %dma_wait3A_115 = tpu.memref_squeeze %dma_wait3A_114 : memref<1x128xi32, #tpu.memory_space<hbm>> -> memref<128xi32, #tpu.memory_space<hbm>>
        %dma_wait3A_116 = arith.constant 0 : i32
        %dma_wait3A_117 = tpu.memref_slice %arg8[%run_scoped3A_77, %dma_wait3A_116] : memref<2x128xi32, #tpu.memory_space<vmem>> -> memref<1x128xi32, #tpu.memory_space<vmem>>
        %dma_wait3A_118 = tpu.memref_squeeze %dma_wait3A_117 : memref<1x128xi32, #tpu.memory_space<vmem>> -> memref<128xi32, #tpu.memory_space<vmem>>
        %dma_wait3A_119 = tpu.memref_slice %arg4[%run_scoped3A_76, %add3A_75] : memref<1x163840xi32, #tpu.memory_space<hbm>> -> memref<1x128xi32, #tpu.memory_space<hbm>>
        %dma_wait3A_120 = tpu.memref_squeeze %dma_wait3A_119 : memref<1x128xi32, #tpu.memory_space<hbm>> -> memref<128xi32, #tpu.memory_space<hbm>>
        tpu.wait_dma2 semaphore(%run_scoped3A_100 : memref<!tpu.dma_semaphore, #tpu.memory_space<semaphore_mem>>) src(%dma_wait3A_120 : memref<128xi32, #tpu.memory_space<hbm>>) dst(%dma_wait3A_118 : memref<128xi32, #tpu.memory_space<vmem>>)
        tpu.yield
      }) : () -> ()
      %add3A_78 = arith.constant 1 : i32
      %add3A_79 = arith.addi %mul3A_46, %add3A_78 : i32
      %dma_wait3A_80 = arith.constant 0 : i32
      %dma_wait3A_81 = tpu.memref_slice %arg7[%add3A_79, %dma_wait3A_80] : memref<80x128xi32, #tpu.memory_space<vmem>> -> memref<1x128xi32, #tpu.memory_space<vmem>>
      %dma_wait3A_82 = tpu.memref_squeeze %dma_wait3A_81 : memref<1x128xi32, #tpu.memory_space<vmem>> -> memref<128xi32, #tpu.memory_space<vmem>>
      %dma_wait3A_83 = arith.constant 0 : i32
      %dma_wait3A_84 = arith.constant 0 : i32
      %dma_wait3A_85 = tpu.memref_slice %arg2[%arg0, %dma_wait3A_83, %dma_wait3A_84] : memref<2x10000x128xf32, #tpu.memory_space<hbm>> -> memref<1x10000x128xf32, #tpu.memory_space<hbm>>
      %dma_wait3A_86 = tpu.memref_squeeze %dma_wait3A_85 : memref<1x10000x128xf32, #tpu.memory_space<hbm>> -> memref<10000x128xf32, #tpu.memory_space<hbm>>
      %dma_wait3A_87 = arith.constant 0 : i32
      %dma_wait3A_88 = arith.constant 0 : i32
      %dma_wait3A_89 = tpu.memref_slice %dma_wait3A_86[%dma_wait3A_87, %dma_wait3A_88] : memref<10000x128xf32, #tpu.memory_space<hbm>> -> memref<10000x128xf32, #tpu.memory_space<hbm>>
      tpu.wait_indirect_dma semaphore(%arg13 : memref<!tpu.dma_semaphore, #tpu.memory_space<semaphore_mem>>) src(%dma_wait3A_89 : memref<10000x128xf32, #tpu.memory_space<hbm>>) dst(%arg10 : memref<128x128xf32, #tpu.memory_space<vmem>>)
      %run_scoped3A_90 = arith.constant 1 : i32
      "tpu.region"() ({
        %run_scoped3A_100 = tpu.sem_alloc : memref<!tpu.dma_semaphore, #tpu.memory_space<semaphore_mem>>
        %dma_start3A_101 = arith.constant 0 : i32
        %dma_start3A_102 = tpu.memref_slice %arg8[%run_scoped3A_90, %dma_start3A_101] : memref<2x128xi32, #tpu.memory_space<vmem>> -> memref<1x128xi32, #tpu.memory_space<vmem>>
        %dma_start3A_103 = tpu.memref_squeeze %dma_start3A_102 : memref<1x128xi32, #tpu.memory_space<vmem>> -> memref<128xi32, #tpu.memory_space<vmem>>
        %dma_start3A_104 = arith.constant 0 : i32
        %dma_start3A_105 = arith.constant 0 : i32
        %dma_start3A_106 = tpu.memref_slice %arg11[%dma_start3A_104, %dma_start3A_105] : memref<10008x128xf32, #tpu.memory_space<vmem_shared>> -> memref<10008x128xf32, #tpu.memory_space<vmem_shared>>
        tpu.enqueue_indirect_dma source(%arg10 : memref<128x128xf32, #tpu.memory_space<vmem>>) target(%dma_start3A_106 : memref<10008x128xf32, #tpu.memory_space<vmem_shared>>) offsets(%dma_start3A_103 : memref<128xi32, #tpu.memory_space<vmem>>) semaphore(%run_scoped3A_100 : memref<!tpu.dma_semaphore, #tpu.memory_space<semaphore_mem>>) {add = true}
        %dma_wait3A_107 = arith.constant 0 : i32
        %dma_wait3A_108 = tpu.memref_slice %arg8[%run_scoped3A_90, %dma_wait3A_107] : memref<2x128xi32, #tpu.memory_space<vmem>> -> memref<1x128xi32, #tpu.memory_space<vmem>>
        %dma_wait3A_109 = tpu.memref_squeeze %dma_wait3A_108 : memref<1x128xi32, #tpu.memory_space<vmem>> -> memref<128xi32, #tpu.memory_space<vmem>>
        %dma_wait3A_110 = arith.constant 0 : i32
        %dma_wait3A_111 = arith.constant 0 : i32
        %dma_wait3A_112 = tpu.memref_slice %arg11[%dma_wait3A_110, %dma_wait3A_111] : memref<10008x128xf32, #tpu.memory_space<vmem_shared>> -> memref<10008x128xf32, #tpu.memory_space<vmem_shared>>
        tpu.wait_indirect_dma semaphore(%run_scoped3A_100 : memref<!tpu.dma_semaphore, #tpu.memory_space<semaphore_mem>>) src(%arg10 : memref<128x128xf32, #tpu.memory_space<vmem>>) dst(%dma_wait3A_112 : memref<10008x128xf32, #tpu.memory_space<vmem_shared>>)
        tpu.yield
      }) : () -> ()
      %add3A_91 = arith.constant 1 : i32
      %add3A_92 = arith.addi %mul3A_46, %add3A_91 : i32
      %add3A_93 = arith.constant 2 : i32
      %add3A_94 = arith.addi %add3A_92, %add3A_93 : i32
      %lt3A_95 = arith.constant 80 : i32
      %lt3A_96 = arith.cmpi slt, %add3A_94, %lt3A_95 : i32
      %convert_element_type3A_97 = arith.extui %lt3A_96 : i1 to i32
      %cond3A_98 = arith.constant 0 : i32
      %cond3A_99 = arith.cmpi ne, %convert_element_type3A_97, %cond3A_98 : i32
      scf.if %cond3A_99 {
        %add3A_100 = arith.constant 1 : i32
        %add3A_101 = arith.addi %mul3A_46, %add3A_100 : i32
        %add3A_102 = arith.constant 2 : i32
        %add3A_103 = arith.addi %add3A_101, %add3A_102 : i32
        %dma_start3A_104 = arith.constant 0 : i32
        %dma_start3A_105 = tpu.memref_slice %arg7[%add3A_103, %dma_start3A_104] : memref<80x128xi32, #tpu.memory_space<vmem>> -> memref<1x128xi32, #tpu.memory_space<vmem>>
        %dma_start3A_106 = tpu.memref_squeeze %dma_start3A_105 : memref<1x128xi32, #tpu.memory_space<vmem>> -> memref<128xi32, #tpu.memory_space<vmem>>
        %dma_start3A_107 = arith.constant 0 : i32
        %dma_start3A_108 = arith.constant 0 : i32
        %dma_start3A_109 = tpu.memref_slice %arg2[%arg0, %dma_start3A_107, %dma_start3A_108] : memref<2x10000x128xf32, #tpu.memory_space<hbm>> -> memref<1x10000x128xf32, #tpu.memory_space<hbm>>
        %dma_start3A_110 = tpu.memref_squeeze %dma_start3A_109 : memref<1x10000x128xf32, #tpu.memory_space<hbm>> -> memref<10000x128xf32, #tpu.memory_space<hbm>>
        %dma_start3A_111 = arith.constant 0 : i32
        %dma_start3A_112 = arith.constant 0 : i32
        %dma_start3A_113 = tpu.memref_slice %dma_start3A_110[%dma_start3A_111, %dma_start3A_112] : memref<10000x128xf32, #tpu.memory_space<hbm>> -> memref<10000x128xf32, #tpu.memory_space<hbm>>
        tpu.enqueue_indirect_dma source(%dma_start3A_113 : memref<10000x128xf32, #tpu.memory_space<hbm>>) target(%arg10 : memref<128x128xf32, #tpu.memory_space<vmem>>) offsets(%dma_start3A_106 : memref<128xi32, #tpu.memory_space<vmem>>) semaphore(%arg13 : memref<!tpu.dma_semaphore, #tpu.memory_space<semaphore_mem>>)
      } else {
      }
    }
    %scan3A_34 = arith.constant 40 : i32
    %barrier3A_35 = arith.constant 0 : index
    tpu.barrier barrier_id(%barrier3A_35)
    %scan3A_36 = arith.constant 0 : i32
    %scan3A_37 = arith.constant 8 : i32
    %scan3A_38 = arith.addi %scan3A_36, %scan3A_37 : i32
    %scan3A_39 = arith.constant 1 : i32
    scf.for %scan3A_41 = %scan3A_36 to %scan3A_38 step %scan3A_39  : i32 {
      %mul3A_42 = arith.constant 1 : i32
      %mul3A_43 = arith.muli %scan3A_41, %mul3A_42 : i32
      %add3A = arith.constant 0 : i32
      %add3A_44 = arith.addi %add3A, %mul3A_43 : i32
      %mul3A_45 = arith.constant 16 : i32
      %mul3A_46 = arith.muli %add3A_44, %mul3A_45 : i32
      %add3A_47 = arith.addi %mul3A_46, %arg1 : i32
      %lt3A = arith.constant 125 : i32
      %lt3A_48 = arith.cmpi slt, %add3A_47, %lt3A : i32
      %convert_element_type3A = arith.extui %lt3A_48 : i1 to i32
      %cond3A = arith.constant 0 : i32
      %cond3A_49 = arith.cmpi ne, %convert_element_type3A, %cond3A : i32
      scf.if %cond3A_49 {
        %mul3A_50 = arith.constant 80 : i32
        %mul3A_51 = arith.muli %add3A_47, %mul3A_50 : i32
        %mul3A_52 = arith.constant 80 : i32
        %mul3A_53 = arith.muli %add3A_47, %mul3A_52 : i32
        "tpu.region"() ({
          %run_scoped3A = tpu.sem_alloc : memref<!tpu.dma_semaphore, #tpu.memory_space<semaphore_mem>>
          %dma_start3A_54 = arith.constant 0 : i32
          %dma_start3A_55 = arith.constant 0 : i32
          %dma_start3A_56 = tpu.memref_slice %arg6[%arg0, %dma_start3A_54, %dma_start3A_55] : memref<2x10000x128xf32, #tpu.memory_space<hbm>> -> memref<1x10000x128xf32, #tpu.memory_space<hbm>>
          %dma_start3A_57 = tpu.memref_squeeze %dma_start3A_56 : memref<1x10000x128xf32, #tpu.memory_space<hbm>> -> memref<10000x128xf32, #tpu.memory_space<hbm>>
          %dma_start3A_58 = arith.constant 0 : i32
          %dma_start3A_59 = tpu.memref_slice %dma_start3A_57[%mul3A_53, %dma_start3A_58] : memref<10000x128xf32, #tpu.memory_space<hbm>> -> memref<80x128xf32, #tpu.memory_space<hbm>>
          %dma_start3A_60 = arith.constant 0 : i32
          %dma_start3A_61 = tpu.memref_slice %arg11[%mul3A_51, %dma_start3A_60] : memref<10008x128xf32, #tpu.memory_space<vmem_shared>> -> memref<80x128xf32, #tpu.memory_space<vmem_shared>>
          tpu.enqueue_dma source(%dma_start3A_61 : memref<80x128xf32, #tpu.memory_space<vmem_shared>>) target(%dma_start3A_59 : memref<80x128xf32, #tpu.memory_space<hbm>>) target_semaphore(%run_scoped3A : memref<!tpu.dma_semaphore, #tpu.memory_space<semaphore_mem>>)
          %dma_wait3A = arith.constant 0 : i32
          %dma_wait3A_62 = arith.constant 0 : i32
          %dma_wait3A_63 = tpu.memref_slice %arg6[%arg0, %dma_wait3A, %dma_wait3A_62] : memref<2x10000x128xf32, #tpu.memory_space<hbm>> -> memref<1x10000x128xf32, #tpu.memory_space<hbm>>
          %dma_wait3A_64 = tpu.memref_squeeze %dma_wait3A_63 : memref<1x10000x128xf32, #tpu.memory_space<hbm>> -> memref<10000x128xf32, #tpu.memory_space<hbm>>
          %dma_wait3A_65 = arith.constant 0 : i32
          %dma_wait3A_66 = tpu.memref_slice %dma_wait3A_64[%mul3A_53, %dma_wait3A_65] : memref<10000x128xf32, #tpu.memory_space<hbm>> -> memref<80x128xf32, #tpu.memory_space<hbm>>
          %dma_wait3A_67 = arith.constant 0 : i32
          %dma_wait3A_68 = tpu.memref_slice %arg11[%mul3A_51, %dma_wait3A_67] : memref<10008x128xf32, #tpu.memory_space<vmem_shared>> -> memref<80x128xf32, #tpu.memory_space<vmem_shared>>
          tpu.wait_dma2 semaphore(%run_scoped3A : memref<!tpu.dma_semaphore, #tpu.memory_space<semaphore_mem>>) src(%dma_wait3A_68 : memref<80x128xf32, #tpu.memory_space<vmem_shared>>) dst(%dma_wait3A_66 : memref<80x128xf32, #tpu.memory_space<hbm>>)
          tpu.yield
        }) : () -> ()
      } else {
      }
    }
    %scan3A_40 = arith.constant 8 : i32
    return
  }
}

module attributes {stable_mosaic.version = 14 : i64} {
  func.func @_mlp_body(%arg0: i32, %arg1: memref<1x1xf32, #tpu.memory_space<vmem>>, %arg2: memref<2x1000x128xf32, #tpu.memory_space<vmem>>, %arg3: memref<2x1000x128xf32, #tpu.memory_space<vmem>>, %arg4: memref<256x256xf32, #tpu.memory_space<vmem>>, %arg5: memref<1x256xf32, #tpu.memory_space<vmem>>, %arg6: memref<256x256xf32, #tpu.memory_space<vmem>>, %arg7: memref<1x256xf32, #tpu.memory_space<vmem>>, %arg8: memref<1000x256xf32, #tpu.memory_space<vmem>>, %arg9: memref<2x256xf32, #tpu.memory_space<vmem>>) attributes {dimension_semantics = [#tpu.dimension_semantics<arbitrary>], iteration_bounds = array<i64: 10>, scalar_prefetch = 0 : i64, scratch_operands = 0 : i64, tpu.core_type = #tpu.core_type<tc>, window_params = [{pipeline_mode = #tpu.pipeline_mode<synchronous>, transform_indices = @transform_0, window_bounds = array<i64: 1, 1>}, {transform_indices = @transform_1, window_bounds = array<i64: 2, 1000, 128>}, {transform_indices = @transform_2, window_bounds = array<i64: 2, 1000, 128>}, {pipeline_mode = #tpu.pipeline_mode<synchronous>, transform_indices = @transform_3, window_bounds = array<i64: 256, 256>}, {pipeline_mode = #tpu.pipeline_mode<synchronous>, transform_indices = @transform_4, window_bounds = array<i64: 1, 256>}, {pipeline_mode = #tpu.pipeline_mode<synchronous>, transform_indices = @transform_5, window_bounds = array<i64: 256, 256>}, {pipeline_mode = #tpu.pipeline_mode<synchronous>, transform_indices = @transform_6, window_bounds = array<i64: 1, 256>}, {transform_indices = @transform_7, window_bounds = array<i64: 1000, 256>}, {pipeline_mode = #tpu.pipeline_mode<synchronous>, transform_indices = @transform_8, window_bounds = array<i64: 2, 256>}]} {
    %get3A = arith.constant 0 : index
    %get3A_0 = arith.constant 0 : index
    %get3A_1 = vector.load %arg1[%get3A, %get3A_0] : memref<1x1xf32, #tpu.memory_space<vmem>>, vector<1x1xf32>
    %get3A_2 = vector.extract %get3A_1[0, 0] : f32 from vector<1x1xf32>
    %add3A = arith.constant 1.000000e+00 : f32
    %add3A_3 = arith.addf %add3A, %get3A_2 : f32
    %get3A_4 = arith.constant 0 : index
    %get3A_5 = arith.constant 0 : index
    %get3A_6 = arith.constant 0 : index
    %get3A_7 = vector.load %arg2[%get3A_4, %get3A_5, %get3A_6] : memref<2x1000x128xf32, #tpu.memory_space<vmem>>, vector<1x1000x128xf32>
    %get3A_8 = vector.shape_cast %get3A_7 : vector<1x1000x128xf32> to vector<1000x128xf32>
    %mul3A = vector.broadcast %add3A_3 : f32 to vector<1000x128xf32>
    %mul3A_9 = arith.mulf %mul3A, %get3A_8 : vector<1000x128xf32>
    %get3A_10 = arith.constant 0 : index
    %get3A_11 = arith.constant 0 : index
    %get3A_12 = arith.constant 0 : index
    %get3A_13 = vector.load %arg3[%get3A_10, %get3A_11, %get3A_12] : memref<2x1000x128xf32, #tpu.memory_space<vmem>>, vector<1x1000x128xf32>
    %get3A_14 = vector.shape_cast %get3A_13 : vector<1x1000x128xf32> to vector<1000x128xf32>
    %add3A_15 = arith.addf %mul3A_9, %get3A_14 : vector<1000x128xf32>
    %get3A_16 = arith.constant 1 : index
    %get3A_17 = arith.constant 0 : index
    %get3A_18 = arith.constant 0 : index
    %get3A_19 = vector.load %arg2[%get3A_16, %get3A_17, %get3A_18] : memref<2x1000x128xf32, #tpu.memory_space<vmem>>, vector<1x1000x128xf32>
    %get3A_20 = vector.shape_cast %get3A_19 : vector<1x1000x128xf32> to vector<1000x128xf32>
    %mul3A_21 = vector.broadcast %add3A_3 : f32 to vector<1000x128xf32>
    %mul3A_22 = arith.mulf %mul3A_21, %get3A_20 : vector<1000x128xf32>
    %get3A_23 = arith.constant 1 : index
    %get3A_24 = arith.constant 0 : index
    %get3A_25 = arith.constant 0 : index
    %get3A_26 = vector.load %arg3[%get3A_23, %get3A_24, %get3A_25] : memref<2x1000x128xf32, #tpu.memory_space<vmem>>, vector<1x1000x128xf32>
    %get3A_27 = vector.shape_cast %get3A_26 : vector<1x1000x128xf32> to vector<1000x128xf32>
    %add3A_28 = arith.addf %mul3A_22, %get3A_27 : vector<1000x128xf32>
    %concatenate3A = tpu.concatenate %add3A_15, %add3A_28 in 1 : vector<1000x128xf32>, vector<1000x128xf32> -> vector<1000x256xf32>
    %get3A_29 = arith.constant 0 : index
    %get3A_30 = arith.constant 0 : index
    %get3A_31 = vector.load %arg4[%get3A_29, %get3A_30] : memref<256x256xf32, #tpu.memory_space<vmem>>, vector<256x256xf32>
    %dot_general3A = arith.constant dense<0.000000e+00> : vector<1000x256xf32>
    %dot_general3A_32 = tpu.matmul %concatenate3A, %get3A_31, %dot_general3A {dimension_numbers = #tpu.dot_dimension_numbers<[1], [0], [0], [1], [0, 0, 1, 1], [], []>, transpose_lhs_hint = false} : vector<1000x256xf32>, vector<256x256xf32>, vector<1000x256xf32> -> vector<1000x256xf32>
    %get3A_33 = arith.constant 0 : index
    %get3A_34 = arith.constant 0 : index
    %get3A_35 = vector.load %arg5[%get3A_33, %get3A_34] : memref<1x256xf32, #tpu.memory_space<vmem>>, vector<1x256xf32>
    %get3A_36 = vector.shape_cast %get3A_35 : vector<1x256xf32> to vector<256xf32>
    %broadcast_in_dim3A = vector.shape_cast %get3A_36 : vector<256xf32> to vector<1x256xf32>
    %add3A_37 = vector.broadcast %broadcast_in_dim3A : vector<1x256xf32> to vector<1000x256xf32>
    %add3A_38 = arith.addf %dot_general3A_32, %add3A_37 : vector<1000x256xf32>
    %gt3A = arith.constant 0.000000e+00 : f32
    %gt3A_39 = vector.broadcast %gt3A : f32 to vector<1000x256xf32>
    %gt3A_40 = arith.cmpf ogt, %add3A_38, %gt3A_39 : vector<1000x256xf32>
    %exp3A = math.exp %add3A_38 : vector<1000x256xf32>
    %sub3A = arith.constant 1.000000e+00 : f32
    %sub3A_41 = vector.broadcast %sub3A : f32 to vector<1000x256xf32>
    %sub3A_42 = arith.subf %exp3A, %sub3A_41 : vector<1000x256xf32>
    %select_n3A = arith.select %gt3A_40, %add3A_38, %sub3A_42 : vector<1000x256xi1>, vector<1000x256xf32>
    %get3A_43 = arith.constant 0 : index
    %get3A_44 = arith.constant 0 : index
    %get3A_45 = vector.load %arg6[%get3A_43, %get3A_44] : memref<256x256xf32, #tpu.memory_space<vmem>>, vector<256x256xf32>
    %dot_general3A_46 = arith.constant dense<0.000000e+00> : vector<1000x256xf32>
    %dot_general3A_47 = tpu.matmul %select_n3A, %get3A_45, %dot_general3A_46 {dimension_numbers = #tpu.dot_dimension_numbers<[1], [0], [0], [1], [0, 0, 1, 1], [], []>, transpose_lhs_hint = false} : vector<1000x256xf32>, vector<256x256xf32>, vector<1000x256xf32> -> vector<1000x256xf32>
    %get3A_48 = arith.constant 0 : index
    %get3A_49 = arith.constant 0 : index
    %get3A_50 = vector.load %arg7[%get3A_48, %get3A_49] : memref<1x256xf32, #tpu.memory_space<vmem>>, vector<1x256xf32>
    %get3A_51 = vector.shape_cast %get3A_50 : vector<1x256xf32> to vector<256xf32>
    %broadcast_in_dim3A_52 = vector.shape_cast %get3A_51 : vector<256xf32> to vector<1x256xf32>
    %add3A_53 = vector.broadcast %broadcast_in_dim3A_52 : vector<1x256xf32> to vector<1000x256xf32>
    %add3A_54 = arith.addf %dot_general3A_47, %add3A_53 : vector<1000x256xf32>
    %gt3A_55 = arith.constant 0.000000e+00 : f32
    %gt3A_56 = vector.broadcast %gt3A_55 : f32 to vector<1000x256xf32>
    %gt3A_57 = arith.cmpf ogt, %add3A_54, %gt3A_56 : vector<1000x256xf32>
    %exp3A_58 = math.exp %add3A_54 : vector<1000x256xf32>
    %sub3A_59 = arith.constant 1.000000e+00 : f32
    %sub3A_60 = vector.broadcast %sub3A_59 : f32 to vector<1000x256xf32>
    %sub3A_61 = arith.subf %exp3A_58, %sub3A_60 : vector<1000x256xf32>
    %select_n3A_62 = arith.select %gt3A_57, %add3A_54, %sub3A_61 : vector<1000x256xi1>, vector<1000x256xf32>
    %swap3A = arith.constant 0 : index
    %swap3A_63 = arith.constant 0 : index
    %swap3A_64 = vector.load %arg8[%swap3A, %swap3A_63] : memref<1000x256xf32, #tpu.memory_space<vmem>>, vector<1000x256xf32>
    tpu.vector_store %arg8[%swap3A, %swap3A_63], %select_n3A_62 {strides = array<i32>} : memref<1000x256xf32, #tpu.memory_space<vmem>>, vector<1000x256xf32>,
    %eq3A = arith.constant 0 : i32
    %eq3A_65 = arith.cmpi eq, %arg0, %eq3A : i32
    %convert_element_type3A = arith.extui %eq3A_65 : i1 to i32
    %cond3A = arith.constant 0 : i32
    %cond3A_66 = arith.cmpi ne, %convert_element_type3A, %cond3A : i32
    scf.if %cond3A_66 {
      %broadcast_in_dim3A_87 = arith.constant 0.000000e+00 : f32
      %broadcast_in_dim3A_88 = vector.broadcast %broadcast_in_dim3A_87 : f32 to vector<2x256xf32>
      %swap3A_89 = arith.constant 0 : index
      %swap3A_90 = arith.constant 0 : index
      %swap3A_91 = vector.load %arg9[%swap3A_89, %swap3A_90] : memref<2x256xf32, #tpu.memory_space<vmem>>, vector<2x256xf32>
      tpu.vector_store %arg9[%swap3A_89, %swap3A_90], %broadcast_in_dim3A_88 {strides = array<i32>} : memref<2x256xf32, #tpu.memory_space<vmem>>, vector<2x256xf32>,
    } else {
    }
    %get3A_67 = arith.constant 0 : index
    %get3A_68 = arith.constant 0 : index
    %get3A_69 = vector.load %arg9[%get3A_67, %get3A_68] : memref<2x256xf32, #tpu.memory_space<vmem>>, vector<1x256xf32>
    %reduce_sum3A = arith.constant dense<0.000000e+00> : vector<256xf32>
    %reduce_sum3A_70 = vector.multi_reduction <add>, %select_n3A_62, %reduce_sum3A [0] : vector<1000x256xf32> to vector<256xf32>
    %broadcast_in_dim3A_71 = vector.shape_cast %reduce_sum3A_70 : vector<256xf32> to vector<1x256xf32>
    %add3A_72 = arith.addf %get3A_69, %broadcast_in_dim3A_71 : vector<1x256xf32>
    %swap3A_73 = arith.constant 0 : index
    %swap3A_74 = arith.constant 0 : index
    %swap3A_75 = vector.load %arg9[%swap3A_73, %swap3A_74] : memref<2x256xf32, #tpu.memory_space<vmem>>, vector<1x256xf32>
    tpu.vector_store %arg9[%swap3A_73, %swap3A_74], %add3A_72 {strides = array<i32>} : memref<2x256xf32, #tpu.memory_space<vmem>>, vector<1x256xf32>,
    %get3A_76 = arith.constant 1 : index
    %get3A_77 = arith.constant 0 : index
    %get3A_78 = vector.load %arg9[%get3A_76, %get3A_77] : memref<2x256xf32, #tpu.memory_space<vmem>>, vector<1x256xf32>
    %mul3A_79 = arith.mulf %select_n3A_62, %select_n3A_62 : vector<1000x256xf32>
    %reduce_sum3A_80 = arith.constant dense<0.000000e+00> : vector<256xf32>
    %reduce_sum3A_81 = vector.multi_reduction <add>, %mul3A_79, %reduce_sum3A_80 [0] : vector<1000x256xf32> to vector<256xf32>
    %broadcast_in_dim3A_82 = vector.shape_cast %reduce_sum3A_81 : vector<256xf32> to vector<1x256xf32>
    %add3A_83 = arith.addf %get3A_78, %broadcast_in_dim3A_82 : vector<1x256xf32>
    %swap3A_84 = arith.constant 1 : index
    %swap3A_85 = arith.constant 0 : index
    %swap3A_86 = vector.load %arg9[%swap3A_84, %swap3A_85] : memref<2x256xf32, #tpu.memory_space<vmem>>, vector<1x256xf32>
    tpu.vector_store %arg9[%swap3A_84, %swap3A_85], %add3A_83 {strides = array<i32>} : memref<2x256xf32, #tpu.memory_space<vmem>>, vector<1x256xf32>,
    return
  }
  func.func @transform_0(%arg0: i32) -> (i32, i32) {
    %c0_i32 = arith.constant 0 : i32
    %c0_i32_0 = arith.constant 0 : i32
    %c0_i32_1 = arith.constant 0 : i32
    return %c0_i32, %c0_i32_0 : i32, i32
  }
  func.func @transform_1(%arg0: i32) -> (i32, i32, i32) {
    %c0_i32 = arith.constant 0 : i32
    %c0_i32_0 = arith.constant 0 : i32
    %c0_i32_1 = arith.constant 0 : i32
    return %c0_i32, %arg0, %c0_i32_0 : i32, i32, i32
  }
  func.func @transform_2(%arg0: i32) -> (i32, i32, i32) {
    %c0_i32 = arith.constant 0 : i32
    %c0_i32_0 = arith.constant 0 : i32
    %c0_i32_1 = arith.constant 0 : i32
    return %c0_i32, %arg0, %c0_i32_0 : i32, i32, i32
  }
  func.func @transform_3(%arg0: i32) -> (i32, i32) {
    %c0_i32 = arith.constant 0 : i32
    %c0_i32_0 = arith.constant 0 : i32
    %c0_i32_1 = arith.constant 0 : i32
    return %c0_i32, %c0_i32_0 : i32, i32
  }
  func.func @transform_4(%arg0: i32) -> (i32, i32) {
    %c0_i32 = arith.constant 0 : i32
    %c0_i32_0 = arith.constant 0 : i32
    %c0_i32_1 = arith.constant 0 : i32
    return %c0_i32, %c0_i32_0 : i32, i32
  }
  func.func @transform_5(%arg0: i32) -> (i32, i32) {
    %c0_i32 = arith.constant 0 : i32
    %c0_i32_0 = arith.constant 0 : i32
    %c0_i32_1 = arith.constant 0 : i32
    return %c0_i32, %c0_i32_0 : i32, i32
  }
  func.func @transform_6(%arg0: i32) -> (i32, i32) {
    %c0_i32 = arith.constant 0 : i32
    %c0_i32_0 = arith.constant 0 : i32
    %c0_i32_1 = arith.constant 0 : i32
    return %c0_i32, %c0_i32_0 : i32, i32
  }
  func.func @transform_7(%arg0: i32) -> (i32, i32) {
    %c0_i32 = arith.constant 0 : i32
    %c0_i32_0 = arith.constant 0 : i32
    return %arg0, %c0_i32 : i32, i32
  }
  func.func @transform_8(%arg0: i32) -> (i32, i32) {
    %c0_i32 = arith.constant 0 : i32
    %c0_i32_0 = arith.constant 0 : i32
    %c0_i32_1 = arith.constant 0 : i32
    return %c0_i32, %c0_i32_0 : i32, i32
  }
}

module attributes {stable_mosaic.version = 14 : i64} {
  func.func @_bn_body(%arg0: i32, %arg1: memref<2x256xf32, #tpu.memory_space<vmem>>, %arg2: memref<1x256xf32, #tpu.memory_space<vmem>>, %arg3: memref<1x256xf32, #tpu.memory_space<vmem>>, %arg4: memref<1000x256xf32, #tpu.memory_space<vmem>>, %arg5: memref<2x1000x128xf32, #tpu.memory_space<vmem>>) attributes {dimension_semantics = [#tpu.dimension_semantics<arbitrary>], iteration_bounds = array<i64: 10>, scalar_prefetch = 0 : i64, scratch_operands = 0 : i64, tpu.core_type = #tpu.core_type<tc>, window_params = [{pipeline_mode = #tpu.pipeline_mode<synchronous>, transform_indices = @transform_0, window_bounds = array<i64: 2, 256>}, {pipeline_mode = #tpu.pipeline_mode<synchronous>, transform_indices = @transform_1, window_bounds = array<i64: 1, 256>}, {pipeline_mode = #tpu.pipeline_mode<synchronous>, transform_indices = @transform_2, window_bounds = array<i64: 1, 256>}, {transform_indices = @transform_3, window_bounds = array<i64: 1000, 256>}, {transform_indices = @transform_4, window_bounds = array<i64: 2, 1000, 128>}]} {
    %get3A = arith.constant 0 : index
    %get3A_0 = arith.constant 0 : index
    %get3A_1 = vector.load %arg1[%get3A, %get3A_0] : memref<2x256xf32, #tpu.memory_space<vmem>>, vector<1x256xf32>
    %get3A_2 = vector.shape_cast %get3A_1 : vector<1x256xf32> to vector<256xf32>
    %mul3A = arith.constant 9.99999974E-5 : f32
    %mul3A_3 = vector.broadcast %mul3A : f32 to vector<256xf32>
    %mul3A_4 = arith.mulf %get3A_2, %mul3A_3 : vector<256xf32>
    %get3A_5 = arith.constant 1 : index
    %get3A_6 = arith.constant 0 : index
    %get3A_7 = vector.load %arg1[%get3A_5, %get3A_6] : memref<2x256xf32, #tpu.memory_space<vmem>>, vector<1x256xf32>
    %get3A_8 = vector.shape_cast %get3A_7 : vector<1x256xf32> to vector<256xf32>
    %mul3A_9 = arith.constant 9.99999974E-5 : f32
    %mul3A_10 = vector.broadcast %mul3A_9 : f32 to vector<256xf32>
    %mul3A_11 = arith.mulf %get3A_8, %mul3A_10 : vector<256xf32>
    %mul3A_12 = arith.mulf %mul3A_4, %mul3A_4 : vector<256xf32>
    %sub3A = arith.subf %mul3A_11, %mul3A_12 : vector<256xf32>
    %add3A = arith.constant 9.99999974E-6 : f32
    %add3A_13 = vector.broadcast %add3A : f32 to vector<256xf32>
    %add3A_14 = arith.addf %sub3A, %add3A_13 : vector<256xf32>
    %rsqrt3A = math.rsqrt %add3A_14 : vector<256xf32>
    %get3A_15 = arith.constant 0 : index
    %get3A_16 = arith.constant 0 : index
    %get3A_17 = vector.load %arg2[%get3A_15, %get3A_16] : memref<1x256xf32, #tpu.memory_space<vmem>>, vector<1x256xf32>
    %get3A_18 = vector.shape_cast %get3A_17 : vector<1x256xf32> to vector<256xf32>
    %mul3A_19 = arith.mulf %rsqrt3A, %get3A_18 : vector<256xf32>
    %get3A_20 = arith.constant 0 : index
    %get3A_21 = arith.constant 0 : index
    %get3A_22 = vector.load %arg4[%get3A_20, %get3A_21] : memref<1000x256xf32, #tpu.memory_space<vmem>>, vector<1000x256xf32>
    %broadcast_in_dim3A = vector.shape_cast %mul3A_4 : vector<256xf32> to vector<1x256xf32>
    %sub3A_23 = vector.broadcast %broadcast_in_dim3A : vector<1x256xf32> to vector<1000x256xf32>
    %sub3A_24 = arith.subf %get3A_22, %sub3A_23 : vector<1000x256xf32>
    %broadcast_in_dim3A_25 = vector.shape_cast %mul3A_19 : vector<256xf32> to vector<1x256xf32>
    %mul3A_26 = vector.broadcast %broadcast_in_dim3A_25 : vector<1x256xf32> to vector<1000x256xf32>
    %mul3A_27 = arith.mulf %sub3A_24, %mul3A_26 : vector<1000x256xf32>
    %get3A_28 = arith.constant 0 : index
    %get3A_29 = arith.constant 0 : index
    %get3A_30 = vector.load %arg3[%get3A_28, %get3A_29] : memref<1x256xf32, #tpu.memory_space<vmem>>, vector<1x256xf32>
    %get3A_31 = vector.shape_cast %get3A_30 : vector<1x256xf32> to vector<256xf32>
    %broadcast_in_dim3A_32 = vector.shape_cast %get3A_31 : vector<256xf32> to vector<1x256xf32>
    %add3A_33 = vector.broadcast %broadcast_in_dim3A_32 : vector<1x256xf32> to vector<1000x256xf32>
    %add3A_34 = arith.addf %mul3A_27, %add3A_33 : vector<1000x256xf32>
    %slice3A = vector.extract_strided_slice %add3A_34 {offsets = [0, 0], sizes = [1000, 128], strides = [1, 1]} : vector<1000x256xf32> to vector<1000x128xf32>
    %swap3A = arith.constant 0 : index
    %swap3A_35 = arith.constant 0 : index
    %swap3A_36 = arith.constant 0 : index
    %swap3A_37 = vector.load %arg5[%swap3A, %swap3A_35, %swap3A_36] : memref<2x1000x128xf32, #tpu.memory_space<vmem>>, vector<1x1000x128xf32>
    %swap3A_38 = vector.shape_cast %swap3A_37 : vector<1x1000x128xf32> to vector<1000x128xf32>
    %swap3A_39 = vector.shape_cast %slice3A : vector<1000x128xf32> to vector<1x1000x128xf32>
    tpu.vector_store %arg5[%swap3A, %swap3A_35, %swap3A_36], %swap3A_39 {strides = array<i32>} : memref<2x1000x128xf32, #tpu.memory_space<vmem>>, vector<1x1000x128xf32>,
    %slice3A_40 = vector.extract_strided_slice %add3A_34 {offsets = [0, 128], sizes = [1000, 128], strides = [1, 1]} : vector<1000x256xf32> to vector<1000x128xf32>
    %swap3A_41 = arith.constant 1 : index
    %swap3A_42 = arith.constant 0 : index
    %swap3A_43 = arith.constant 0 : index
    %swap3A_44 = vector.load %arg5[%swap3A_41, %swap3A_42, %swap3A_43] : memref<2x1000x128xf32, #tpu.memory_space<vmem>>, vector<1x1000x128xf32>
    %swap3A_45 = vector.shape_cast %swap3A_44 : vector<1x1000x128xf32> to vector<1000x128xf32>
    %swap3A_46 = vector.shape_cast %slice3A_40 : vector<1000x128xf32> to vector<1x1000x128xf32>
    tpu.vector_store %arg5[%swap3A_41, %swap3A_42, %swap3A_43], %swap3A_46 {strides = array<i32>} : memref<2x1000x128xf32, #tpu.memory_space<vmem>>, vector<1x1000x128xf32>,
    return
  }
  func.func @transform_0(%arg0: i32) -> (i32, i32) {
    %c0_i32 = arith.constant 0 : i32
    %c0_i32_0 = arith.constant 0 : i32
    %c0_i32_1 = arith.constant 0 : i32
    return %c0_i32, %c0_i32_0 : i32, i32
  }
  func.func @transform_1(%arg0: i32) -> (i32, i32) {
    %c0_i32 = arith.constant 0 : i32
    %c0_i32_0 = arith.constant 0 : i32
    %c0_i32_1 = arith.constant 0 : i32
    return %c0_i32, %c0_i32_0 : i32, i32
  }
  func.func @transform_2(%arg0: i32) -> (i32, i32) {
    %c0_i32 = arith.constant 0 : i32
    %c0_i32_0 = arith.constant 0 : i32
    %c0_i32_1 = arith.constant 0 : i32
    return %c0_i32, %c0_i32_0 : i32, i32
  }
  func.func @transform_3(%arg0: i32) -> (i32, i32) {
    %c0_i32 = arith.constant 0 : i32
    %c0_i32_0 = arith.constant 0 : i32
    return %arg0, %c0_i32 : i32, i32
  }
  func.func @transform_4(%arg0: i32) -> (i32, i32, i32) {
    %c0_i32 = arith.constant 0 : i32
    %c0_i32_0 = arith.constant 0 : i32
    %c0_i32_1 = arith.constant 0 : i32
    return %c0_i32, %arg0, %c0_i32_0 : i32, i32, i32
  }
}

module attributes {stable_mosaic.version = 14 : i64} {
  func.func @_pool_body(%arg0: i32, %arg1: memref<1x1x1000xi32, #tpu.memory_space<vmem>>, %arg2: memref<2x1000x128xf32, #tpu.memory_space<vmem>>, %arg3: memref<64x256xf32, #tpu.memory_space<vmem>>, %arg4: memref<64x256xf32, #tpu.memory_space<vmem>>, %arg5: memref<1x64xf32, #tpu.memory_space<vmem>>) attributes {dimension_semantics = [#tpu.dimension_semantics<arbitrary>], iteration_bounds = array<i64: 10>, scalar_prefetch = 0 : i64, scratch_operands = 2 : i64, tpu.core_type = #tpu.core_type<tc>, window_params = [{transform_indices = @transform_0, window_bounds = array<i64: 1, 1, 1000>}, {transform_indices = @transform_1, window_bounds = array<i64: 2, 1000, 128>}, {pipeline_mode = #tpu.pipeline_mode<synchronous>, transform_indices = @transform_2, window_bounds = array<i64: 64, 256>}]} {
    %eq3A = arith.constant 0 : i32
    %eq3A_0 = arith.cmpi eq, %arg0, %eq3A : i32
    %convert_element_type3A = arith.extui %eq3A_0 : i1 to i32
    %cond3A = arith.constant 0 : i32
    %cond3A_1 = arith.cmpi ne, %convert_element_type3A, %cond3A : i32
    scf.if %cond3A_1 {
      %broadcast_in_dim3A_40 = arith.constant 0.000000e+00 : f32
      %broadcast_in_dim3A_41 = vector.broadcast %broadcast_in_dim3A_40 : f32 to vector<64x256xf32>
      %swap3A_42 = arith.constant 0 : index
      %swap3A_43 = arith.constant 0 : index
      %swap3A_44 = vector.load %arg4[%swap3A_42, %swap3A_43] : memref<64x256xf32, #tpu.memory_space<vmem>>, vector<64x256xf32>
      tpu.vector_store %arg4[%swap3A_42, %swap3A_43], %broadcast_in_dim3A_41 {strides = array<i32>} : memref<64x256xf32, #tpu.memory_space<vmem>>, vector<64x256xf32>,
      %broadcast_in_dim3A_45 = arith.constant 0.000000e+00 : f32
      %broadcast_in_dim3A_46 = vector.broadcast %broadcast_in_dim3A_45 : f32 to vector<1x64xf32>
      %swap3A_47 = arith.constant 0 : index
      %swap3A_48 = arith.constant 0 : index
      %swap3A_49 = vector.load %arg5[%swap3A_47, %swap3A_48] : memref<1x64xf32, #tpu.memory_space<vmem>>, vector<1x64xf32>
      tpu.vector_store %arg5[%swap3A_47, %swap3A_48], %broadcast_in_dim3A_46 {strides = array<i32>} : memref<1x64xf32, #tpu.memory_space<vmem>>, vector<1x64xf32>,
    } else {
    }
    %get3A = arith.constant 0 : index
    %get3A_2 = arith.constant 0 : index
    %get3A_3 = arith.constant 0 : index
    %get3A_4 = vector.load %arg1[%get3A, %get3A_2, %get3A_3] : memref<1x1x1000xi32, #tpu.memory_space<vmem>>, vector<1x1x1000xi32>
    %get3A_5 = vector.shape_cast %get3A_4 : vector<1x1x1000xi32> to vector<1000xi32>
    %broadcast_in_dim3A = vector.shape_cast %get3A_5 : vector<1000xi32> to vector<1000x1xi32>
    %iota3A = tpu.iota {dimensions = array<i32: 1>} : vector<1000x64xi32>
    %eq3A_6 = vector.broadcast %broadcast_in_dim3A : vector<1000x1xi32> to vector<1000x64xi32>
    %eq3A_7 = arith.cmpi eq, %eq3A_6, %iota3A : vector<1000x64xi32>
    %convert_element_type3A_8 = arith.extui %eq3A_7 : vector<1000x64xi1> to vector<1000x64xi32>
    %convert_element_type3A_9 = arith.sitofp %convert_element_type3A_8 : vector<1000x64xi32> to vector<1000x64xf32>
    %get3A_10 = arith.constant 0 : index
    %get3A_11 = arith.constant 0 : index
    %get3A_12 = arith.constant 0 : index
    %get3A_13 = vector.load %arg2[%get3A_10, %get3A_11, %get3A_12] : memref<2x1000x128xf32, #tpu.memory_space<vmem>>, vector<1x1000x128xf32>
    %get3A_14 = vector.shape_cast %get3A_13 : vector<1x1000x128xf32> to vector<1000x128xf32>
    %get3A_15 = arith.constant 1 : index
    %get3A_16 = arith.constant 0 : index
    %get3A_17 = arith.constant 0 : index
    %get3A_18 = vector.load %arg2[%get3A_15, %get3A_16, %get3A_17] : memref<2x1000x128xf32, #tpu.memory_space<vmem>>, vector<1x1000x128xf32>
    %get3A_19 = vector.shape_cast %get3A_18 : vector<1x1000x128xf32> to vector<1000x128xf32>
    %concatenate3A = tpu.concatenate %get3A_14, %get3A_19 in 1 : vector<1000x128xf32>, vector<1000x128xf32> -> vector<1000x256xf32>
    %get3A_20 = arith.constant 0 : index
    %get3A_21 = arith.constant 0 : index
    %get3A_22 = vector.load %arg4[%get3A_20, %get3A_21] : memref<64x256xf32, #tpu.memory_space<vmem>>, vector<64x256xf32>
    %dot_general3A = arith.constant dense<0.000000e+00> : vector<64x256xf32>
    %dot_general3A_23 = tpu.matmul %convert_element_type3A_9, %concatenate3A, %dot_general3A {dimension_numbers = #tpu.dot_dimension_numbers<[0], [0], [1], [1], [0, 1, 1, 1], [], []>, precision = #tpu.contract_precision<fp32>, transpose_lhs_hint = false} : vector<1000x64xf32>, vector<1000x256xf32>, vector<64x256xf32> -> vector<64x256xf32>
    %add3A = arith.addf %get3A_22, %dot_general3A_23 : vector<64x256xf32>
    %swap3A = arith.constant 0 : index
    %swap3A_24 = arith.constant 0 : index
    %swap3A_25 = vector.load %arg4[%swap3A, %swap3A_24] : memref<64x256xf32, #tpu.memory_space<vmem>>, vector<64x256xf32>
    tpu.vector_store %arg4[%swap3A, %swap3A_24], %add3A {strides = array<i32>} : memref<64x256xf32, #tpu.memory_space<vmem>>, vector<64x256xf32>,
    %get3A_26 = arith.constant 0 : index
    %get3A_27 = arith.constant 0 : index
    %get3A_28 = vector.load %arg5[%get3A_26, %get3A_27] : memref<1x64xf32, #tpu.memory_space<vmem>>, vector<1x64xf32>
    %reduce_sum3A = arith.constant dense<0.000000e+00> : vector<64xf32>
    %reduce_sum3A_29 = vector.multi_reduction <add>, %convert_element_type3A_9, %reduce_sum3A [0] : vector<1000x64xf32> to vector<64xf32>
    %broadcast_in_dim3A_30 = vector.shape_cast %reduce_sum3A_29 : vector<64xf32> to vector<1x64xf32>
    %add3A_31 = arith.addf %get3A_28, %broadcast_in_dim3A_30 : vector<1x64xf32>
    %swap3A_32 = arith.constant 0 : index
    %swap3A_33 = arith.constant 0 : index
    %swap3A_34 = vector.load %arg5[%swap3A_32, %swap3A_33] : memref<1x64xf32, #tpu.memory_space<vmem>>, vector<1x64xf32>
    tpu.vector_store %arg5[%swap3A_32, %swap3A_33], %add3A_31 {strides = array<i32>} : memref<1x64xf32, #tpu.memory_space<vmem>>, vector<1x64xf32>,
    %eq3A_35 = arith.constant 9 : i32
    %eq3A_36 = arith.cmpi eq, %arg0, %eq3A_35 : i32
    %convert_element_type3A_37 = arith.extui %eq3A_36 : i1 to i32
    %cond3A_38 = arith.constant 0 : i32
    %cond3A_39 = arith.cmpi ne, %convert_element_type3A_37, %cond3A_38 : i32
    scf.if %cond3A_39 {
      %get3A_40 = arith.constant 0 : index
      %get3A_41 = arith.constant 0 : index
      %get3A_42 = vector.load %arg4[%get3A_40, %get3A_41] : memref<64x256xf32, #tpu.memory_space<vmem>>, vector<64x256xf32>
      %get3A_43 = arith.constant 0 : index
      %get3A_44 = arith.constant 0 : index
      %get3A_45 = vector.load %arg5[%get3A_43, %get3A_44] : memref<1x64xf32, #tpu.memory_space<vmem>>, vector<1x64xf32>
      %get3A_46 = vector.shape_cast %get3A_45 : vector<1x64xf32> to vector<64xf32>
      %jit3A = arith.constant 1.000000e+00 : f32
      %max3A = vector.broadcast %jit3A : f32 to vector<64xf32>
      %max3A_47 = arith.maximumf %max3A, %get3A_46 : vector<64xf32>
      %broadcast_in_dim3A_48 = vector.shape_cast %max3A_47 : vector<64xf32> to vector<64x1xf32>
      %div3A = vector.broadcast %broadcast_in_dim3A_48 : vector<64x1xf32> to vector<64x256xf32>
      %div3A_49 = arith.divf %get3A_42, %div3A : vector<64x256xf32>
      %swap3A_50 = arith.constant 0 : index
      %swap3A_51 = arith.constant 0 : index
      %swap3A_52 = vector.load %arg3[%swap3A_50, %swap3A_51] : memref<64x256xf32, #tpu.memory_space<vmem>>, vector<64x256xf32>
      tpu.vector_store %arg3[%swap3A_50, %swap3A_51], %div3A_49 {strides = array<i32>} : memref<64x256xf32, #tpu.memory_space<vmem>>, vector<64x256xf32>,
    } else {
    }
    return
  }
  func.func @transform_0(%arg0: i32) -> (i32, i32, i32) {
    %c0_i32 = arith.constant 0 : i32
    %c0_i32_0 = arith.constant 0 : i32
    %c0_i32_1 = arith.constant 0 : i32
    return %arg0, %c0_i32, %c0_i32_0 : i32, i32, i32
  }
  func.func @transform_1(%arg0: i32) -> (i32, i32, i32) {
    %c0_i32 = arith.constant 0 : i32
    %c0_i32_0 = arith.constant 0 : i32
    %c0_i32_1 = arith.constant 0 : i32
    return %c0_i32, %arg0, %c0_i32_0 : i32, i32, i32
  }
  func.func @transform_2(%arg0: i32) -> (i32, i32) {
    %c0_i32 = arith.constant 0 : i32
    %c0_i32_0 = arith.constant 0 : i32
    %c0_i32_1 = arith.constant 0 : i32
    return %c0_i32, %c0_i32_0 : i32, i32
  }
}

</mosaic_0001>

<sc_bundles>
// kernel: kernel.18.cloned.1.call-start
scs
__scs_entry_jumppad:
0x0: {  	(pc) =	sbr.rel $0x88, $3  }
0x1: {  	(tag) =	ssettag $0x0;
	lr =	simm.s32 $0x1  }
0x2: {  	[smem:$0x3F7B] =	sst lr;
	_ =	strace $0xD0000000  }
0x3: {  	_ = 	snop  }
0x4: {  	_ = 	snop  }
0x5: {  	_ = 	snop  }
0x6: {  	_ = 	snop  }
0x7: {  	_ = 	snop  }
__scs_overlays_trampoline_lowered:
0x8: {  	[smem:$0x3F8A] =	sst s0  }
0x9: {  	[smem:$0x3F8B] =	sst s1  }
0xa: {  	[smem:$0x3F8C] =	sst s2  }
0xb: {  	[smem:$0x3F8D] =	sst s3  }
0xc: {  	[smem:$0x3F8E] =	sst s4  }
0xd: {  	[smem:$0x3F8F] =	sst s5  }
0xe: {  	[smem:$0x3F90] =	sst s6  }
0xf: {  	[smem:$0x3F91] =	sst s7  }
0x10: {  	[smem:$0x3F92] =	sst s8  }
0x11: {  	[smem:$0x3F93] =	sst s9;
	s0 =	simm.s32 @!p0 $0x0  }
0x12: {  	s1 =	sld [smem:$0x3F79];
	s0 =	simm.s32 @p0 $0x1  }
0x13: {  	[smem:$0x3F94] =	sst s0;
	s0 =	simm.s32 @!p1 $0x0  }
0x14: {  	s2 =	sld [smem:$0x3F78];
	s0 =	simm.s32 @p1 $0x1  }
0x15: {  	[smem:$0x3F95] =	sst s0;
	s0 =	simm.s32 @!p2 $0x0  }
0x16: {  	s3 =	sld [smem:$0x3FDB];
	s0 =	simm.s32 @p2 $0x1  }
0x17: {  	s4 =	simm.s32 $0x1BF5;
	[smem:$0x3F97] =	sst s0  }
0x18: {  	s0 =	sld [smem:$0x3F7A];
	_ =	swait.ge [sflag:s4], $0x0  }
0x19: {  	s7 =	sld [smem:$0x3F7B]  }
0x1a: {  	s8 =	sadd.s32 $0xFFFFE003, lr  }
0x1b: {  	s9 =	sadd.s32 $0xFFFFFEF7, lr;
	s5 =	simm.s32 $0xFFFFFFFF;
	p2 =	slt.u32 s8, $0xFFFFF086  }
0x1c: {  	p1 =	slt.u32 s9, $0xF7A;
	s5 =	simm.s32 @!p2 $0x0  }
0x1d: {  	s5 =	simm.s32 @p1 $0x1;
	p0 =	seq.s32 s7, s2  }
0x1e: {  	s7 =	smul.u32 @!p0 $0xF7A, s2;
	p2 =	seq.s32 @!p0 s5, $0x0  }
0x1f: {  	s9 =	smul.u32 $0xF7A, s1;
	s8 =	simm.s32 @!p0 $0x1BF5;
	p2 =	por !p2, p0  }
0x20: {  	[sflag:s8] =	ssyncset.s32 @!p0 $0xFFFFF086;
	s6 =	sadd.s32 @!p0 s3, s7;
	s7 =	simm.s32 @!p0 $0x108  }
0x21: {  	s3 =	sadd.s32 s3, s9;
	s6 =	sadd.s32 @!p0 $0x88, s6;
	s7 =	simm.s32 @p2 $0x1082  }
0x22: {  	[simem:s7], [sflag:s8] =	dma.local @!p0 [hbm:s6], $0xF7A  }
0x23: {  	s9 =	sor.u32 $0xD0000000, s2;
	s6 =	simm.s32 $0x108;
	_ =	swait.ge @!p0 [sflag:s8], $0x0  }
0x24: {  	s3 =	sadd.s32 $0x88, s3;
	s6 =	simm.s32 @!p1 $0x1082;
	[sflag:s4] =	ssyncset.s32 $0xFFFFF086  }
0x25: {  	[simem:s6], [sflag:s4] =	dma.local [hbm:s3], $0xF7A  }
0x26: {  	[smem:$0x3F7B] =	sst s1;
	(tag) =	ssettag s2;
	_ =	strace s9  }
0x27: {  	s1 =	sld [smem:$0x3F8B]  }
0x28: {  	s2 =	sld [smem:$0x3F8C]  }
0x29: {  	s4 =	sld [smem:$0x3F8E]  }
0x2a: {  	p0 =	seq.s32 s5, $0x0;
	s5 =	sld [smem:$0x3F8F]  }
0x2b: {  	s6 =	sld [smem:$0x3F90]  }
0x2c: {  	s7 =	sld [smem:$0x3F91]  }
0x2d: {  	s3 =	simm.s32 $0x108;
	s8 =	sld [smem:$0x3F92]  }
0x2e: {  	s3 =	simm.s32 @!p0 $0x1082;
	s9 =	sld [smem:$0x3F93]  }
0x2f: {  	lr =	sadd.s32 s0, s3;
	s0 =	sld [smem:$0x3F8A]  }
0x30: {  	s3 =	sld [smem:$0x3F8D]  }
0x31: {  	[smem:$0x3F96] =	sst s10  }
0x32: {  	s10 =	sld [smem:$0x3F94];
	_ =	sdelay $0x3  }
0x33: {  	p0 =	seq.s32 s10, $0x1;
	s10 =	sld [smem:$0x3F96];
	_ =	sdelay $0x3  }
0x34: {  	[smem:$0x3F96] =	sst s10  }
0x35: {  	s10 =	sld [smem:$0x3F95];
	_ =	sdelay $0x3  }
0x36: {  	p1 =	seq.s32 s10, $0x1;
	s10 =	sld [smem:$0x3F96];
	_ =	sdelay $0x3  }
0x37: {  	[smem:$0x3F96] =	sst s10  }
0x38: {  	s10 =	sld [smem:$0x3F97]  }
0x39: {  	_ = 	snop;
	(pc) =	sbr.ind lr, $3  }
0x3a: {  	_ = 	snop  }
0x3b: {  	_ = 	snop  }
0x3c: {  	p2 =	seq.s32 s10, $0x1;
	s10 =	sld [smem:$0x3F96]  }
0x3d: {  	_ =	shalt  }
0x3e: {  	_ =	shalt  }
0x3f: {  	_ =	shalt  }
0x40: {  	_ =	shalt  }
0x41: {  	_ =	shalt  }
0x42: {  	_ =	shalt  }
0x43: {  	_ =	shalt  }
0x44: {  	_ =	shalt  }
0x45: {  	_ =	shalt  }
0x46: {  	_ =	shalt  }
0x47: {  	_ =	shalt  }
0x48: {  	_ =	shalt  }
0x49: {  	_ =	shalt  }
0x4a: {  	_ =	shalt  }
0x4b: {  	_ =	shalt  }
0x4c: {  	_ =	shalt  }
0x4d: {  	_ =	shalt  }
0x4e: {  	_ =	shalt  }
0x4f: {  	_ =	shalt  }
0x50: {  	_ =	shalt  }
0x51: {  	_ =	shalt  }
0x52: {  	_ =	shalt  }
0x53: {  	_ =	shalt  }
0x54: {  	_ =	shalt  }
0x55: {  	_ =	shalt  }
0x56: {  	_ =	shalt  }
0x57: {  	_ =	shalt  }
0x58: {  	_ =	shalt  }
0x59: {  	_ =	shalt  }
0x5a: {  	_ =	shalt  }
0x5b: {  	_ =	shalt  }
0x5c: {  	_ =	shalt  }
0x5d: {  	_ =	shalt  }
0x5e: {  	_ =	shalt  }
0x5f: {  	_ =	shalt  }
0x60: {  	_ =	shalt  }
0x61: {  	_ =	shalt  }
0x62: {  	_ =	shalt  }
0x63: {  	_ =	shalt  }
0x64: {  	_ =	shalt  }
0x65: {  	_ =	shalt  }
0x66: {  	_ =	shalt  }
0x67: {  	_ =	shalt  }
0x68: {  	_ =	shalt  }
0x69: {  	_ =	shalt  }
0x6a: {  	_ =	shalt  }
0x6b: {  	_ =	shalt  }
0x6c: {  	_ =	shalt  }
0x6d: {  	_ =	shalt  }
0x6e: {  	_ =	shalt  }
0x6f: {  	_ =	shalt  }
0x70: {  	_ =	shalt  }
0x71: {  	_ =	shalt  }
0x72: {  	_ =	shalt  }
0x73: {  	_ =	shalt  }
0x74: {  	_ =	shalt  }
0x75: {  	_ =	shalt  }
0x76: {  	_ =	shalt  }
0x77: {  	_ =	shalt  }
0x78: {  	_ =	shalt  }
0x79: {  	_ =	shalt  }
0x7a: {  	_ =	shalt  }
0x7b: {  	_ =	shalt  }
0x7c: {  	_ =	shalt  }
0x7d: {  	_ =	shalt  }
0x7e: {  	_ =	shalt  }
0x7f: {  	_ =	shalt  }
0x80: {  	_ =	shalt  }
0x81: {  	_ =	shalt  }
0x82: {  	_ =	shalt  }
0x83: {  	_ =	shalt  }
0x84: {  	_ =	shalt  }
0x85: {  	_ =	shalt  }
0x86: {  	_ =	shalt  }
0x87: {  	_ =	shalt  }
.Lfunc_end0:
.L_simem_size_0:
called_computation_lowered:
.L_overlay_start_0:
0x88: {  	s2 =	sld [smem:$0x3FD9]  }
0x89: {  	s3 =	sld [smem:$0x3FFE];
	_ =	sdelay $0x1  }
0x8a: {  	s1 =	srdreg.scid  }
0x8b: {  	s0 =	sand.u32 $0x1, s1  }
0x8c: {  	s17 =	sshll.u32 s0, $0xA;
	s2 =	sadd.s32 s3, s2  }
0x8d: {  	s2 =	sadd.s32 s2, s17  }
0x8e: {  	[smem:$0x3FA2] =	sst s2  }
0x8f: {  	_ = 	snop  }
0x90: {  	s2 =	sld [smem:$0x3FD0];
	(tm) =	ssettm $0x1  }
0x91: {  	s18 =	sld [smem:$0x3FFB];
	_ =	sdelay $0x3  }
0x92: {  	_ =	strace s18  }
0x93: {  	s3 =	sld [smem:$0x3FFC];
	_ =	sdelay $0x3  }
0x94: {  	_ =	strace s3  }
0x95: {  	s3 =	sld [smem:$0x3FFD];
	_ =	sdelay $0x3  }
0x96: {  	_ =	strace s3  }
0x97: {  	_ =	strace $0x8FFFFFFF  }
0x98: {  	s19 =	sld [smem:$0x3FDB];
	_ =	sdelay $0x1  }
0x99: {  	s4 =	simm.s32 $_scs_section_size  }
0x9a: {  	s5 =	simm.s32 $_size__tile_overlayer_lowered;
	s6 =	simm.s32 $_tile_overlayer_lowered  }
0x9b: {  	s22 =	simm.s32 $0x1BFF;
	s21 =	sshll.u32 s6, $0x1;
	s3 =	sadd.s32 s4, s19  }
0x9c: {  	s7 =	simm.s32 $0x0;
	s20 =	sshll.u32 s5, $0x1;
	s5 =	sadd.s32 s21, s3  }
0x9d: {  	[timem:s7], [sflag:s22] =	dma.local [hbm:s5], s20  }
0x9e: {  	_ =	swait.ge [sflag:s22], s20  }
0x9f: {  	s4 =	ssub.s32 $0x0, s20;
	[sflag:s22] =	ssyncset.done $0x0  }
0xa0: {  	[sflag:s22] =	ssyncadd.s32 s4;
	_ =	sdelay $0x1  }
0xa1: {  	s23 =	simm.s32 $0x1B8B  }
0xa2: {  	_ =	swait.ge [sflag:s23], $0x1  }
0xa3: {  	[sflag:s23] =	ssyncset.done $0x0  }
0xa4: {  	s25 =	simm.s32 $0x1B8E;
	s24 =	sld [smem:$0x3FFE];
	[sflag:s23] =	ssyncadd.s32 $0xFFFFFFFF  }
0xa5: {  	s26 =	simm.s32 $execute0_lowered;
	[smem:$0x3FD2] =	sst s25  }
0xa6: {  	s5 =	sshll.u32 s26, $0x1;
	_ =	strace $0x80000046;
	[dreg:$0x1] =	wrdreg $0xFFFFFFFF  }
0xa7: {  	s28 =	simm.s32 $_size_execute0_lowered;
	s3 =	sadd.s32 s3, s5;
	[dreg:$0x0] =	wrdreg $0x0  }
0xa8: {  	s5 =	sshll.u32 s28, $0x1;
	[dreg:$0x2] =	wrdreg s3  }
0xa9: {  	[dreg:$0x3] =	wrdreg s5  }
0xaa: {  	[dreg:$0x4] =	wrdreg $0xC0  }
0xab: {  	_ =	task [dreg:s7], $0x5FFFF  }
0xac: {  	[dreg:$0x1] =	wrdreg $0xFFFFFFFF  }
0xad: {  	[dreg:$0x0] =	wrdreg $0x60  }
0xae: {  	[dreg:$0x2] =	wrdreg s24  }
0xaf: {  	[dreg:$0x3] =	wrdreg s2  }
0xb0: {  	[dreg:$0x4] =	wrdreg $0xA9000  }
0xb1: {  	[dreg:$0x5] =	wrdreg $0x9  }
0xb2: {  	_ =	task.clear_ibuf [dreg:s7], $0x6FFFF;
	_ =	strace $0x90000046  }
0xb3: {  	s29 =	simm.s32 $0x9;
	_ =	strace $0x80000048  }
0xb4: {  	_ =	swait.ge [sflag:s29], $0x1  }
0xb5: {  	[sflag:s29] =	ssyncadd.s32 $0xFFFFFFFF  }
0xb6: {  	_ =	strace $0x90000048  }
0xb7: {  	_ =	sfence  }
0xb8: {  	s30 =	sld [smem:$0x0];
	_ =	sdelay $0x2  }
0xb9: {  	s31 =	sshll.u32 s1, $0xD;
	s1 =	sshrl.u32 s1, $0x2  }
0xba: {  	s3 =	sand.u32 $0x4000, s31;
	s1 =	sadd.s32 s1, s30  }
0xbb: {  	s0 =	sor.u32 s3, s0;
	s1 =	sshll.u32 s1, $0x11  }
0xbc: {  	s0 =	sor.u32 s1, s0  }
0xbd: {  	s0 =	sadd.s32 $0x8F2B, s0  }
0xbe: {  	[sflag:s0] =	ssyncadd.remote.s32 $0x1  }
0xbf: {  	_ =	sfence.sel $0xFFFF  }
0xc0: {  	[dreg:$0x0] =	wrdreg $0xFFFFFFFF;
	(pc) =	sbr.abs _section_cstart, $3  }
0xc1: {  	[dreg:$0x1] =	wrdreg $0xFFFFFFFF  }
0xc2: {  	_ =	task.clear_ibuf [dreg:s7], $0x2FFFF;
	_ =	strace $0x9FFFFFFF  }
0xc3: {  	(tm) =	ssettm $0x7FFFFFFF  }
tec
execute0_lowered:
.L_overlay_start_1:
0x0: {  	(tag) =	ssettag $0x1  }
0x1: {  	s0 =	rddreg [dreg:$0x0];
	s15 =	stileid.u32  }
0x2: {  	s3 =	rddreg [dreg:$0x2];
	s4 =	simm.s32 $0x0;
	s22 =	smul.u32 $0x500, s15  }
0x3: {  	s1 =	srdreg.scid;
	s29 =	simm.s32 $0x2900;
	s9 =	smul.u32 $0x2800, s15  }
0x4: {  	s30 =	simm.s32 $0x3;
	s1 =	sand.u32 $0x1, s1;
	s25 =	smul.u32 $0xA000, s15  }
0x5: {  	s31 =	simm.s32 $0x80;
	s26 =	sor.u32 $0x10, s15;
	s5 =	smul.u32 $0x27100, s1  }
0x6: {  	[smem:$0x7FF] =	sst s4;
	s17 =	sor.u32 $0x30, s15;
	s20 =	smul.u32 $0xA000, s26  }
0x7: {  	s6 =	sadd.s32 $0x5AE00, s0;
	s18 =	sor.u32 $0x40, s15;
	s24 =	smul.u32 $0xA000, s17  }
0x8: {  	_ =	strace $0x80000047;
	s1 =	ssub.s32 $0x2, s1;
	s13 =	smul.u32 $0xA000, s18  }
0x9: {  	s18 =	smul.u32 $0x500, s18;
	s2 =	sadd.s32 s22, s0;
	s7 =	sshrl.u32 s1, $0x1  }
0xa: {  	s19 =	sshrl.u32 s25, $0x2;
	[dreg:$0x4] =	wrdreg s22;
	s0 =	sadd.s32 s5, s0  }
0xb: {  	s1 =	ssub.s32 s1, s7;
	s10 =	sadd.s32 s19, s3;
	s19 =	sor.u32 $0x50, s15  }
0xc: {  	s21 =	sshrl.u32 s20, $0x2;
	s20 =	sor.u32 $0x60, s15;
	s25 =	smul.u32 $0xA000, s19  }
0xd: {  	s2 =	sadd.s32 $0x55E00, s2;
	s7 =	sadd.s32 $0x7C00, s0;
	s16 =	smul.u32 $0xA000, s20  }
0xe: {  	s8 =	sadd.s32 $0x5FE00, s0;
	s0 =	sor.u32 $0x20, s15;
	s19 =	smul.u32 $0x500, s19  }
0xf: {  	s14 =	sshrl.u32 s13, $0x2;
	[dreg:$0x5] =	wrdreg s2;
	s23 =	smul.u32 $0xA000, s0  }
0x10: {  	s1 =	smax.u32 s1, $0x1;
	s11 =	sadd.s32 s21, s3;
	s0 =	smul.u32 $0x500, s0  }
0x11: {  	[dreg:$0x6] =	wrdreg s1;
	s1 =	sshrl.u32 s24, $0x2;
	s24 =	smul.u32 $0x500, s17  }
0x12: {  	s14 =	sadd.s32 s14, s3;
	s13 =	sadd.s32 s1, s3;
	s1 =	smul.u32 $0x500, s26  }
0x13: {  	s26 =	sshrl.u32 s25, $0x2;
	s16 =	sshrl.u32 s16, $0x2;
	s5 =	sshrl.u32 s23, $0x2  }
0x14: {  	s16 =	sadd.s32 s16, s3;
	s23 =	sshrl.u32 s9, $0x3;
	s0 =	sadd.s32 s0, s8  }
0x15: {  	s9 =	simm.s32 $0x0;
	s12 =	sadd.s32 s5, s3;
	s5 =	sor.u32 $0x70, s15  }
0x16: {  	s15 =	sadd.s32 s26, s3;
	s2 =	sadd.s32 s6, s23;
	s23 =	smul.u32 $0x500, s20  }
0x17: {  	s20 =	sadd.s32 s22, s6;
	s1 =	sadd.s32 s1, s8;
	[dreg:$0xa] =	wrdreg s0  }
0x18: {  	s0 =	simm.s32 $0x6900;
	s6 =	simm.s32 $0x2880;
	s21 =	smul.u32 $0xA000, s5  }
0x19: {  	s26 =	sadd.s32 $0x4E0, s2;
	s2 =	sadd.s32 $0x4F0, s2;
	[dreg:$0x9] =	wrdreg s1  }
0x1a: {  	p0 =	sgt.u32 s5, $0x7C;
	s5 =	smul.u32 $0x500, s5;
	[dreg:$0x7] =	wrdreg s26  }
0x1b: {  	s1 =	simm.s32 $0x2800;
	[dreg:$0x8] =	wrdreg s2;
	s26 =	sadd.s32 s24, s8  }
0x1c: {  	s24 =	sadd.s32 s18, s8;
	s2 =	simm.s32 $0x1;
	s25 =	sshrl.u32 s21, $0x2  }
0x1d: {  	[dreg:$0xb] =	wrdreg s26;
	s26 =	sadd.s32 s23, s8;
	s28 =	sadd.s32 @!p0 s5, s8  }
0x1e: {  	s5 =	simm.s32 $0x2;
	s17 =	sadd.s32 s25, s3;
	s25 =	sadd.s32 s19, s8  }
.LBB2_1:
0x1f: {  	s18 =	rddreg [dreg:$0x1]  }
0x20: {  	[tilespmem:s29], [sflag:$0x3] =	stream.linear.gather [hbm4b:s18+s4], $0x2800, $0x38;
	[tilespmem:$0x1E1C0] =	vst v63  }
0x21: {  	_ =	swait.ge [sflag:s30], $0x2800  }
0x22: {  	[sflag:s30] =	ssyncset.done $0x0  }
0x23: {  	[sflag:s30] =	ssyncadd.s32 $0xFFFFD800  }
0x24: {  	[spmem:s10] =	stream.linear.scatter [tilespmem:s29], [sflag:$0x3], $0x2800, $0x38;
	[tilespmem:$0x1E1C0] =	vst v63  }
0x25: {  	_ =	swait.ge [sflag:s30], $0x2800  }
0x26: {  	[sflag:s30] =	ssyncset.done $0x0  }
0x27: {  	[sflag:s30] =	ssyncadd.s32 $0xFFFFD800  }
0x28: {  	[spmem:s11] =	stream.linear.scatter [tilespmem:s29], [sflag:$0x3], $0x2800, $0x38;
	[tilespmem:$0x1E1C0] =	vst v63  }
0x29: {  	_ =	swait.ge [sflag:s30], $0x2800  }
0x2a: {  	[sflag:s30] =	ssyncset.done $0x0  }
0x2b: {  	[sflag:s30] =	ssyncadd.s32 $0xFFFFD800  }
0x2c: {  	[spmem:s12] =	stream.linear.scatter [tilespmem:s29], [sflag:$0x3], $0x2800, $0x38;
	[tilespmem:$0x1E1C0] =	vst v63  }
0x2d: {  	_ =	swait.ge [sflag:s30], $0x2800  }
0x2e: {  	[sflag:s30] =	ssyncset.done $0x0  }
0x2f: {  	[sflag:s30] =	ssyncadd.s32 $0xFFFFD800  }
0x30: {  	[spmem:s13] =	stream.linear.scatter [tilespmem:s29], [sflag:$0x3], $0x2800, $0x38;
	[tilespmem:$0x1E1C0] =	vst v63  }
0x31: {  	_ =	swait.ge [sflag:s30], $0x2800  }
0x32: {  	[sflag:s30] =	ssyncset.done $0x0  }
0x33: {  	[sflag:s30] =	ssyncadd.s32 $0xFFFFD800  }
0x34: {  	[spmem:s14] =	stream.linear.scatter [tilespmem:s29], [sflag:$0x3], $0x2800, $0x38;
	[tilespmem:$0x1E1C0] =	vst v63  }
0x35: {  	_ =	swait.ge [sflag:s30], $0x2800  }
0x36: {  	[sflag:s30] =	ssyncset.done $0x0  }
0x37: {  	[sflag:s30] =	ssyncadd.s32 $0xFFFFD800  }
0x38: {  	[spmem:s15] =	stream.linear.scatter [tilespmem:s29], [sflag:$0x3], $0x2800, $0x38;
	[tilespmem:$0x1E1C0] =	vst v63  }
0x39: {  	_ =	swait.ge [sflag:s30], $0x2800  }
0x3a: {  	[sflag:s30] =	ssyncset.done $0x0  }
0x3b: {  	[sflag:s30] =	ssyncadd.s32 $0xFFFFD800  }
0x3c: {  	[spmem:s16] =	stream.linear.scatter [tilespmem:s29], [sflag:$0x3], $0x2800, $0x38;
	[tilespmem:$0x1E1C0] =	vst v63  }
0x3d: {  	_ =	swait.ge [sflag:s30], $0x2800  }
0x3e: {  	[sflag:s30] =	ssyncset.done $0x0  }
0x3f: {  	s18 =	simm.s32 @!p0 $0x2900;
	[sflag:s30] =	ssyncadd.s32 $0xFFFFD800  }
0x40: {  	[spmem:s17] =	stream.linear.scatter @!p0 [tilespmem:s18], [sflag:$0x3], $0x2800, $0x38;
	[tilespmem:$0x1E1C0] =	vst v63  }
0x41: {  	s18 =	simm.s32 @!p0 $0x3  }
0x42: {  	_ =	swait.ge @!p0 [sflag:s18], $0x2800  }
0x43: {  	[sflag:s18] =	ssyncset.done @!p0 $0x0  }
0x44: {  	s22 =	rddreg [dreg:$0x5];
	[sflag:s18] =	ssyncadd.s32 @!p0 $0xFFFFD800  }
0x45: {  	[tilespmem:s4], [sflag:$0x3] =	stream.linear.gather [hbm4b:s22+s4], $0x2800, $0x38;
	[tilespmem:$0x1E1C0] =	vst v63  }
0x46: {  	_ =	swait.ge [sflag:s30], $0x2800  }
0x47: {  	[sflag:s30] =	ssyncset.done $0x0  }
0x48: {  	[sflag:s30] =	ssyncadd.s32 $0xFFFFD800  }
0x49: {  	[bflag:$0x0] =	sbarrier.arrive $0xFFFF  }
0x4a: {  	[tilespmem:s29], [sflag:$0x1] =	stream.indirect.gather [hbm4b:s7+s31], $0x80, s4, s31, $0xb8;
	[tilespmem:$0x1E1C0] =	vst v63  }
0x4b: {  	_ = 	snop  }
0x4c: {  	[tilespmem:s0], [sflag:$0x2] =	stream.indirect.gather [hbm4b:s7+s31], $0x80, s31, s31, $0xb8;
	[tilespmem:$0x1E1C0] =	vst v63  }
0x4d: {  	s23 =	sadd.s32 $0x0, s20  }
0x4e: {  	[tilespmem:s1], [sflag:$0x3] =	stream.linear.gather [hbm4b:s23+s4], $0x80, $0x38;
	[tilespmem:$0x1E1C0] =	vst v63  }
0x4f: {  	_ =	swait.ge [sflag:s30], $0x80  }
0x50: {  	[sflag:s30] =	ssyncset.done $0x0  }
0x51: {  	[sflag:s30] =	ssyncadd.s32 $0xFFFFFF80  }
0x52: {  	_ =	swait.ge [sflag:s2], $0x4000  }
0x53: {  	[sflag:s2] =	ssyncset.done $0x0  }
0x54: {  	[sflag:s2] =	ssyncadd.s32 $0xFFFFC000  }
0x55: {  	[spmem:s3] =	stream.indirect.scatter.add.f32 [tilespmem:s29], [sflag:$0x3], $0x80, s1, s31, $0xb8;
	[tilespmem:$0x1E1C0] =	vst v63  }
0x56: {  	_ =	swait.ge [sflag:s30], $0x4000  }
0x57: {  	[sflag:s30] =	ssyncset.done $0x0  }
0x58: {  	s19 =	simm.s32 $0x100;
	[sflag:s30] =	ssyncadd.s32 $0xFFFFC000  }
0x59: {  	[tilespmem:s29], [sflag:$0x1] =	stream.indirect.gather [hbm4b:s7+s31], $0x80, s19, s31, $0xb8;
	[tilespmem:$0x1E1C0] =	vst v63  }
0x5a: {  	s18 =	sadd.s32 $0x10, s23  }
0x5b: {  	[tilespmem:s6], [sflag:$0x3] =	stream.linear.gather [hbm4b:s18+s4], $0x80, $0x38;
	[tilespmem:$0x1E1C0] =	vst v63  }
0x5c: {  	_ =	swait.ge [sflag:s30], $0x80  }
0x5d: {  	[sflag:s30] =	ssyncset.done $0x0  }
0x5e: {  	[sflag:s30] =	ssyncadd.s32 $0xFFFFFF80  }
0x5f: {  	_ =	swait.ge [sflag:s5], $0x4000  }
0x60: {  	[sflag:s5] =	ssyncset.done $0x0  }
0x61: {  	[sflag:s5] =	ssyncadd.s32 $0xFFFFC000  }
0x62: {  	[spmem:s3] =	stream.indirect.scatter.add.f32 [tilespmem:s0], [sflag:$0x3], $0x80, s6, s31, $0xb8;
	[tilespmem:$0x1E1C0] =	vst v63  }
0x63: {  	_ =	swait.ge [sflag:s30], $0x4000  }
0x64: {  	s21 =	simm.s32 $0x180;
	[sflag:s30] =	ssyncset.done $0x0  }
0x65: {  	s19 =	simm.s32 $0x280;
	s18 =	simm.s32 $0x20;
	[sflag:s30] =	ssyncadd.s32 $0xFFFFC000  }
.LBB2_2:
0x66: {  	[tilespmem:s0], [sflag:$0x2] =	stream.indirect.gather [hbm4b:s7+s31], $0x80, s21, s31, $0xb8;
	[tilespmem:$0x1E1C0] =	vst v63  }
0x67: {  	s22 =	sadd.s32 s18, s20;
	p1 =	sne.s32 s18, $0x4C0;
	s18 =	sadd.s32 $0x20, s18  }
0x68: {  	[tilespmem:s1], [sflag:$0x3] =	stream.linear.gather [hbm4b:s22+s4], $0x80, $0x38;
	[tilespmem:$0x1E1C0] =	vst v63  }
0x69: {  	s21 =	smov.u32 s19;
	_ =	swait.ge [sflag:s30], $0x80  }
0x6a: {  	[sflag:s30] =	ssyncset.done $0x0  }
0x6b: {  	[sflag:s30] =	ssyncadd.s32 $0xFFFFFF80  }
0x6c: {  	_ =	swait.ge [sflag:s2], $0x4000  }
0x6d: {  	[sflag:s2] =	ssyncset.done $0x0  }
0x6e: {  	[sflag:s2] =	ssyncadd.s32 $0xFFFFC000  }
0x6f: {  	[spmem:s3] =	stream.indirect.scatter.add.f32 [tilespmem:s29], [sflag:$0x3], $0x80, s1, s31, $0xb8;
	[tilespmem:$0x1E1C0] =	vst v63  }
0x70: {  	_ =	swait.ge [sflag:s30], $0x4000  }
0x71: {  	[sflag:s30] =	ssyncset.done $0x0  }
0x72: {  	s23 =	sadd.s32 $0xFFFFFF80, s19;
	[sflag:s30] =	ssyncadd.s32 $0xFFFFC000  }
0x73: {  	[tilespmem:s29], [sflag:$0x1] =	stream.indirect.gather [hbm4b:s7+s31], $0x80, s23, s31, $0xb8;
	[tilespmem:$0x1E1C0] =	vst v63  }
0x74: {  	s22 =	sadd.s32 $0x10, s22  }
0x75: {  	[tilespmem:s6], [sflag:$0x3] =	stream.linear.gather [hbm4b:s22+s4], $0x80, $0x38;
	[tilespmem:$0x1E1C0] =	vst v63  }
0x76: {  	_ =	swait.ge [sflag:s30], $0x80  }
0x77: {  	[sflag:s30] =	ssyncset.done $0x0  }
0x78: {  	[sflag:s30] =	ssyncadd.s32 $0xFFFFFF80  }
0x79: {  	_ =	swait.ge [sflag:s5], $0x4000  }
0x7a: {  	[sflag:s5] =	ssyncset.done $0x0  }
.Ltmp0:
0x7b: {  	[sflag:s5] =	ssyncadd.s32 $0xFFFFC000;
	(pc) =	sbr.rel @p1 .LBB2_2-.Ltmp0, $4  }
0x7c: {  	[spmem:s3] =	stream.indirect.scatter.add.f32 [tilespmem:s0], [sflag:$0x3], $0x80, s6, s31, $0xb8;
	[tilespmem:$0x1E1C0] =	vst v63  }
0x7d: {  	_ =	swait.ge [sflag:s30], $0x4000  }
0x7e: {  	[sflag:s30] =	ssyncset.done $0x0  }
0x7f: {  	s19 =	sadd.s32 $0x100, s19;
	[sflag:s30] =	ssyncadd.s32 $0xFFFFC000  }
0x80: {  	[tilespmem:s0], [sflag:$0x2] =	stream.indirect.gather [hbm4b:s7+s31], $0x80, s21, s31, $0xb8;
	[tilespmem:$0x1E1C0] =	vst v63  }
0x81: {  	s18 =	rddreg [dreg:$0x7]  }
0x82: {  	[tilespmem:s1], [sflag:$0x3] =	stream.linear.gather [hbm4b:s18+s4], $0x80, $0x38;
	[tilespmem:$0x1E1C0] =	vst v63  }
0x83: {  	_ =	swait.ge [sflag:s30], $0x80  }
0x84: {  	[sflag:s30] =	ssyncset.done $0x0  }
0x85: {  	[sflag:s30] =	ssyncadd.s32 $0xFFFFFF80  }
0x86: {  	_ =	swait.ge [sflag:s2], $0x4000  }
0x87: {  	[sflag:s2] =	ssyncset.done $0x0  }
0x88: {  	[sflag:s2] =	ssyncadd.s32 $0xFFFFC000  }
0x89: {  	[spmem:s3] =	stream.indirect.scatter.add.f32 [tilespmem:s29], [sflag:$0x3], $0x80, s1, s31, $0xb8;
	[tilespmem:$0x1E1C0] =	vst v63  }
0x8a: {  	_ =	swait.ge [sflag:s30], $0x4000  }
0x8b: {  	[sflag:s30] =	ssyncset.done $0x0  }
0x8c: {  	s21 =	rddreg [dreg:$0x8];
	[sflag:s30] =	ssyncadd.s32 $0xFFFFC000  }
0x8d: {  	[tilespmem:s6], [sflag:$0x3] =	stream.linear.gather [hbm4b:s21+s4], $0x80, $0x38;
	[tilespmem:$0x1E1C0] =	vst v63  }
0x8e: {  	_ =	swait.ge [sflag:s30], $0x80  }
0x8f: {  	[sflag:s30] =	ssyncset.done $0x0  }
0x90: {  	[sflag:s30] =	ssyncadd.s32 $0xFFFFFF80  }
0x91: {  	_ =	swait.ge [sflag:s5], $0x4000  }
0x92: {  	[sflag:s5] =	ssyncset.done $0x0  }
0x93: {  	[sflag:s5] =	ssyncadd.s32 $0xFFFFC000  }
0x94: {  	[spmem:s3] =	stream.indirect.scatter.add.f32 [tilespmem:s0], [sflag:$0x3], $0x80, s6, s31, $0xb8;
	[tilespmem:$0x1E1C0] =	vst v63  }
0x95: {  	_ =	swait.ge [sflag:s30], $0x4000  }
0x96: {  	[sflag:s30] =	ssyncset.done $0x0  }
0x97: {  	[sflag:s30] =	ssyncadd.s32 $0xFFFFC000  }
0x98: {  	s22 =	stileid.u32;
	[bflag:$0x0] =	sbarrier.arrive $0xFFFF  }
0x99: {  	s18 =	sshll.u32 s22, $0x6;
	s19 =	rddreg [dreg:$0x4]  }
0x9a: {  	s23 =	sshrl.u32 s10, $0x3;
	s18 =	sor.u32 $0x1C03, s18;
	s19 =	sadd.s32 s19, s8  }
0x9b: {  	[hbm:s19], [sflag:s18] =	dma.local [spmem:s23], $0x500  }
0x9c: {  	_ =	swait.ge [sflag:s30], $0x500  }
0x9d: {  	[sflag:s30] =	ssyncset.done $0x0  }
0x9e: {  	s22 =	sshrl.u32 s11, $0x3;
	s23 =	rddreg [dreg:$0x9];
	[sflag:s30] =	ssyncadd.s32 $0xFFFFFB00  }
0x9f: {  	[hbm:s23], [sflag:s18] =	dma.local [spmem:s22], $0x500  }
0xa0: {  	_ =	swait.ge [sflag:s30], $0x500  }
0xa1: {  	[sflag:s30] =	ssyncset.done $0x0  }
0xa2: {  	s22 =	sshrl.u32 s12, $0x3;
	s23 =	rddreg [dreg:$0xa];
	[sflag:s30] =	ssyncadd.s32 $0xFFFFFB00  }
0xa3: {  	[hbm:s23], [sflag:s18] =	dma.local [spmem:s22], $0x500  }
0xa4: {  	_ =	swait.ge [sflag:s30], $0x500  }
0xa5: {  	[sflag:s30] =	ssyncset.done $0x0  }
0xa6: {  	s21 =	sshrl.u32 s13, $0x3;
	s22 =	rddreg [dreg:$0xb];
	[sflag:s30] =	ssyncadd.s32 $0xFFFFFB00  }
0xa7: {  	[hbm:s22], [sflag:s18] =	dma.local [spmem:s21], $0x500  }
0xa8: {  	_ =	swait.ge [sflag:s30], $0x500  }
0xa9: {  	[sflag:s30] =	ssyncset.done $0x0  }
0xaa: {  	s23 =	sshrl.u32 s14, $0x3;
	[sflag:s30] =	ssyncadd.s32 $0xFFFFFB00  }
0xab: {  	[hbm:s24], [sflag:s18] =	dma.local [spmem:s23], $0x500  }
0xac: {  	_ =	swait.ge [sflag:s30], $0x500  }
0xad: {  	[sflag:s30] =	ssyncset.done $0x0  }
0xae: {  	s21 =	sshrl.u32 s15, $0x3;
	[sflag:s30] =	ssyncadd.s32 $0xFFFFFB00  }
0xaf: {  	[hbm:s25], [sflag:s18] =	dma.local [spmem:s21], $0x500  }
0xb0: {  	_ =	swait.ge [sflag:s30], $0x500  }
0xb1: {  	[sflag:s30] =	ssyncset.done $0x0  }
0xb2: {  	s22 =	sshrl.u32 s16, $0x3;
	[sflag:s30] =	ssyncadd.s32 $0xFFFFFB00  }
0xb3: {  	[hbm:s26], [sflag:s18] =	dma.local [spmem:s22], $0x500  }
0xb4: {  	_ =	swait.ge [sflag:s30], $0x500  }
0xb5: {  	[sflag:s30] =	ssyncset.done $0x0  }
0xb6: {  	s19 =	sshrl.u32 @!p0 s17, $0x3;
	[sflag:s30] =	ssyncadd.s32 $0xFFFFFB00  }
0xb7: {  	[hbm:s28], [sflag:s18] =	dma.local @!p0 [spmem:s19], $0x500  }
0xb8: {  	s18 =	simm.s32 @!p0 $0x3  }
0xb9: {  	_ =	swait.ge @!p0 [sflag:s18], $0x500  }
0xba: {  	s9 =	sadd.s32 $0x1, s9;
	s23 =	rddreg [dreg:$0x6]  }
0xbb: {  	p1 =	sne.s32 s9, s23  }
.Ltmp1:
0xbc: {  	_ = 	snop;
	(pc) =	sbr.rel @p1 .LBB2_1-.Ltmp1, $3  }
0xbd: {  	_ =	sdelay $0x1  }
0xbe: {  	[sflag:s18] =	ssyncset.done @!p0 $0x0  }
0xbf: {  	[sflag:s18] =	ssyncadd.s32 @!p0 $0xFFFFFB00  }
0xc0: {  	_ =	sfence.sel $0x180000  }
0xc1: {  	[bflag:$0x0] =	sbarrier.arrive $0xFFFF  }
0xc2: {  	_ =	strace $0x90000047  }
0xc3: {  	s0 =	stileid.u32;
	[bflag:$0x2] =	sbarrier.arrive $0xFFFF  }
0xc4: {  	p0 =	sne.s32 s0, $0x0;
	s0 =	rddreg [dreg:$0x3]  }
0xc5: {  	s0 =	sadd.s32 @!p0 $0x100000, s0  }
0xc6: {  	[sflag:s0] =	ssyncadd.tile.s32 @!p0 $0x1;
	_ =	shalt  }
.Lfunc_end2:
_tile_overlayer_lowered:
.L_overlay_start_2:
0xc7: {  	(tag) =	ssettag $0x2  }
0xc8: {  	s0 =	rddreg [dreg:$0x0];
	s2 =	stileid.u32  }
0xc9: {  	s1 =	rddreg [dreg:$0x1];
	p0 =	sne.s32 s2, $0x0  }
0xca: {  	s3 =	rddreg [dreg:$0x2];
	[bflag:$0x3] =	sbarrier.arrive $0xFFFF;
	s2 =	simm.s32 @!p0 $0x1C03  }
0xcb: {  	[timem:s3], [sflag:s2] =	dma.local @!p0 [hbm:s0], s1  }
0xcc: {  	s0 =	simm.s32 @!p0 $0x3  }
0xcd: {  	_ =	swait.ge @!p0 [sflag:s0], s1  }
0xce: {  	s1 =	ssub.s32 @!p0 $0x0, s1;
	[sflag:s0] =	ssyncset.done @!p0 $0x0  }
0xcf: {  	[sflag:s0] =	ssyncadd.s32 @!p0 s1  }
0xd0: {  	[bflag:$0x3] =	sbarrier.arrive $0xFFFF  }
0xd1: {  	_ =	shalt  }

// kernel: kernel.21.cloned.1.call-start
scs
__scs_entry_jumppad:
0x0: {  	(pc) =	sbr.rel $0x88, $3  }
0x1: {  	(tag) =	ssettag $0x0;
	lr =	simm.s32 $0x1  }
0x2: {  	[smem:$0x3F7B] =	sst lr;
	_ =	strace $0xD0000000  }
0x3: {  	_ = 	snop  }
0x4: {  	_ = 	snop  }
0x5: {  	_ = 	snop  }
0x6: {  	_ = 	snop  }
0x7: {  	_ = 	snop  }
__scs_overlays_trampoline_lowered:
0x8: {  	[smem:$0x3F8A] =	sst s0  }
0x9: {  	[smem:$0x3F8B] =	sst s1  }
0xa: {  	[smem:$0x3F8C] =	sst s2  }
0xb: {  	[smem:$0x3F8D] =	sst s3  }
0xc: {  	[smem:$0x3F8E] =	sst s4  }
0xd: {  	[smem:$0x3F8F] =	sst s5  }
0xe: {  	[smem:$0x3F90] =	sst s6  }
0xf: {  	[smem:$0x3F91] =	sst s7  }
0x10: {  	[smem:$0x3F92] =	sst s8  }
0x11: {  	[smem:$0x3F93] =	sst s9;
	s0 =	simm.s32 @!p0 $0x0  }
0x12: {  	s1 =	sld [smem:$0x3F79];
	s0 =	simm.s32 @p0 $0x1  }
0x13: {  	[smem:$0x3F94] =	sst s0;
	s0 =	simm.s32 @!p1 $0x0  }
0x14: {  	s2 =	sld [smem:$0x3F78];
	s0 =	simm.s32 @p1 $0x1  }
0x15: {  	[smem:$0x3F95] =	sst s0;
	s0 =	simm.s32 @!p2 $0x0  }
0x16: {  	s3 =	sld [smem:$0x3FDB];
	s0 =	simm.s32 @p2 $0x1  }
0x17: {  	s4 =	simm.s32 $0x1BF5;
	[smem:$0x3F97] =	sst s0  }
0x18: {  	s0 =	sld [smem:$0x3F7A];
	_ =	swait.ge [sflag:s4], $0x0  }
0x19: {  	s7 =	sld [smem:$0x3F7B]  }
0x1a: {  	s8 =	sadd.s32 $0xFFFFE003, lr  }
0x1b: {  	s9 =	sadd.s32 $0xFFFFFEF7, lr;
	s5 =	simm.s32 $0xFFFFFFFF;
	p2 =	slt.u32 s8, $0xFFFFF086  }
0x1c: {  	p1 =	slt.u32 s9, $0xF7A;
	s5 =	simm.s32 @!p2 $0x0  }
0x1d: {  	s5 =	simm.s32 @p1 $0x1;
	p0 =	seq.s32 s7, s2  }
0x1e: {  	s7 =	smul.u32 @!p0 $0xF7A, s2;
	p2 =	seq.s32 @!p0 s5, $0x0  }
0x1f: {  	s9 =	smul.u32 $0xF7A, s1;
	s8 =	simm.s32 @!p0 $0x1BF5;
	p2 =	por !p2, p0  }
0x20: {  	[sflag:s8] =	ssyncset.s32 @!p0 $0xFFFFF086;
	s6 =	sadd.s32 @!p0 s3, s7;
	s7 =	simm.s32 @!p0 $0x108  }
0x21: {  	s3 =	sadd.s32 s3, s9;
	s6 =	sadd.s32 @!p0 $0x88, s6;
	s7 =	simm.s32 @p2 $0x1082  }
0x22: {  	[simem:s7], [sflag:s8] =	dma.local @!p0 [hbm:s6], $0xF7A  }
0x23: {  	s9 =	sor.u32 $0xD0000000, s2;
	s6 =	simm.s32 $0x108;
	_ =	swait.ge @!p0 [sflag:s8], $0x0  }
0x24: {  	s3 =	sadd.s32 $0x88, s3;
	s6 =	simm.s32 @!p1 $0x1082;
	[sflag:s4] =	ssyncset.s32 $0xFFFFF086  }
0x25: {  	[simem:s6], [sflag:s4] =	dma.local [hbm:s3], $0xF7A  }
0x26: {  	[smem:$0x3F7B] =	sst s1;
	(tag) =	ssettag s2;
	_ =	strace s9  }
0x27: {  	s1 =	sld [smem:$0x3F8B]  }
0x28: {  	s2 =	sld [smem:$0x3F8C]  }
0x29: {  	s4 =	sld [smem:$0x3F8E]  }
0x2a: {  	p0 =	seq.s32 s5, $0x0;
	s5 =	sld [smem:$0x3F8F]  }
0x2b: {  	s6 =	sld [smem:$0x3F90]  }
0x2c: {  	s7 =	sld [smem:$0x3F91]  }
0x2d: {  	s3 =	simm.s32 $0x108;
	s8 =	sld [smem:$0x3F92]  }
0x2e: {  	s3 =	simm.s32 @!p0 $0x1082;
	s9 =	sld [smem:$0x3F93]  }
0x2f: {  	lr =	sadd.s32 s0, s3;
	s0 =	sld [smem:$0x3F8A]  }
0x30: {  	s3 =	sld [smem:$0x3F8D]  }
0x31: {  	[smem:$0x3F96] =	sst s10  }
0x32: {  	s10 =	sld [smem:$0x3F94];
	_ =	sdelay $0x3  }
0x33: {  	p0 =	seq.s32 s10, $0x1;
	s10 =	sld [smem:$0x3F96];
	_ =	sdelay $0x3  }
0x34: {  	[smem:$0x3F96] =	sst s10  }
0x35: {  	s10 =	sld [smem:$0x3F95];
	_ =	sdelay $0x3  }
0x36: {  	p1 =	seq.s32 s10, $0x1;
	s10 =	sld [smem:$0x3F96];
	_ =	sdelay $0x3  }
0x37: {  	[smem:$0x3F96] =	sst s10  }
0x38: {  	s10 =	sld [smem:$0x3F97]  }
0x39: {  	_ = 	snop;
	(pc) =	sbr.ind lr, $3  }
0x3a: {  	_ = 	snop  }
0x3b: {  	_ = 	snop  }
0x3c: {  	p2 =	seq.s32 s10, $0x1;
	s10 =	sld [smem:$0x3F96]  }
0x3d: {  	_ =	shalt  }
0x3e: {  	_ =	shalt  }
0x3f: {  	_ =	shalt  }
0x40: {  	_ =	shalt  }
0x41: {  	_ =	shalt  }
0x42: {  	_ =	shalt  }
0x43: {  	_ =	shalt  }
0x44: {  	_ =	shalt  }
0x45: {  	_ =	shalt  }
0x46: {  	_ =	shalt  }
0x47: {  	_ =	shalt  }
0x48: {  	_ =	shalt  }
0x49: {  	_ =	shalt  }
0x4a: {  	_ =	shalt  }
0x4b: {  	_ =	shalt  }
0x4c: {  	_ =	shalt  }
0x4d: {  	_ =	shalt  }
0x4e: {  	_ =	shalt  }
0x4f: {  	_ =	shalt  }
0x50: {  	_ =	shalt  }
0x51: {  	_ =	shalt  }
0x52: {  	_ =	shalt  }
0x53: {  	_ =	shalt  }
0x54: {  	_ =	shalt  }
0x55: {  	_ =	shalt  }
0x56: {  	_ =	shalt  }
0x57: {  	_ =	shalt  }
0x58: {  	_ =	shalt  }
0x59: {  	_ =	shalt  }
0x5a: {  	_ =	shalt  }
0x5b: {  	_ =	shalt  }
0x5c: {  	_ =	shalt  }
0x5d: {  	_ =	shalt  }
0x5e: {  	_ =	shalt  }
0x5f: {  	_ =	shalt  }
0x60: {  	_ =	shalt  }
0x61: {  	_ =	shalt  }
0x62: {  	_ =	shalt  }
0x63: {  	_ =	shalt  }
0x64: {  	_ =	shalt  }
0x65: {  	_ =	shalt  }
0x66: {  	_ =	shalt  }
0x67: {  	_ =	shalt  }
0x68: {  	_ =	shalt  }
0x69: {  	_ =	shalt  }
0x6a: {  	_ =	shalt  }
0x6b: {  	_ =	shalt  }
0x6c: {  	_ =	shalt  }
0x6d: {  	_ =	shalt  }
0x6e: {  	_ =	shalt  }
0x6f: {  	_ =	shalt  }
0x70: {  	_ =	shalt  }
0x71: {  	_ =	shalt  }
0x72: {  	_ =	shalt  }
0x73: {  	_ =	shalt  }
0x74: {  	_ =	shalt  }
0x75: {  	_ =	shalt  }
0x76: {  	_ =	shalt  }
0x77: {  	_ =	shalt  }
0x78: {  	_ =	shalt  }
0x79: {  	_ =	shalt  }
0x7a: {  	_ =	shalt  }
0x7b: {  	_ =	shalt  }
0x7c: {  	_ =	shalt  }
0x7d: {  	_ =	shalt  }
0x7e: {  	_ =	shalt  }
0x7f: {  	_ =	shalt  }
0x80: {  	_ =	shalt  }
0x81: {  	_ =	shalt  }
0x82: {  	_ =	shalt  }
0x83: {  	_ =	shalt  }
0x84: {  	_ =	shalt  }
0x85: {  	_ =	shalt  }
0x86: {  	_ =	shalt  }
0x87: {  	_ =	shalt  }
.Lfunc_end0:
.L_simem_size_0:
called_computation.1_lowered:
.L_overlay_start_0:
0x88: {  	s2 =	sld [smem:$0x3FD9]  }
0x89: {  	s3 =	sld [smem:$0x3FFE];
	_ =	sdelay $0x1  }
0x8a: {  	s1 =	srdreg.scid  }
0x8b: {  	s0 =	sand.u32 $0x1, s1  }
0x8c: {  	s17 =	sshll.u32 s0, $0xA;
	s2 =	sadd.s32 s3, s2  }
0x8d: {  	s2 =	sadd.s32 s2, s17  }
0x8e: {  	[smem:$0x3FA2] =	sst s2  }
0x8f: {  	_ = 	snop  }
0x90: {  	s2 =	sld [smem:$0x3FD0];
	(tm) =	ssettm $0x1  }
0x91: {  	s18 =	sld [smem:$0x3FFB];
	_ =	sdelay $0x3  }
0x92: {  	_ =	strace s18  }
0x93: {  	s3 =	sld [smem:$0x3FFC];
	_ =	sdelay $0x3  }
0x94: {  	_ =	strace s3  }
0x95: {  	s3 =	sld [smem:$0x3FFD];
	_ =	sdelay $0x3  }
0x96: {  	_ =	strace s3  }
0x97: {  	_ =	strace $0x8FFFFFFF  }
0x98: {  	s19 =	sld [smem:$0x3FDB];
	_ =	sdelay $0x1  }
0x99: {  	s4 =	simm.s32 $_scs_section_size  }
0x9a: {  	s5 =	simm.s32 $_size__tile_overlayer_lowered;
	s6 =	simm.s32 $_tile_overlayer_lowered  }
0x9b: {  	s22 =	simm.s32 $0x1BFF;
	s21 =	sshll.u32 s6, $0x1;
	s3 =	sadd.s32 s4, s19  }
0x9c: {  	s7 =	simm.s32 $0x0;
	s20 =	sshll.u32 s5, $0x1;
	s5 =	sadd.s32 s21, s3  }
0x9d: {  	[timem:s7], [sflag:s22] =	dma.local [hbm:s5], s20  }
0x9e: {  	_ =	swait.ge [sflag:s22], s20  }
0x9f: {  	s4 =	ssub.s32 $0x0, s20;
	[sflag:s22] =	ssyncset.done $0x0  }
0xa0: {  	[sflag:s22] =	ssyncadd.s32 s4;
	_ =	sdelay $0x1  }
0xa1: {  	s23 =	simm.s32 $0x1B8B  }
0xa2: {  	_ =	swait.ge [sflag:s23], $0x1  }
0xa3: {  	[sflag:s23] =	ssyncset.done $0x0  }
0xa4: {  	s25 =	simm.s32 $0x1B8E;
	s24 =	sld [smem:$0x3FFE];
	[sflag:s23] =	ssyncadd.s32 $0xFFFFFFFF  }
0xa5: {  	s26 =	simm.s32 $execute0_lowered;
	[smem:$0x3FD2] =	sst s25  }
0xa6: {  	s5 =	sshll.u32 s26, $0x1;
	_ =	strace $0x80000049;
	[dreg:$0x1] =	wrdreg $0xFFFFFFFF  }
0xa7: {  	s28 =	simm.s32 $_size_execute0_lowered;
	s3 =	sadd.s32 s3, s5;
	[dreg:$0x0] =	wrdreg $0x0  }
0xa8: {  	s5 =	sshll.u32 s28, $0x1;
	[dreg:$0x2] =	wrdreg s3  }
0xa9: {  	[dreg:$0x3] =	wrdreg s5  }
0xaa: {  	[dreg:$0x4] =	wrdreg $0xC0  }
0xab: {  	_ =	task [dreg:s7], $0x5FFFF  }
0xac: {  	[dreg:$0x1] =	wrdreg $0xFFFFFFFF  }
0xad: {  	[dreg:$0x0] =	wrdreg $0x60  }
0xae: {  	[dreg:$0x2] =	wrdreg s24  }
0xaf: {  	[dreg:$0x3] =	wrdreg s2  }
0xb0: {  	[dreg:$0x4] =	wrdreg $0xA9000  }
0xb1: {  	[dreg:$0x5] =	wrdreg $0x9  }
0xb2: {  	_ =	task.clear_ibuf [dreg:s7], $0x6FFFF;
	_ =	strace $0x90000049  }
0xb3: {  	s29 =	simm.s32 $0x9;
	_ =	strace $0x8000004B  }
0xb4: {  	_ =	swait.ge [sflag:s29], $0x1  }
0xb5: {  	[sflag:s29] =	ssyncadd.s32 $0xFFFFFFFF  }
0xb6: {  	_ =	strace $0x9000004B  }
0xb7: {  	_ =	sfence  }
0xb8: {  	s30 =	sld [smem:$0x0];
	_ =	sdelay $0x2  }
0xb9: {  	s31 =	sshll.u32 s1, $0xD;
	s1 =	sshrl.u32 s1, $0x2  }
0xba: {  	s3 =	sand.u32 $0x4000, s31;
	s1 =	sadd.s32 s1, s30  }
0xbb: {  	s0 =	sor.u32 s3, s0;
	s1 =	sshll.u32 s1, $0x11  }
0xbc: {  	s0 =	sor.u32 s1, s0  }
0xbd: {  	s0 =	sadd.s32 $0x8F2B, s0  }
0xbe: {  	[sflag:s0] =	ssyncadd.remote.s32 $0x1  }
0xbf: {  	_ =	sfence.sel $0xFFFF  }
0xc0: {  	[dreg:$0x0] =	wrdreg $0xFFFFFFFF;
	(pc) =	sbr.abs _section_cstart, $3  }
0xc1: {  	[dreg:$0x1] =	wrdreg $0xFFFFFFFF  }
0xc2: {  	_ =	task.clear_ibuf [dreg:s7], $0x2FFFF;
	_ =	strace $0x9FFFFFFF  }
0xc3: {  	(tm) =	ssettm $0x7FFFFFFF  }
tec
execute0_lowered:
.L_overlay_start_1:
0x0: {  	(tag) =	ssettag $0x1  }
0x1: {  	s0 =	rddreg [dreg:$0x0];
	s15 =	stileid.u32  }
0x2: {  	s3 =	rddreg [dreg:$0x2];
	s4 =	simm.s32 $0x0;
	s22 =	smul.u32 $0x500, s15  }
0x3: {  	s1 =	srdreg.scid;
	s29 =	simm.s32 $0x2900;
	s9 =	smul.u32 $0x2800, s15  }
0x4: {  	s30 =	simm.s32 $0x3;
	s1 =	sand.u32 $0x1, s1;
	s25 =	smul.u32 $0xA000, s15  }
0x5: {  	s31 =	simm.s32 $0x80;
	s26 =	sor.u32 $0x10, s15;
	s5 =	smul.u32 $0x27100, s1  }
0x6: {  	[smem:$0x7FF] =	sst s4;
	s17 =	sor.u32 $0x30, s15;
	s20 =	smul.u32 $0xA000, s26  }
0x7: {  	s6 =	sadd.s32 $0x5AE00, s0;
	s18 =	sor.u32 $0x40, s15;
	s24 =	smul.u32 $0xA000, s17  }
0x8: {  	_ =	strace $0x8000004A;
	s1 =	ssub.s32 $0x2, s1;
	s13 =	smul.u32 $0xA000, s18  }
0x9: {  	s18 =	smul.u32 $0x500, s18;
	s2 =	sadd.s32 s22, s0;
	s7 =	sshrl.u32 s1, $0x1  }
0xa: {  	s19 =	sshrl.u32 s25, $0x2;
	[dreg:$0x4] =	wrdreg s22;
	s0 =	sadd.s32 s5, s0  }
0xb: {  	s1 =	ssub.s32 s1, s7;
	s10 =	sadd.s32 s19, s3;
	s19 =	sor.u32 $0x50, s15  }
0xc: {  	s21 =	sshrl.u32 s20, $0x2;
	s20 =	sor.u32 $0x60, s15;
	s25 =	smul.u32 $0xA000, s19  }
0xd: {  	s2 =	sadd.s32 $0x55E00, s2;
	s7 =	sadd.s32 $0x7C00, s0;
	s16 =	smul.u32 $0xA000, s20  }
0xe: {  	s8 =	sadd.s32 $0x5FE00, s0;
	s0 =	sor.u32 $0x20, s15;
	s19 =	smul.u32 $0x500, s19  }
0xf: {  	s14 =	sshrl.u32 s13, $0x2;
	[dreg:$0x5] =	wrdreg s2;
	s23 =	smul.u32 $0xA000, s0  }
0x10: {  	s1 =	smax.u32 s1, $0x1;
	s11 =	sadd.s32 s21, s3;
	s0 =	smul.u32 $0x500, s0  }
0x11: {  	[dreg:$0x6] =	wrdreg s1;
	s1 =	sshrl.u32 s24, $0x2;
	s24 =	smul.u32 $0x500, s17  }
0x12: {  	s14 =	sadd.s32 s14, s3;
	s13 =	sadd.s32 s1, s3;
	s1 =	smul.u32 $0x500, s26  }
0x13: {  	s26 =	sshrl.u32 s25, $0x2;
	s16 =	sshrl.u32 s16, $0x2;
	s5 =	sshrl.u32 s23, $0x2  }
0x14: {  	s16 =	sadd.s32 s16, s3;
	s23 =	sshrl.u32 s9, $0x3;
	s0 =	sadd.s32 s0, s8  }
0x15: {  	s9 =	simm.s32 $0x0;
	s12 =	sadd.s32 s5, s3;
	s5 =	sor.u32 $0x70, s15  }
0x16: {  	s15 =	sadd.s32 s26, s3;
	s2 =	sadd.s32 s6, s23;
	s23 =	smul.u32 $0x500, s20  }
0x17: {  	s20 =	sadd.s32 s22, s6;
	s1 =	sadd.s32 s1, s8;
	[dreg:$0xa] =	wrdreg s0  }
0x18: {  	s0 =	simm.s32 $0x6900;
	s6 =	simm.s32 $0x2880;
	s21 =	smul.u32 $0xA000, s5  }
0x19: {  	s26 =	sadd.s32 $0x4E0, s2;
	s2 =	sadd.s32 $0x4F0, s2;
	[dreg:$0x9] =	wrdreg s1  }
0x1a: {  	p0 =	sgt.u32 s5, $0x7C;
	s5 =	smul.u32 $0x500, s5;
	[dreg:$0x7] =	wrdreg s26  }
0x1b: {  	s1 =	simm.s32 $0x2800;
	[dreg:$0x8] =	wrdreg s2;
	s26 =	sadd.s32 s24, s8  }
0x1c: {  	s24 =	sadd.s32 s18, s8;
	s2 =	simm.s32 $0x1;
	s25 =	sshrl.u32 s21, $0x2  }
0x1d: {  	[dreg:$0xb] =	wrdreg s26;
	s26 =	sadd.s32 s23, s8;
	s28 =	sadd.s32 @!p0 s5, s8  }
0x1e: {  	s5 =	simm.s32 $0x2;
	s17 =	sadd.s32 s25, s3;
	s25 =	sadd.s32 s19, s8  }
.LBB2_1:
0x1f: {  	s18 =	rddreg [dreg:$0x1]  }
0x20: {  	[tilespmem:s29], [sflag:$0x3] =	stream.linear.gather [hbm4b:s18+s4], $0x2800, $0x38;
	[tilespmem:$0x1E1C0] =	vst v63  }
0x21: {  	_ =	swait.ge [sflag:s30], $0x2800  }
0x22: {  	[sflag:s30] =	ssyncset.done $0x0  }
0x23: {  	[sflag:s30] =	ssyncadd.s32 $0xFFFFD800  }
0x24: {  	[spmem:s10] =	stream.linear.scatter [tilespmem:s29], [sflag:$0x3], $0x2800, $0x38;
	[tilespmem:$0x1E1C0] =	vst v63  }
0x25: {  	_ =	swait.ge [sflag:s30], $0x2800  }
0x26: {  	[sflag:s30] =	ssyncset.done $0x0  }
0x27: {  	[sflag:s30] =	ssyncadd.s32 $0xFFFFD800  }
0x28: {  	[spmem:s11] =	stream.linear.scatter [tilespmem:s29], [sflag:$0x3], $0x2800, $0x38;
	[tilespmem:$0x1E1C0] =	vst v63  }
0x29: {  	_ =	swait.ge [sflag:s30], $0x2800  }
0x2a: {  	[sflag:s30] =	ssyncset.done $0x0  }
0x2b: {  	[sflag:s30] =	ssyncadd.s32 $0xFFFFD800  }
0x2c: {  	[spmem:s12] =	stream.linear.scatter [tilespmem:s29], [sflag:$0x3], $0x2800, $0x38;
	[tilespmem:$0x1E1C0] =	vst v63  }
0x2d: {  	_ =	swait.ge [sflag:s30], $0x2800  }
0x2e: {  	[sflag:s30] =	ssyncset.done $0x0  }
0x2f: {  	[sflag:s30] =	ssyncadd.s32 $0xFFFFD800  }
0x30: {  	[spmem:s13] =	stream.linear.scatter [tilespmem:s29], [sflag:$0x3], $0x2800, $0x38;
	[tilespmem:$0x1E1C0] =	vst v63  }
0x31: {  	_ =	swait.ge [sflag:s30], $0x2800  }
0x32: {  	[sflag:s30] =	ssyncset.done $0x0  }
0x33: {  	[sflag:s30] =	ssyncadd.s32 $0xFFFFD800  }
0x34: {  	[spmem:s14] =	stream.linear.scatter [tilespmem:s29], [sflag:$0x3], $0x2800, $0x38;
	[tilespmem:$0x1E1C0] =	vst v63  }
0x35: {  	_ =	swait.ge [sflag:s30], $0x2800  }
0x36: {  	[sflag:s30] =	ssyncset.done $0x0  }
0x37: {  	[sflag:s30] =	ssyncadd.s32 $0xFFFFD800  }
0x38: {  	[spmem:s15] =	stream.linear.scatter [tilespmem:s29], [sflag:$0x3], $0x2800, $0x38;
	[tilespmem:$0x1E1C0] =	vst v63  }
0x39: {  	_ =	swait.ge [sflag:s30], $0x2800  }
0x3a: {  	[sflag:s30] =	ssyncset.done $0x0  }
0x3b: {  	[sflag:s30] =	ssyncadd.s32 $0xFFFFD800  }
0x3c: {  	[spmem:s16] =	stream.linear.scatter [tilespmem:s29], [sflag:$0x3], $0x2800, $0x38;
	[tilespmem:$0x1E1C0] =	vst v63  }
0x3d: {  	_ =	swait.ge [sflag:s30], $0x2800  }
0x3e: {  	[sflag:s30] =	ssyncset.done $0x0  }
0x3f: {  	s18 =	simm.s32 @!p0 $0x2900;
	[sflag:s30] =	ssyncadd.s32 $0xFFFFD800  }
0x40: {  	[spmem:s17] =	stream.linear.scatter @!p0 [tilespmem:s18], [sflag:$0x3], $0x2800, $0x38;
	[tilespmem:$0x1E1C0] =	vst v63  }
0x41: {  	s18 =	simm.s32 @!p0 $0x3  }
0x42: {  	_ =	swait.ge @!p0 [sflag:s18], $0x2800  }
0x43: {  	[sflag:s18] =	ssyncset.done @!p0 $0x0  }
0x44: {  	s22 =	rddreg [dreg:$0x5];
	[sflag:s18] =	ssyncadd.s32 @!p0 $0xFFFFD800  }
0x45: {  	[tilespmem:s4], [sflag:$0x3] =	stream.linear.gather [hbm4b:s22+s4], $0x2800, $0x38;
	[tilespmem:$0x1E1C0] =	vst v63  }
0x46: {  	_ =	swait.ge [sflag:s30], $0x2800  }
0x47: {  	[sflag:s30] =	ssyncset.done $0x0  }
0x48: {  	[sflag:s30] =	ssyncadd.s32 $0xFFFFD800  }
0x49: {  	[bflag:$0x0] =	sbarrier.arrive $0xFFFF  }
0x4a: {  	[tilespmem:s29], [sflag:$0x1] =	stream.indirect.gather [hbm4b:s7+s31], $0x80, s4, s31, $0xb8;
	[tilespmem:$0x1E1C0] =	vst v63  }
0x4b: {  	_ = 	snop  }
0x4c: {  	[tilespmem:s0], [sflag:$0x2] =	stream.indirect.gather [hbm4b:s7+s31], $0x80, s31, s31, $0xb8;
	[tilespmem:$0x1E1C0] =	vst v63  }
0x4d: {  	s23 =	sadd.s32 $0x0, s20  }
0x4e: {  	[tilespmem:s1], [sflag:$0x3] =	stream.linear.gather [hbm4b:s23+s4], $0x80, $0x38;
	[tilespmem:$0x1E1C0] =	vst v63  }
0x4f: {  	_ =	swait.ge [sflag:s30], $0x80  }
0x50: {  	[sflag:s30] =	ssyncset.done $0x0  }
0x51: {  	[sflag:s30] =	ssyncadd.s32 $0xFFFFFF80  }
0x52: {  	_ =	swait.ge [sflag:s2], $0x4000  }
0x53: {  	[sflag:s2] =	ssyncset.done $0x0  }
0x54: {  	[sflag:s2] =	ssyncadd.s32 $0xFFFFC000  }
0x55: {  	[spmem:s3] =	stream.indirect.scatter.add.f32 [tilespmem:s29], [sflag:$0x3], $0x80, s1, s31, $0xb8;
	[tilespmem:$0x1E1C0] =	vst v63  }
0x56: {  	_ =	swait.ge [sflag:s30], $0x4000  }
0x57: {  	[sflag:s30] =	ssyncset.done $0x0  }
0x58: {  	s19 =	simm.s32 $0x100;
	[sflag:s30] =	ssyncadd.s32 $0xFFFFC000  }
0x59: {  	[tilespmem:s29], [sflag:$0x1] =	stream.indirect.gather [hbm4b:s7+s31], $0x80, s19, s31, $0xb8;
	[tilespmem:$0x1E1C0] =	vst v63  }
0x5a: {  	s18 =	sadd.s32 $0x10, s23  }
0x5b: {  	[tilespmem:s6], [sflag:$0x3] =	stream.linear.gather [hbm4b:s18+s4], $0x80, $0x38;
	[tilespmem:$0x1E1C0] =	vst v63  }
0x5c: {  	_ =	swait.ge [sflag:s30], $0x80  }
0x5d: {  	[sflag:s30] =	ssyncset.done $0x0  }
0x5e: {  	[sflag:s30] =	ssyncadd.s32 $0xFFFFFF80  }
0x5f: {  	_ =	swait.ge [sflag:s5], $0x4000  }
0x60: {  	[sflag:s5] =	ssyncset.done $0x0  }
0x61: {  	[sflag:s5] =	ssyncadd.s32 $0xFFFFC000  }
0x62: {  	[spmem:s3] =	stream.indirect.scatter.add.f32 [tilespmem:s0], [sflag:$0x3], $0x80, s6, s31, $0xb8;
	[tilespmem:$0x1E1C0] =	vst v63  }
0x63: {  	_ =	swait.ge [sflag:s30], $0x4000  }
0x64: {  	s21 =	simm.s32 $0x180;
	[sflag:s30] =	ssyncset.done $0x0  }
0x65: {  	s19 =	simm.s32 $0x280;
	s18 =	simm.s32 $0x20;
	[sflag:s30] =	ssyncadd.s32 $0xFFFFC000  }
.LBB2_2:
0x66: {  	[tilespmem:s0], [sflag:$0x2] =	stream.indirect.gather [hbm4b:s7+s31], $0x80, s21, s31, $0xb8;
	[tilespmem:$0x1E1C0] =	vst v63  }
0x67: {  	s22 =	sadd.s32 s18, s20;
	p1 =	sne.s32 s18, $0x4C0;
	s18 =	sadd.s32 $0x20, s18  }
0x68: {  	[tilespmem:s1], [sflag:$0x3] =	stream.linear.gather [hbm4b:s22+s4], $0x80, $0x38;
	[tilespmem:$0x1E1C0] =	vst v63  }
0x69: {  	s21 =	smov.u32 s19;
	_ =	swait.ge [sflag:s30], $0x80  }
0x6a: {  	[sflag:s30] =	ssyncset.done $0x0  }
0x6b: {  	[sflag:s30] =	ssyncadd.s32 $0xFFFFFF80  }
0x6c: {  	_ =	swait.ge [sflag:s2], $0x4000  }
0x6d: {  	[sflag:s2] =	ssyncset.done $0x0  }
0x6e: {  	[sflag:s2] =	ssyncadd.s32 $0xFFFFC000  }
0x6f: {  	[spmem:s3] =	stream.indirect.scatter.add.f32 [tilespmem:s29], [sflag:$0x3], $0x80, s1, s31, $0xb8;
	[tilespmem:$0x1E1C0] =	vst v63  }
0x70: {  	_ =	swait.ge [sflag:s30], $0x4000  }
0x71: {  	[sflag:s30] =	ssyncset.done $0x0  }
0x72: {  	s23 =	sadd.s32 $0xFFFFFF80, s19;
	[sflag:s30] =	ssyncadd.s32 $0xFFFFC000  }
0x73: {  	[tilespmem:s29], [sflag:$0x1] =	stream.indirect.gather [hbm4b:s7+s31], $0x80, s23, s31, $0xb8;
	[tilespmem:$0x1E1C0] =	vst v63  }
0x74: {  	s22 =	sadd.s32 $0x10, s22  }
0x75: {  	[tilespmem:s6], [sflag:$0x3] =	stream.linear.gather [hbm4b:s22+s4], $0x80, $0x38;
	[tilespmem:$0x1E1C0] =	vst v63  }
0x76: {  	_ =	swait.ge [sflag:s30], $0x80  }
0x77: {  	[sflag:s30] =	ssyncset.done $0x0  }
0x78: {  	[sflag:s30] =	ssyncadd.s32 $0xFFFFFF80  }
0x79: {  	_ =	swait.ge [sflag:s5], $0x4000  }
0x7a: {  	[sflag:s5] =	ssyncset.done $0x0  }
.Ltmp0:
0x7b: {  	[sflag:s5] =	ssyncadd.s32 $0xFFFFC000;
	(pc) =	sbr.rel @p1 .LBB2_2-.Ltmp0, $4  }
0x7c: {  	[spmem:s3] =	stream.indirect.scatter.add.f32 [tilespmem:s0], [sflag:$0x3], $0x80, s6, s31, $0xb8;
	[tilespmem:$0x1E1C0] =	vst v63  }
0x7d: {  	_ =	swait.ge [sflag:s30], $0x4000  }
0x7e: {  	[sflag:s30] =	ssyncset.done $0x0  }
0x7f: {  	s19 =	sadd.s32 $0x100, s19;
	[sflag:s30] =	ssyncadd.s32 $0xFFFFC000  }
0x80: {  	[tilespmem:s0], [sflag:$0x2] =	stream.indirect.gather [hbm4b:s7+s31], $0x80, s21, s31, $0xb8;
	[tilespmem:$0x1E1C0] =	vst v63  }
0x81: {  	s18 =	rddreg [dreg:$0x7]  }
0x82: {  	[tilespmem:s1], [sflag:$0x3] =	stream.linear.gather [hbm4b:s18+s4], $0x80, $0x38;
	[tilespmem:$0x1E1C0] =	vst v63  }
0x83: {  	_ =	swait.ge [sflag:s30], $0x80  }
0x84: {  	[sflag:s30] =	ssyncset.done $0x0  }
0x85: {  	[sflag:s30] =	ssyncadd.s32 $0xFFFFFF80  }
0x86: {  	_ =	swait.ge [sflag:s2], $0x4000  }
0x87: {  	[sflag:s2] =	ssyncset.done $0x0  }
0x88: {  	[sflag:s2] =	ssyncadd.s32 $0xFFFFC000  }
0x89: {  	[spmem:s3] =	stream.indirect.scatter.add.f32 [tilespmem:s29], [sflag:$0x3], $0x80, s1, s31, $0xb8;
	[tilespmem:$0x1E1C0] =	vst v63  }
0x8a: {  	_ =	swait.ge [sflag:s30], $0x4000  }
0x8b: {  	[sflag:s30] =	ssyncset.done $0x0  }
0x8c: {  	s21 =	rddreg [dreg:$0x8];
	[sflag:s30] =	ssyncadd.s32 $0xFFFFC000  }
0x8d: {  	[tilespmem:s6], [sflag:$0x3] =	stream.linear.gather [hbm4b:s21+s4], $0x80, $0x38;
	[tilespmem:$0x1E1C0] =	vst v63  }
0x8e: {  	_ =	swait.ge [sflag:s30], $0x80  }
0x8f: {  	[sflag:s30] =	ssyncset.done $0x0  }
0x90: {  	[sflag:s30] =	ssyncadd.s32 $0xFFFFFF80  }
0x91: {  	_ =	swait.ge [sflag:s5], $0x4000  }
0x92: {  	[sflag:s5] =	ssyncset.done $0x0  }
0x93: {  	[sflag:s5] =	ssyncadd.s32 $0xFFFFC000  }
0x94: {  	[spmem:s3] =	stream.indirect.scatter.add.f32 [tilespmem:s0], [sflag:$0x3], $0x80, s6, s31, $0xb8;
	[tilespmem:$0x1E1C0] =	vst v63  }
0x95: {  	_ =	swait.ge [sflag:s30], $0x4000  }
0x96: {  	[sflag:s30] =	ssyncset.done $0x0  }
0x97: {  	[sflag:s30] =	ssyncadd.s32 $0xFFFFC000  }
0x98: {  	s22 =	stileid.u32;
	[bflag:$0x0] =	sbarrier.arrive $0xFFFF  }
0x99: {  	s18 =	sshll.u32 s22, $0x6;
	s19 =	rddreg [dreg:$0x4]  }
0x9a: {  	s23 =	sshrl.u32 s10, $0x3;
	s18 =	sor.u32 $0x1C03, s18;
	s19 =	sadd.s32 s19, s8  }
0x9b: {  	[hbm:s19], [sflag:s18] =	dma.local [spmem:s23], $0x500  }
0x9c: {  	_ =	swait.ge [sflag:s30], $0x500  }
0x9d: {  	[sflag:s30] =	ssyncset.done $0x0  }
0x9e: {  	s22 =	sshrl.u32 s11, $0x3;
	s23 =	rddreg [dreg:$0x9];
	[sflag:s30] =	ssyncadd.s32 $0xFFFFFB00  }
0x9f: {  	[hbm:s23], [sflag:s18] =	dma.local [spmem:s22], $0x500  }
0xa0: {  	_ =	swait.ge [sflag:s30], $0x500  }
0xa1: {  	[sflag:s30] =	ssyncset.done $0x0  }
0xa2: {  	s22 =	sshrl.u32 s12, $0x3;
	s23 =	rddreg [dreg:$0xa];
	[sflag:s30] =	ssyncadd.s32 $0xFFFFFB00  }
0xa3: {  	[hbm:s23], [sflag:s18] =	dma.local [spmem:s22], $0x500  }
0xa4: {  	_ =	swait.ge [sflag:s30], $0x500  }
0xa5: {  	[sflag:s30] =	ssyncset.done $0x0  }
0xa6: {  	s21 =	sshrl.u32 s13, $0x3;
	s22 =	rddreg [dreg:$0xb];
	[sflag:s30] =	ssyncadd.s32 $0xFFFFFB00  }
0xa7: {  	[hbm:s22], [sflag:s18] =	dma.local [spmem:s21], $0x500  }
0xa8: {  	_ =	swait.ge [sflag:s30], $0x500  }
0xa9: {  	[sflag:s30] =	ssyncset.done $0x0  }
0xaa: {  	s23 =	sshrl.u32 s14, $0x3;
	[sflag:s30] =	ssyncadd.s32 $0xFFFFFB00  }
0xab: {  	[hbm:s24], [sflag:s18] =	dma.local [spmem:s23], $0x500  }
0xac: {  	_ =	swait.ge [sflag:s30], $0x500  }
0xad: {  	[sflag:s30] =	ssyncset.done $0x0  }
0xae: {  	s21 =	sshrl.u32 s15, $0x3;
	[sflag:s30] =	ssyncadd.s32 $0xFFFFFB00  }
0xaf: {  	[hbm:s25], [sflag:s18] =	dma.local [spmem:s21], $0x500  }
0xb0: {  	_ =	swait.ge [sflag:s30], $0x500  }
0xb1: {  	[sflag:s30] =	ssyncset.done $0x0  }
0xb2: {  	s22 =	sshrl.u32 s16, $0x3;
	[sflag:s30] =	ssyncadd.s32 $0xFFFFFB00  }
0xb3: {  	[hbm:s26], [sflag:s18] =	dma.local [spmem:s22], $0x500  }
0xb4: {  	_ =	swait.ge [sflag:s30], $0x500  }
0xb5: {  	[sflag:s30] =	ssyncset.done $0x0  }
0xb6: {  	s19 =	sshrl.u32 @!p0 s17, $0x3;
	[sflag:s30] =	ssyncadd.s32 $0xFFFFFB00  }
0xb7: {  	[hbm:s28], [sflag:s18] =	dma.local @!p0 [spmem:s19], $0x500  }
0xb8: {  	s18 =	simm.s32 @!p0 $0x3  }
0xb9: {  	_ =	swait.ge @!p0 [sflag:s18], $0x500  }
0xba: {  	s9 =	sadd.s32 $0x1, s9;
	s23 =	rddreg [dreg:$0x6]  }
0xbb: {  	p1 =	sne.s32 s9, s23  }
.Ltmp1:
0xbc: {  	_ = 	snop;
	(pc) =	sbr.rel @p1 .LBB2_1-.Ltmp1, $3  }
0xbd: {  	_ =	sdelay $0x1  }
0xbe: {  	[sflag:s18] =	ssyncset.done @!p0 $0x0  }
0xbf: {  	[sflag:s18] =	ssyncadd.s32 @!p0 $0xFFFFFB00  }
0xc0: {  	_ =	sfence.sel $0x180000  }
0xc1: {  	[bflag:$0x0] =	sbarrier.arrive $0xFFFF  }
0xc2: {  	_ =	strace $0x9000004A  }
0xc3: {  	s0 =	stileid.u32;
	[bflag:$0x2] =	sbarrier.arrive $0xFFFF  }
0xc4: {  	p0 =	sne.s32 s0, $0x0;
	s0 =	rddreg [dreg:$0x3]  }
0xc5: {  	s0 =	sadd.s32 @!p0 $0x100000, s0  }
0xc6: {  	[sflag:s0] =	ssyncadd.tile.s32 @!p0 $0x1;
	_ =	shalt  }
.Lfunc_end2:
_tile_overlayer_lowered:
.L_overlay_start_2:
0xc7: {  	(tag) =	ssettag $0x2  }
0xc8: {  	s0 =	rddreg [dreg:$0x0];
	s2 =	stileid.u32  }
0xc9: {  	s1 =	rddreg [dreg:$0x1];
	p0 =	sne.s32 s2, $0x0  }
0xca: {  	s3 =	rddreg [dreg:$0x2];
	[bflag:$0x3] =	sbarrier.arrive $0xFFFF;
	s2 =	simm.s32 @!p0 $0x1C03  }
0xcb: {  	[timem:s3], [sflag:s2] =	dma.local @!p0 [hbm:s0], s1  }
0xcc: {  	s0 =	simm.s32 @!p0 $0x3  }
0xcd: {  	_ =	swait.ge @!p0 [sflag:s0], s1  }
0xce: {  	s1 =	ssub.s32 @!p0 $0x0, s1;
	[sflag:s0] =	ssyncset.done @!p0 $0x0  }
0xcf: {  	[sflag:s0] =	ssyncadd.s32 @!p0 s1  }
0xd0: {  	[bflag:$0x3] =	sbarrier.arrive $0xFFFF  }
0xd1: {  	_ =	shalt  }

// kernel: kernel.24.cloned.1.call-start
scs
__scs_entry_jumppad:
0x0: {  	(pc) =	sbr.rel $0x88, $3  }
0x1: {  	(tag) =	ssettag $0x0;
	lr =	simm.s32 $0x1  }
0x2: {  	[smem:$0x3F7B] =	sst lr;
	_ =	strace $0xD0000000  }
0x3: {  	_ = 	snop  }
0x4: {  	_ = 	snop  }
0x5: {  	_ = 	snop  }
0x6: {  	_ = 	snop  }
0x7: {  	_ = 	snop  }
__scs_overlays_trampoline_lowered:
0x8: {  	[smem:$0x3F8A] =	sst s0  }
0x9: {  	[smem:$0x3F8B] =	sst s1  }
0xa: {  	[smem:$0x3F8C] =	sst s2  }
0xb: {  	[smem:$0x3F8D] =	sst s3  }
0xc: {  	[smem:$0x3F8E] =	sst s4  }
0xd: {  	[smem:$0x3F8F] =	sst s5  }
0xe: {  	[smem:$0x3F90] =	sst s6  }
0xf: {  	[smem:$0x3F91] =	sst s7  }
0x10: {  	[smem:$0x3F92] =	sst s8  }
0x11: {  	[smem:$0x3F93] =	sst s9;
	s0 =	simm.s32 @!p0 $0x0  }
0x12: {  	s1 =	sld [smem:$0x3F79];
	s0 =	simm.s32 @p0 $0x1  }
0x13: {  	[smem:$0x3F94] =	sst s0;
	s0 =	simm.s32 @!p1 $0x0  }
0x14: {  	s2 =	sld [smem:$0x3F78];
	s0 =	simm.s32 @p1 $0x1  }
0x15: {  	[smem:$0x3F95] =	sst s0;
	s0 =	simm.s32 @!p2 $0x0  }
0x16: {  	s3 =	sld [smem:$0x3FDB];
	s0 =	simm.s32 @p2 $0x1  }
0x17: {  	s4 =	simm.s32 $0x1BF5;
	[smem:$0x3F97] =	sst s0  }
0x18: {  	s0 =	sld [smem:$0x3F7A];
	_ =	swait.ge [sflag:s4], $0x0  }
0x19: {  	s7 =	sld [smem:$0x3F7B]  }
0x1a: {  	s8 =	sadd.s32 $0xFFFFE003, lr  }
0x1b: {  	s9 =	sadd.s32 $0xFFFFFEF7, lr;
	s5 =	simm.s32 $0xFFFFFFFF;
	p2 =	slt.u32 s8, $0xFFFFF086  }
0x1c: {  	p1 =	slt.u32 s9, $0xF7A;
	s5 =	simm.s32 @!p2 $0x0  }
0x1d: {  	s5 =	simm.s32 @p1 $0x1;
	p0 =	seq.s32 s7, s2  }
0x1e: {  	s7 =	smul.u32 @!p0 $0xF7A, s2;
	p2 =	seq.s32 @!p0 s5, $0x0  }
0x1f: {  	s9 =	smul.u32 $0xF7A, s1;
	s8 =	simm.s32 @!p0 $0x1BF5;
	p2 =	por !p2, p0  }
0x20: {  	[sflag:s8] =	ssyncset.s32 @!p0 $0xFFFFF086;
	s6 =	sadd.s32 @!p0 s3, s7;
	s7 =	simm.s32 @!p0 $0x108  }
0x21: {  	s3 =	sadd.s32 s3, s9;
	s6 =	sadd.s32 @!p0 $0x88, s6;
	s7 =	simm.s32 @p2 $0x1082  }
0x22: {  	[simem:s7], [sflag:s8] =	dma.local @!p0 [hbm:s6], $0xF7A  }
0x23: {  	s9 =	sor.u32 $0xD0000000, s2;
	s6 =	simm.s32 $0x108;
	_ =	swait.ge @!p0 [sflag:s8], $0x0  }
0x24: {  	s3 =	sadd.s32 $0x88, s3;
	s6 =	simm.s32 @!p1 $0x1082;
	[sflag:s4] =	ssyncset.s32 $0xFFFFF086  }
0x25: {  	[simem:s6], [sflag:s4] =	dma.local [hbm:s3], $0xF7A  }
0x26: {  	[smem:$0x3F7B] =	sst s1;
	(tag) =	ssettag s2;
	_ =	strace s9  }
0x27: {  	s1 =	sld [smem:$0x3F8B]  }
0x28: {  	s2 =	sld [smem:$0x3F8C]  }
0x29: {  	s4 =	sld [smem:$0x3F8E]  }
0x2a: {  	p0 =	seq.s32 s5, $0x0;
	s5 =	sld [smem:$0x3F8F]  }
0x2b: {  	s6 =	sld [smem:$0x3F90]  }
0x2c: {  	s7 =	sld [smem:$0x3F91]  }
0x2d: {  	s3 =	simm.s32 $0x108;
	s8 =	sld [smem:$0x3F92]  }
0x2e: {  	s3 =	simm.s32 @!p0 $0x1082;
	s9 =	sld [smem:$0x3F93]  }
0x2f: {  	lr =	sadd.s32 s0, s3;
	s0 =	sld [smem:$0x3F8A]  }
0x30: {  	s3 =	sld [smem:$0x3F8D]  }
0x31: {  	[smem:$0x3F96] =	sst s10  }
0x32: {  	s10 =	sld [smem:$0x3F94];
	_ =	sdelay $0x3  }
0x33: {  	p0 =	seq.s32 s10, $0x1;
	s10 =	sld [smem:$0x3F96];
	_ =	sdelay $0x3  }
0x34: {  	[smem:$0x3F96] =	sst s10  }
0x35: {  	s10 =	sld [smem:$0x3F95];
	_ =	sdelay $0x3  }
0x36: {  	p1 =	seq.s32 s10, $0x1;
	s10 =	sld [smem:$0x3F96];
	_ =	sdelay $0x3  }
0x37: {  	[smem:$0x3F96] =	sst s10  }
0x38: {  	s10 =	sld [smem:$0x3F97]  }
0x39: {  	_ = 	snop;
	(pc) =	sbr.ind lr, $3  }
0x3a: {  	_ = 	snop  }
0x3b: {  	_ = 	snop  }
0x3c: {  	p2 =	seq.s32 s10, $0x1;
	s10 =	sld [smem:$0x3F96]  }
0x3d: {  	_ =	shalt  }
0x3e: {  	_ =	shalt  }
0x3f: {  	_ =	shalt  }
0x40: {  	_ =	shalt  }
0x41: {  	_ =	shalt  }
0x42: {  	_ =	shalt  }
0x43: {  	_ =	shalt  }
0x44: {  	_ =	shalt  }
0x45: {  	_ =	shalt  }
0x46: {  	_ =	shalt  }
0x47: {  	_ =	shalt  }
0x48: {  	_ =	shalt  }
0x49: {  	_ =	shalt  }
0x4a: {  	_ =	shalt  }
0x4b: {  	_ =	shalt  }
0x4c: {  	_ =	shalt  }
0x4d: {  	_ =	shalt  }
0x4e: {  	_ =	shalt  }
0x4f: {  	_ =	shalt  }
0x50: {  	_ =	shalt  }
0x51: {  	_ =	shalt  }
0x52: {  	_ =	shalt  }
0x53: {  	_ =	shalt  }
0x54: {  	_ =	shalt  }
0x55: {  	_ =	shalt  }
0x56: {  	_ =	shalt  }
0x57: {  	_ =	shalt  }
0x58: {  	_ =	shalt  }
0x59: {  	_ =	shalt  }
0x5a: {  	_ =	shalt  }
0x5b: {  	_ =	shalt  }
0x5c: {  	_ =	shalt  }
0x5d: {  	_ =	shalt  }
0x5e: {  	_ =	shalt  }
0x5f: {  	_ =	shalt  }
0x60: {  	_ =	shalt  }
0x61: {  	_ =	shalt  }
0x62: {  	_ =	shalt  }
0x63: {  	_ =	shalt  }
0x64: {  	_ =	shalt  }
0x65: {  	_ =	shalt  }
0x66: {  	_ =	shalt  }
0x67: {  	_ =	shalt  }
0x68: {  	_ =	shalt  }
0x69: {  	_ =	shalt  }
0x6a: {  	_ =	shalt  }
0x6b: {  	_ =	shalt  }
0x6c: {  	_ =	shalt  }
0x6d: {  	_ =	shalt  }
0x6e: {  	_ =	shalt  }
0x6f: {  	_ =	shalt  }
0x70: {  	_ =	shalt  }
0x71: {  	_ =	shalt  }
0x72: {  	_ =	shalt  }
0x73: {  	_ =	shalt  }
0x74: {  	_ =	shalt  }
0x75: {  	_ =	shalt  }
0x76: {  	_ =	shalt  }
0x77: {  	_ =	shalt  }
0x78: {  	_ =	shalt  }
0x79: {  	_ =	shalt  }
0x7a: {  	_ =	shalt  }
0x7b: {  	_ =	shalt  }
0x7c: {  	_ =	shalt  }
0x7d: {  	_ =	shalt  }
0x7e: {  	_ =	shalt  }
0x7f: {  	_ =	shalt  }
0x80: {  	_ =	shalt  }
0x81: {  	_ =	shalt  }
0x82: {  	_ =	shalt  }
0x83: {  	_ =	shalt  }
0x84: {  	_ =	shalt  }
0x85: {  	_ =	shalt  }
0x86: {  	_ =	shalt  }
0x87: {  	_ =	shalt  }
.Lfunc_end0:
.L_simem_size_0:
called_computation.2_lowered:
.L_overlay_start_0:
0x88: {  	s2 =	sld [smem:$0x3FD9]  }
0x89: {  	s3 =	sld [smem:$0x3FFE];
	_ =	sdelay $0x1  }
0x8a: {  	s1 =	srdreg.scid  }
0x8b: {  	s0 =	sand.u32 $0x1, s1  }
0x8c: {  	s17 =	sshll.u32 s0, $0xA;
	s2 =	sadd.s32 s3, s2  }
0x8d: {  	s2 =	sadd.s32 s2, s17  }
0x8e: {  	[smem:$0x3FA2] =	sst s2  }
0x8f: {  	_ = 	snop  }
0x90: {  	s2 =	sld [smem:$0x3FD0];
	(tm) =	ssettm $0x1  }
0x91: {  	s18 =	sld [smem:$0x3FFB];
	_ =	sdelay $0x3  }
0x92: {  	_ =	strace s18  }
0x93: {  	s3 =	sld [smem:$0x3FFC];
	_ =	sdelay $0x3  }
0x94: {  	_ =	strace s3  }
0x95: {  	s3 =	sld [smem:$0x3FFD];
	_ =	sdelay $0x3  }
0x96: {  	_ =	strace s3  }
0x97: {  	_ =	strace $0x8FFFFFFF  }
0x98: {  	s19 =	sld [smem:$0x3FDB];
	_ =	sdelay $0x1  }
0x99: {  	s4 =	simm.s32 $_scs_section_size  }
0x9a: {  	s5 =	simm.s32 $_size__tile_overlayer_lowered;
	s6 =	simm.s32 $_tile_overlayer_lowered  }
0x9b: {  	s22 =	simm.s32 $0x1BFF;
	s21 =	sshll.u32 s6, $0x1;
	s3 =	sadd.s32 s4, s19  }
0x9c: {  	s7 =	simm.s32 $0x0;
	s20 =	sshll.u32 s5, $0x1;
	s5 =	sadd.s32 s21, s3  }
0x9d: {  	[timem:s7], [sflag:s22] =	dma.local [hbm:s5], s20  }
0x9e: {  	_ =	swait.ge [sflag:s22], s20  }
0x9f: {  	s4 =	ssub.s32 $0x0, s20;
	[sflag:s22] =	ssyncset.done $0x0  }
0xa0: {  	[sflag:s22] =	ssyncadd.s32 s4;
	_ =	sdelay $0x1  }
0xa1: {  	s23 =	simm.s32 $0x1B8B  }
0xa2: {  	_ =	swait.ge [sflag:s23], $0x1  }
0xa3: {  	[sflag:s23] =	ssyncset.done $0x0  }
0xa4: {  	s25 =	simm.s32 $0x1B8E;
	s24 =	sld [smem:$0x3FFE];
	[sflag:s23] =	ssyncadd.s32 $0xFFFFFFFF  }
0xa5: {  	s26 =	simm.s32 $execute0_lowered;
	[smem:$0x3FD2] =	sst s25  }
0xa6: {  	s5 =	sshll.u32 s26, $0x1;
	_ =	strace $0x8000004C;
	[dreg:$0x1] =	wrdreg $0xFFFFFFFF  }
0xa7: {  	s28 =	simm.s32 $_size_execute0_lowered;
	s3 =	sadd.s32 s3, s5;
	[dreg:$0x0] =	wrdreg $0x0  }
0xa8: {  	s5 =	sshll.u32 s28, $0x1;
	[dreg:$0x2] =	wrdreg s3  }
0xa9: {  	[dreg:$0x3] =	wrdreg s5  }
0xaa: {  	[dreg:$0x4] =	wrdreg $0xC0  }
0xab: {  	_ =	task [dreg:s7], $0x5FFFF  }
0xac: {  	[dreg:$0x1] =	wrdreg $0xFFFFFFFF  }
0xad: {  	[dreg:$0x0] =	wrdreg $0x60  }
0xae: {  	[dreg:$0x2] =	wrdreg s24  }
0xaf: {  	[dreg:$0x3] =	wrdreg s2  }
0xb0: {  	[dreg:$0x4] =	wrdreg $0xA9000  }
0xb1: {  	[dreg:$0x5] =	wrdreg $0x9  }
0xb2: {  	_ =	task.clear_ibuf [dreg:s7], $0x6FFFF;
	_ =	strace $0x9000004C  }
0xb3: {  	s29 =	simm.s32 $0x9;
	_ =	strace $0x8000004E  }
0xb4: {  	_ =	swait.ge [sflag:s29], $0x1  }
0xb5: {  	[sflag:s29] =	ssyncadd.s32 $0xFFFFFFFF  }
0xb6: {  	_ =	strace $0x9000004E  }
0xb7: {  	_ =	sfence  }
0xb8: {  	s30 =	sld [smem:$0x0];
	_ =	sdelay $0x2  }
0xb9: {  	s31 =	sshll.u32 s1, $0xD;
	s1 =	sshrl.u32 s1, $0x2  }
0xba: {  	s3 =	sand.u32 $0x4000, s31;
	s1 =	sadd.s32 s1, s30  }
0xbb: {  	s0 =	sor.u32 s3, s0;
	s1 =	sshll.u32 s1, $0x11  }
0xbc: {  	s0 =	sor.u32 s1, s0  }
0xbd: {  	s0 =	sadd.s32 $0x8F2B, s0  }
0xbe: {  	[sflag:s0] =	ssyncadd.remote.s32 $0x1  }
0xbf: {  	_ =	sfence.sel $0xFFFF  }
0xc0: {  	[dreg:$0x0] =	wrdreg $0xFFFFFFFF;
	(pc) =	sbr.abs _section_cstart, $3  }
0xc1: {  	[dreg:$0x1] =	wrdreg $0xFFFFFFFF  }
0xc2: {  	_ =	task.clear_ibuf [dreg:s7], $0x2FFFF;
	_ =	strace $0x9FFFFFFF  }
0xc3: {  	(tm) =	ssettm $0x7FFFFFFF  }
tec
execute0_lowered:
.L_overlay_start_1:
0x0: {  	(tag) =	ssettag $0x1  }
0x1: {  	s0 =	rddreg [dreg:$0x0];
	s15 =	stileid.u32  }
0x2: {  	s3 =	rddreg [dreg:$0x2];
	s4 =	simm.s32 $0x0;
	s22 =	smul.u32 $0x500, s15  }
0x3: {  	s1 =	srdreg.scid;
	s29 =	simm.s32 $0x2900;
	s9 =	smul.u32 $0x2800, s15  }
0x4: {  	s30 =	simm.s32 $0x3;
	s1 =	sand.u32 $0x1, s1;
	s25 =	smul.u32 $0xA000, s15  }
0x5: {  	s31 =	simm.s32 $0x80;
	s26 =	sor.u32 $0x10, s15;
	s5 =	smul.u32 $0x27100, s1  }
0x6: {  	[smem:$0x7FF] =	sst s4;
	s17 =	sor.u32 $0x30, s15;
	s20 =	smul.u32 $0xA000, s26  }
0x7: {  	s6 =	sadd.s32 $0x5AE00, s0;
	s18 =	sor.u32 $0x40, s15;
	s24 =	smul.u32 $0xA000, s17  }
0x8: {  	_ =	strace $0x8000004D;
	s1 =	ssub.s32 $0x2, s1;
	s13 =	smul.u32 $0xA000, s18  }
0x9: {  	s18 =	smul.u32 $0x500, s18;
	s2 =	sadd.s32 s22, s0;
	s7 =	sshrl.u32 s1, $0x1  }
0xa: {  	s19 =	sshrl.u32 s25, $0x2;
	[dreg:$0x4] =	wrdreg s22;
	s0 =	sadd.s32 s5, s0  }
0xb: {  	s1 =	ssub.s32 s1, s7;
	s10 =	sadd.s32 s19, s3;
	s19 =	sor.u32 $0x50, s15  }
0xc: {  	s21 =	sshrl.u32 s20, $0x2;
	s20 =	sor.u32 $0x60, s15;
	s25 =	smul.u32 $0xA000, s19  }
0xd: {  	s2 =	sadd.s32 $0x55E00, s2;
	s7 =	sadd.s32 $0x7C00, s0;
	s16 =	smul.u32 $0xA000, s20  }
0xe: {  	s8 =	sadd.s32 $0x5FE00, s0;
	s0 =	sor.u32 $0x20, s15;
	s19 =	smul.u32 $0x500, s19  }
0xf: {  	s14 =	sshrl.u32 s13, $0x2;
	[dreg:$0x5] =	wrdreg s2;
	s23 =	smul.u32 $0xA000, s0  }
0x10: {  	s1 =	smax.u32 s1, $0x1;
	s11 =	sadd.s32 s21, s3;
	s0 =	smul.u32 $0x500, s0  }
0x11: {  	[dreg:$0x6] =	wrdreg s1;
	s1 =	sshrl.u32 s24, $0x2;
	s24 =	smul.u32 $0x500, s17  }
0x12: {  	s14 =	sadd.s32 s14, s3;
	s13 =	sadd.s32 s1, s3;
	s1 =	smul.u32 $0x500, s26  }
0x13: {  	s26 =	sshrl.u32 s25, $0x2;
	s16 =	sshrl.u32 s16, $0x2;
	s5 =	sshrl.u32 s23, $0x2  }
0x14: {  	s16 =	sadd.s32 s16, s3;
	s23 =	sshrl.u32 s9, $0x3;
	s0 =	sadd.s32 s0, s8  }
0x15: {  	s9 =	simm.s32 $0x0;
	s12 =	sadd.s32 s5, s3;
	s5 =	sor.u32 $0x70, s15  }
0x16: {  	s15 =	sadd.s32 s26, s3;
	s2 =	sadd.s32 s6, s23;
	s23 =	smul.u32 $0x500, s20  }
0x17: {  	s20 =	sadd.s32 s22, s6;
	s1 =	sadd.s32 s1, s8;
	[dreg:$0xa] =	wrdreg s0  }
0x18: {  	s0 =	simm.s32 $0x6900;
	s6 =	simm.s32 $0x2880;
	s21 =	smul.u32 $0xA000, s5  }
0x19: {  	s26 =	sadd.s32 $0x4E0, s2;
	s2 =	sadd.s32 $0x4F0, s2;
	[dreg:$0x9] =	wrdreg s1  }
0x1a: {  	p0 =	sgt.u32 s5, $0x7C;
	s5 =	smul.u32 $0x500, s5;
	[dreg:$0x7] =	wrdreg s26  }
0x1b: {  	s1 =	simm.s32 $0x2800;
	[dreg:$0x8] =	wrdreg s2;
	s26 =	sadd.s32 s24, s8  }
0x1c: {  	s24 =	sadd.s32 s18, s8;
	s2 =	simm.s32 $0x1;
	s25 =	sshrl.u32 s21, $0x2  }
0x1d: {  	[dreg:$0xb] =	wrdreg s26;
	s26 =	sadd.s32 s23, s8;
	s28 =	sadd.s32 @!p0 s5, s8  }
0x1e: {  	s5 =	simm.s32 $0x2;
	s17 =	sadd.s32 s25, s3;
	s25 =	sadd.s32 s19, s8  }
.LBB2_1:
0x1f: {  	s18 =	rddreg [dreg:$0x1]  }
0x20: {  	[tilespmem:s29], [sflag:$0x3] =	stream.linear.gather [hbm4b:s18+s4], $0x2800, $0x38;
	[tilespmem:$0x1E1C0] =	vst v63  }
0x21: {  	_ =	swait.ge [sflag:s30], $0x2800  }
0x22: {  	[sflag:s30] =	ssyncset.done $0x0  }
0x23: {  	[sflag:s30] =	ssyncadd.s32 $0xFFFFD800  }
0x24: {  	[spmem:s10] =	stream.linear.scatter [tilespmem:s29], [sflag:$0x3], $0x2800, $0x38;
	[tilespmem:$0x1E1C0] =	vst v63  }
0x25: {  	_ =	swait.ge [sflag:s30], $0x2800  }
0x26: {  	[sflag:s30] =	ssyncset.done $0x0  }
0x27: {  	[sflag:s30] =	ssyncadd.s32 $0xFFFFD800  }
0x28: {  	[spmem:s11] =	stream.linear.scatter [tilespmem:s29], [sflag:$0x3], $0x2800, $0x38;
	[tilespmem:$0x1E1C0] =	vst v63  }
0x29: {  	_ =	swait.ge [sflag:s30], $0x2800  }
0x2a: {  	[sflag:s30] =	ssyncset.done $0x0  }
0x2b: {  	[sflag:s30] =	ssyncadd.s32 $0xFFFFD800  }
0x2c: {  	[spmem:s12] =	stream.linear.scatter [tilespmem:s29], [sflag:$0x3], $0x2800, $0x38;
	[tilespmem:$0x1E1C0] =	vst v63  }
0x2d: {  	_ =	swait.ge [sflag:s30], $0x2800  }
0x2e: {  	[sflag:s30] =	ssyncset.done $0x0  }
0x2f: {  	[sflag:s30] =	ssyncadd.s32 $0xFFFFD800  }
0x30: {  	[spmem:s13] =	stream.linear.scatter [tilespmem:s29], [sflag:$0x3], $0x2800, $0x38;
	[tilespmem:$0x1E1C0] =	vst v63  }
0x31: {  	_ =	swait.ge [sflag:s30], $0x2800  }
0x32: {  	[sflag:s30] =	ssyncset.done $0x0  }
0x33: {  	[sflag:s30] =	ssyncadd.s32 $0xFFFFD800  }
0x34: {  	[spmem:s14] =	stream.linear.scatter [tilespmem:s29], [sflag:$0x3], $0x2800, $0x38;
	[tilespmem:$0x1E1C0] =	vst v63  }
0x35: {  	_ =	swait.ge [sflag:s30], $0x2800  }
0x36: {  	[sflag:s30] =	ssyncset.done $0x0  }
0x37: {  	[sflag:s30] =	ssyncadd.s32 $0xFFFFD800  }
0x38: {  	[spmem:s15] =	stream.linear.scatter [tilespmem:s29], [sflag:$0x3], $0x2800, $0x38;
	[tilespmem:$0x1E1C0] =	vst v63  }
0x39: {  	_ =	swait.ge [sflag:s30], $0x2800  }
0x3a: {  	[sflag:s30] =	ssyncset.done $0x0  }
0x3b: {  	[sflag:s30] =	ssyncadd.s32 $0xFFFFD800  }
0x3c: {  	[spmem:s16] =	stream.linear.scatter [tilespmem:s29], [sflag:$0x3], $0x2800, $0x38;
	[tilespmem:$0x1E1C0] =	vst v63  }
0x3d: {  	_ =	swait.ge [sflag:s30], $0x2800  }
0x3e: {  	[sflag:s30] =	ssyncset.done $0x0  }
0x3f: {  	s18 =	simm.s32 @!p0 $0x2900;
	[sflag:s30] =	ssyncadd.s32 $0xFFFFD800  }
0x40: {  	[spmem:s17] =	stream.linear.scatter @!p0 [tilespmem:s18], [sflag:$0x3], $0x2800, $0x38;
	[tilespmem:$0x1E1C0] =	vst v63  }
0x41: {  	s18 =	simm.s32 @!p0 $0x3  }
0x42: {  	_ =	swait.ge @!p0 [sflag:s18], $0x2800  }
0x43: {  	[sflag:s18] =	ssyncset.done @!p0 $0x0  }
0x44: {  	s22 =	rddreg [dreg:$0x5];
	[sflag:s18] =	ssyncadd.s32 @!p0 $0xFFFFD800  }
0x45: {  	[tilespmem:s4], [sflag:$0x3] =	stream.linear.gather [hbm4b:s22+s4], $0x2800, $0x38;
	[tilespmem:$0x1E1C0] =	vst v63  }
0x46: {  	_ =	swait.ge [sflag:s30], $0x2800  }
0x47: {  	[sflag:s30] =	ssyncset.done $0x0  }
0x48: {  	[sflag:s30] =	ssyncadd.s32 $0xFFFFD800  }
0x49: {  	[bflag:$0x0] =	sbarrier.arrive $0xFFFF  }
0x4a: {  	[tilespmem:s29], [sflag:$0x1] =	stream.indirect.gather [hbm4b:s7+s31], $0x80, s4, s31, $0xb8;
	[tilespmem:$0x1E1C0] =	vst v63  }
0x4b: {  	_ = 	snop  }
0x4c: {  	[tilespmem:s0], [sflag:$0x2] =	stream.indirect.gather [hbm4b:s7+s31], $0x80, s31, s31, $0xb8;
	[tilespmem:$0x1E1C0] =	vst v63  }
0x4d: {  	s23 =	sadd.s32 $0x0, s20  }
0x4e: {  	[tilespmem:s1], [sflag:$0x3] =	stream.linear.gather [hbm4b:s23+s4], $0x80, $0x38;
	[tilespmem:$0x1E1C0] =	vst v63  }
0x4f: {  	_ =	swait.ge [sflag:s30], $0x80  }
0x50: {  	[sflag:s30] =	ssyncset.done $0x0  }
0x51: {  	[sflag:s30] =	ssyncadd.s32 $0xFFFFFF80  }
0x52: {  	_ =	swait.ge [sflag:s2], $0x4000  }
0x53: {  	[sflag:s2] =	ssyncset.done $0x0  }
0x54: {  	[sflag:s2] =	ssyncadd.s32 $0xFFFFC000  }
0x55: {  	[spmem:s3] =	stream.indirect.scatter.add.f32 [tilespmem:s29], [sflag:$0x3], $0x80, s1, s31, $0xb8;
	[tilespmem:$0x1E1C0] =	vst v63  }
0x56: {  	_ =	swait.ge [sflag:s30], $0x4000  }
0x57: {  	[sflag:s30] =	ssyncset.done $0x0  }
0x58: {  	s19 =	simm.s32 $0x100;
	[sflag:s30] =	ssyncadd.s32 $0xFFFFC000  }
0x59: {  	[tilespmem:s29], [sflag:$0x1] =	stream.indirect.gather [hbm4b:s7+s31], $0x80, s19, s31, $0xb8;
	[tilespmem:$0x1E1C0] =	vst v63  }
0x5a: {  	s18 =	sadd.s32 $0x10, s23  }
0x5b: {  	[tilespmem:s6], [sflag:$0x3] =	stream.linear.gather [hbm4b:s18+s4], $0x80, $0x38;
	[tilespmem:$0x1E1C0] =	vst v63  }
0x5c: {  	_ =	swait.ge [sflag:s30], $0x80  }
0x5d: {  	[sflag:s30] =	ssyncset.done $0x0  }
0x5e: {  	[sflag:s30] =	ssyncadd.s32 $0xFFFFFF80  }
0x5f: {  	_ =	swait.ge [sflag:s5], $0x4000  }
0x60: {  	[sflag:s5] =	ssyncset.done $0x0  }
0x61: {  	[sflag:s5] =	ssyncadd.s32 $0xFFFFC000  }
0x62: {  	[spmem:s3] =	stream.indirect.scatter.add.f32 [tilespmem:s0], [sflag:$0x3], $0x80, s6, s31, $0xb8;
	[tilespmem:$0x1E1C0] =	vst v63  }
0x63: {  	_ =	swait.ge [sflag:s30], $0x4000  }
0x64: {  	s21 =	simm.s32 $0x180;
	[sflag:s30] =	ssyncset.done $0x0  }
0x65: {  	s19 =	simm.s32 $0x280;
	s18 =	simm.s32 $0x20;
	[sflag:s30] =	ssyncadd.s32 $0xFFFFC000  }
.LBB2_2:
0x66: {  	[tilespmem:s0], [sflag:$0x2] =	stream.indirect.gather [hbm4b:s7+s31], $0x80, s21, s31, $0xb8;
	[tilespmem:$0x1E1C0] =	vst v63  }
0x67: {  	s22 =	sadd.s32 s18, s20;
	p1 =	sne.s32 s18, $0x4C0;
	s18 =	sadd.s32 $0x20, s18  }
0x68: {  	[tilespmem:s1], [sflag:$0x3] =	stream.linear.gather [hbm4b:s22+s4], $0x80, $0x38;
	[tilespmem:$0x1E1C0] =	vst v63  }
0x69: {  	s21 =	smov.u32 s19;
	_ =	swait.ge [sflag:s30], $0x80  }
0x6a: {  	[sflag:s30] =	ssyncset.done $0x0  }
0x6b: {  	[sflag:s30] =	ssyncadd.s32 $0xFFFFFF80  }
0x6c: {  	_ =	swait.ge [sflag:s2], $0x4000  }
0x6d: {  	[sflag:s2] =	ssyncset.done $0x0  }
0x6e: {  	[sflag:s2] =	ssyncadd.s32 $0xFFFFC000  }
0x6f: {  	[spmem:s3] =	stream.indirect.scatter.add.f32 [tilespmem:s29], [sflag:$0x3], $0x80, s1, s31, $0xb8;
	[tilespmem:$0x1E1C0] =	vst v63  }
0x70: {  	_ =	swait.ge [sflag:s30], $0x4000  }
0x71: {  	[sflag:s30] =	ssyncset.done $0x0  }
0x72: {  	s23 =	sadd.s32 $0xFFFFFF80, s19;
	[sflag:s30] =	ssyncadd.s32 $0xFFFFC000  }
0x73: {  	[tilespmem:s29], [sflag:$0x1] =	stream.indirect.gather [hbm4b:s7+s31], $0x80, s23, s31, $0xb8;
	[tilespmem:$0x1E1C0] =	vst v63  }
0x74: {  	s22 =	sadd.s32 $0x10, s22  }
0x75: {  	[tilespmem:s6], [sflag:$0x3] =	stream.linear.gather [hbm4b:s22+s4], $0x80, $0x38;
	[tilespmem:$0x1E1C0] =	vst v63  }
0x76: {  	_ =	swait.ge [sflag:s30], $0x80  }
0x77: {  	[sflag:s30] =	ssyncset.done $0x0  }
0x78: {  	[sflag:s30] =	ssyncadd.s32 $0xFFFFFF80  }
0x79: {  	_ =	swait.ge [sflag:s5], $0x4000  }
0x7a: {  	[sflag:s5] =	ssyncset.done $0x0  }
.Ltmp0:
0x7b: {  	[sflag:s5] =	ssyncadd.s32 $0xFFFFC000;
	(pc) =	sbr.rel @p1 .LBB2_2-.Ltmp0, $4  }
0x7c: {  	[spmem:s3] =	stream.indirect.scatter.add.f32 [tilespmem:s0], [sflag:$0x3], $0x80, s6, s31, $0xb8;
	[tilespmem:$0x1E1C0] =	vst v63  }
0x7d: {  	_ =	swait.ge [sflag:s30], $0x4000  }
0x7e: {  	[sflag:s30] =	ssyncset.done $0x0  }
0x7f: {  	s19 =	sadd.s32 $0x100, s19;
	[sflag:s30] =	ssyncadd.s32 $0xFFFFC000  }
0x80: {  	[tilespmem:s0], [sflag:$0x2] =	stream.indirect.gather [hbm4b:s7+s31], $0x80, s21, s31, $0xb8;
	[tilespmem:$0x1E1C0] =	vst v63  }
0x81: {  	s18 =	rddreg [dreg:$0x7]  }
0x82: {  	[tilespmem:s1], [sflag:$0x3] =	stream.linear.gather [hbm4b:s18+s4], $0x80, $0x38;
	[tilespmem:$0x1E1C0] =	vst v63  }
0x83: {  	_ =	swait.ge [sflag:s30], $0x80  }
0x84: {  	[sflag:s30] =	ssyncset.done $0x0  }
0x85: {  	[sflag:s30] =	ssyncadd.s32 $0xFFFFFF80  }
0x86: {  	_ =	swait.ge [sflag:s2], $0x4000  }
0x87: {  	[sflag:s2] =	ssyncset.done $0x0  }
0x88: {  	[sflag:s2] =	ssyncadd.s32 $0xFFFFC000  }
0x89: {  	[spmem:s3] =	stream.indirect.scatter.add.f32 [tilespmem:s29], [sflag:$0x3], $0x80, s1, s31, $0xb8;
	[tilespmem:$0x1E1C0] =	vst v63  }
0x8a: {  	_ =	swait.ge [sflag:s30], $0x4000  }
0x8b: {  	[sflag:s30] =	ssyncset.done $0x0  }
0x8c: {  	s21 =	rddreg [dreg:$0x8];
	[sflag:s30] =	ssyncadd.s32 $0xFFFFC000  }
0x8d: {  	[tilespmem:s6], [sflag:$0x3] =	stream.linear.gather [hbm4b:s21+s4], $0x80, $0x38;
	[tilespmem:$0x1E1C0] =	vst v63  }
0x8e: {  	_ =	swait.ge [sflag:s30], $0x80  }
0x8f: {  	[sflag:s30] =	ssyncset.done $0x0  }
0x90: {  	[sflag:s30] =	ssyncadd.s32 $0xFFFFFF80  }
0x91: {  	_ =	swait.ge [sflag:s5], $0x4000  }
0x92: {  	[sflag:s5] =	ssyncset.done $0x0  }
0x93: {  	[sflag:s5] =	ssyncadd.s32 $0xFFFFC000  }
0x94: {  	[spmem:s3] =	stream.indirect.scatter.add.f32 [tilespmem:s0], [sflag:$0x3], $0x80, s6, s31, $0xb8;
	[tilespmem:$0x1E1C0] =	vst v63  }
0x95: {  	_ =	swait.ge [sflag:s30], $0x4000  }
0x96: {  	[sflag:s30] =	ssyncset.done $0x0  }
0x97: {  	[sflag:s30] =	ssyncadd.s32 $0xFFFFC000  }
0x98: {  	s22 =	stileid.u32;
	[bflag:$0x0] =	sbarrier.arrive $0xFFFF  }
0x99: {  	s18 =	sshll.u32 s22, $0x6;
	s19 =	rddreg [dreg:$0x4]  }
0x9a: {  	s23 =	sshrl.u32 s10, $0x3;
	s18 =	sor.u32 $0x1C03, s18;
	s19 =	sadd.s32 s19, s8  }
0x9b: {  	[hbm:s19], [sflag:s18] =	dma.local [spmem:s23], $0x500  }
0x9c: {  	_ =	swait.ge [sflag:s30], $0x500  }
0x9d: {  	[sflag:s30] =	ssyncset.done $0x0  }
0x9e: {  	s22 =	sshrl.u32 s11, $0x3;
	s23 =	rddreg [dreg:$0x9];
	[sflag:s30] =	ssyncadd.s32 $0xFFFFFB00  }
0x9f: {  	[hbm:s23], [sflag:s18] =	dma.local [spmem:s22], $0x500  }
0xa0: {  	_ =	swait.ge [sflag:s30], $0x500  }
0xa1: {  	[sflag:s30] =	ssyncset.done $0x0  }
0xa2: {  	s22 =	sshrl.u32 s12, $0x3;
	s23 =	rddreg [dreg:$0xa];
	[sflag:s30] =	ssyncadd.s32 $0xFFFFFB00  }
0xa3: {  	[hbm:s23], [sflag:s18] =	dma.local [spmem:s22], $0x500  }
0xa4: {  	_ =	swait.ge [sflag:s30], $0x500  }
0xa5: {  	[sflag:s30] =	ssyncset.done $0x0  }
0xa6: {  	s21 =	sshrl.u32 s13, $0x3;
	s22 =	rddreg [dreg:$0xb];
	[sflag:s30] =	ssyncadd.s32 $0xFFFFFB00  }
0xa7: {  	[hbm:s22], [sflag:s18] =	dma.local [spmem:s21], $0x500  }
0xa8: {  	_ =	swait.ge [sflag:s30], $0x500  }
0xa9: {  	[sflag:s30] =	ssyncset.done $0x0  }
0xaa: {  	s23 =	sshrl.u32 s14, $0x3;
	[sflag:s30] =	ssyncadd.s32 $0xFFFFFB00  }
0xab: {  	[hbm:s24], [sflag:s18] =	dma.local [spmem:s23], $0x500  }
0xac: {  	_ =	swait.ge [sflag:s30], $0x500  }
0xad: {  	[sflag:s30] =	ssyncset.done $0x0  }
0xae: {  	s21 =	sshrl.u32 s15, $0x3;
	[sflag:s30] =	ssyncadd.s32 $0xFFFFFB00  }
0xaf: {  	[hbm:s25], [sflag:s18] =	dma.local [spmem:s21], $0x500  }
0xb0: {  	_ =	swait.ge [sflag:s30], $0x500  }
0xb1: {  	[sflag:s30] =	ssyncset.done $0x0  }
0xb2: {  	s22 =	sshrl.u32 s16, $0x3;
	[sflag:s30] =	ssyncadd.s32 $0xFFFFFB00  }
0xb3: {  	[hbm:s26], [sflag:s18] =	dma.local [spmem:s22], $0x500  }
0xb4: {  	_ =	swait.ge [sflag:s30], $0x500  }
0xb5: {  	[sflag:s30] =	ssyncset.done $0x0  }
0xb6: {  	s19 =	sshrl.u32 @!p0 s17, $0x3;
	[sflag:s30] =	ssyncadd.s32 $0xFFFFFB00  }
0xb7: {  	[hbm:s28], [sflag:s18] =	dma.local @!p0 [spmem:s19], $0x500  }
0xb8: {  	s18 =	simm.s32 @!p0 $0x3  }
0xb9: {  	_ =	swait.ge @!p0 [sflag:s18], $0x500  }
0xba: {  	s9 =	sadd.s32 $0x1, s9;
	s23 =	rddreg [dreg:$0x6]  }
0xbb: {  	p1 =	sne.s32 s9, s23  }
.Ltmp1:
0xbc: {  	_ = 	snop;
	(pc) =	sbr.rel @p1 .LBB2_1-.Ltmp1, $3  }
0xbd: {  	_ =	sdelay $0x1  }
0xbe: {  	[sflag:s18] =	ssyncset.done @!p0 $0x0  }
0xbf: {  	[sflag:s18] =	ssyncadd.s32 @!p0 $0xFFFFFB00  }
0xc0: {  	_ =	sfence.sel $0x180000  }
0xc1: {  	[bflag:$0x0] =	sbarrier.arrive $0xFFFF  }
0xc2: {  	_ =	strace $0x9000004D  }
0xc3: {  	s0 =	stileid.u32;
	[bflag:$0x2] =	sbarrier.arrive $0xFFFF  }
0xc4: {  	p0 =	sne.s32 s0, $0x0;
	s0 =	rddreg [dreg:$0x3]  }
0xc5: {  	s0 =	sadd.s32 @!p0 $0x100000, s0  }
0xc6: {  	[sflag:s0] =	ssyncadd.tile.s32 @!p0 $0x1;
	_ =	shalt  }
.Lfunc_end2:
_tile_overlayer_lowered:
.L_overlay_start_2:
0xc7: {  	(tag) =	ssettag $0x2  }
0xc8: {  	s0 =	rddreg [dreg:$0x0];
	s2 =	stileid.u32  }
0xc9: {  	s1 =	rddreg [dreg:$0x1];
	p0 =	sne.s32 s2, $0x0  }
0xca: {  	s3 =	rddreg [dreg:$0x2];
	[bflag:$0x3] =	sbarrier.arrive $0xFFFF;
	s2 =	simm.s32 @!p0 $0x1C03  }
0xcb: {  	[timem:s3], [sflag:s2] =	dma.local @!p0 [hbm:s0], s1  }
0xcc: {  	s0 =	simm.s32 @!p0 $0x3  }
0xcd: {  	_ =	swait.ge @!p0 [sflag:s0], s1  }
0xce: {  	s1 =	ssub.s32 @!p0 $0x0, s1;
	[sflag:s0] =	ssyncset.done @!p0 $0x0  }
0xcf: {  	[sflag:s0] =	ssyncadd.s32 @!p0 s1  }
0xd0: {  	[bflag:$0x3] =	sbarrier.arrive $0xFFFF  }
0xd1: {  	_ =	shalt  }

// kernel: kernel.27.cloned.1.call-start
scs
__scs_entry_jumppad:
0x0: {  	(pc) =	sbr.rel $0x88, $3  }
0x1: {  	(tag) =	ssettag $0x0;
	lr =	simm.s32 $0x1  }
0x2: {  	[smem:$0x3F7B] =	sst lr;
	_ =	strace $0xD0000000  }
0x3: {  	_ = 	snop  }
0x4: {  	_ = 	snop  }
0x5: {  	_ = 	snop  }
0x6: {  	_ = 	snop  }
0x7: {  	_ = 	snop  }
__scs_overlays_trampoline_lowered:
0x8: {  	[smem:$0x3F8A] =	sst s0  }
0x9: {  	[smem:$0x3F8B] =	sst s1  }
0xa: {  	[smem:$0x3F8C] =	sst s2  }
0xb: {  	[smem:$0x3F8D] =	sst s3  }
0xc: {  	[smem:$0x3F8E] =	sst s4  }
0xd: {  	[smem:$0x3F8F] =	sst s5  }
0xe: {  	[smem:$0x3F90] =	sst s6  }
0xf: {  	[smem:$0x3F91] =	sst s7  }
0x10: {  	[smem:$0x3F92] =	sst s8  }
0x11: {  	[smem:$0x3F93] =	sst s9;
	s0 =	simm.s32 @!p0 $0x0  }
0x12: {  	s1 =	sld [smem:$0x3F79];
	s0 =	simm.s32 @p0 $0x1  }
0x13: {  	[smem:$0x3F94] =	sst s0;
	s0 =	simm.s32 @!p1 $0x0  }
0x14: {  	s2 =	sld [smem:$0x3F78];
	s0 =	simm.s32 @p1 $0x1  }
0x15: {  	[smem:$0x3F95] =	sst s0;
	s0 =	simm.s32 @!p2 $0x0  }
0x16: {  	s3 =	sld [smem:$0x3FDB];
	s0 =	simm.s32 @p2 $0x1  }
0x17: {  	s4 =	simm.s32 $0x1BF5;
	[smem:$0x3F97] =	sst s0  }
0x18: {  	s0 =	sld [smem:$0x3F7A];
	_ =	swait.ge [sflag:s4], $0x0  }
0x19: {  	s7 =	sld [smem:$0x3F7B]  }
0x1a: {  	s8 =	sadd.s32 $0xFFFFE003, lr  }
0x1b: {  	s9 =	sadd.s32 $0xFFFFFEF7, lr;
	s5 =	simm.s32 $0xFFFFFFFF;
	p2 =	slt.u32 s8, $0xFFFFF086  }
0x1c: {  	p1 =	slt.u32 s9, $0xF7A;
	s5 =	simm.s32 @!p2 $0x0  }
0x1d: {  	s5 =	simm.s32 @p1 $0x1;
	p0 =	seq.s32 s7, s2  }
0x1e: {  	s7 =	smul.u32 @!p0 $0xF7A, s2;
	p2 =	seq.s32 @!p0 s5, $0x0  }
0x1f: {  	s9 =	smul.u32 $0xF7A, s1;
	s8 =	simm.s32 @!p0 $0x1BF5;
	p2 =	por !p2, p0  }
0x20: {  	[sflag:s8] =	ssyncset.s32 @!p0 $0xFFFFF086;
	s6 =	sadd.s32 @!p0 s3, s7;
	s7 =	simm.s32 @!p0 $0x108  }
0x21: {  	s3 =	sadd.s32 s3, s9;
	s6 =	sadd.s32 @!p0 $0x88, s6;
	s7 =	simm.s32 @p2 $0x1082  }
0x22: {  	[simem:s7], [sflag:s8] =	dma.local @!p0 [hbm:s6], $0xF7A  }
0x23: {  	s9 =	sor.u32 $0xD0000000, s2;
	s6 =	simm.s32 $0x108;
	_ =	swait.ge @!p0 [sflag:s8], $0x0  }
0x24: {  	s3 =	sadd.s32 $0x88, s3;
	s6 =	simm.s32 @!p1 $0x1082;
	[sflag:s4] =	ssyncset.s32 $0xFFFFF086  }
0x25: {  	[simem:s6], [sflag:s4] =	dma.local [hbm:s3], $0xF7A  }
0x26: {  	[smem:$0x3F7B] =	sst s1;
	(tag) =	ssettag s2;
	_ =	strace s9  }
0x27: {  	s1 =	sld [smem:$0x3F8B]  }
0x28: {  	s2 =	sld [smem:$0x3F8C]  }
0x29: {  	s4 =	sld [smem:$0x3F8E]  }
0x2a: {  	p0 =	seq.s32 s5, $0x0;
	s5 =	sld [smem:$0x3F8F]  }
0x2b: {  	s6 =	sld [smem:$0x3F90]  }
0x2c: {  	s7 =	sld [smem:$0x3F91]  }
0x2d: {  	s3 =	simm.s32 $0x108;
	s8 =	sld [smem:$0x3F92]  }
0x2e: {  	s3 =	simm.s32 @!p0 $0x1082;
	s9 =	sld [smem:$0x3F93]  }
0x2f: {  	lr =	sadd.s32 s0, s3;
	s0 =	sld [smem:$0x3F8A]  }
0x30: {  	s3 =	sld [smem:$0x3F8D]  }
0x31: {  	[smem:$0x3F96] =	sst s10  }
0x32: {  	s10 =	sld [smem:$0x3F94];
	_ =	sdelay $0x3  }
0x33: {  	p0 =	seq.s32 s10, $0x1;
	s10 =	sld [smem:$0x3F96];
	_ =	sdelay $0x3  }
0x34: {  	[smem:$0x3F96] =	sst s10  }
0x35: {  	s10 =	sld [smem:$0x3F95];
	_ =	sdelay $0x3  }
0x36: {  	p1 =	seq.s32 s10, $0x1;
	s10 =	sld [smem:$0x3F96];
	_ =	sdelay $0x3  }
0x37: {  	[smem:$0x3F96] =	sst s10  }
0x38: {  	s10 =	sld [smem:$0x3F97]  }
0x39: {  	_ = 	snop;
	(pc) =	sbr.ind lr, $3  }
0x3a: {  	_ = 	snop  }
0x3b: {  	_ = 	snop  }
0x3c: {  	p2 =	seq.s32 s10, $0x1;
	s10 =	sld [smem:$0x3F96]  }
0x3d: {  	_ =	shalt  }
0x3e: {  	_ =	shalt  }
0x3f: {  	_ =	shalt  }
0x40: {  	_ =	shalt  }
0x41: {  	_ =	shalt  }
0x42: {  	_ =	shalt  }
0x43: {  	_ =	shalt  }
0x44: {  	_ =	shalt  }
0x45: {  	_ =	shalt  }
0x46: {  	_ =	shalt  }
0x47: {  	_ =	shalt  }
0x48: {  	_ =	shalt  }
0x49: {  	_ =	shalt  }
0x4a: {  	_ =	shalt  }
0x4b: {  	_ =	shalt  }
0x4c: {  	_ =	shalt  }
0x4d: {  	_ =	shalt  }
0x4e: {  	_ =	shalt  }
0x4f: {  	_ =	shalt  }
0x50: {  	_ =	shalt  }
0x51: {  	_ =	shalt  }
0x52: {  	_ =	shalt  }
0x53: {  	_ =	shalt  }
0x54: {  	_ =	shalt  }
0x55: {  	_ =	shalt  }
0x56: {  	_ =	shalt  }
0x57: {  	_ =	shalt  }
0x58: {  	_ =	shalt  }
0x59: {  	_ =	shalt  }
0x5a: {  	_ =	shalt  }
0x5b: {  	_ =	shalt  }
0x5c: {  	_ =	shalt  }
0x5d: {  	_ =	shalt  }
0x5e: {  	_ =	shalt  }
0x5f: {  	_ =	shalt  }
0x60: {  	_ =	shalt  }
0x61: {  	_ =	shalt  }
0x62: {  	_ =	shalt  }
0x63: {  	_ =	shalt  }
0x64: {  	_ =	shalt  }
0x65: {  	_ =	shalt  }
0x66: {  	_ =	shalt  }
0x67: {  	_ =	shalt  }
0x68: {  	_ =	shalt  }
0x69: {  	_ =	shalt  }
0x6a: {  	_ =	shalt  }
0x6b: {  	_ =	shalt  }
0x6c: {  	_ =	shalt  }
0x6d: {  	_ =	shalt  }
0x6e: {  	_ =	shalt  }
0x6f: {  	_ =	shalt  }
0x70: {  	_ =	shalt  }
0x71: {  	_ =	shalt  }
0x72: {  	_ =	shalt  }
0x73: {  	_ =	shalt  }
0x74: {  	_ =	shalt  }
0x75: {  	_ =	shalt  }
0x76: {  	_ =	shalt  }
0x77: {  	_ =	shalt  }
0x78: {  	_ =	shalt  }
0x79: {  	_ =	shalt  }
0x7a: {  	_ =	shalt  }
0x7b: {  	_ =	shalt  }
0x7c: {  	_ =	shalt  }
0x7d: {  	_ =	shalt  }
0x7e: {  	_ =	shalt  }
0x7f: {  	_ =	shalt  }
0x80: {  	_ =	shalt  }
0x81: {  	_ =	shalt  }
0x82: {  	_ =	shalt  }
0x83: {  	_ =	shalt  }
0x84: {  	_ =	shalt  }
0x85: {  	_ =	shalt  }
0x86: {  	_ =	shalt  }
0x87: {  	_ =	shalt  }
.Lfunc_end0:
.L_simem_size_0:
called_computation.3_lowered:
.L_overlay_start_0:
0x88: {  	s2 =	sld [smem:$0x3FD9]  }
0x89: {  	s3 =	sld [smem:$0x3FFE];
	_ =	sdelay $0x1  }
0x8a: {  	s1 =	srdreg.scid  }
0x8b: {  	s0 =	sand.u32 $0x1, s1  }
0x8c: {  	s17 =	sshll.u32 s0, $0xA;
	s2 =	sadd.s32 s3, s2  }
0x8d: {  	s2 =	sadd.s32 s2, s17  }
0x8e: {  	[smem:$0x3FA2] =	sst s2  }
0x8f: {  	_ = 	snop  }
0x90: {  	s2 =	sld [smem:$0x3FD0];
	(tm) =	ssettm $0x1  }
0x91: {  	s18 =	sld [smem:$0x3FFB];
	_ =	sdelay $0x3  }
0x92: {  	_ =	strace s18  }
0x93: {  	s3 =	sld [smem:$0x3FFC];
	_ =	sdelay $0x3  }
0x94: {  	_ =	strace s3  }
0x95: {  	s3 =	sld [smem:$0x3FFD];
	_ =	sdelay $0x3  }
0x96: {  	_ =	strace s3  }
0x97: {  	_ =	strace $0x8FFFFFFF  }
0x98: {  	s19 =	sld [smem:$0x3FDB];
	_ =	sdelay $0x1  }
0x99: {  	s4 =	simm.s32 $_scs_section_size  }
0x9a: {  	s5 =	simm.s32 $_size__tile_overlayer_lowered;
	s6 =	simm.s32 $_tile_overlayer_lowered  }
0x9b: {  	s22 =	simm.s32 $0x1BFF;
	s21 =	sshll.u32 s6, $0x1;
	s3 =	sadd.s32 s4, s19  }
0x9c: {  	s7 =	simm.s32 $0x0;
	s20 =	sshll.u32 s5, $0x1;
	s5 =	sadd.s32 s21, s3  }
0x9d: {  	[timem:s7], [sflag:s22] =	dma.local [hbm:s5], s20  }
0x9e: {  	_ =	swait.ge [sflag:s22], s20  }
0x9f: {  	s4 =	ssub.s32 $0x0, s20;
	[sflag:s22] =	ssyncset.done $0x0  }
0xa0: {  	[sflag:s22] =	ssyncadd.s32 s4;
	_ =	sdelay $0x1  }
0xa1: {  	s23 =	simm.s32 $0x1B8B  }
0xa2: {  	_ =	swait.ge [sflag:s23], $0x1  }
0xa3: {  	[sflag:s23] =	ssyncset.done $0x0  }
0xa4: {  	s25 =	simm.s32 $0x1B8E;
	s24 =	sld [smem:$0x3FFE];
	[sflag:s23] =	ssyncadd.s32 $0xFFFFFFFF  }
0xa5: {  	s26 =	simm.s32 $execute0_lowered;
	[smem:$0x3FD2] =	sst s25  }
0xa6: {  	s5 =	sshll.u32 s26, $0x1;
	_ =	strace $0x8000004F;
	[dreg:$0x1] =	wrdreg $0xFFFFFFFF  }
0xa7: {  	s28 =	simm.s32 $_size_execute0_lowered;
	s3 =	sadd.s32 s3, s5;
	[dreg:$0x0] =	wrdreg $0x0  }
0xa8: {  	s5 =	sshll.u32 s28, $0x1;
	[dreg:$0x2] =	wrdreg s3  }
0xa9: {  	[dreg:$0x3] =	wrdreg s5  }
0xaa: {  	[dreg:$0x4] =	wrdreg $0xC0  }
0xab: {  	_ =	task [dreg:s7], $0x5FFFF  }
0xac: {  	[dreg:$0x1] =	wrdreg $0xFFFFFFFF  }
0xad: {  	[dreg:$0x0] =	wrdreg $0x60  }
0xae: {  	[dreg:$0x2] =	wrdreg s24  }
0xaf: {  	[dreg:$0x3] =	wrdreg s2  }
0xb0: {  	[dreg:$0x4] =	wrdreg $0xA9000  }
0xb1: {  	[dreg:$0x5] =	wrdreg $0x9  }
0xb2: {  	_ =	task.clear_ibuf [dreg:s7], $0x6FFFF;
	_ =	strace $0x9000004F  }
0xb3: {  	s29 =	simm.s32 $0x9;
	_ =	strace $0x80000051  }
0xb4: {  	_ =	swait.ge [sflag:s29], $0x1  }
0xb5: {  	[sflag:s29] =	ssyncadd.s32 $0xFFFFFFFF  }
0xb6: {  	_ =	strace $0x90000051  }
0xb7: {  	_ =	sfence  }
0xb8: {  	s30 =	sld [smem:$0x0];
	_ =	sdelay $0x2  }
0xb9: {  	s31 =	sshll.u32 s1, $0xD;
	s1 =	sshrl.u32 s1, $0x2  }
0xba: {  	s3 =	sand.u32 $0x4000, s31;
	s1 =	sadd.s32 s1, s30  }
0xbb: {  	s0 =	sor.u32 s3, s0;
	s1 =	sshll.u32 s1, $0x11  }
0xbc: {  	s0 =	sor.u32 s1, s0  }
0xbd: {  	s0 =	sadd.s32 $0x8F2B, s0  }
0xbe: {  	[sflag:s0] =	ssyncadd.remote.s32 $0x1  }
0xbf: {  	_ =	sfence.sel $0xFFFF  }
0xc0: {  	[dreg:$0x0] =	wrdreg $0xFFFFFFFF;
	(pc) =	sbr.abs _section_cstart, $3  }
0xc1: {  	[dreg:$0x1] =	wrdreg $0xFFFFFFFF  }
0xc2: {  	_ =	task.clear_ibuf [dreg:s7], $0x2FFFF;
	_ =	strace $0x9FFFFFFF  }
0xc3: {  	(tm) =	ssettm $0x7FFFFFFF  }
tec
execute0_lowered:
.L_overlay_start_1:
0x0: {  	(tag) =	ssettag $0x1  }
0x1: {  	s0 =	rddreg [dreg:$0x0];
	s15 =	stileid.u32  }
0x2: {  	s3 =	rddreg [dreg:$0x2];
	s4 =	simm.s32 $0x0;
	s22 =	smul.u32 $0x500, s15  }
0x3: {  	s1 =	srdreg.scid;
	s29 =	simm.s32 $0x2900;
	s9 =	smul.u32 $0x2800, s15  }
0x4: {  	s30 =	simm.s32 $0x3;
	s1 =	sand.u32 $0x1, s1;
	s25 =	smul.u32 $0xA000, s15  }
0x5: {  	s31 =	simm.s32 $0x80;
	s26 =	sor.u32 $0x10, s15;
	s5 =	smul.u32 $0x27100, s1  }
0x6: {  	[smem:$0x7FF] =	sst s4;
	s17 =	sor.u32 $0x30, s15;
	s20 =	smul.u32 $0xA000, s26  }
0x7: {  	s6 =	sadd.s32 $0x5AE00, s0;
	s18 =	sor.u32 $0x40, s15;
	s24 =	smul.u32 $0xA000, s17  }
0x8: {  	_ =	strace $0x80000050;
	s1 =	ssub.s32 $0x2, s1;
	s13 =	smul.u32 $0xA000, s18  }
0x9: {  	s18 =	smul.u32 $0x500, s18;
	s2 =	sadd.s32 s22, s0;
	s7 =	sshrl.u32 s1, $0x1  }
0xa: {  	s19 =	sshrl.u32 s25, $0x2;
	[dreg:$0x4] =	wrdreg s22;
	s0 =	sadd.s32 s5, s0  }
0xb: {  	s1 =	ssub.s32 s1, s7;
	s10 =	sadd.s32 s19, s3;
	s19 =	sor.u32 $0x50, s15  }
0xc: {  	s21 =	sshrl.u32 s20, $0x2;
	s20 =	sor.u32 $0x60, s15;
	s25 =	smul.u32 $0xA000, s19  }
0xd: {  	s2 =	sadd.s32 $0x55E00, s2;
	s7 =	sadd.s32 $0x7C00, s0;
	s16 =	smul.u32 $0xA000, s20  }
0xe: {  	s8 =	sadd.s32 $0x5FE00, s0;
	s0 =	sor.u32 $0x20, s15;
	s19 =	smul.u32 $0x500, s19  }
0xf: {  	s14 =	sshrl.u32 s13, $0x2;
	[dreg:$0x5] =	wrdreg s2;
	s23 =	smul.u32 $0xA000, s0  }
0x10: {  	s1 =	smax.u32 s1, $0x1;
	s11 =	sadd.s32 s21, s3;
	s0 =	smul.u32 $0x500, s0  }
0x11: {  	[dreg:$0x6] =	wrdreg s1;
	s1 =	sshrl.u32 s24, $0x2;
	s24 =	smul.u32 $0x500, s17  }
0x12: {  	s14 =	sadd.s32 s14, s3;
	s13 =	sadd.s32 s1, s3;
	s1 =	smul.u32 $0x500, s26  }
0x13: {  	s26 =	sshrl.u32 s25, $0x2;
	s16 =	sshrl.u32 s16, $0x2;
	s5 =	sshrl.u32 s23, $0x2  }
0x14: {  	s16 =	sadd.s32 s16, s3;
	s23 =	sshrl.u32 s9, $0x3;
	s0 =	sadd.s32 s0, s8  }
0x15: {  	s9 =	simm.s32 $0x0;
	s12 =	sadd.s32 s5, s3;
	s5 =	sor.u32 $0x70, s15  }
0x16: {  	s15 =	sadd.s32 s26, s3;
	s2 =	sadd.s32 s6, s23;
	s23 =	smul.u32 $0x500, s20  }
0x17: {  	s20 =	sadd.s32 s22, s6;
	s1 =	sadd.s32 s1, s8;
	[dreg:$0xa] =	wrdreg s0  }
0x18: {  	s0 =	simm.s32 $0x6900;
	s6 =	simm.s32 $0x2880;
	s21 =	smul.u32 $0xA000, s5  }
0x19: {  	s26 =	sadd.s32 $0x4E0, s2;
	s2 =	sadd.s32 $0x4F0, s2;
	[dreg:$0x9] =	wrdreg s1  }
0x1a: {  	p0 =	sgt.u32 s5, $0x7C;
	s5 =	smul.u32 $0x500, s5;
	[dreg:$0x7] =	wrdreg s26  }
0x1b: {  	s1 =	simm.s32 $0x2800;
	[dreg:$0x8] =	wrdreg s2;
	s26 =	sadd.s32 s24, s8  }
0x1c: {  	s24 =	sadd.s32 s18, s8;
	s2 =	simm.s32 $0x1;
	s25 =	sshrl.u32 s21, $0x2  }
0x1d: {  	[dreg:$0xb] =	wrdreg s26;
	s26 =	sadd.s32 s23, s8;
	s28 =	sadd.s32 @!p0 s5, s8  }
0x1e: {  	s5 =	simm.s32 $0x2;
	s17 =	sadd.s32 s25, s3;
	s25 =	sadd.s32 s19, s8  }
.LBB2_1:
0x1f: {  	s18 =	rddreg [dreg:$0x1]  }
0x20: {  	[tilespmem:s29], [sflag:$0x3] =	stream.linear.gather [hbm4b:s18+s4], $0x2800, $0x38;
	[tilespmem:$0x1E1C0] =	vst v63  }
0x21: {  	_ =	swait.ge [sflag:s30], $0x2800  }
0x22: {  	[sflag:s30] =	ssyncset.done $0x0  }
0x23: {  	[sflag:s30] =	ssyncadd.s32 $0xFFFFD800  }
0x24: {  	[spmem:s10] =	stream.linear.scatter [tilespmem:s29], [sflag:$0x3], $0x2800, $0x38;
	[tilespmem:$0x1E1C0] =	vst v63  }
0x25: {  	_ =	swait.ge [sflag:s30], $0x2800  }
0x26: {  	[sflag:s30] =	ssyncset.done $0x0  }
0x27: {  	[sflag:s30] =	ssyncadd.s32 $0xFFFFD800  }
0x28: {  	[spmem:s11] =	stream.linear.scatter [tilespmem:s29], [sflag:$0x3], $0x2800, $0x38;
	[tilespmem:$0x1E1C0] =	vst v63  }
0x29: {  	_ =	swait.ge [sflag:s30], $0x2800  }
0x2a: {  	[sflag:s30] =	ssyncset.done $0x0  }
0x2b: {  	[sflag:s30] =	ssyncadd.s32 $0xFFFFD800  }
0x2c: {  	[spmem:s12] =	stream.linear.scatter [tilespmem:s29], [sflag:$0x3], $0x2800, $0x38;
	[tilespmem:$0x1E1C0] =	vst v63  }
0x2d: {  	_ =	swait.ge [sflag:s30], $0x2800  }
0x2e: {  	[sflag:s30] =	ssyncset.done $0x0  }
0x2f: {  	[sflag:s30] =	ssyncadd.s32 $0xFFFFD800  }
0x30: {  	[spmem:s13] =	stream.linear.scatter [tilespmem:s29], [sflag:$0x3], $0x2800, $0x38;
	[tilespmem:$0x1E1C0] =	vst v63  }
0x31: {  	_ =	swait.ge [sflag:s30], $0x2800  }
0x32: {  	[sflag:s30] =	ssyncset.done $0x0  }
0x33: {  	[sflag:s30] =	ssyncadd.s32 $0xFFFFD800  }
0x34: {  	[spmem:s14] =	stream.linear.scatter [tilespmem:s29], [sflag:$0x3], $0x2800, $0x38;
	[tilespmem:$0x1E1C0] =	vst v63  }
0x35: {  	_ =	swait.ge [sflag:s30], $0x2800  }
0x36: {  	[sflag:s30] =	ssyncset.done $0x0  }
0x37: {  	[sflag:s30] =	ssyncadd.s32 $0xFFFFD800  }
0x38: {  	[spmem:s15] =	stream.linear.scatter [tilespmem:s29], [sflag:$0x3], $0x2800, $0x38;
	[tilespmem:$0x1E1C0] =	vst v63  }
0x39: {  	_ =	swait.ge [sflag:s30], $0x2800  }
0x3a: {  	[sflag:s30] =	ssyncset.done $0x0  }
0x3b: {  	[sflag:s30] =	ssyncadd.s32 $0xFFFFD800  }
0x3c: {  	[spmem:s16] =	stream.linear.scatter [tilespmem:s29], [sflag:$0x3], $0x2800, $0x38;
	[tilespmem:$0x1E1C0] =	vst v63  }
0x3d: {  	_ =	swait.ge [sflag:s30], $0x2800  }
0x3e: {  	[sflag:s30] =	ssyncset.done $0x0  }
0x3f: {  	s18 =	simm.s32 @!p0 $0x2900;
	[sflag:s30] =	ssyncadd.s32 $0xFFFFD800  }
0x40: {  	[spmem:s17] =	stream.linear.scatter @!p0 [tilespmem:s18], [sflag:$0x3], $0x2800, $0x38;
	[tilespmem:$0x1E1C0] =	vst v63  }
0x41: {  	s18 =	simm.s32 @!p0 $0x3  }
0x42: {  	_ =	swait.ge @!p0 [sflag:s18], $0x2800  }
0x43: {  	[sflag:s18] =	ssyncset.done @!p0 $0x0  }
0x44: {  	s22 =	rddreg [dreg:$0x5];
	[sflag:s18] =	ssyncadd.s32 @!p0 $0xFFFFD800  }
0x45: {  	[tilespmem:s4], [sflag:$0x3] =	stream.linear.gather [hbm4b:s22+s4], $0x2800, $0x38;
	[tilespmem:$0x1E1C0] =	vst v63  }
0x46: {  	_ =	swait.ge [sflag:s30], $0x2800  }
0x47: {  	[sflag:s30] =	ssyncset.done $0x0  }
0x48: {  	[sflag:s30] =	ssyncadd.s32 $0xFFFFD800  }
0x49: {  	[bflag:$0x0] =	sbarrier.arrive $0xFFFF  }
0x4a: {  	[tilespmem:s29], [sflag:$0x1] =	stream.indirect.gather [hbm4b:s7+s31], $0x80, s4, s31, $0xb8;
	[tilespmem:$0x1E1C0] =	vst v63  }
0x4b: {  	_ = 	snop  }
0x4c: {  	[tilespmem:s0], [sflag:$0x2] =	stream.indirect.gather [hbm4b:s7+s31], $0x80, s31, s31, $0xb8;
	[tilespmem:$0x1E1C0] =	vst v63  }
0x4d: {  	s23 =	sadd.s32 $0x0, s20  }
0x4e: {  	[tilespmem:s1], [sflag:$0x3] =	stream.linear.gather [hbm4b:s23+s4], $0x80, $0x38;
	[tilespmem:$0x1E1C0] =	vst v63  }
0x4f: {  	_ =	swait.ge [sflag:s30], $0x80  }
0x50: {  	[sflag:s30] =	ssyncset.done $0x0  }
0x51: {  	[sflag:s30] =	ssyncadd.s32 $0xFFFFFF80  }
0x52: {  	_ =	swait.ge [sflag:s2], $0x4000  }
0x53: {  	[sflag:s2] =	ssyncset.done $0x0  }
0x54: {  	[sflag:s2] =	ssyncadd.s32 $0xFFFFC000  }
0x55: {  	[spmem:s3] =	stream.indirect.scatter.add.f32 [tilespmem:s29], [sflag:$0x3], $0x80, s1, s31, $0xb8;
	[tilespmem:$0x1E1C0] =	vst v63  }
0x56: {  	_ =	swait.ge [sflag:s30], $0x4000  }
0x57: {  	[sflag:s30] =	ssyncset.done $0x0  }
0x58: {  	s19 =	simm.s32 $0x100;
	[sflag:s30] =	ssyncadd.s32 $0xFFFFC000  }
0x59: {  	[tilespmem:s29], [sflag:$0x1] =	stream.indirect.gather [hbm4b:s7+s31], $0x80, s19, s31, $0xb8;
	[tilespmem:$0x1E1C0] =	vst v63  }
0x5a: {  	s18 =	sadd.s32 $0x10, s23  }
0x5b: {  	[tilespmem:s6], [sflag:$0x3] =	stream.linear.gather [hbm4b:s18+s4], $0x80, $0x38;
	[tilespmem:$0x1E1C0] =	vst v63  }
0x5c: {  	_ =	swait.ge [sflag:s30], $0x80  }
0x5d: {  	[sflag:s30] =	ssyncset.done $0x0  }
0x5e: {  	[sflag:s30] =	ssyncadd.s32 $0xFFFFFF80  }
0x5f: {  	_ =	swait.ge [sflag:s5], $0x4000  }
0x60: {  	[sflag:s5] =	ssyncset.done $0x0  }
0x61: {  	[sflag:s5] =	ssyncadd.s32 $0xFFFFC000  }
0x62: {  	[spmem:s3] =	stream.indirect.scatter.add.f32 [tilespmem:s0], [sflag:$0x3], $0x80, s6, s31, $0xb8;
	[tilespmem:$0x1E1C0] =	vst v63  }
0x63: {  	_ =	swait.ge [sflag:s30], $0x4000  }
0x64: {  	s21 =	simm.s32 $0x180;
	[sflag:s30] =	ssyncset.done $0x0  }
0x65: {  	s19 =	simm.s32 $0x280;
	s18 =	simm.s32 $0x20;
	[sflag:s30] =	ssyncadd.s32 $0xFFFFC000  }
.LBB2_2:
0x66: {  	[tilespmem:s0], [sflag:$0x2] =	stream.indirect.gather [hbm4b:s7+s31], $0x80, s21, s31, $0xb8;
	[tilespmem:$0x1E1C0] =	vst v63  }
0x67: {  	s22 =	sadd.s32 s18, s20;
	p1 =	sne.s32 s18, $0x4C0;
	s18 =	sadd.s32 $0x20, s18  }
0x68: {  	[tilespmem:s1], [sflag:$0x3] =	stream.linear.gather [hbm4b:s22+s4], $0x80, $0x38;
	[tilespmem:$0x1E1C0] =	vst v63  }
0x69: {  	s21 =	smov.u32 s19;
	_ =	swait.ge [sflag:s30], $0x80  }
0x6a: {  	[sflag:s30] =	ssyncset.done $0x0  }
0x6b: {  	[sflag:s30] =	ssyncadd.s32 $0xFFFFFF80  }
0x6c: {  	_ =	swait.ge [sflag:s2], $0x4000  }
0x6d: {  	[sflag:s2] =	ssyncset.done $0x0  }
0x6e: {  	[sflag:s2] =	ssyncadd.s32 $0xFFFFC000  }
0x6f: {  	[spmem:s3] =	stream.indirect.scatter.add.f32 [tilespmem:s29], [sflag:$0x3], $0x80, s1, s31, $0xb8;
	[tilespmem:$0x1E1C0] =	vst v63  }
0x70: {  	_ =	swait.ge [sflag:s30], $0x4000  }
0x71: {  	[sflag:s30] =	ssyncset.done $0x0  }
0x72: {  	s23 =	sadd.s32 $0xFFFFFF80, s19;
	[sflag:s30] =	ssyncadd.s32 $0xFFFFC000  }
0x73: {  	[tilespmem:s29], [sflag:$0x1] =	stream.indirect.gather [hbm4b:s7+s31], $0x80, s23, s31, $0xb8;
	[tilespmem:$0x1E1C0] =	vst v63  }
0x74: {  	s22 =	sadd.s32 $0x10, s22  }
0x75: {  	[tilespmem:s6], [sflag:$0x3] =	stream.linear.gather [hbm4b:s22+s4], $0x80, $0x38;
	[tilespmem:$0x1E1C0] =	vst v63  }
0x76: {  	_ =	swait.ge [sflag:s30], $0x80  }
0x77: {  	[sflag:s30] =	ssyncset.done $0x0  }
0x78: {  	[sflag:s30] =	ssyncadd.s32 $0xFFFFFF80  }
0x79: {  	_ =	swait.ge [sflag:s5], $0x4000  }
0x7a: {  	[sflag:s5] =	ssyncset.done $0x0  }
.Ltmp0:
0x7b: {  	[sflag:s5] =	ssyncadd.s32 $0xFFFFC000;
	(pc) =	sbr.rel @p1 .LBB2_2-.Ltmp0, $4  }
0x7c: {  	[spmem:s3] =	stream.indirect.scatter.add.f32 [tilespmem:s0], [sflag:$0x3], $0x80, s6, s31, $0xb8;
	[tilespmem:$0x1E1C0] =	vst v63  }
0x7d: {  	_ =	swait.ge [sflag:s30], $0x4000  }
0x7e: {  	[sflag:s30] =	ssyncset.done $0x0  }
0x7f: {  	s19 =	sadd.s32 $0x100, s19;
	[sflag:s30] =	ssyncadd.s32 $0xFFFFC000  }
0x80: {  	[tilespmem:s0], [sflag:$0x2] =	stream.indirect.gather [hbm4b:s7+s31], $0x80, s21, s31, $0xb8;
	[tilespmem:$0x1E1C0] =	vst v63  }
0x81: {  	s18 =	rddreg [dreg:$0x7]  }
0x82: {  	[tilespmem:s1], [sflag:$0x3] =	stream.linear.gather [hbm4b:s18+s4], $0x80, $0x38;
	[tilespmem:$0x1E1C0] =	vst v63  }
0x83: {  	_ =	swait.ge [sflag:s30], $0x80  }
0x84: {  	[sflag:s30] =	ssyncset.done $0x0  }
0x85: {  	[sflag:s30] =	ssyncadd.s32 $0xFFFFFF80  }
0x86: {  	_ =	swait.ge [sflag:s2], $0x4000  }
0x87: {  	[sflag:s2] =	ssyncset.done $0x0  }
0x88: {  	[sflag:s2] =	ssyncadd.s32 $0xFFFFC000  }
0x89: {  	[spmem:s3] =	stream.indirect.scatter.add.f32 [tilespmem:s29], [sflag:$0x3], $0x80, s1, s31, $0xb8;
	[tilespmem:$0x1E1C0] =	vst v63  }
0x8a: {  	_ =	swait.ge [sflag:s30], $0x4000  }
0x8b: {  	[sflag:s30] =	ssyncset.done $0x0  }
0x8c: {  	s21 =	rddreg [dreg:$0x8];
	[sflag:s30] =	ssyncadd.s32 $0xFFFFC000  }
0x8d: {  	[tilespmem:s6], [sflag:$0x3] =	stream.linear.gather [hbm4b:s21+s4], $0x80, $0x38;
	[tilespmem:$0x1E1C0] =	vst v63  }
0x8e: {  	_ =	swait.ge [sflag:s30], $0x80  }
0x8f: {  	[sflag:s30] =	ssyncset.done $0x0  }
0x90: {  	[sflag:s30] =	ssyncadd.s32 $0xFFFFFF80  }
0x91: {  	_ =	swait.ge [sflag:s5], $0x4000  }
0x92: {  	[sflag:s5] =	ssyncset.done $0x0  }
0x93: {  	[sflag:s5] =	ssyncadd.s32 $0xFFFFC000  }
0x94: {  	[spmem:s3] =	stream.indirect.scatter.add.f32 [tilespmem:s0], [sflag:$0x3], $0x80, s6, s31, $0xb8;
	[tilespmem:$0x1E1C0] =	vst v63  }
0x95: {  	_ =	swait.ge [sflag:s30], $0x4000  }
0x96: {  	[sflag:s30] =	ssyncset.done $0x0  }
0x97: {  	[sflag:s30] =	ssyncadd.s32 $0xFFFFC000  }
0x98: {  	s22 =	stileid.u32;
	[bflag:$0x0] =	sbarrier.arrive $0xFFFF  }
0x99: {  	s18 =	sshll.u32 s22, $0x6;
	s19 =	rddreg [dreg:$0x4]  }
0x9a: {  	s23 =	sshrl.u32 s10, $0x3;
	s18 =	sor.u32 $0x1C03, s18;
	s19 =	sadd.s32 s19, s8  }
0x9b: {  	[hbm:s19], [sflag:s18] =	dma.local [spmem:s23], $0x500  }
0x9c: {  	_ =	swait.ge [sflag:s30], $0x500  }
0x9d: {  	[sflag:s30] =	ssyncset.done $0x0  }
0x9e: {  	s22 =	sshrl.u32 s11, $0x3;
	s23 =	rddreg [dreg:$0x9];
	[sflag:s30] =	ssyncadd.s32 $0xFFFFFB00  }
0x9f: {  	[hbm:s23], [sflag:s18] =	dma.local [spmem:s22], $0x500  }
0xa0: {  	_ =	swait.ge [sflag:s30], $0x500  }
0xa1: {  	[sflag:s30] =	ssyncset.done $0x0  }
0xa2: {  	s22 =	sshrl.u32 s12, $0x3;
	s23 =	rddreg [dreg:$0xa];
	[sflag:s30] =	ssyncadd.s32 $0xFFFFFB00  }
0xa3: {  	[hbm:s23], [sflag:s18] =	dma.local [spmem:s22], $0x500  }
0xa4: {  	_ =	swait.ge [sflag:s30], $0x500  }
0xa5: {  	[sflag:s30] =	ssyncset.done $0x0  }
0xa6: {  	s21 =	sshrl.u32 s13, $0x3;
	s22 =	rddreg [dreg:$0xb];
	[sflag:s30] =	ssyncadd.s32 $0xFFFFFB00  }
0xa7: {  	[hbm:s22], [sflag:s18] =	dma.local [spmem:s21], $0x500  }
0xa8: {  	_ =	swait.ge [sflag:s30], $0x500  }
0xa9: {  	[sflag:s30] =	ssyncset.done $0x0  }
0xaa: {  	s23 =	sshrl.u32 s14, $0x3;
	[sflag:s30] =	ssyncadd.s32 $0xFFFFFB00  }
0xab: {  	[hbm:s24], [sflag:s18] =	dma.local [spmem:s23], $0x500  }
0xac: {  	_ =	swait.ge [sflag:s30], $0x500  }
0xad: {  	[sflag:s30] =	ssyncset.done $0x0  }
0xae: {  	s21 =	sshrl.u32 s15, $0x3;
	[sflag:s30] =	ssyncadd.s32 $0xFFFFFB00  }
0xaf: {  	[hbm:s25], [sflag:s18] =	dma.local [spmem:s21], $0x500  }
0xb0: {  	_ =	swait.ge [sflag:s30], $0x500  }
0xb1: {  	[sflag:s30] =	ssyncset.done $0x0  }
0xb2: {  	s22 =	sshrl.u32 s16, $0x3;
	[sflag:s30] =	ssyncadd.s32 $0xFFFFFB00  }
0xb3: {  	[hbm:s26], [sflag:s18] =	dma.local [spmem:s22], $0x500  }
0xb4: {  	_ =	swait.ge [sflag:s30], $0x500  }
0xb5: {  	[sflag:s30] =	ssyncset.done $0x0  }
0xb6: {  	s19 =	sshrl.u32 @!p0 s17, $0x3;
	[sflag:s30] =	ssyncadd.s32 $0xFFFFFB00  }
0xb7: {  	[hbm:s28], [sflag:s18] =	dma.local @!p0 [spmem:s19], $0x500  }
0xb8: {  	s18 =	simm.s32 @!p0 $0x3  }
0xb9: {  	_ =	swait.ge @!p0 [sflag:s18], $0x500  }
0xba: {  	s9 =	sadd.s32 $0x1, s9;
	s23 =	rddreg [dreg:$0x6]  }
0xbb: {  	p1 =	sne.s32 s9, s23  }
.Ltmp1:
0xbc: {  	_ = 	snop;
	(pc) =	sbr.rel @p1 .LBB2_1-.Ltmp1, $3  }
0xbd: {  	_ =	sdelay $0x1  }
0xbe: {  	[sflag:s18] =	ssyncset.done @!p0 $0x0  }
0xbf: {  	[sflag:s18] =	ssyncadd.s32 @!p0 $0xFFFFFB00  }
0xc0: {  	_ =	sfence.sel $0x180000  }
0xc1: {  	[bflag:$0x0] =	sbarrier.arrive $0xFFFF  }
0xc2: {  	_ =	strace $0x90000050  }
0xc3: {  	s0 =	stileid.u32;
	[bflag:$0x2] =	sbarrier.arrive $0xFFFF  }
0xc4: {  	p0 =	sne.s32 s0, $0x0;
	s0 =	rddreg [dreg:$0x3]  }
0xc5: {  	s0 =	sadd.s32 @!p0 $0x100000, s0  }
0xc6: {  	[sflag:s0] =	ssyncadd.tile.s32 @!p0 $0x1;
	_ =	shalt  }
.Lfunc_end2:
_tile_overlayer_lowered:
.L_overlay_start_2:
0xc7: {  	(tag) =	ssettag $0x2  }
0xc8: {  	s0 =	rddreg [dreg:$0x0];
	s2 =	stileid.u32  }
0xc9: {  	s1 =	rddreg [dreg:$0x1];
	p0 =	sne.s32 s2, $0x0  }
0xca: {  	s3 =	rddreg [dreg:$0x2];
	[bflag:$0x3] =	sbarrier.arrive $0xFFFF;
	s2 =	simm.s32 @!p0 $0x1C03  }
0xcb: {  	[timem:s3], [sflag:s2] =	dma.local @!p0 [hbm:s0], s1  }
0xcc: {  	s0 =	simm.s32 @!p0 $0x3  }
0xcd: {  	_ =	swait.ge @!p0 [sflag:s0], s1  }
0xce: {  	s1 =	ssub.s32 @!p0 $0x0, s1;
	[sflag:s0] =	ssyncset.done @!p0 $0x0  }
0xcf: {  	[sflag:s0] =	ssyncadd.s32 @!p0 s1  }
0xd0: {  	[bflag:$0x3] =	sbarrier.arrive $0xFFFF  }
0xd1: {  	_ =	shalt  }

// kernel: kernel.30.cloned.1.call-start
scs
__scs_entry_jumppad:
0x0: {  	(pc) =	sbr.rel $0x88, $3  }
0x1: {  	(tag) =	ssettag $0x0;
	lr =	simm.s32 $0x1  }
0x2: {  	[smem:$0x3F7B] =	sst lr;
	_ =	strace $0xD0000000  }
0x3: {  	_ = 	snop  }
0x4: {  	_ = 	snop  }
0x5: {  	_ = 	snop  }
0x6: {  	_ = 	snop  }
0x7: {  	_ = 	snop  }
__scs_overlays_trampoline_lowered:
0x8: {  	[smem:$0x3F8A] =	sst s0  }
0x9: {  	[smem:$0x3F8B] =	sst s1  }
0xa: {  	[smem:$0x3F8C] =	sst s2  }
0xb: {  	[smem:$0x3F8D] =	sst s3  }
0xc: {  	[smem:$0x3F8E] =	sst s4  }
0xd: {  	[smem:$0x3F8F] =	sst s5  }
0xe: {  	[smem:$0x3F90] =	sst s6  }
0xf: {  	[smem:$0x3F91] =	sst s7  }
0x10: {  	[smem:$0x3F92] =	sst s8  }
0x11: {  	[smem:$0x3F93] =	sst s9;
	s0 =	simm.s32 @!p0 $0x0  }
0x12: {  	s1 =	sld [smem:$0x3F79];
	s0 =	simm.s32 @p0 $0x1  }
0x13: {  	[smem:$0x3F94] =	sst s0;
	s0 =	simm.s32 @!p1 $0x0  }
0x14: {  	s2 =	sld [smem:$0x3F78];
	s0 =	simm.s32 @p1 $0x1  }
0x15: {  	[smem:$0x3F95] =	sst s0;
	s0 =	simm.s32 @!p2 $0x0  }
0x16: {  	s3 =	sld [smem:$0x3FDB];
	s0 =	simm.s32 @p2 $0x1  }
0x17: {  	s4 =	simm.s32 $0x1BF5;
	[smem:$0x3F97] =	sst s0  }
0x18: {  	s0 =	sld [smem:$0x3F7A];
	_ =	swait.ge [sflag:s4], $0x0  }
0x19: {  	s7 =	sld [smem:$0x3F7B]  }
0x1a: {  	s8 =	sadd.s32 $0xFFFFE003, lr  }
0x1b: {  	s9 =	sadd.s32 $0xFFFFFEF7, lr;
	s5 =	simm.s32 $0xFFFFFFFF;
	p2 =	slt.u32 s8, $0xFFFFF086  }
0x1c: {  	p1 =	slt.u32 s9, $0xF7A;
	s5 =	simm.s32 @!p2 $0x0  }
0x1d: {  	s5 =	simm.s32 @p1 $0x1;
	p0 =	seq.s32 s7, s2  }
0x1e: {  	s7 =	smul.u32 @!p0 $0xF7A, s2;
	p2 =	seq.s32 @!p0 s5, $0x0  }
0x1f: {  	s9 =	smul.u32 $0xF7A, s1;
	s8 =	simm.s32 @!p0 $0x1BF5;
	p2 =	por !p2, p0  }
0x20: {  	[sflag:s8] =	ssyncset.s32 @!p0 $0xFFFFF086;
	s6 =	sadd.s32 @!p0 s3, s7;
	s7 =	simm.s32 @!p0 $0x108  }
0x21: {  	s3 =	sadd.s32 s3, s9;
	s6 =	sadd.s32 @!p0 $0x88, s6;
	s7 =	simm.s32 @p2 $0x1082  }
0x22: {  	[simem:s7], [sflag:s8] =	dma.local @!p0 [hbm:s6], $0xF7A  }
0x23: {  	s9 =	sor.u32 $0xD0000000, s2;
	s6 =	simm.s32 $0x108;
	_ =	swait.ge @!p0 [sflag:s8], $0x0  }
0x24: {  	s3 =	sadd.s32 $0x88, s3;
	s6 =	simm.s32 @!p1 $0x1082;
	[sflag:s4] =	ssyncset.s32 $0xFFFFF086  }
0x25: {  	[simem:s6], [sflag:s4] =	dma.local [hbm:s3], $0xF7A  }
0x26: {  	[smem:$0x3F7B] =	sst s1;
	(tag) =	ssettag s2;
	_ =	strace s9  }
0x27: {  	s1 =	sld [smem:$0x3F8B]  }
0x28: {  	s2 =	sld [smem:$0x3F8C]  }
0x29: {  	s4 =	sld [smem:$0x3F8E]  }
0x2a: {  	p0 =	seq.s32 s5, $0x0;
	s5 =	sld [smem:$0x3F8F]  }
0x2b: {  	s6 =	sld [smem:$0x3F90]  }
0x2c: {  	s7 =	sld [smem:$0x3F91]  }
0x2d: {  	s3 =	simm.s32 $0x108;
	s8 =	sld [smem:$0x3F92]  }
0x2e: {  	s3 =	simm.s32 @!p0 $0x1082;
	s9 =	sld [smem:$0x3F93]  }
0x2f: {  	lr =	sadd.s32 s0, s3;
	s0 =	sld [smem:$0x3F8A]  }
0x30: {  	s3 =	sld [smem:$0x3F8D]  }
0x31: {  	[smem:$0x3F96] =	sst s10  }
0x32: {  	s10 =	sld [smem:$0x3F94];
	_ =	sdelay $0x3  }
0x33: {  	p0 =	seq.s32 s10, $0x1;
	s10 =	sld [smem:$0x3F96];
	_ =	sdelay $0x3  }
0x34: {  	[smem:$0x3F96] =	sst s10  }
0x35: {  	s10 =	sld [smem:$0x3F95];
	_ =	sdelay $0x3  }
0x36: {  	p1 =	seq.s32 s10, $0x1;
	s10 =	sld [smem:$0x3F96];
	_ =	sdelay $0x3  }
0x37: {  	[smem:$0x3F96] =	sst s10  }
0x38: {  	s10 =	sld [smem:$0x3F97]  }
0x39: {  	_ = 	snop;
	(pc) =	sbr.ind lr, $3  }
0x3a: {  	_ = 	snop  }
0x3b: {  	_ = 	snop  }
0x3c: {  	p2 =	seq.s32 s10, $0x1;
	s10 =	sld [smem:$0x3F96]  }
0x3d: {  	_ =	shalt  }
0x3e: {  	_ =	shalt  }
0x3f: {  	_ =	shalt  }
0x40: {  	_ =	shalt  }
0x41: {  	_ =	shalt  }
0x42: {  	_ =	shalt  }
0x43: {  	_ =	shalt  }
0x44: {  	_ =	shalt  }
0x45: {  	_ =	shalt  }
0x46: {  	_ =	shalt  }
0x47: {  	_ =	shalt  }
0x48: {  	_ =	shalt  }
0x49: {  	_ =	shalt  }
0x4a: {  	_ =	shalt  }
0x4b: {  	_ =	shalt  }
0x4c: {  	_ =	shalt  }
0x4d: {  	_ =	shalt  }
0x4e: {  	_ =	shalt  }
0x4f: {  	_ =	shalt  }
0x50: {  	_ =	shalt  }
0x51: {  	_ =	shalt  }
0x52: {  	_ =	shalt  }
0x53: {  	_ =	shalt  }
0x54: {  	_ =	shalt  }
0x55: {  	_ =	shalt  }
0x56: {  	_ =	shalt  }
0x57: {  	_ =	shalt  }
0x58: {  	_ =	shalt  }
0x59: {  	_ =	shalt  }
0x5a: {  	_ =	shalt  }
0x5b: {  	_ =	shalt  }
0x5c: {  	_ =	shalt  }
0x5d: {  	_ =	shalt  }
0x5e: {  	_ =	shalt  }
0x5f: {  	_ =	shalt  }
0x60: {  	_ =	shalt  }
0x61: {  	_ =	shalt  }
0x62: {  	_ =	shalt  }
0x63: {  	_ =	shalt  }
0x64: {  	_ =	shalt  }
0x65: {  	_ =	shalt  }
0x66: {  	_ =	shalt  }
0x67: {  	_ =	shalt  }
0x68: {  	_ =	shalt  }
0x69: {  	_ =	shalt  }
0x6a: {  	_ =	shalt  }
0x6b: {  	_ =	shalt  }
0x6c: {  	_ =	shalt  }
0x6d: {  	_ =	shalt  }
0x6e: {  	_ =	shalt  }
0x6f: {  	_ =	shalt  }
0x70: {  	_ =	shalt  }
0x71: {  	_ =	shalt  }
0x72: {  	_ =	shalt  }
0x73: {  	_ =	shalt  }
0x74: {  	_ =	shalt  }
0x75: {  	_ =	shalt  }
0x76: {  	_ =	shalt  }
0x77: {  	_ =	shalt  }
0x78: {  	_ =	shalt  }
0x79: {  	_ =	shalt  }
0x7a: {  	_ =	shalt  }
0x7b: {  	_ =	shalt  }
0x7c: {  	_ =	shalt  }
0x7d: {  	_ =	shalt  }
0x7e: {  	_ =	shalt  }
0x7f: {  	_ =	shalt  }
0x80: {  	_ =	shalt  }
0x81: {  	_ =	shalt  }
0x82: {  	_ =	shalt  }
0x83: {  	_ =	shalt  }
0x84: {  	_ =	shalt  }
0x85: {  	_ =	shalt  }
0x86: {  	_ =	shalt  }
0x87: {  	_ =	shalt  }
.Lfunc_end0:
.L_simem_size_0:
called_computation.4_lowered:
.L_overlay_start_0:
0x88: {  	s2 =	sld [smem:$0x3FD9]  }
0x89: {  	s3 =	sld [smem:$0x3FFE];
	_ =	sdelay $0x1  }
0x8a: {  	s1 =	srdreg.scid  }
0x8b: {  	s0 =	sand.u32 $0x1, s1  }
0x8c: {  	s17 =	sshll.u32 s0, $0xA;
	s2 =	sadd.s32 s3, s2  }
0x8d: {  	s2 =	sadd.s32 s2, s17  }
0x8e: {  	[smem:$0x3FA2] =	sst s2  }
0x8f: {  	_ = 	snop  }
0x90: {  	s2 =	sld [smem:$0x3FD0];
	(tm) =	ssettm $0x1  }
0x91: {  	s18 =	sld [smem:$0x3FFB];
	_ =	sdelay $0x3  }
0x92: {  	_ =	strace s18  }
0x93: {  	s3 =	sld [smem:$0x3FFC];
	_ =	sdelay $0x3  }
0x94: {  	_ =	strace s3  }
0x95: {  	s3 =	sld [smem:$0x3FFD];
	_ =	sdelay $0x3  }
0x96: {  	_ =	strace s3  }
0x97: {  	_ =	strace $0x8FFFFFFF  }
0x98: {  	s19 =	sld [smem:$0x3FDB];
	_ =	sdelay $0x1  }
0x99: {  	s4 =	simm.s32 $_scs_section_size  }
0x9a: {  	s5 =	simm.s32 $_size__tile_overlayer_lowered;
	s6 =	simm.s32 $_tile_overlayer_lowered  }
0x9b: {  	s22 =	simm.s32 $0x1BFF;
	s21 =	sshll.u32 s6, $0x1;
	s3 =	sadd.s32 s4, s19  }
0x9c: {  	s7 =	simm.s32 $0x0;
	s20 =	sshll.u32 s5, $0x1;
	s5 =	sadd.s32 s21, s3  }
0x9d: {  	[timem:s7], [sflag:s22] =	dma.local [hbm:s5], s20  }
0x9e: {  	_ =	swait.ge [sflag:s22], s20  }
0x9f: {  	s4 =	ssub.s32 $0x0, s20;
	[sflag:s22] =	ssyncset.done $0x0  }
0xa0: {  	[sflag:s22] =	ssyncadd.s32 s4;
	_ =	sdelay $0x1  }
0xa1: {  	s23 =	simm.s32 $0x1B8B  }
0xa2: {  	_ =	swait.ge [sflag:s23], $0x1  }
0xa3: {  	[sflag:s23] =	ssyncset.done $0x0  }
0xa4: {  	s25 =	simm.s32 $0x1B8E;
	s24 =	sld [smem:$0x3FFE];
	[sflag:s23] =	ssyncadd.s32 $0xFFFFFFFF  }
0xa5: {  	s26 =	simm.s32 $execute0_lowered;
	[smem:$0x3FD2] =	sst s25  }
0xa6: {  	s5 =	sshll.u32 s26, $0x1;
	_ =	strace $0x80000052;
	[dreg:$0x1] =	wrdreg $0xFFFFFFFF  }
0xa7: {  	s28 =	simm.s32 $_size_execute0_lowered;
	s3 =	sadd.s32 s3, s5;
	[dreg:$0x0] =	wrdreg $0x0  }
0xa8: {  	s5 =	sshll.u32 s28, $0x1;
	[dreg:$0x2] =	wrdreg s3  }
0xa9: {  	[dreg:$0x3] =	wrdreg s5  }
0xaa: {  	[dreg:$0x4] =	wrdreg $0xC0  }
0xab: {  	_ =	task [dreg:s7], $0x5FFFF  }
0xac: {  	[dreg:$0x1] =	wrdreg $0xFFFFFFFF  }
0xad: {  	[dreg:$0x0] =	wrdreg $0x60  }
0xae: {  	[dreg:$0x2] =	wrdreg s24  }
0xaf: {  	[dreg:$0x3] =	wrdreg s2  }
0xb0: {  	[dreg:$0x4] =	wrdreg $0xA9000  }
0xb1: {  	[dreg:$0x5] =	wrdreg $0x9  }
0xb2: {  	_ =	task.clear_ibuf [dreg:s7], $0x6FFFF;
	_ =	strace $0x90000052  }
0xb3: {  	s29 =	simm.s32 $0x9;
	_ =	strace $0x80000054  }
0xb4: {  	_ =	swait.ge [sflag:s29], $0x1  }
0xb5: {  	[sflag:s29] =	ssyncadd.s32 $0xFFFFFFFF  }
0xb6: {  	_ =	strace $0x90000054  }
0xb7: {  	_ =	sfence  }
0xb8: {  	s30 =	sld [smem:$0x0];
	_ =	sdelay $0x2  }
0xb9: {  	s31 =	sshll.u32 s1, $0xD;
	s1 =	sshrl.u32 s1, $0x2  }
0xba: {  	s3 =	sand.u32 $0x4000, s31;
	s1 =	sadd.s32 s1, s30  }
0xbb: {  	s0 =	sor.u32 s3, s0;
	s1 =	sshll.u32 s1, $0x11  }
0xbc: {  	s0 =	sor.u32 s1, s0  }
0xbd: {  	s0 =	sadd.s32 $0x8F2B, s0  }
0xbe: {  	[sflag:s0] =	ssyncadd.remote.s32 $0x1  }
0xbf: {  	_ =	sfence.sel $0xFFFF  }
0xc0: {  	[dreg:$0x0] =	wrdreg $0xFFFFFFFF;
	(pc) =	sbr.abs _section_cstart, $3  }
0xc1: {  	[dreg:$0x1] =	wrdreg $0xFFFFFFFF  }
0xc2: {  	_ =	task.clear_ibuf [dreg:s7], $0x2FFFF;
	_ =	strace $0x9FFFFFFF  }
0xc3: {  	(tm) =	ssettm $0x7FFFFFFF  }
tec
execute0_lowered:
.L_overlay_start_1:
0x0: {  	(tag) =	ssettag $0x1  }
0x1: {  	s0 =	rddreg [dreg:$0x0];
	s15 =	stileid.u32  }
0x2: {  	s3 =	rddreg [dreg:$0x2];
	s4 =	simm.s32 $0x0;
	s22 =	smul.u32 $0x500, s15  }
0x3: {  	s1 =	srdreg.scid;
	s29 =	simm.s32 $0x2900;
	s9 =	smul.u32 $0x2800, s15  }
0x4: {  	s30 =	simm.s32 $0x3;
	s1 =	sand.u32 $0x1, s1;
	s25 =	smul.u32 $0xA000, s15  }
0x5: {  	s31 =	simm.s32 $0x80;
	s26 =	sor.u32 $0x10, s15;
	s5 =	smul.u32 $0x27100, s1  }
0x6: {  	[smem:$0x7FF] =	sst s4;
	s17 =	sor.u32 $0x30, s15;
	s20 =	smul.u32 $0xA000, s26  }
0x7: {  	s6 =	sadd.s32 $0x5AE00, s0;
	s18 =	sor.u32 $0x40, s15;
	s24 =	smul.u32 $0xA000, s17  }
0x8: {  	_ =	strace $0x80000053;
	s1 =	ssub.s32 $0x2, s1;
	s13 =	smul.u32 $0xA000, s18  }
0x9: {  	s18 =	smul.u32 $0x500, s18;
	s2 =	sadd.s32 s22, s0;
	s7 =	sshrl.u32 s1, $0x1  }
0xa: {  	s19 =	sshrl.u32 s25, $0x2;
	[dreg:$0x4] =	wrdreg s22;
	s0 =	sadd.s32 s5, s0  }
0xb: {  	s1 =	ssub.s32 s1, s7;
	s10 =	sadd.s32 s19, s3;
	s19 =	sor.u32 $0x50, s15  }
0xc: {  	s21 =	sshrl.u32 s20, $0x2;
	s20 =	sor.u32 $0x60, s15;
	s25 =	smul.u32 $0xA000, s19  }
0xd: {  	s2 =	sadd.s32 $0x55E00, s2;
	s7 =	sadd.s32 $0x7C00, s0;
	s16 =	smul.u32 $0xA000, s20  }
0xe: {  	s8 =	sadd.s32 $0x5FE00, s0;
	s0 =	sor.u32 $0x20, s15;
	s19 =	smul.u32 $0x500, s19  }
0xf: {  	s14 =	sshrl.u32 s13, $0x2;
	[dreg:$0x5] =	wrdreg s2;
	s23 =	smul.u32 $0xA000, s0  }
0x10: {  	s1 =	smax.u32 s1, $0x1;
	s11 =	sadd.s32 s21, s3;
	s0 =	smul.u32 $0x500, s0  }
0x11: {  	[dreg:$0x6] =	wrdreg s1;
	s1 =	sshrl.u32 s24, $0x2;
	s24 =	smul.u32 $0x500, s17  }
0x12: {  	s14 =	sadd.s32 s14, s3;
	s13 =	sadd.s32 s1, s3;
	s1 =	smul.u32 $0x500, s26  }
0x13: {  	s26 =	sshrl.u32 s25, $0x2;
	s16 =	sshrl.u32 s16, $0x2;
	s5 =	sshrl.u32 s23, $0x2  }
0x14: {  	s16 =	sadd.s32 s16, s3;
	s23 =	sshrl.u32 s9, $0x3;
	s0 =	sadd.s32 s0, s8  }
0x15: {  	s9 =	simm.s32 $0x0;
	s12 =	sadd.s32 s5, s3;
	s5 =	sor.u32 $0x70, s15  }
0x16: {  	s15 =	sadd.s32 s26, s3;
	s2 =	sadd.s32 s6, s23;
	s23 =	smul.u32 $0x500, s20  }
0x17: {  	s20 =	sadd.s32 s22, s6;
	s1 =	sadd.s32 s1, s8;
	[dreg:$0xa] =	wrdreg s0  }
0x18: {  	s0 =	simm.s32 $0x6900;
	s6 =	simm.s32 $0x2880;
	s21 =	smul.u32 $0xA000, s5  }
0x19: {  	s26 =	sadd.s32 $0x4E0, s2;
	s2 =	sadd.s32 $0x4F0, s2;
	[dreg:$0x9] =	wrdreg s1  }
0x1a: {  	p0 =	sgt.u32 s5, $0x7C;
	s5 =	smul.u32 $0x500, s5;
	[dreg:$0x7] =	wrdreg s26  }
0x1b: {  	s1 =	simm.s32 $0x2800;
	[dreg:$0x8] =	wrdreg s2;
	s26 =	sadd.s32 s24, s8  }
0x1c: {  	s24 =	sadd.s32 s18, s8;
	s2 =	simm.s32 $0x1;
	s25 =	sshrl.u32 s21, $0x2  }
0x1d: {  	[dreg:$0xb] =	wrdreg s26;
	s26 =	sadd.s32 s23, s8;
	s28 =	sadd.s32 @!p0 s5, s8  }
0x1e: {  	s5 =	simm.s32 $0x2;
	s17 =	sadd.s32 s25, s3;
	s25 =	sadd.s32 s19, s8  }
.LBB2_1:
0x1f: {  	s18 =	rddreg [dreg:$0x1]  }
0x20: {  	[tilespmem:s29], [sflag:$0x3] =	stream.linear.gather [hbm4b:s18+s4], $0x2800, $0x38;
	[tilespmem:$0x1E1C0] =	vst v63  }
0x21: {  	_ =	swait.ge [sflag:s30], $0x2800  }
0x22: {  	[sflag:s30] =	ssyncset.done $0x0  }
0x23: {  	[sflag:s30] =	ssyncadd.s32 $0xFFFFD800  }
0x24: {  	[spmem:s10] =	stream.linear.scatter [tilespmem:s29], [sflag:$0x3], $0x2800, $0x38;
	[tilespmem:$0x1E1C0] =	vst v63  }
0x25: {  	_ =	swait.ge [sflag:s30], $0x2800  }
0x26: {  	[sflag:s30] =	ssyncset.done $0x0  }
0x27: {  	[sflag:s30] =	ssyncadd.s32 $0xFFFFD800  }
0x28: {  	[spmem:s11] =	stream.linear.scatter [tilespmem:s29], [sflag:$0x3], $0x2800, $0x38;
	[tilespmem:$0x1E1C0] =	vst v63  }
0x29: {  	_ =	swait.ge [sflag:s30], $0x2800  }
0x2a: {  	[sflag:s30] =	ssyncset.done $0x0  }
0x2b: {  	[sflag:s30] =	ssyncadd.s32 $0xFFFFD800  }
0x2c: {  	[spmem:s12] =	stream.linear.scatter [tilespmem:s29], [sflag:$0x3], $0x2800, $0x38;
	[tilespmem:$0x1E1C0] =	vst v63  }
0x2d: {  	_ =	swait.ge [sflag:s30], $0x2800  }
0x2e: {  	[sflag:s30] =	ssyncset.done $0x0  }
0x2f: {  	[sflag:s30] =	ssyncadd.s32 $0xFFFFD800  }
0x30: {  	[spmem:s13] =	stream.linear.scatter [tilespmem:s29], [sflag:$0x3], $0x2800, $0x38;
	[tilespmem:$0x1E1C0] =	vst v63  }
0x31: {  	_ =	swait.ge [sflag:s30], $0x2800  }
0x32: {  	[sflag:s30] =	ssyncset.done $0x0  }
0x33: {  	[sflag:s30] =	ssyncadd.s32 $0xFFFFD800  }
0x34: {  	[spmem:s14] =	stream.linear.scatter [tilespmem:s29], [sflag:$0x3], $0x2800, $0x38;
	[tilespmem:$0x1E1C0] =	vst v63  }
0x35: {  	_ =	swait.ge [sflag:s30], $0x2800  }
0x36: {  	[sflag:s30] =	ssyncset.done $0x0  }
0x37: {  	[sflag:s30] =	ssyncadd.s32 $0xFFFFD800  }
0x38: {  	[spmem:s15] =	stream.linear.scatter [tilespmem:s29], [sflag:$0x3], $0x2800, $0x38;
	[tilespmem:$0x1E1C0] =	vst v63  }
0x39: {  	_ =	swait.ge [sflag:s30], $0x2800  }
0x3a: {  	[sflag:s30] =	ssyncset.done $0x0  }
0x3b: {  	[sflag:s30] =	ssyncadd.s32 $0xFFFFD800  }
0x3c: {  	[spmem:s16] =	stream.linear.scatter [tilespmem:s29], [sflag:$0x3], $0x2800, $0x38;
	[tilespmem:$0x1E1C0] =	vst v63  }
0x3d: {  	_ =	swait.ge [sflag:s30], $0x2800  }
0x3e: {  	[sflag:s30] =	ssyncset.done $0x0  }
0x3f: {  	s18 =	simm.s32 @!p0 $0x2900;
	[sflag:s30] =	ssyncadd.s32 $0xFFFFD800  }
0x40: {  	[spmem:s17] =	stream.linear.scatter @!p0 [tilespmem:s18], [sflag:$0x3], $0x2800, $0x38;
	[tilespmem:$0x1E1C0] =	vst v63  }
0x41: {  	s18 =	simm.s32 @!p0 $0x3  }
0x42: {  	_ =	swait.ge @!p0 [sflag:s18], $0x2800  }
0x43: {  	[sflag:s18] =	ssyncset.done @!p0 $0x0  }
0x44: {  	s22 =	rddreg [dreg:$0x5];
	[sflag:s18] =	ssyncadd.s32 @!p0 $0xFFFFD800  }
0x45: {  	[tilespmem:s4], [sflag:$0x3] =	stream.linear.gather [hbm4b:s22+s4], $0x2800, $0x38;
	[tilespmem:$0x1E1C0] =	vst v63  }
0x46: {  	_ =	swait.ge [sflag:s30], $0x2800  }
0x47: {  	[sflag:s30] =	ssyncset.done $0x0  }
0x48: {  	[sflag:s30] =	ssyncadd.s32 $0xFFFFD800  }
0x49: {  	[bflag:$0x0] =	sbarrier.arrive $0xFFFF  }
0x4a: {  	[tilespmem:s29], [sflag:$0x1] =	stream.indirect.gather [hbm4b:s7+s31], $0x80, s4, s31, $0xb8;
	[tilespmem:$0x1E1C0] =	vst v63  }
0x4b: {  	_ = 	snop  }
0x4c: {  	[tilespmem:s0], [sflag:$0x2] =	stream.indirect.gather [hbm4b:s7+s31], $0x80, s31, s31, $0xb8;
	[tilespmem:$0x1E1C0] =	vst v63  }
0x4d: {  	s23 =	sadd.s32 $0x0, s20  }
0x4e: {  	[tilespmem:s1], [sflag:$0x3] =	stream.linear.gather [hbm4b:s23+s4], $0x80, $0x38;
	[tilespmem:$0x1E1C0] =	vst v63  }
0x4f: {  	_ =	swait.ge [sflag:s30], $0x80  }
0x50: {  	[sflag:s30] =	ssyncset.done $0x0  }
0x51: {  	[sflag:s30] =	ssyncadd.s32 $0xFFFFFF80  }
0x52: {  	_ =	swait.ge [sflag:s2], $0x4000  }
0x53: {  	[sflag:s2] =	ssyncset.done $0x0  }
0x54: {  	[sflag:s2] =	ssyncadd.s32 $0xFFFFC000  }
0x55: {  	[spmem:s3] =	stream.indirect.scatter.add.f32 [tilespmem:s29], [sflag:$0x3], $0x80, s1, s31, $0xb8;
	[tilespmem:$0x1E1C0] =	vst v63  }
0x56: {  	_ =	swait.ge [sflag:s30], $0x4000  }
0x57: {  	[sflag:s30] =	ssyncset.done $0x0  }
0x58: {  	s19 =	simm.s32 $0x100;
	[sflag:s30] =	ssyncadd.s32 $0xFFFFC000  }
0x59: {  	[tilespmem:s29], [sflag:$0x1] =	stream.indirect.gather [hbm4b:s7+s31], $0x80, s19, s31, $0xb8;
	[tilespmem:$0x1E1C0] =	vst v63  }
0x5a: {  	s18 =	sadd.s32 $0x10, s23  }
0x5b: {  	[tilespmem:s6], [sflag:$0x3] =	stream.linear.gather [hbm4b:s18+s4], $0x80, $0x38;
	[tilespmem:$0x1E1C0] =	vst v63  }
0x5c: {  	_ =	swait.ge [sflag:s30], $0x80  }
0x5d: {  	[sflag:s30] =	ssyncset.done $0x0  }
0x5e: {  	[sflag:s30] =	ssyncadd.s32 $0xFFFFFF80  }
0x5f: {  	_ =	swait.ge [sflag:s5], $0x4000  }
0x60: {  	[sflag:s5] =	ssyncset.done $0x0  }
0x61: {  	[sflag:s5] =	ssyncadd.s32 $0xFFFFC000  }
0x62: {  	[spmem:s3] =	stream.indirect.scatter.add.f32 [tilespmem:s0], [sflag:$0x3], $0x80, s6, s31, $0xb8;
	[tilespmem:$0x1E1C0] =	vst v63  }
0x63: {  	_ =	swait.ge [sflag:s30], $0x4000  }
0x64: {  	s21 =	simm.s32 $0x180;
	[sflag:s30] =	ssyncset.done $0x0  }
0x65: {  	s19 =	simm.s32 $0x280;
	s18 =	simm.s32 $0x20;
	[sflag:s30] =	ssyncadd.s32 $0xFFFFC000  }
.LBB2_2:
0x66: {  	[tilespmem:s0], [sflag:$0x2] =	stream.indirect.gather [hbm4b:s7+s31], $0x80, s21, s31, $0xb8;
	[tilespmem:$0x1E1C0] =	vst v63  }
0x67: {  	s22 =	sadd.s32 s18, s20;
	p1 =	sne.s32 s18, $0x4C0;
	s18 =	sadd.s32 $0x20, s18  }
0x68: {  	[tilespmem:s1], [sflag:$0x3] =	stream.linear.gather [hbm4b:s22+s4], $0x80, $0x38;
	[tilespmem:$0x1E1C0] =	vst v63  }
0x69: {  	s21 =	smov.u32 s19;
	_ =	swait.ge [sflag:s30], $0x80  }
0x6a: {  	[sflag:s30] =	ssyncset.done $0x0  }
0x6b: {  	[sflag:s30] =	ssyncadd.s32 $0xFFFFFF80  }
0x6c: {  	_ =	swait.ge [sflag:s2], $0x4000  }
0x6d: {  	[sflag:s2] =	ssyncset.done $0x0  }
0x6e: {  	[sflag:s2] =	ssyncadd.s32 $0xFFFFC000  }
0x6f: {  	[spmem:s3] =	stream.indirect.scatter.add.f32 [tilespmem:s29], [sflag:$0x3], $0x80, s1, s31, $0xb8;
	[tilespmem:$0x1E1C0] =	vst v63  }
0x70: {  	_ =	swait.ge [sflag:s30], $0x4000  }
0x71: {  	[sflag:s30] =	ssyncset.done $0x0  }
0x72: {  	s23 =	sadd.s32 $0xFFFFFF80, s19;
	[sflag:s30] =	ssyncadd.s32 $0xFFFFC000  }
0x73: {  	[tilespmem:s29], [sflag:$0x1] =	stream.indirect.gather [hbm4b:s7+s31], $0x80, s23, s31, $0xb8;
	[tilespmem:$0x1E1C0] =	vst v63  }
0x74: {  	s22 =	sadd.s32 $0x10, s22  }
0x75: {  	[tilespmem:s6], [sflag:$0x3] =	stream.linear.gather [hbm4b:s22+s4], $0x80, $0x38;
	[tilespmem:$0x1E1C0] =	vst v63  }
0x76: {  	_ =	swait.ge [sflag:s30], $0x80  }
0x77: {  	[sflag:s30] =	ssyncset.done $0x0  }
0x78: {  	[sflag:s30] =	ssyncadd.s32 $0xFFFFFF80  }
0x79: {  	_ =	swait.ge [sflag:s5], $0x4000  }
0x7a: {  	[sflag:s5] =	ssyncset.done $0x0  }
.Ltmp0:
0x7b: {  	[sflag:s5] =	ssyncadd.s32 $0xFFFFC000;
	(pc) =	sbr.rel @p1 .LBB2_2-.Ltmp0, $4  }
0x7c: {  	[spmem:s3] =	stream.indirect.scatter.add.f32 [tilespmem:s0], [sflag:$0x3], $0x80, s6, s31, $0xb8;
	[tilespmem:$0x1E1C0] =	vst v63  }
0x7d: {  	_ =	swait.ge [sflag:s30], $0x4000  }
0x7e: {  	[sflag:s30] =	ssyncset.done $0x0  }
0x7f: {  	s19 =	sadd.s32 $0x100, s19;
	[sflag:s30] =	ssyncadd.s32 $0xFFFFC000  }
0x80: {  	[tilespmem:s0], [sflag:$0x2] =	stream.indirect.gather [hbm4b:s7+s31], $0x80, s21, s31, $0xb8;
	[tilespmem:$0x1E1C0] =	vst v63  }
0x81: {  	s18 =	rddreg [dreg:$0x7]  }
0x82: {  	[tilespmem:s1], [sflag:$0x3] =	stream.linear.gather [hbm4b:s18+s4], $0x80, $0x38;
	[tilespmem:$0x1E1C0] =	vst v63  }
0x83: {  	_ =	swait.ge [sflag:s30], $0x80  }
0x84: {  	[sflag:s30] =	ssyncset.done $0x0  }
0x85: {  	[sflag:s30] =	ssyncadd.s32 $0xFFFFFF80  }
0x86: {  	_ =	swait.ge [sflag:s2], $0x4000  }
0x87: {  	[sflag:s2] =	ssyncset.done $0x0  }
0x88: {  	[sflag:s2] =	ssyncadd.s32 $0xFFFFC000  }
0x89: {  	[spmem:s3] =	stream.indirect.scatter.add.f32 [tilespmem:s29], [sflag:$0x3], $0x80, s1, s31, $0xb8;
	[tilespmem:$0x1E1C0] =	vst v63  }
0x8a: {  	_ =	swait.ge [sflag:s30], $0x4000  }
0x8b: {  	[sflag:s30] =	ssyncset.done $0x0  }
0x8c: {  	s21 =	rddreg [dreg:$0x8];
	[sflag:s30] =	ssyncadd.s32 $0xFFFFC000  }
0x8d: {  	[tilespmem:s6], [sflag:$0x3] =	stream.linear.gather [hbm4b:s21+s4], $0x80, $0x38;
	[tilespmem:$0x1E1C0] =	vst v63  }
0x8e: {  	_ =	swait.ge [sflag:s30], $0x80  }
0x8f: {  	[sflag:s30] =	ssyncset.done $0x0  }
0x90: {  	[sflag:s30] =	ssyncadd.s32 $0xFFFFFF80  }
0x91: {  	_ =	swait.ge [sflag:s5], $0x4000  }
0x92: {  	[sflag:s5] =	ssyncset.done $0x0  }
0x93: {  	[sflag:s5] =	ssyncadd.s32 $0xFFFFC000  }
0x94: {  	[spmem:s3] =	stream.indirect.scatter.add.f32 [tilespmem:s0], [sflag:$0x3], $0x80, s6, s31, $0xb8;
	[tilespmem:$0x1E1C0] =	vst v63  }
0x95: {  	_ =	swait.ge [sflag:s30], $0x4000  }
0x96: {  	[sflag:s30] =	ssyncset.done $0x0  }
0x97: {  	[sflag:s30] =	ssyncadd.s32 $0xFFFFC000  }
0x98: {  	s22 =	stileid.u32;
	[bflag:$0x0] =	sbarrier.arrive $0xFFFF  }
0x99: {  	s18 =	sshll.u32 s22, $0x6;
	s19 =	rddreg [dreg:$0x4]  }
0x9a: {  	s23 =	sshrl.u32 s10, $0x3;
	s18 =	sor.u32 $0x1C03, s18;
	s19 =	sadd.s32 s19, s8  }
0x9b: {  	[hbm:s19], [sflag:s18] =	dma.local [spmem:s23], $0x500  }
0x9c: {  	_ =	swait.ge [sflag:s30], $0x500  }
0x9d: {  	[sflag:s30] =	ssyncset.done $0x0  }
0x9e: {  	s22 =	sshrl.u32 s11, $0x3;
	s23 =	rddreg [dreg:$0x9];
	[sflag:s30] =	ssyncadd.s32 $0xFFFFFB00  }
0x9f: {  	[hbm:s23], [sflag:s18] =	dma.local [spmem:s22], $0x500  }
0xa0: {  	_ =	swait.ge [sflag:s30], $0x500  }
0xa1: {  	[sflag:s30] =	ssyncset.done $0x0  }
0xa2: {  	s22 =	sshrl.u32 s12, $0x3;
	s23 =	rddreg [dreg:$0xa];
	[sflag:s30] =	ssyncadd.s32 $0xFFFFFB00  }
0xa3: {  	[hbm:s23], [sflag:s18] =	dma.local [spmem:s22], $0x500  }
0xa4: {  	_ =	swait.ge [sflag:s30], $0x500  }
0xa5: {  	[sflag:s30] =	ssyncset.done $0x0  }
0xa6: {  	s21 =	sshrl.u32 s13, $0x3;
	s22 =	rddreg [dreg:$0xb];
	[sflag:s30] =	ssyncadd.s32 $0xFFFFFB00  }
0xa7: {  	[hbm:s22], [sflag:s18] =	dma.local [spmem:s21], $0x500  }
0xa8: {  	_ =	swait.ge [sflag:s30], $0x500  }
0xa9: {  	[sflag:s30] =	ssyncset.done $0x0  }
0xaa: {  	s23 =	sshrl.u32 s14, $0x3;
	[sflag:s30] =	ssyncadd.s32 $0xFFFFFB00  }
0xab: {  	[hbm:s24], [sflag:s18] =	dma.local [spmem:s23], $0x500  }
0xac: {  	_ =	swait.ge [sflag:s30], $0x500  }
0xad: {  	[sflag:s30] =	ssyncset.done $0x0  }
0xae: {  	s21 =	sshrl.u32 s15, $0x3;
	[sflag:s30] =	ssyncadd.s32 $0xFFFFFB00  }
0xaf: {  	[hbm:s25], [sflag:s18] =	dma.local [spmem:s21], $0x500  }
0xb0: {  	_ =	swait.ge [sflag:s30], $0x500  }
0xb1: {  	[sflag:s30] =	ssyncset.done $0x0  }
0xb2: {  	s22 =	sshrl.u32 s16, $0x3;
	[sflag:s30] =	ssyncadd.s32 $0xFFFFFB00  }
0xb3: {  	[hbm:s26], [sflag:s18] =	dma.local [spmem:s22], $0x500  }
0xb4: {  	_ =	swait.ge [sflag:s30], $0x500  }
0xb5: {  	[sflag:s30] =	ssyncset.done $0x0  }
0xb6: {  	s19 =	sshrl.u32 @!p0 s17, $0x3;
	[sflag:s30] =	ssyncadd.s32 $0xFFFFFB00  }
0xb7: {  	[hbm:s28], [sflag:s18] =	dma.local @!p0 [spmem:s19], $0x500  }
0xb8: {  	s18 =	simm.s32 @!p0 $0x3  }
0xb9: {  	_ =	swait.ge @!p0 [sflag:s18], $0x500  }
0xba: {  	s9 =	sadd.s32 $0x1, s9;
	s23 =	rddreg [dreg:$0x6]  }
0xbb: {  	p1 =	sne.s32 s9, s23  }
.Ltmp1:
0xbc: {  	_ = 	snop;
	(pc) =	sbr.rel @p1 .LBB2_1-.Ltmp1, $3  }
0xbd: {  	_ =	sdelay $0x1  }
0xbe: {  	[sflag:s18] =	ssyncset.done @!p0 $0x0  }
0xbf: {  	[sflag:s18] =	ssyncadd.s32 @!p0 $0xFFFFFB00  }
0xc0: {  	_ =	sfence.sel $0x180000  }
0xc1: {  	[bflag:$0x0] =	sbarrier.arrive $0xFFFF  }
0xc2: {  	_ =	strace $0x90000053  }
0xc3: {  	s0 =	stileid.u32;
	[bflag:$0x2] =	sbarrier.arrive $0xFFFF  }
0xc4: {  	p0 =	sne.s32 s0, $0x0;
	s0 =	rddreg [dreg:$0x3]  }
0xc5: {  	s0 =	sadd.s32 @!p0 $0x100000, s0  }
0xc6: {  	[sflag:s0] =	ssyncadd.tile.s32 @!p0 $0x1;
	_ =	shalt  }
.Lfunc_end2:
_tile_overlayer_lowered:
.L_overlay_start_2:
0xc7: {  	(tag) =	ssettag $0x2  }
0xc8: {  	s0 =	rddreg [dreg:$0x0];
	s2 =	stileid.u32  }
0xc9: {  	s1 =	rddreg [dreg:$0x1];
	p0 =	sne.s32 s2, $0x0  }
0xca: {  	s3 =	rddreg [dreg:$0x2];
	[bflag:$0x3] =	sbarrier.arrive $0xFFFF;
	s2 =	simm.s32 @!p0 $0x1C03  }
0xcb: {  	[timem:s3], [sflag:s2] =	dma.local @!p0 [hbm:s0], s1  }
0xcc: {  	s0 =	simm.s32 @!p0 $0x3  }
0xcd: {  	_ =	swait.ge @!p0 [sflag:s0], s1  }
0xce: {  	s1 =	ssub.s32 @!p0 $0x0, s1;
	[sflag:s0] =	ssyncset.done @!p0 $0x0  }
0xcf: {  	[sflag:s0] =	ssyncadd.s32 @!p0 s1  }
0xd0: {  	[bflag:$0x3] =	sbarrier.arrive $0xFFFF  }
0xd1: {  	_ =	shalt  }

</sc_bundles>
